<compile_context>
chip_gen: v7x
topology: tpu7x:2x2x1
jax: 0.10.2.dev20260603
libtpu: 0.0.44.dev20260713+nightly
codegen_flags: <defaults>
</compile_context>

<pallas_src>
import functools

import jax
import jax.numpy as jnp
from jax import lax
from jax.experimental import pallas as pl
from jax.experimental.pallas import tpu as pltpu
from jax.experimental.pallas import tpu_sc as plsc

N = 1024
L = 256
B = 128
V = 100000
WD = 50
PD = 5
H = 230
R = 53
SPB = N // B
TOK = SPB * L

NL = N * L
HALVES = 4
NLH = NL // HALVES
BH = B // HALVES
NW = 32
TPW = NLH // NW
CH = 128
SR = 4
BLK = CH * SR
NB = TPW // BLK
NIR = TPW // CH

WROWS = NLH // 2
PROWS = NLH // 8


def _fire(block, wtab, ptab, idxw, idxp, bw, bp, sem):
    for r in range(SR):
        pltpu.async_copy(wtab.at[idxw.at[block * SR + r]],
                         bw.at[pl.ds(r * CH, CH)], sem)
        pltpu.async_copy(ptab.at[idxp.at[block * SR + r]],
                         bp.at[pl.ds(r * CH, CH)], sem)


def _drain(wtab, ptab, bw, bp, sem):
    for r in range(SR):
        pltpu.make_async_copy(wtab.at[pl.ds(0, CH)],
                              bw.at[pl.ds(r * CH, CH)], sem).wait()
        pltpu.make_async_copy(ptab.at[pl.ds(0, CH)],
                              bp.at[pl.ds(r * CH, CH)], sem).wait()


def _wb(wid, block, bw, bp, wg, pg):
    off = wid * TPW + block * BLK
    btc = off // TOK
    p = off % TOK
    rw = btc * (TOK // 2) + p % (TOK // 2)
    qw = p // (TOK // 2)
    pltpu.sync_copy(bw, wg.at[pl.ds(rw, BLK), pl.ds(qw * 64, 64)])
    rp = btc * (TOK // 8)
    q8 = p // (TOK // 8)
    pltpu.sync_copy(bp.at[pl.ds(0, 256)],
                    pg.at[pl.ds(rp, 256), pl.ds(q8 * 16, 16)])
    pltpu.sync_copy(bp.at[pl.ds(256, 256)],
                    pg.at[pl.ds(rp, 256), pl.ds((q8 + 1) * 16, 16)])


@functools.partial(
    pl.kernel,
    mesh=plsc.VectorSubcoreMesh(core_axis_name="c", subcore_axis_name="s"),
    compiler_params=pltpu.CompilerParams(use_tc_tiling_on_sc=False),
    out_type=[
        jax.ShapeDtypeStruct((WROWS, 128), jnp.float32),
        jax.ShapeDtypeStruct((PROWS, 128), jnp.float32),
    ],
    scratch_types=[
        pltpu.VMEM((NIR, CH), jnp.int32),
        pltpu.VMEM((NIR, CH), jnp.int32),
        pltpu.VMEM((BLK, 64), jnp.float32),
        pltpu.VMEM((BLK, 64), jnp.float32),
        pltpu.VMEM((BLK, 16), jnp.float32),
        pltpu.VMEM((BLK, 16), jnp.float32),
        pltpu.SemaphoreType.DMA,
    ],
)
def _sc_gather(wtab, ptab, xw, xp, wg, pg,
               idxw, idxp, bwa, bwb, bpa, bpb, sem):
    wid = lax.axis_index("s") * 2 + lax.axis_index("c")
    pltpu.sync_copy(xw.at[pl.ds(wid * NIR, NIR)], idxw)
    pltpu.sync_copy(xp.at[pl.ds(wid * NIR, NIR)], idxp)
    _fire(0, wtab, ptab, idxw, idxp, bwa, bpa, sem)

    def body(k, carry):
        _fire(2 * k + 1, wtab, ptab, idxw, idxp, bwb, bpb, sem)
        _drain(wtab, ptab, bwa, bpa, sem)
        _wb(wid, 2 * k, bwa, bpa, wg, pg)

        @pl.when(k < NB // 2 - 1)
        def _():
            _fire(2 * k + 2, wtab, ptab, idxw, idxp, bwa, bpa, sem)

        _drain(wtab, ptab, bwb, bpb, sem)
        _wb(wid, 2 * k + 1, bwb, bpb, wg, pg)
        return carry

    lax.fori_loop(0, NB // 2, body, 0)


def _tc_body(xrel_ref, wg_hbm, pg_hbm, mask_ref, w_ref, cb_ref,
             relw_ref, relwt_ref, relb_ref, out_ref, wgv, pgv, dsem):
    b = pl.program_id(0)
    slot = lax.rem(b, 2)
    nslot = lax.rem(b + 1, 2)

    def fetch(step, sl):
        pltpu.make_async_copy(wg_hbm.at[pl.ds(step * (TOK // 2), TOK // 2)],
                              wgv.at[sl], dsem.at[sl]).start()
        pltpu.make_async_copy(pg_hbm.at[pl.ds(step * (TOK // 8), TOK // 8)],
                              pgv.at[sl], dsem.at[sl]).start()

    def drain(step, sl):
        pltpu.make_async_copy(wg_hbm.at[pl.ds(step * (TOK // 2), TOK // 2)],
                              wgv.at[sl], dsem.at[sl]).wait()
        pltpu.make_async_copy(pg_hbm.at[pl.ds(step * (TOK // 8), TOK // 8)],
                              pgv.at[sl], dsem.at[sl]).wait()

    @pl.when(b == 0)
    def _():
        fetch(0, slot)

    @pl.when(b + 1 < BH)
    def _():
        fetch(b + 1, nslot)

    drain(b, slot)
    vw = wgv[slot].astype(jnp.bfloat16)
    vp = pgv[slot].astype(jnp.bfloat16)
    curw = jnp.concatenate([vw[:, :64], vw[:, 64:]], axis=0)
    curp = jnp.concatenate([vp[:, 16 * q:16 * (q + 1)] for q in range(8)],
                           axis=0)
    cur = jnp.concatenate(
        [curw[:, :WD], curp[:, :2 * PD],
         jnp.zeros((TOK, 4), jnp.bfloat16)], axis=1)
    zrow = jnp.zeros((1, 64), jnp.bfloat16)
    prev = jnp.concatenate([zrow, cur[:-1, :]], axis=0)
    nxt = jnp.concatenate([cur[1:, :], zrow], axis=0)
    rid = lax.broadcasted_iota(jnp.int32, (TOK, 1), 0)
    zb = jnp.zeros((), jnp.bfloat16)
    prev = jnp.where(rid % L == 0, zb, prev)
    nxt = jnp.where(rid % L == (L - 1), zb, nxt)
    e = jnp.concatenate([prev, cur, nxt], axis=1)
    y = lax.dot_general(e, w_ref[...], (((1,), (0,)), ((), ())),
                        preferred_element_type=jnp.float32)
    y = (y + cb_ref[...]).astype(jnp.bfloat16)

    mask = mask_ref[...]
    y3 = y.reshape(SPB, L, H)
    pieces = []
    for j in range(3):
        bias = jnp.where(mask == j + 1, 0.0, -1e4).astype(
            jnp.bfloat16)[:, :, None]
        pieces.append(jnp.max(y3 + bias, axis=1))
    feat = jnp.tanh(
        jnp.concatenate(pieces, axis=1).astype(jnp.float32))

    r = xrel_ref[b]
    rel = relw_ref[pl.ds(r, 1), :]
    scores = lax.dot_general(feat, rel, (((1,), (1,)), ((), ())),
                             preferred_element_type=jnp.float32)
    m = jnp.max(scores, axis=0, keepdims=True)
    ex = jnp.exp(scores - m)
    att = ex / jnp.sum(ex, axis=0, keepdims=True)
    bag = lax.dot_general(att, feat, (((0,), (0,)), ((), ())),
                          preferred_element_type=jnp.float32)
    logits = lax.dot_general(bag, relwt_ref[...], (((1,), (0,)), ((), ())),
                             preferred_element_type=jnp.float32)
    out_ref[...] = (logits + relb_ref[...]).reshape(1, 1, R)


def _encode_attend(xrel, wg, pg, mask2d, wfull, cb2, relw, relwt, relb2):
    out3 = pl.pallas_call(
        _tc_body,
        grid_spec=pltpu.PrefetchScalarGridSpec(
            num_scalar_prefetch=1,
            grid=(BH,),
            in_specs=[
                pl.BlockSpec(memory_space=pltpu.MemorySpace.HBM),
                pl.BlockSpec(memory_space=pltpu.MemorySpace.HBM),
                pl.BlockSpec((SPB, L), lambda b, *_: (b, 0)),
                pl.BlockSpec((192, H), lambda b, *_: (0, 0)),
                pl.BlockSpec((1, H), lambda b, *_: (0, 0)),
                pl.BlockSpec((R, 3 * H), lambda b, *_: (0, 0)),
                pl.BlockSpec((3 * H, R), lambda b, *_: (0, 0)),
                pl.BlockSpec((1, R), lambda b, *_: (0, 0)),
            ],
            out_specs=pl.BlockSpec((1, 1, R), lambda b, *_: (b, 0, 0)),
            scratch_shapes=[
                pltpu.VMEM((2, TOK // 2, 128), jnp.float32),
                pltpu.VMEM((2, TOK // 8, 128), jnp.float32),
                pltpu.SemaphoreType.DMA((2,)),
            ],
        ),
        out_shape=jax.ShapeDtypeStruct((BH, 1, R), jnp.float32),
        compiler_params=pltpu.CompilerParams(
            dimension_semantics=("arbitrary",)),
    )(xrel, wg, pg, mask2d, wfull, cb2, relw, relwt, relb2)
    return out3.reshape(BH, R)


def kernel(X, X_Pos1, X_Pos2, X_Mask, X_Scope, X_Rel, word_emb, pos1_emb,
           pos2_emb, conv_w, conv_b, rel_w, rel_b):
    wtab = jnp.pad(word_emb, ((0, 0), (0, 64 - WD)))
    PL = pos1_emb.shape[0]
    ptab = jnp.concatenate(
        [jnp.broadcast_to(pos1_emb[:, None, :], (PL, PL, PD)),
         jnp.broadcast_to(pos2_emb[None, :, :], (PL, PL, PD)),
         jnp.zeros((PL, PL, 16 - 2 * PD), jnp.float32)],
        axis=-1).reshape(PL * PL, 16)
    xw = X.astype(jnp.int32).reshape(NL // CH, CH)
    xp = (X_Pos1.astype(jnp.int32) * PL
          + X_Pos2.astype(jnp.int32)).reshape(NL // CH, CH)
    gathered = [
        _sc_gather(wtab, ptab,
                   xw[h * (NLH // CH):(h + 1) * (NLH // CH)],
                   xp[h * (NLH // CH):(h + 1) * (NLH // CH)])
        for h in range(HALVES)
    ]

    mask2d = X_Mask.astype(jnp.int32)
    wblocks = [
        jnp.concatenate([conv_w[k], jnp.zeros((4, H), jnp.float32)], axis=0)
        for k in range(3)
    ]
    wfull = jnp.concatenate(wblocks, axis=0).astype(jnp.bfloat16)
    cb2 = conv_b.reshape(1, H)
    relwt = rel_w.T
    relb2 = rel_b.reshape(1, R)
    xrel = X_Rel.astype(jnp.int32)
    outs = [
        _encode_attend(xrel[h * BH:(h + 1) * BH], gathered[h][0],
                       gathered[h][1], mask2d[h * (N // HALVES):
                                              (h + 1) * (N // HALVES)],
                       wfull, cb2, rel_w, relwt, relb2)
        for h in range(HALVES)
    ]
    return jnp.concatenate(outs, axis=0)

# --- scband reference (transcript-rebuilt; emitter-appended) ---
"""Pipeline reference for scband-model-19052474925351 (READ-ONLY COPY).

The authoritative reference and input builder live on the scoring server;
editing this copy changes nothing except your own understanding.
"""

import jax, jax.numpy as jnp
import numpy as np

N = 1024; L = 256; B = 128; V = 100000; WD = 50; PD = 5; PL = 256; H = 230; R = 53

def setup_inputs(seed: int = 0):
    key = jax.random.key(seed)
    ks = jax.random.split(key, 12)
    X = jax.random.randint(ks[0], (N, L), 0, V)
    X_Pos1 = jax.random.randint(ks[1], (N, L), 0, PL)
    X_Pos2 = jax.random.randint(ks[2], (N, L), 0, PL)
    X_Mask = jax.random.randint(ks[3], (N, L), 0, 4)
    bounds = jnp.arange(B + 1, dtype=jnp.int32) * (N // B)
    X_Scope = jnp.stack([bounds[:-1], bounds[1:]], axis=1)
    X_Rel = jax.random.randint(ks[4], (B,), 0, R)
    word_emb = jax.random.normal(ks[5], (V, WD), dtype=jnp.float32) * 0.1
    pos1_emb = jax.random.normal(ks[6], (PL, PD), dtype=jnp.float32) * 0.1
    pos2_emb = jax.random.normal(ks[7], (PL, PD), dtype=jnp.float32) * 0.1
    conv_w = jax.random.normal(ks[8], (3, WD + 2 * PD, H), dtype=jnp.float32) * 0.05
    conv_b = jnp.zeros((H,), dtype=jnp.float32)
    rel_w = jax.random.normal(ks[9], (R, 3 * H), dtype=jnp.float32) * 0.05
    rel_b = jnp.zeros((R,), dtype=jnp.float32)
    return {"X": X, "X_Pos1": X_Pos1, "X_Pos2": X_Pos2, "X_Mask": X_Mask, "X_Scope": X_Scope, "X_Rel": X_Rel, "word_emb": word_emb, "pos1_emb": pos1_emb, "pos2_emb": pos2_emb, "conv_w": conv_w, "conv_b": conv_b, "rel_w": rel_w, "rel_b": rel_b}

def reference(X, X_Pos1, X_Pos2, X_Mask, X_Scope, X_Rel, word_emb, pos1_emb, pos2_emb, conv_w, conv_b, rel_w, rel_b):
    # PCNN encoder: word + position embeddings -> conv1d(k=3, pad=1) -> piecewise max pool -> tanh
    emb = jnp.concatenate([jnp.take(word_emb, X, axis=0), jnp.take(pos1_emb, X_Pos1, axis=0), jnp.take(pos2_emb, X_Pos2, axis=0)], axis=-1)  # [N, L, 60]
    out = jax.lax.conv_general_dilated(emb, conv_w, window_strides=(1,), padding=((1, 1),), dimension_numbers=("NWC", "WIO", "NWC")) + conv_b  # [N, L, H]
    pieces = []
    for j in range(3):
        m = jnp.where(X_Mask == j + 1, 0.0, -1e4)[:, :, None]
        pieces.append(jnp.max(out + m, axis=1))  # [N, H]
    feat = jnp.tanh(jnp.concatenate(pieces, axis=-1))  # [N, 3H]
    # selective (relation-query) attention over each bag (training branch, Rel given)
    rel_emb = jnp.take(rel_w, X_Rel, axis=0)  # [B, 3H]
    bag_size = feat.shape[0] // X_Scope.shape[0]
    idx = X_Scope[:, 0:1] + jnp.arange(bag_size, dtype=X_Scope.dtype)[None, :]  # [B, bag_size]
    bags = jnp.take(feat, idx, axis=0)  # [B, bag_size, 3H]

    def attend(bag, rel_i):
        att = jax.nn.softmax(bag @ rel_i, axis=0)  # [bag_size]
        return att @ bag  # [3H]

    bag_out = jax.vmap(attend)(bags, rel_emb)  # [B, 3H]
    logits = bag_out @ rel_w.T + rel_b  # [B, R]
    return logits

if __name__ == "__main__":
    import jax
    _d = setup_inputs()
    print(jax.jit(kernel)(*tuple(_d.values())))

</pallas_src>

<mosaic_0001>
#map = affine_map<(d0, d1) -> (0, 0)>
module attributes {stable_mosaic.version = 14 : i64} {
  func.func @_sc_gather(%arg0: i32, %arg1: i32, %arg2: memref<100000x64xf32, #tpu.memory_space<hbm>>, %arg3: memref<65536x16xf32, #tpu.memory_space<hbm>>, %arg4: memref<512x128xi32, #tpu.memory_space<hbm>>, %arg5: memref<512x128xi32, #tpu.memory_space<hbm>>, %arg6: memref<32768x128xf32, #tpu.memory_space<hbm>>, %arg7: memref<8192x128xf32, #tpu.memory_space<hbm>>, %arg8: memref<16x128xi32, #tpu.memory_space<vmem>>, %arg9: memref<16x128xi32, #tpu.memory_space<vmem>>, %arg10: memref<512x64xf32, #tpu.memory_space<vmem>>, %arg11: memref<512x64xf32, #tpu.memory_space<vmem>>, %arg12: memref<512x16xf32, #tpu.memory_space<vmem>>, %arg13: memref<512x16xf32, #tpu.memory_space<vmem>>, %arg14: memref<!tpu.dma_semaphore, #tpu.memory_space<semaphore_mem>>) attributes {dimension_semantics = [#tpu.dimension_semantics<core_parallel>, #tpu.dimension_semantics<subcore_parallel>], iteration_bounds = array<i64: 2, 16>, scalar_prefetch = 0 : i64, scratch_operands = 7 : i64, tpu.core_type = #tpu.core_type<sc_vector_subcore>, window_params = [{transform_indices = #map}, {transform_indices = #map}, {transform_indices = #map}, {transform_indices = #map}, {transform_indices = #map}, {transform_indices = #map}]} {
    %mul3A = arith.constant 2 : i32
    %mul3A_0 = arith.muli %arg1, %mul3A : i32
    %add3A = arith.addi %mul3A_0, %arg0 : i32
    %mul3A_1 = arith.constant 16 : i32
    %mul3A_2 = arith.muli %add3A, %mul3A_1 : i32
    "tpu.region"() ({
      %run_scoped3A = tpu.sem_alloc : memref<!tpu.dma_semaphore, #tpu.memory_space<semaphore_mem>>
      %dma_start3A_89 = arith.constant 0 : i32
      %dma_start3A_90 = tpu.memref_slice %arg4[%mul3A_2, %dma_start3A_89] : memref<512x128xi32, #tpu.memory_space<hbm>> -> memref<16x128xi32, #tpu.memory_space<hbm>>
      %dma_start3A_91 = arith.constant 0 : i32
      %dma_start3A_92 = tpu.memref_slice %arg4[%mul3A_2, %dma_start3A_91] : memref<512x128xi32, #tpu.memory_space<hbm>> -> memref<16x128xi32, #tpu.memory_space<hbm>>
      tpu.enqueue_dma source(%dma_start3A_92 : memref<16x128xi32, #tpu.memory_space<hbm>>) target(%arg8 : memref<16x128xi32, #tpu.memory_space<vmem>>) target_semaphore(%run_scoped3A : memref<!tpu.dma_semaphore, #tpu.memory_space<semaphore_mem>>)
      %dma_wait3A = arith.constant 0 : i32
      %dma_wait3A_93 = tpu.memref_slice %arg4[%mul3A_2, %dma_wait3A] : memref<512x128xi32, #tpu.memory_space<hbm>> -> memref<16x128xi32, #tpu.memory_space<hbm>>
      %dma_wait3A_94 = arith.constant 0 : i32
      %dma_wait3A_95 = tpu.memref_slice %arg4[%mul3A_2, %dma_wait3A_94] : memref<512x128xi32, #tpu.memory_space<hbm>> -> memref<16x128xi32, #tpu.memory_space<hbm>>
      tpu.wait_dma2 semaphore(%run_scoped3A : memref<!tpu.dma_semaphore, #tpu.memory_space<semaphore_mem>>) src(%dma_wait3A_95 : memref<16x128xi32, #tpu.memory_space<hbm>>) dst(%arg8 : memref<16x128xi32, #tpu.memory_space<vmem>>)
      tpu.yield
    }) : () -> ()
    %mul3A_3 = arith.constant 16 : i32
    %mul3A_4 = arith.muli %add3A, %mul3A_3 : i32
    "tpu.region"() ({
      %run_scoped3A = tpu.sem_alloc : memref<!tpu.dma_semaphore, #tpu.memory_space<semaphore_mem>>
      %dma_start3A_89 = arith.constant 0 : i32
      %dma_start3A_90 = tpu.memref_slice %arg5[%mul3A_4, %dma_start3A_89] : memref<512x128xi32, #tpu.memory_space<hbm>> -> memref<16x128xi32, #tpu.memory_space<hbm>>
      %dma_start3A_91 = arith.constant 0 : i32
      %dma_start3A_92 = tpu.memref_slice %arg5[%mul3A_4, %dma_start3A_91] : memref<512x128xi32, #tpu.memory_space<hbm>> -> memref<16x128xi32, #tpu.memory_space<hbm>>
      tpu.enqueue_dma source(%dma_start3A_92 : memref<16x128xi32, #tpu.memory_space<hbm>>) target(%arg9 : memref<16x128xi32, #tpu.memory_space<vmem>>) target_semaphore(%run_scoped3A : memref<!tpu.dma_semaphore, #tpu.memory_space<semaphore_mem>>)
      %dma_wait3A = arith.constant 0 : i32
      %dma_wait3A_93 = tpu.memref_slice %arg5[%mul3A_4, %dma_wait3A] : memref<512x128xi32, #tpu.memory_space<hbm>> -> memref<16x128xi32, #tpu.memory_space<hbm>>
      %dma_wait3A_94 = arith.constant 0 : i32
      %dma_wait3A_95 = tpu.memref_slice %arg5[%mul3A_4, %dma_wait3A_94] : memref<512x128xi32, #tpu.memory_space<hbm>> -> memref<16x128xi32, #tpu.memory_space<hbm>>
      tpu.wait_dma2 semaphore(%run_scoped3A : memref<!tpu.dma_semaphore, #tpu.memory_space<semaphore_mem>>) src(%dma_wait3A_95 : memref<16x128xi32, #tpu.memory_space<hbm>>) dst(%arg9 : memref<16x128xi32, #tpu.memory_space<vmem>>)
      tpu.yield
    }) : () -> ()
    %dma_start3A = arith.constant 0 : i32
    %dma_start3A_5 = arith.constant 0 : i32
    %dma_start3A_6 = arith.constant 0 : i32
    %dma_start3A_7 = tpu.memref_slice %arg10[%dma_start3A_5, %dma_start3A_6] : memref<512x64xf32, #tpu.memory_space<vmem>> -> memref<128x64xf32, #tpu.memory_space<vmem>>
    %dma_start3A_8 = arith.constant 0 : i32
    %dma_start3A_9 = tpu.memref_slice %arg8[%dma_start3A, %dma_start3A_8] : memref<16x128xi32, #tpu.memory_space<vmem>> -> memref<1x128xi32, #tpu.memory_space<vmem>>
    %dma_start3A_10 = tpu.memref_squeeze %dma_start3A_9 : memref<1x128xi32, #tpu.memory_space<vmem>> -> memref<128xi32, #tpu.memory_space<vmem>>
    %dma_start3A_11 = arith.constant 0 : i32
    %dma_start3A_12 = arith.constant 0 : i32
    %dma_start3A_13 = tpu.memref_slice %arg2[%dma_start3A_11, %dma_start3A_12] : memref<100000x64xf32, #tpu.memory_space<hbm>> -> memref<100000x64xf32, #tpu.memory_space<hbm>>
    tpu.enqueue_indirect_dma source(%dma_start3A_13 : memref<100000x64xf32, #tpu.memory_space<hbm>>) target(%dma_start3A_7 : memref<128x64xf32, #tpu.memory_space<vmem>>) offsets(%dma_start3A_10 : memref<128xi32, #tpu.memory_space<vmem>>) semaphore(%arg14 : memref<!tpu.dma_semaphore, #tpu.memory_space<semaphore_mem>>)
    %dma_start3A_14 = arith.constant 0 : i32
    %dma_start3A_15 = arith.constant 0 : i32
    %dma_start3A_16 = arith.constant 0 : i32
    %dma_start3A_17 = tpu.memref_slice %arg12[%dma_start3A_15, %dma_start3A_16] : memref<512x16xf32, #tpu.memory_space<vmem>> -> memref<128x16xf32, #tpu.memory_space<vmem>>
    %dma_start3A_18 = arith.constant 0 : i32
    %dma_start3A_19 = tpu.memref_slice %arg9[%dma_start3A_14, %dma_start3A_18] : memref<16x128xi32, #tpu.memory_space<vmem>> -> memref<1x128xi32, #tpu.memory_space<vmem>>
    %dma_start3A_20 = tpu.memref_squeeze %dma_start3A_19 : memref<1x128xi32, #tpu.memory_space<vmem>> -> memref<128xi32, #tpu.memory_space<vmem>>
    %dma_start3A_21 = arith.constant 0 : i32
    %dma_start3A_22 = arith.constant 0 : i32
    %dma_start3A_23 = tpu.memref_slice %arg3[%dma_start3A_21, %dma_start3A_22] : memref<65536x16xf32, #tpu.memory_space<hbm>> -> memref<65536x16xf32, #tpu.memory_space<hbm>>
    tpu.enqueue_indirect_dma source(%dma_start3A_23 : memref<65536x16xf32, #tpu.memory_space<hbm>>) target(%dma_start3A_17 : memref<128x16xf32, #tpu.memory_space<vmem>>) offsets(%dma_start3A_20 : memref<128xi32, #tpu.memory_space<vmem>>) semaphore(%arg14 : memref<!tpu.dma_semaphore, #tpu.memory_space<semaphore_mem>>)
    %dma_start3A_24 = arith.constant 1 : i32
    %dma_start3A_25 = arith.constant 128 : i32
    %dma_start3A_26 = arith.constant 0 : i32
    %dma_start3A_27 = tpu.memref_slice %arg10[%dma_start3A_25, %dma_start3A_26] : memref<512x64xf32, #tpu.memory_space<vmem>> -> memref<128x64xf32, #tpu.memory_space<vmem>>
    %dma_start3A_28 = arith.constant 0 : i32
    %dma_start3A_29 = tpu.memref_slice %arg8[%dma_start3A_24, %dma_start3A_28] : memref<16x128xi32, #tpu.memory_space<vmem>> -> memref<1x128xi32, #tpu.memory_space<vmem>>
    %dma_start3A_30 = tpu.memref_squeeze %dma_start3A_29 : memref<1x128xi32, #tpu.memory_space<vmem>> -> memref<128xi32, #tpu.memory_space<vmem>>
    %dma_start3A_31 = arith.constant 0 : i32
    %dma_start3A_32 = arith.constant 0 : i32
    %dma_start3A_33 = tpu.memref_slice %arg2[%dma_start3A_31, %dma_start3A_32] : memref<100000x64xf32, #tpu.memory_space<hbm>> -> memref<100000x64xf32, #tpu.memory_space<hbm>>
    tpu.enqueue_indirect_dma source(%dma_start3A_33 : memref<100000x64xf32, #tpu.memory_space<hbm>>) target(%dma_start3A_27 : memref<128x64xf32, #tpu.memory_space<vmem>>) offsets(%dma_start3A_30 : memref<128xi32, #tpu.memory_space<vmem>>) semaphore(%arg14 : memref<!tpu.dma_semaphore, #tpu.memory_space<semaphore_mem>>)
    %dma_start3A_34 = arith.constant 1 : i32
    %dma_start3A_35 = arith.constant 128 : i32
    %dma_start3A_36 = arith.constant 0 : i32
    %dma_start3A_37 = tpu.memref_slice %arg12[%dma_start3A_35, %dma_start3A_36] : memref<512x16xf32, #tpu.memory_space<vmem>> -> memref<128x16xf32, #tpu.memory_space<vmem>>
    %dma_start3A_38 = arith.constant 0 : i32
    %dma_start3A_39 = tpu.memref_slice %arg9[%dma_start3A_34, %dma_start3A_38] : memref<16x128xi32, #tpu.memory_space<vmem>> -> memref<1x128xi32, #tpu.memory_space<vmem>>
    %dma_start3A_40 = tpu.memref_squeeze %dma_start3A_39 : memref<1x128xi32, #tpu.memory_space<vmem>> -> memref<128xi32, #tpu.memory_space<vmem>>
    %dma_start3A_41 = arith.constant 0 : i32
    %dma_start3A_42 = arith.constant 0 : i32
    %dma_start3A_43 = tpu.memref_slice %arg3[%dma_start3A_41, %dma_start3A_42] : memref<65536x16xf32, #tpu.memory_space<hbm>> -> memref<65536x16xf32, #tpu.memory_space<hbm>>
    tpu.enqueue_indirect_dma source(%dma_start3A_43 : memref<65536x16xf32, #tpu.memory_space<hbm>>) target(%dma_start3A_37 : memref<128x16xf32, #tpu.memory_space<vmem>>) offsets(%dma_start3A_40 : memref<128xi32, #tpu.memory_space<vmem>>) semaphore(%arg14 : memref<!tpu.dma_semaphore, #tpu.memory_space<semaphore_mem>>)
    %dma_start3A_44 = arith.constant 2 : i32
    %dma_start3A_45 = arith.constant 256 : i32
    %dma_start3A_46 = arith.constant 0 : i32
    %dma_start3A_47 = tpu.memref_slice %arg10[%dma_start3A_45, %dma_start3A_46] : memref<512x64xf32, #tpu.memory_space<vmem>> -> memref<128x64xf32, #tpu.memory_space<vmem>>
    %dma_start3A_48 = arith.constant 0 : i32
    %dma_start3A_49 = tpu.memref_slice %arg8[%dma_start3A_44, %dma_start3A_48] : memref<16x128xi32, #tpu.memory_space<vmem>> -> memref<1x128xi32, #tpu.memory_space<vmem>>
    %dma_start3A_50 = tpu.memref_squeeze %dma_start3A_49 : memref<1x128xi32, #tpu.memory_space<vmem>> -> memref<128xi32, #tpu.memory_space<vmem>>
    %dma_start3A_51 = arith.constant 0 : i32
    %dma_start3A_52 = arith.constant 0 : i32
    %dma_start3A_53 = tpu.memref_slice %arg2[%dma_start3A_51, %dma_start3A_52] : memref<100000x64xf32, #tpu.memory_space<hbm>> -> memref<100000x64xf32, #tpu.memory_space<hbm>>
    tpu.enqueue_indirect_dma source(%dma_start3A_53 : memref<100000x64xf32, #tpu.memory_space<hbm>>) target(%dma_start3A_47 : memref<128x64xf32, #tpu.memory_space<vmem>>) offsets(%dma_start3A_50 : memref<128xi32, #tpu.memory_space<vmem>>) semaphore(%arg14 : memref<!tpu.dma_semaphore, #tpu.memory_space<semaphore_mem>>)
    %dma_start3A_54 = arith.constant 2 : i32
    %dma_start3A_55 = arith.constant 256 : i32
    %dma_start3A_56 = arith.constant 0 : i32
    %dma_start3A_57 = tpu.memref_slice %arg12[%dma_start3A_55, %dma_start3A_56] : memref<512x16xf32, #tpu.memory_space<vmem>> -> memref<128x16xf32, #tpu.memory_space<vmem>>
    %dma_start3A_58 = arith.constant 0 : i32
    %dma_start3A_59 = tpu.memref_slice %arg9[%dma_start3A_54, %dma_start3A_58] : memref<16x128xi32, #tpu.memory_space<vmem>> -> memref<1x128xi32, #tpu.memory_space<vmem>>
    %dma_start3A_60 = tpu.memref_squeeze %dma_start3A_59 : memref<1x128xi32, #tpu.memory_space<vmem>> -> memref<128xi32, #tpu.memory_space<vmem>>
    %dma_start3A_61 = arith.constant 0 : i32
    %dma_start3A_62 = arith.constant 0 : i32
    %dma_start3A_63 = tpu.memref_slice %arg3[%dma_start3A_61, %dma_start3A_62] : memref<65536x16xf32, #tpu.memory_space<hbm>> -> memref<65536x16xf32, #tpu.memory_space<hbm>>
    tpu.enqueue_indirect_dma source(%dma_start3A_63 : memref<65536x16xf32, #tpu.memory_space<hbm>>) target(%dma_start3A_57 : memref<128x16xf32, #tpu.memory_space<vmem>>) offsets(%dma_start3A_60 : memref<128xi32, #tpu.memory_space<vmem>>) semaphore(%arg14 : memref<!tpu.dma_semaphore, #tpu.memory_space<semaphore_mem>>)
    %dma_start3A_64 = arith.constant 3 : i32
    %dma_start3A_65 = arith.constant 384 : i32
    %dma_start3A_66 = arith.constant 0 : i32
    %dma_start3A_67 = tpu.memref_slice %arg10[%dma_start3A_65, %dma_start3A_66] : memref<512x64xf32, #tpu.memory_space<vmem>> -> memref<128x64xf32, #tpu.memory_space<vmem>>
    %dma_start3A_68 = arith.constant 0 : i32
    %dma_start3A_69 = tpu.memref_slice %arg8[%dma_start3A_64, %dma_start3A_68] : memref<16x128xi32, #tpu.memory_space<vmem>> -> memref<1x128xi32, #tpu.memory_space<vmem>>
    %dma_start3A_70 = tpu.memref_squeeze %dma_start3A_69 : memref<1x128xi32, #tpu.memory_space<vmem>> -> memref<128xi32, #tpu.memory_space<vmem>>
    %dma_start3A_71 = arith.constant 0 : i32
    %dma_start3A_72 = arith.constant 0 : i32
    %dma_start3A_73 = tpu.memref_slice %arg2[%dma_start3A_71, %dma_start3A_72] : memref<100000x64xf32, #tpu.memory_space<hbm>> -> memref<100000x64xf32, #tpu.memory_space<hbm>>
    tpu.enqueue_indirect_dma source(%dma_start3A_73 : memref<100000x64xf32, #tpu.memory_space<hbm>>) target(%dma_start3A_67 : memref<128x64xf32, #tpu.memory_space<vmem>>) offsets(%dma_start3A_70 : memref<128xi32, #tpu.memory_space<vmem>>) semaphore(%arg14 : memref<!tpu.dma_semaphore, #tpu.memory_space<semaphore_mem>>)
    %dma_start3A_74 = arith.constant 3 : i32
    %dma_start3A_75 = arith.constant 384 : i32
    %dma_start3A_76 = arith.constant 0 : i32
    %dma_start3A_77 = tpu.memref_slice %arg12[%dma_start3A_75, %dma_start3A_76] : memref<512x16xf32, #tpu.memory_space<vmem>> -> memref<128x16xf32, #tpu.memory_space<vmem>>
    %dma_start3A_78 = arith.constant 0 : i32
    %dma_start3A_79 = tpu.memref_slice %arg9[%dma_start3A_74, %dma_start3A_78] : memref<16x128xi32, #tpu.memory_space<vmem>> -> memref<1x128xi32, #tpu.memory_space<vmem>>
    %dma_start3A_80 = tpu.memref_squeeze %dma_start3A_79 : memref<1x128xi32, #tpu.memory_space<vmem>> -> memref<128xi32, #tpu.memory_space<vmem>>
    %dma_start3A_81 = arith.constant 0 : i32
    %dma_start3A_82 = arith.constant 0 : i32
    %dma_start3A_83 = tpu.memref_slice %arg3[%dma_start3A_81, %dma_start3A_82] : memref<65536x16xf32, #tpu.memory_space<hbm>> -> memref<65536x16xf32, #tpu.memory_space<hbm>>
    tpu.enqueue_indirect_dma source(%dma_start3A_83 : memref<65536x16xf32, #tpu.memory_space<hbm>>) target(%dma_start3A_77 : memref<128x16xf32, #tpu.memory_space<vmem>>) offsets(%dma_start3A_80 : memref<128xi32, #tpu.memory_space<vmem>>) semaphore(%arg14 : memref<!tpu.dma_semaphore, #tpu.memory_space<semaphore_mem>>)
    %scan3A = arith.constant 0 : i32
    %scan3A_84 = arith.constant 0 : i32
    %scan3A_85 = arith.constant 2 : i32
    %scan3A_86 = arith.addi %scan3A_84, %scan3A_85 : i32
    %scan3A_87 = arith.constant 1 : i32
    scf.for %scan3A_89 = %scan3A_84 to %scan3A_86 step %scan3A_87  : i32 {
      %mul3A_90 = arith.constant 2 : i32
      %mul3A_91 = arith.muli %mul3A_90, %scan3A_89 : i32
      %add3A_92 = arith.constant 1 : i32
      %add3A_93 = arith.addi %mul3A_91, %add3A_92 : i32
      %mul3A_94 = arith.constant 4 : i32
      %mul3A_95 = arith.muli %add3A_93, %mul3A_94 : i32
      %add3A_96 = arith.constant 0 : i32
      %add3A_97 = arith.addi %mul3A_95, %add3A_96 : i32
      %dma_start3A_98 = arith.constant 0 : i32
      %dma_start3A_99 = arith.constant 0 : i32
      %dma_start3A_100 = tpu.memref_slice %arg11[%dma_start3A_98, %dma_start3A_99] : memref<512x64xf32, #tpu.memory_space<vmem>> -> memref<128x64xf32, #tpu.memory_space<vmem>>
      %dma_start3A_101 = arith.constant 0 : i32
      %dma_start3A_102 = tpu.memref_slice %arg8[%add3A_97, %dma_start3A_101] : memref<16x128xi32, #tpu.memory_space<vmem>> -> memref<1x128xi32, #tpu.memory_space<vmem>>
      %dma_start3A_103 = tpu.memref_squeeze %dma_start3A_102 : memref<1x128xi32, #tpu.memory_space<vmem>> -> memref<128xi32, #tpu.memory_space<vmem>>
      %dma_start3A_104 = arith.constant 0 : i32
      %dma_start3A_105 = arith.constant 0 : i32
      %dma_start3A_106 = tpu.memref_slice %arg2[%dma_start3A_104, %dma_start3A_105] : memref<100000x64xf32, #tpu.memory_space<hbm>> -> memref<100000x64xf32, #tpu.memory_space<hbm>>
      tpu.enqueue_indirect_dma source(%dma_start3A_106 : memref<100000x64xf32, #tpu.memory_space<hbm>>) target(%dma_start3A_100 : memref<128x64xf32, #tpu.memory_space<vmem>>) offsets(%dma_start3A_103 : memref<128xi32, #tpu.memory_space<vmem>>) semaphore(%arg14 : memref<!tpu.dma_semaphore, #tpu.memory_space<semaphore_mem>>)
      %mul3A_107 = arith.constant 4 : i32
      %mul3A_108 = arith.muli %add3A_93, %mul3A_107 : i32
      %add3A_109 = arith.constant 0 : i32
      %add3A_110 = arith.addi %mul3A_108, %add3A_109 : i32
      %dma_start3A_111 = arith.constant 0 : i32
      %dma_start3A_112 = arith.constant 0 : i32
      %dma_start3A_113 = tpu.memref_slice %arg13[%dma_start3A_111, %dma_start3A_112] : memref<512x16xf32, #tpu.memory_space<vmem>> -> memref<128x16xf32, #tpu.memory_space<vmem>>
      %dma_start3A_114 = arith.constant 0 : i32
      %dma_start3A_115 = tpu.memref_slice %arg9[%add3A_110, %dma_start3A_114] : memref<16x128xi32, #tpu.memory_space<vmem>> -> memref<1x128xi32, #tpu.memory_space<vmem>>
      %dma_start3A_116 = tpu.memref_squeeze %dma_start3A_115 : memref<1x128xi32, #tpu.memory_space<vmem>> -> memref<128xi32, #tpu.memory_space<vmem>>
      %dma_start3A_117 = arith.constant 0 : i32
      %dma_start3A_118 = arith.constant 0 : i32
      %dma_start3A_119 = tpu.memref_slice %arg3[%dma_start3A_117, %dma_start3A_118] : memref<65536x16xf32, #tpu.memory_space<hbm>> -> memref<65536x16xf32, #tpu.memory_space<hbm>>
      tpu.enqueue_indirect_dma source(%dma_start3A_119 : memref<65536x16xf32, #tpu.memory_space<hbm>>) target(%dma_start3A_113 : memref<128x16xf32, #tpu.memory_space<vmem>>) offsets(%dma_start3A_116 : memref<128xi32, #tpu.memory_space<vmem>>) semaphore(%arg14 : memref<!tpu.dma_semaphore, #tpu.memory_space<semaphore_mem>>)
      %mul3A_120 = arith.constant 4 : i32
      %mul3A_121 = arith.muli %add3A_93, %mul3A_120 : i32
      %add3A_122 = arith.constant 1 : i32
      %add3A_123 = arith.addi %mul3A_121, %add3A_122 : i32
      %dma_start3A_124 = arith.constant 128 : i32
      %dma_start3A_125 = arith.constant 0 : i32
      %dma_start3A_126 = tpu.memref_slice %arg11[%dma_start3A_124, %dma_start3A_125] : memref<512x64xf32, #tpu.memory_space<vmem>> -> memref<128x64xf32, #tpu.memory_space<vmem>>
      %dma_start3A_127 = arith.constant 0 : i32
      %dma_start3A_128 = tpu.memref_slice %arg8[%add3A_123, %dma_start3A_127] : memref<16x128xi32, #tpu.memory_space<vmem>> -> memref<1x128xi32, #tpu.memory_space<vmem>>
      %dma_start3A_129 = tpu.memref_squeeze %dma_start3A_128 : memref<1x128xi32, #tpu.memory_space<vmem>> -> memref<128xi32, #tpu.memory_space<vmem>>
      %dma_start3A_130 = arith.constant 0 : i32
      %dma_start3A_131 = arith.constant 0 : i32
      %dma_start3A_132 = tpu.memref_slice %arg2[%dma_start3A_130, %dma_start3A_131] : memref<100000x64xf32, #tpu.memory_space<hbm>> -> memref<100000x64xf32, #tpu.memory_space<hbm>>
      tpu.enqueue_indirect_dma source(%dma_start3A_132 : memref<100000x64xf32, #tpu.memory_space<hbm>>) target(%dma_start3A_126 : memref<128x64xf32, #tpu.memory_space<vmem>>) offsets(%dma_start3A_129 : memref<128xi32, #tpu.memory_space<vmem>>) semaphore(%arg14 : memref<!tpu.dma_semaphore, #tpu.memory_space<semaphore_mem>>)
      %mul3A_133 = arith.constant 4 : i32
      %mul3A_134 = arith.muli %add3A_93, %mul3A_133 : i32
      %add3A_135 = arith.constant 1 : i32
      %add3A_136 = arith.addi %mul3A_134, %add3A_135 : i32
      %dma_start3A_137 = arith.constant 128 : i32
      %dma_start3A_138 = arith.constant 0 : i32
      %dma_start3A_139 = tpu.memref_slice %arg13[%dma_start3A_137, %dma_start3A_138] : memref<512x16xf32, #tpu.memory_space<vmem>> -> memref<128x16xf32, #tpu.memory_space<vmem>>
      %dma_start3A_140 = arith.constant 0 : i32
      %dma_start3A_141 = tpu.memref_slice %arg9[%add3A_136, %dma_start3A_140] : memref<16x128xi32, #tpu.memory_space<vmem>> -> memref<1x128xi32, #tpu.memory_space<vmem>>
      %dma_start3A_142 = tpu.memref_squeeze %dma_start3A_141 : memref<1x128xi32, #tpu.memory_space<vmem>> -> memref<128xi32, #tpu.memory_space<vmem>>
      %dma_start3A_143 = arith.constant 0 : i32
      %dma_start3A_144 = arith.constant 0 : i32
      %dma_start3A_145 = tpu.memref_slice %arg3[%dma_start3A_143, %dma_start3A_144] : memref<65536x16xf32, #tpu.memory_space<hbm>> -> memref<65536x16xf32, #tpu.memory_space<hbm>>
      tpu.enqueue_indirect_dma source(%dma_start3A_145 : memref<65536x16xf32, #tpu.memory_space<hbm>>) target(%dma_start3A_139 : memref<128x16xf32, #tpu.memory_space<vmem>>) offsets(%dma_start3A_142 : memref<128xi32, #tpu.memory_space<vmem>>) semaphore(%arg14 : memref<!tpu.dma_semaphore, #tpu.memory_space<semaphore_mem>>)
      %mul3A_146 = arith.constant 4 : i32
      %mul3A_147 = arith.muli %add3A_93, %mul3A_146 : i32
      %add3A_148 = arith.constant 2 : i32
      %add3A_149 = arith.addi %mul3A_147, %add3A_148 : i32
      %dma_start3A_150 = arith.constant 256 : i32
      %dma_start3A_151 = arith.constant 0 : i32
      %dma_start3A_152 = tpu.memref_slice %arg11[%dma_start3A_150, %dma_start3A_151] : memref<512x64xf32, #tpu.memory_space<vmem>> -> memref<128x64xf32, #tpu.memory_space<vmem>>
      %dma_start3A_153 = arith.constant 0 : i32
      %dma_start3A_154 = tpu.memref_slice %arg8[%add3A_149, %dma_start3A_153] : memref<16x128xi32, #tpu.memory_space<vmem>> -> memref<1x128xi32, #tpu.memory_space<vmem>>
      %dma_start3A_155 = tpu.memref_squeeze %dma_start3A_154 : memref<1x128xi32, #tpu.memory_space<vmem>> -> memref<128xi32, #tpu.memory_space<vmem>>
      %dma_start3A_156 = arith.constant 0 : i32
      %dma_start3A_157 = arith.constant 0 : i32
      %dma_start3A_158 = tpu.memref_slice %arg2[%dma_start3A_156, %dma_start3A_157] : memref<100000x64xf32, #tpu.memory_space<hbm>> -> memref<100000x64xf32, #tpu.memory_space<hbm>>
      tpu.enqueue_indirect_dma source(%dma_start3A_158 : memref<100000x64xf32, #tpu.memory_space<hbm>>) target(%dma_start3A_152 : memref<128x64xf32, #tpu.memory_space<vmem>>) offsets(%dma_start3A_155 : memref<128xi32, #tpu.memory_space<vmem>>) semaphore(%arg14 : memref<!tpu.dma_semaphore, #tpu.memory_space<semaphore_mem>>)
      %mul3A_159 = arith.constant 4 : i32
      %mul3A_160 = arith.muli %add3A_93, %mul3A_159 : i32
      %add3A_161 = arith.constant 2 : i32
      %add3A_162 = arith.addi %mul3A_160, %add3A_161 : i32
      %dma_start3A_163 = arith.constant 256 : i32
      %dma_start3A_164 = arith.constant 0 : i32
      %dma_start3A_165 = tpu.memref_slice %arg13[%dma_start3A_163, %dma_start3A_164] : memref<512x16xf32, #tpu.memory_space<vmem>> -> memref<128x16xf32, #tpu.memory_space<vmem>>
      %dma_start3A_166 = arith.constant 0 : i32
      %dma_start3A_167 = tpu.memref_slice %arg9[%add3A_162, %dma_start3A_166] : memref<16x128xi32, #tpu.memory_space<vmem>> -> memref<1x128xi32, #tpu.memory_space<vmem>>
      %dma_start3A_168 = tpu.memref_squeeze %dma_start3A_167 : memref<1x128xi32, #tpu.memory_space<vmem>> -> memref<128xi32, #tpu.memory_space<vmem>>
      %dma_start3A_169 = arith.constant 0 : i32
      %dma_start3A_170 = arith.constant 0 : i32
      %dma_start3A_171 = tpu.memref_slice %arg3[%dma_start3A_169, %dma_start3A_170] : memref<65536x16xf32, #tpu.memory_space<hbm>> -> memref<65536x16xf32, #tpu.memory_space<hbm>>
      tpu.enqueue_indirect_dma source(%dma_start3A_171 : memref<65536x16xf32, #tpu.memory_space<hbm>>) target(%dma_start3A_165 : memref<128x16xf32, #tpu.memory_space<vmem>>) offsets(%dma_start3A_168 : memref<128xi32, #tpu.memory_space<vmem>>) semaphore(%arg14 : memref<!tpu.dma_semaphore, #tpu.memory_space<semaphore_mem>>)
      %mul3A_172 = arith.constant 4 : i32
      %mul3A_173 = arith.muli %add3A_93, %mul3A_172 : i32
      %add3A_174 = arith.constant 3 : i32
      %add3A_175 = arith.addi %mul3A_173, %add3A_174 : i32
      %dma_start3A_176 = arith.constant 384 : i32
      %dma_start3A_177 = arith.constant 0 : i32
      %dma_start3A_178 = tpu.memref_slice %arg11[%dma_start3A_176, %dma_start3A_177] : memref<512x64xf32, #tpu.memory_space<vmem>> -> memref<128x64xf32, #tpu.memory_space<vmem>>
      %dma_start3A_179 = arith.constant 0 : i32
      %dma_start3A_180 = tpu.memref_slice %arg8[%add3A_175, %dma_start3A_179] : memref<16x128xi32, #tpu.memory_space<vmem>> -> memref<1x128xi32, #tpu.memory_space<vmem>>
      %dma_start3A_181 = tpu.memref_squeeze %dma_start3A_180 : memref<1x128xi32, #tpu.memory_space<vmem>> -> memref<128xi32, #tpu.memory_space<vmem>>
      %dma_start3A_182 = arith.constant 0 : i32
      %dma_start3A_183 = arith.constant 0 : i32
      %dma_start3A_184 = tpu.memref_slice %arg2[%dma_start3A_182, %dma_start3A_183] : memref<100000x64xf32, #tpu.memory_space<hbm>> -> memref<100000x64xf32, #tpu.memory_space<hbm>>
      tpu.enqueue_indirect_dma source(%dma_start3A_184 : memref<100000x64xf32, #tpu.memory_space<hbm>>) target(%dma_start3A_178 : memref<128x64xf32, #tpu.memory_space<vmem>>) offsets(%dma_start3A_181 : memref<128xi32, #tpu.memory_space<vmem>>) semaphore(%arg14 : memref<!tpu.dma_semaphore, #tpu.memory_space<semaphore_mem>>)
      %mul3A_185 = arith.constant 4 : i32
      %mul3A_186 = arith.muli %add3A_93, %mul3A_185 : i32
      %add3A_187 = arith.constant 3 : i32
      %add3A_188 = arith.addi %mul3A_186, %add3A_187 : i32
      %dma_start3A_189 = arith.constant 384 : i32
      %dma_start3A_190 = arith.constant 0 : i32
      %dma_start3A_191 = tpu.memref_slice %arg13[%dma_start3A_189, %dma_start3A_190] : memref<512x16xf32, #tpu.memory_space<vmem>> -> memref<128x16xf32, #tpu.memory_space<vmem>>
      %dma_start3A_192 = arith.constant 0 : i32
      %dma_start3A_193 = tpu.memref_slice %arg9[%add3A_188, %dma_start3A_192] : memref<16x128xi32, #tpu.memory_space<vmem>> -> memref<1x128xi32, #tpu.memory_space<vmem>>
      %dma_start3A_194 = tpu.memref_squeeze %dma_start3A_193 : memref<1x128xi32, #tpu.memory_space<vmem>> -> memref<128xi32, #tpu.memory_space<vmem>>
      %dma_start3A_195 = arith.constant 0 : i32
      %dma_start3A_196 = arith.constant 0 : i32
      %dma_start3A_197 = tpu.memref_slice %arg3[%dma_start3A_195, %dma_start3A_196] : memref<65536x16xf32, #tpu.memory_space<hbm>> -> memref<65536x16xf32, #tpu.memory_space<hbm>>
      tpu.enqueue_indirect_dma source(%dma_start3A_197 : memref<65536x16xf32, #tpu.memory_space<hbm>>) target(%dma_start3A_191 : memref<128x16xf32, #tpu.memory_space<vmem>>) offsets(%dma_start3A_194 : memref<128xi32, #tpu.memory_space<vmem>>) semaphore(%arg14 : memref<!tpu.dma_semaphore, #tpu.memory_space<semaphore_mem>>)
      %dma_wait3A = arith.constant 0 : i32
      %dma_wait3A_198 = arith.constant 0 : i32
      %dma_wait3A_199 = tpu.memref_slice %arg10[%dma_wait3A, %dma_wait3A_198] : memref<512x64xf32, #tpu.memory_space<vmem>> -> memref<128x64xf32, #tpu.memory_space<vmem>>
      %dma_wait3A_200 = arith.constant 0 : i32
      %dma_wait3A_201 = arith.constant 0 : i32
      %dma_wait3A_202 = tpu.memref_slice %arg2[%dma_wait3A_200, %dma_wait3A_201] : memref<100000x64xf32, #tpu.memory_space<hbm>> -> memref<128x64xf32, #tpu.memory_space<hbm>>
      %dma_wait3A_203 = arith.constant 0 : i32
      %dma_wait3A_204 = arith.constant 0 : i32
      %dma_wait3A_205 = tpu.memref_slice %arg10[%dma_wait3A_203, %dma_wait3A_204] : memref<512x64xf32, #tpu.memory_space<vmem>> -> memref<128x64xf32, #tpu.memory_space<vmem>>
      %dma_wait3A_206 = arith.constant 0 : i32
      %dma_wait3A_207 = arith.constant 0 : i32
      %dma_wait3A_208 = tpu.memref_slice %arg2[%dma_wait3A_206, %dma_wait3A_207] : memref<100000x64xf32, #tpu.memory_space<hbm>> -> memref<128x64xf32, #tpu.memory_space<hbm>>
      tpu.wait_dma2 semaphore(%arg14 : memref<!tpu.dma_semaphore, #tpu.memory_space<semaphore_mem>>) src(%dma_wait3A_208 : memref<128x64xf32, #tpu.memory_space<hbm>>) dst(%dma_wait3A_205 : memref<128x64xf32, #tpu.memory_space<vmem>>)
      %dma_wait3A_209 = arith.constant 0 : i32
      %dma_wait3A_210 = arith.constant 0 : i32
      %dma_wait3A_211 = tpu.memref_slice %arg12[%dma_wait3A_209, %dma_wait3A_210] : memref<512x16xf32, #tpu.memory_space<vmem>> -> memref<128x16xf32, #tpu.memory_space<vmem>>
      %dma_wait3A_212 = arith.constant 0 : i32
      %dma_wait3A_213 = arith.constant 0 : i32
      %dma_wait3A_214 = tpu.memref_slice %arg3[%dma_wait3A_212, %dma_wait3A_213] : memref<65536x16xf32, #tpu.memory_space<hbm>> -> memref<128x16xf32, #tpu.memory_space<hbm>>
      %dma_wait3A_215 = arith.constant 0 : i32
      %dma_wait3A_216 = arith.constant 0 : i32
      %dma_wait3A_217 = tpu.memref_slice %arg12[%dma_wait3A_215, %dma_wait3A_216] : memref<512x16xf32, #tpu.memory_space<vmem>> -> memref<128x16xf32, #tpu.memory_space<vmem>>
      %dma_wait3A_218 = arith.constant 0 : i32
      %dma_wait3A_219 = arith.constant 0 : i32
      %dma_wait3A_220 = tpu.memref_slice %arg3[%dma_wait3A_218, %dma_wait3A_219] : memref<65536x16xf32, #tpu.memory_space<hbm>> -> memref<128x16xf32, #tpu.memory_space<hbm>>
      tpu.wait_dma2 semaphore(%arg14 : memref<!tpu.dma_semaphore, #tpu.memory_space<semaphore_mem>>) src(%dma_wait3A_220 : memref<128x16xf32, #tpu.memory_space<hbm>>) dst(%dma_wait3A_217 : memref<128x16xf32, #tpu.memory_space<vmem>>)
      %dma_wait3A_221 = arith.constant 128 : i32
      %dma_wait3A_222 = arith.constant 0 : i32
      %dma_wait3A_223 = tpu.memref_slice %arg10[%dma_wait3A_221, %dma_wait3A_222] : memref<512x64xf32, #tpu.memory_space<vmem>> -> memref<128x64xf32, #tpu.memory_space<vmem>>
      %dma_wait3A_224 = arith.constant 0 : i32
      %dma_wait3A_225 = arith.constant 0 : i32
      %dma_wait3A_226 = tpu.memref_slice %arg2[%dma_wait3A_224, %dma_wait3A_225] : memref<100000x64xf32, #tpu.memory_space<hbm>> -> memref<128x64xf32, #tpu.memory_space<hbm>>
      %dma_wait3A_227 = arith.constant 128 : i32
      %dma_wait3A_228 = arith.constant 0 : i32
      %dma_wait3A_229 = tpu.memref_slice %arg10[%dma_wait3A_227, %dma_wait3A_228] : memref<512x64xf32, #tpu.memory_space<vmem>> -> memref<128x64xf32, #tpu.memory_space<vmem>>
      %dma_wait3A_230 = arith.constant 0 : i32
      %dma_wait3A_231 = arith.constant 0 : i32
      %dma_wait3A_232 = tpu.memref_slice %arg2[%dma_wait3A_230, %dma_wait3A_231] : memref<100000x64xf32, #tpu.memory_space<hbm>> -> memref<128x64xf32, #tpu.memory_space<hbm>>
      tpu.wait_dma2 semaphore(%arg14 : memref<!tpu.dma_semaphore, #tpu.memory_space<semaphore_mem>>) src(%dma_wait3A_232 : memref<128x64xf32, #tpu.memory_space<hbm>>) dst(%dma_wait3A_229 : memref<128x64xf32, #tpu.memory_space<vmem>>)
      %dma_wait3A_233 = arith.constant 128 : i32
      %dma_wait3A_234 = arith.constant 0 : i32
      %dma_wait3A_235 = tpu.memref_slice %arg12[%dma_wait3A_233, %dma_wait3A_234] : memref<512x16xf32, #tpu.memory_space<vmem>> -> memref<128x16xf32, #tpu.memory_space<vmem>>
      %dma_wait3A_236 = arith.constant 0 : i32
      %dma_wait3A_237 = arith.constant 0 : i32
      %dma_wait3A_238 = tpu.memref_slice %arg3[%dma_wait3A_236, %dma_wait3A_237] : memref<65536x16xf32, #tpu.memory_space<hbm>> -> memref<128x16xf32, #tpu.memory_space<hbm>>
      %dma_wait3A_239 = arith.constant 128 : i32
      %dma_wait3A_240 = arith.constant 0 : i32
      %dma_wait3A_241 = tpu.memref_slice %arg12[%dma_wait3A_239, %dma_wait3A_240] : memref<512x16xf32, #tpu.memory_space<vmem>> -> memref<128x16xf32, #tpu.memory_space<vmem>>
      %dma_wait3A_242 = arith.constant 0 : i32
      %dma_wait3A_243 = arith.constant 0 : i32
      %dma_wait3A_244 = tpu.memref_slice %arg3[%dma_wait3A_242, %dma_wait3A_243] : memref<65536x16xf32, #tpu.memory_space<hbm>> -> memref<128x16xf32, #tpu.memory_space<hbm>>
      tpu.wait_dma2 semaphore(%arg14 : memref<!tpu.dma_semaphore, #tpu.memory_space<semaphore_mem>>) src(%dma_wait3A_244 : memref<128x16xf32, #tpu.memory_space<hbm>>) dst(%dma_wait3A_241 : memref<128x16xf32, #tpu.memory_space<vmem>>)
      %dma_wait3A_245 = arith.constant 256 : i32
      %dma_wait3A_246 = arith.constant 0 : i32
      %dma_wait3A_247 = tpu.memref_slice %arg10[%dma_wait3A_245, %dma_wait3A_246] : memref<512x64xf32, #tpu.memory_space<vmem>> -> memref<128x64xf32, #tpu.memory_space<vmem>>
      %dma_wait3A_248 = arith.constant 0 : i32
      %dma_wait3A_249 = arith.constant 0 : i32
      %dma_wait3A_250 = tpu.memref_slice %arg2[%dma_wait3A_248, %dma_wait3A_249] : memref<100000x64xf32, #tpu.memory_space<hbm>> -> memref<128x64xf32, #tpu.memory_space<hbm>>
      %dma_wait3A_251 = arith.constant 256 : i32
      %dma_wait3A_252 = arith.constant 0 : i32
      %dma_wait3A_253 = tpu.memref_slice %arg10[%dma_wait3A_251, %dma_wait3A_252] : memref<512x64xf32, #tpu.memory_space<vmem>> -> memref<128x64xf32, #tpu.memory_space<vmem>>
      %dma_wait3A_254 = arith.constant 0 : i32
      %dma_wait3A_255 = arith.constant 0 : i32
      %dma_wait3A_256 = tpu.memref_slice %arg2[%dma_wait3A_254, %dma_wait3A_255] : memref<100000x64xf32, #tpu.memory_space<hbm>> -> memref<128x64xf32, #tpu.memory_space<hbm>>
      tpu.wait_dma2 semaphore(%arg14 : memref<!tpu.dma_semaphore, #tpu.memory_space<semaphore_mem>>) src(%dma_wait3A_256 : memref<128x64xf32, #tpu.memory_space<hbm>>) dst(%dma_wait3A_253 : memref<128x64xf32, #tpu.memory_space<vmem>>)
      %dma_wait3A_257 = arith.constant 256 : i32
      %dma_wait3A_258 = arith.constant 0 : i32
      %dma_wait3A_259 = tpu.memref_slice %arg12[%dma_wait3A_257, %dma_wait3A_258] : memref<512x16xf32, #tpu.memory_space<vmem>> -> memref<128x16xf32, #tpu.memory_space<vmem>>
      %dma_wait3A_260 = arith.constant 0 : i32
      %dma_wait3A_261 = arith.constant 0 : i32
      %dma_wait3A_262 = tpu.memref_slice %arg3[%dma_wait3A_260, %dma_wait3A_261] : memref<65536x16xf32, #tpu.memory_space<hbm>> -> memref<128x16xf32, #tpu.memory_space<hbm>>
      %dma_wait3A_263 = arith.constant 256 : i32
      %dma_wait3A_264 = arith.constant 0 : i32
      %dma_wait3A_265 = tpu.memref_slice %arg12[%dma_wait3A_263, %dma_wait3A_264] : memref<512x16xf32, #tpu.memory_space<vmem>> -> memref<128x16xf32, #tpu.memory_space<vmem>>
      %dma_wait3A_266 = arith.constant 0 : i32
      %dma_wait3A_267 = arith.constant 0 : i32
      %dma_wait3A_268 = tpu.memref_slice %arg3[%dma_wait3A_266, %dma_wait3A_267] : memref<65536x16xf32, #tpu.memory_space<hbm>> -> memref<128x16xf32, #tpu.memory_space<hbm>>
      tpu.wait_dma2 semaphore(%arg14 : memref<!tpu.dma_semaphore, #tpu.memory_space<semaphore_mem>>) src(%dma_wait3A_268 : memref<128x16xf32, #tpu.memory_space<hbm>>) dst(%dma_wait3A_265 : memref<128x16xf32, #tpu.memory_space<vmem>>)
      %dma_wait3A_269 = arith.constant 384 : i32
      %dma_wait3A_270 = arith.constant 0 : i32
      %dma_wait3A_271 = tpu.memref_slice %arg10[%dma_wait3A_269, %dma_wait3A_270] : memref<512x64xf32, #tpu.memory_space<vmem>> -> memref<128x64xf32, #tpu.memory_space<vmem>>
      %dma_wait3A_272 = arith.constant 0 : i32
      %dma_wait3A_273 = arith.constant 0 : i32
      %dma_wait3A_274 = tpu.memref_slice %arg2[%dma_wait3A_272, %dma_wait3A_273] : memref<100000x64xf32, #tpu.memory_space<hbm>> -> memref<128x64xf32, #tpu.memory_space<hbm>>
      %dma_wait3A_275 = arith.constant 384 : i32
      %dma_wait3A_276 = arith.constant 0 : i32
      %dma_wait3A_277 = tpu.memref_slice %arg10[%dma_wait3A_275, %dma_wait3A_276] : memref<512x64xf32, #tpu.memory_space<vmem>> -> memref<128x64xf32, #tpu.memory_space<vmem>>
      %dma_wait3A_278 = arith.constant 0 : i32
      %dma_wait3A_279 = arith.constant 0 : i32
      %dma_wait3A_280 = tpu.memref_slice %arg2[%dma_wait3A_278, %dma_wait3A_279] : memref<100000x64xf32, #tpu.memory_space<hbm>> -> memref<128x64xf32, #tpu.memory_space<hbm>>
      tpu.wait_dma2 semaphore(%arg14 : memref<!tpu.dma_semaphore, #tpu.memory_space<semaphore_mem>>) src(%dma_wait3A_280 : memref<128x64xf32, #tpu.memory_space<hbm>>) dst(%dma_wait3A_277 : memref<128x64xf32, #tpu.memory_space<vmem>>)
      %dma_wait3A_281 = arith.constant 384 : i32
      %dma_wait3A_282 = arith.constant 0 : i32
      %dma_wait3A_283 = tpu.memref_slice %arg12[%dma_wait3A_281, %dma_wait3A_282] : memref<512x16xf32, #tpu.memory_space<vmem>> -> memref<128x16xf32, #tpu.memory_space<vmem>>
      %dma_wait3A_284 = arith.constant 0 : i32
      %dma_wait3A_285 = arith.constant 0 : i32
      %dma_wait3A_286 = tpu.memref_slice %arg3[%dma_wait3A_284, %dma_wait3A_285] : memref<65536x16xf32, #tpu.memory_space<hbm>> -> memref<128x16xf32, #tpu.memory_space<hbm>>
      %dma_wait3A_287 = arith.constant 384 : i32
      %dma_wait3A_288 = arith.constant 0 : i32
      %dma_wait3A_289 = tpu.memref_slice %arg12[%dma_wait3A_287, %dma_wait3A_288] : memref<512x16xf32, #tpu.memory_space<vmem>> -> memref<128x16xf32, #tpu.memory_space<vmem>>
      %dma_wait3A_290 = arith.constant 0 : i32
      %dma_wait3A_291 = arith.constant 0 : i32
      %dma_wait3A_292 = tpu.memref_slice %arg3[%dma_wait3A_290, %dma_wait3A_291] : memref<65536x16xf32, #tpu.memory_space<hbm>> -> memref<128x16xf32, #tpu.memory_space<hbm>>
      tpu.wait_dma2 semaphore(%arg14 : memref<!tpu.dma_semaphore, #tpu.memory_space<semaphore_mem>>) src(%dma_wait3A_292 : memref<128x16xf32, #tpu.memory_space<hbm>>) dst(%dma_wait3A_289 : memref<128x16xf32, #tpu.memory_space<vmem>>)
      %mul3A_293 = arith.constant 2 : i32
      %mul3A_294 = arith.muli %mul3A_293, %scan3A_89 : i32
      %mul3A_295 = arith.constant 2048 : i32
      %mul3A_296 = arith.muli %add3A, %mul3A_295 : i32
      %mul3A_297 = arith.constant 512 : i32
      %mul3A_298 = arith.muli %mul3A_294, %mul3A_297 : i32
      %add3A_299 = arith.addi %mul3A_296, %mul3A_298 : i32
      %jit3A = arith.constant 2048 : i32
      %div3A = arith.divsi %add3A_299, %jit3A : i32
      %sign3A = arith.constant 0 : i32
      %sign3A_300 = arith.cmpi sgt, %add3A_299, %sign3A : i32
      %sign3A_301 = arith.extui %sign3A_300 : i1 to i32
      %sign3A_302 = arith.constant 0 : i32
      %sign3A_303 = arith.cmpi slt, %add3A_299, %sign3A_302 : i32
      %sign3A_304 = arith.extui %sign3A_303 : i1 to i32
      %sign3A_305 = arith.subi %sign3A_301, %sign3A_304 : i32
      %sign3A_306 = arith.constant 0 : i32
      %sign3A_307 = arith.cmpi sgt, %jit3A, %sign3A_306 : i32
      %sign3A_308 = arith.extui %sign3A_307 : i1 to i32
      %sign3A_309 = arith.constant 0 : i32
      %sign3A_310 = arith.cmpi slt, %jit3A, %sign3A_309 : i32
      %sign3A_311 = arith.extui %sign3A_310 : i1 to i32
      %sign3A_312 = arith.subi %sign3A_308, %sign3A_311 : i32
      %ne3A = arith.cmpi ne, %sign3A_305, %sign3A_312 : i32
      %rem3A = arith.remsi %add3A_299, %jit3A : i32
      %ne3A_313 = arith.constant 0 : i32
      %ne3A_314 = arith.cmpi ne, %rem3A, %ne3A_313 : i32
      %and3A = arith.andi %ne3A, %ne3A_314 : i1
      %sub3A = arith.constant 1 : i32
      %sub3A_315 = arith.subi %div3A, %sub3A : i32
      %select_n3A = arith.select %and3A, %sub3A_315, %div3A : i32
      %jit3A_316 = arith.constant 2048 : i32
      %eq3A = arith.constant 0 : i32
      %eq3A_317 = arith.cmpi eq, %jit3A_316, %eq3A : i32
      %jit3A_318 = arith.constant 1 : i32
      %select_n3A_319 = arith.select %eq3A_317, %jit3A_318, %jit3A_316 : i32
      %rem3A_320 = arith.remsi %add3A_299, %select_n3A_319 : i32
      %ne3A_321 = arith.constant 0 : i32
      %ne3A_322 = arith.cmpi ne, %rem3A_320, %ne3A_321 : i32
      %lt3A = arith.constant 0 : i32
      %lt3A_323 = arith.cmpi slt, %rem3A_320, %lt3A : i32
      %lt3A_324 = arith.constant 0 : i32
      %lt3A_325 = arith.cmpi slt, %select_n3A_319, %lt3A_324 : i32
      %ne3A_326 = arith.xori %lt3A_323, %lt3A_325 : i1
      %and3A_327 = arith.andi %ne3A_326, %ne3A_322 : i1
      %add3A_328 = arith.addi %rem3A_320, %select_n3A_319 : i32
      %select_n3A_329 = arith.select %and3A_327, %add3A_328, %rem3A_320 : i32
      %mul3A_330 = arith.constant 1024 : i32
      %mul3A_331 = arith.muli %select_n3A, %mul3A_330 : i32
      %jit3A_332 = arith.constant 1024 : i32
      %eq3A_333 = arith.constant 0 : i32
      %eq3A_334 = arith.cmpi eq, %jit3A_332, %eq3A_333 : i32
      %jit3A_335 = arith.constant 1 : i32
      %select_n3A_336 = arith.select %eq3A_334, %jit3A_335, %jit3A_332 : i32
      %rem3A_337 = arith.remsi %select_n3A_329, %select_n3A_336 : i32
      %ne3A_338 = arith.constant 0 : i32
      %ne3A_339 = arith.cmpi ne, %rem3A_337, %ne3A_338 : i32
      %lt3A_340 = arith.constant 0 : i32
      %lt3A_341 = arith.cmpi slt, %rem3A_337, %lt3A_340 : i32
      %lt3A_342 = arith.constant 0 : i32
      %lt3A_343 = arith.cmpi slt, %select_n3A_336, %lt3A_342 : i32
      %ne3A_344 = arith.xori %lt3A_341, %lt3A_343 : i1
      %and3A_345 = arith.andi %ne3A_344, %ne3A_339 : i1
      %add3A_346 = arith.addi %rem3A_337, %select_n3A_336 : i32
      %select_n3A_347 = arith.select %and3A_345, %add3A_346, %rem3A_337 : i32
      %add3A_348 = arith.addi %mul3A_331, %select_n3A_347 : i32
      %jit3A_349 = arith.constant 1024 : i32
      %div3A_350 = arith.divsi %select_n3A_329, %jit3A_349 : i32
      %sign3A_351 = arith.constant 0 : i32
      %sign3A_352 = arith.cmpi sgt, %select_n3A_329, %sign3A_351 : i32
      %sign3A_353 = arith.extui %sign3A_352 : i1 to i32
      %sign3A_354 = arith.constant 0 : i32
      %sign3A_355 = arith.cmpi slt, %select_n3A_329, %sign3A_354 : i32
      %sign3A_356 = arith.extui %sign3A_355 : i1 to i32
      %sign3A_357 = arith.subi %sign3A_353, %sign3A_356 : i32
      %sign3A_358 = arith.constant 0 : i32
      %sign3A_359 = arith.cmpi sgt, %jit3A_349, %sign3A_358 : i32
      %sign3A_360 = arith.extui %sign3A_359 : i1 to i32
      %sign3A_361 = arith.constant 0 : i32
      %sign3A_362 = arith.cmpi slt, %jit3A_349, %sign3A_361 : i32
      %sign3A_363 = arith.extui %sign3A_362 : i1 to i32
      %sign3A_364 = arith.subi %sign3A_360, %sign3A_363 : i32
      %ne3A_365 = arith.cmpi ne, %sign3A_357, %sign3A_364 : i32
      %rem3A_366 = arith.remsi %select_n3A_329, %jit3A_349 : i32
      %ne3A_367 = arith.constant 0 : i32
      %ne3A_368 = arith.cmpi ne, %rem3A_366, %ne3A_367 : i32
      %and3A_369 = arith.andi %ne3A_365, %ne3A_368 : i1
      %sub3A_370 = arith.constant 1 : i32
      %sub3A_371 = arith.subi %div3A_350, %sub3A_370 : i32
      %select_n3A_372 = arith.select %and3A_369, %sub3A_371, %div3A_350 : i32
      %mul3A_373 = arith.constant 64 : i32
      %mul3A_374 = arith.muli %select_n3A_372, %mul3A_373 : i32
      "tpu.region"() ({
        %run_scoped3A = tpu.sem_alloc : memref<!tpu.dma_semaphore, #tpu.memory_space<semaphore_mem>>
        %dma_start3A_632 = tpu.memref_slice %arg6[%add3A_348, %mul3A_374] : memref<32768x128xf32, #tpu.memory_space<hbm>> -> memref<512x64xf32, #tpu.memory_space<hbm>>
        %dma_start3A_633 = tpu.memref_slice %arg6[%add3A_348, %mul3A_374] : memref<32768x128xf32, #tpu.memory_space<hbm>> -> memref<512x64xf32, #tpu.memory_space<hbm>>
        tpu.enqueue_dma source(%arg10 : memref<512x64xf32, #tpu.memory_space<vmem>>) target(%dma_start3A_633 : memref<512x64xf32, #tpu.memory_space<hbm>>) target_semaphore(%run_scoped3A : memref<!tpu.dma_semaphore, #tpu.memory_space<semaphore_mem>>)
        %dma_wait3A_634 = tpu.memref_slice %arg6[%add3A_348, %mul3A_374] : memref<32768x128xf32, #tpu.memory_space<hbm>> -> memref<512x64xf32, #tpu.memory_space<hbm>>
        %dma_wait3A_635 = tpu.memref_slice %arg6[%add3A_348, %mul3A_374] : memref<32768x128xf32, #tpu.memory_space<hbm>> -> memref<512x64xf32, #tpu.memory_space<hbm>>
        tpu.wait_dma2 semaphore(%run_scoped3A : memref<!tpu.dma_semaphore, #tpu.memory_space<semaphore_mem>>) src(%arg10 : memref<512x64xf32, #tpu.memory_space<vmem>>) dst(%dma_wait3A_635 : memref<512x64xf32, #tpu.memory_space<hbm>>)
        tpu.yield
      }) : () -> ()
      %mul3A_375 = arith.constant 256 : i32
      %mul3A_376 = arith.muli %select_n3A, %mul3A_375 : i32
      %jit3A_377 = arith.constant 256 : i32
      %div3A_378 = arith.divsi %select_n3A_329, %jit3A_377 : i32
      %sign3A_379 = arith.constant 0 : i32
      %sign3A_380 = arith.cmpi sgt, %select_n3A_329, %sign3A_379 : i32
      %sign3A_381 = arith.extui %sign3A_380 : i1 to i32
      %sign3A_382 = arith.constant 0 : i32
      %sign3A_383 = arith.cmpi slt, %select_n3A_329, %sign3A_382 : i32
      %sign3A_384 = arith.extui %sign3A_383 : i1 to i32
      %sign3A_385 = arith.subi %sign3A_381, %sign3A_384 : i32
      %sign3A_386 = arith.constant 0 : i32
      %sign3A_387 = arith.cmpi sgt, %jit3A_377, %sign3A_386 : i32
      %sign3A_388 = arith.extui %sign3A_387 : i1 to i32
      %sign3A_389 = arith.constant 0 : i32
      %sign3A_390 = arith.cmpi slt, %jit3A_377, %sign3A_389 : i32
      %sign3A_391 = arith.extui %sign3A_390 : i1 to i32
      %sign3A_392 = arith.subi %sign3A_388, %sign3A_391 : i32
      %ne3A_393 = arith.cmpi ne, %sign3A_385, %sign3A_392 : i32
      %rem3A_394 = arith.remsi %select_n3A_329, %jit3A_377 : i32
      %ne3A_395 = arith.constant 0 : i32
      %ne3A_396 = arith.cmpi ne, %rem3A_394, %ne3A_395 : i32
      %and3A_397 = arith.andi %ne3A_393, %ne3A_396 : i1
      %sub3A_398 = arith.constant 1 : i32
      %sub3A_399 = arith.subi %div3A_378, %sub3A_398 : i32
      %select_n3A_400 = arith.select %and3A_397, %sub3A_399, %div3A_378 : i32
      %mul3A_401 = arith.constant 16 : i32
      %mul3A_402 = arith.muli %select_n3A_400, %mul3A_401 : i32
      "tpu.region"() ({
        %run_scoped3A = tpu.sem_alloc : memref<!tpu.dma_semaphore, #tpu.memory_space<semaphore_mem>>
        %dma_start3A_632 = arith.constant 0 : i32
        %dma_start3A_633 = arith.constant 0 : i32
        %dma_start3A_634 = tpu.memref_slice %arg12[%dma_start3A_632, %dma_start3A_633] : memref<512x16xf32, #tpu.memory_space<vmem>> -> memref<256x16xf32, #tpu.memory_space<vmem>>
        %dma_start3A_635 = tpu.memref_slice %arg7[%mul3A_376, %mul3A_402] : memref<8192x128xf32, #tpu.memory_space<hbm>> -> memref<256x16xf32, #tpu.memory_space<hbm>>
        %dma_start3A_636 = tpu.memref_slice %arg7[%mul3A_376, %mul3A_402] : memref<8192x128xf32, #tpu.memory_space<hbm>> -> memref<256x16xf32, #tpu.memory_space<hbm>>
        %dma_start3A_637 = arith.constant 0 : i32
        %dma_start3A_638 = arith.constant 0 : i32
        %dma_start3A_639 = tpu.memref_slice %arg12[%dma_start3A_637, %dma_start3A_638] : memref<512x16xf32, #tpu.memory_space<vmem>> -> memref<256x16xf32, #tpu.memory_space<vmem>>
        tpu.enqueue_dma source(%dma_start3A_639 : memref<256x16xf32, #tpu.memory_space<vmem>>) target(%dma_start3A_636 : memref<256x16xf32, #tpu.memory_space<hbm>>) target_semaphore(%run_scoped3A : memref<!tpu.dma_semaphore, #tpu.memory_space<semaphore_mem>>)
        %dma_wait3A_640 = arith.constant 0 : i32
        %dma_wait3A_641 = arith.constant 0 : i32
        %dma_wait3A_642 = tpu.memref_slice %arg12[%dma_wait3A_640, %dma_wait3A_641] : memref<512x16xf32, #tpu.memory_space<vmem>> -> memref<256x16xf32, #tpu.memory_space<vmem>>
        %dma_wait3A_643 = tpu.memref_slice %arg7[%mul3A_376, %mul3A_402] : memref<8192x128xf32, #tpu.memory_space<hbm>> -> memref<256x16xf32, #tpu.memory_space<hbm>>
        %dma_wait3A_644 = tpu.memref_slice %arg7[%mul3A_376, %mul3A_402] : memref<8192x128xf32, #tpu.memory_space<hbm>> -> memref<256x16xf32, #tpu.memory_space<hbm>>
        %dma_wait3A_645 = arith.constant 0 : i32
        %dma_wait3A_646 = arith.constant 0 : i32
        %dma_wait3A_647 = tpu.memref_slice %arg12[%dma_wait3A_645, %dma_wait3A_646] : memref<512x16xf32, #tpu.memory_space<vmem>> -> memref<256x16xf32, #tpu.memory_space<vmem>>
        tpu.wait_dma2 semaphore(%run_scoped3A : memref<!tpu.dma_semaphore, #tpu.memory_space<semaphore_mem>>) src(%dma_wait3A_647 : memref<256x16xf32, #tpu.memory_space<vmem>>) dst(%dma_wait3A_644 : memref<256x16xf32, #tpu.memory_space<hbm>>)
        tpu.yield
      }) : () -> ()
      %add3A_403 = arith.constant 1 : i32
      %add3A_404 = arith.addi %select_n3A_400, %add3A_403 : i32
      %mul3A_405 = arith.constant 16 : i32
      %mul3A_406 = arith.muli %add3A_404, %mul3A_405 : i32
      "tpu.region"() ({
        %run_scoped3A = tpu.sem_alloc : memref<!tpu.dma_semaphore, #tpu.memory_space<semaphore_mem>>
        %dma_start3A_632 = arith.constant 256 : i32
        %dma_start3A_633 = arith.constant 0 : i32
        %dma_start3A_634 = tpu.memref_slice %arg12[%dma_start3A_632, %dma_start3A_633] : memref<512x16xf32, #tpu.memory_space<vmem>> -> memref<256x16xf32, #tpu.memory_space<vmem>>
        %dma_start3A_635 = tpu.memref_slice %arg7[%mul3A_376, %mul3A_406] : memref<8192x128xf32, #tpu.memory_space<hbm>> -> memref<256x16xf32, #tpu.memory_space<hbm>>
        %dma_start3A_636 = tpu.memref_slice %arg7[%mul3A_376, %mul3A_406] : memref<8192x128xf32, #tpu.memory_space<hbm>> -> memref<256x16xf32, #tpu.memory_space<hbm>>
        %dma_start3A_637 = arith.constant 256 : i32
        %dma_start3A_638 = arith.constant 0 : i32
        %dma_start3A_639 = tpu.memref_slice %arg12[%dma_start3A_637, %dma_start3A_638] : memref<512x16xf32, #tpu.memory_space<vmem>> -> memref<256x16xf32, #tpu.memory_space<vmem>>
        tpu.enqueue_dma source(%dma_start3A_639 : memref<256x16xf32, #tpu.memory_space<vmem>>) target(%dma_start3A_636 : memref<256x16xf32, #tpu.memory_space<hbm>>) target_semaphore(%run_scoped3A : memref<!tpu.dma_semaphore, #tpu.memory_space<semaphore_mem>>)
        %dma_wait3A_640 = arith.constant 256 : i32
        %dma_wait3A_641 = arith.constant 0 : i32
        %dma_wait3A_642 = tpu.memref_slice %arg12[%dma_wait3A_640, %dma_wait3A_641] : memref<512x16xf32, #tpu.memory_space<vmem>> -> memref<256x16xf32, #tpu.memory_space<vmem>>
        %dma_wait3A_643 = tpu.memref_slice %arg7[%mul3A_376, %mul3A_406] : memref<8192x128xf32, #tpu.memory_space<hbm>> -> memref<256x16xf32, #tpu.memory_space<hbm>>
        %dma_wait3A_644 = tpu.memref_slice %arg7[%mul3A_376, %mul3A_406] : memref<8192x128xf32, #tpu.memory_space<hbm>> -> memref<256x16xf32, #tpu.memory_space<hbm>>
        %dma_wait3A_645 = arith.constant 256 : i32
        %dma_wait3A_646 = arith.constant 0 : i32
        %dma_wait3A_647 = tpu.memref_slice %arg12[%dma_wait3A_645, %dma_wait3A_646] : memref<512x16xf32, #tpu.memory_space<vmem>> -> memref<256x16xf32, #tpu.memory_space<vmem>>
        tpu.wait_dma2 semaphore(%run_scoped3A : memref<!tpu.dma_semaphore, #tpu.memory_space<semaphore_mem>>) src(%dma_wait3A_647 : memref<256x16xf32, #tpu.memory_space<vmem>>) dst(%dma_wait3A_644 : memref<256x16xf32, #tpu.memory_space<hbm>>)
        tpu.yield
      }) : () -> ()
      %lt3A_407 = arith.constant 1 : i32
      %lt3A_408 = arith.cmpi slt, %scan3A_89, %lt3A_407 : i32
      %convert_element_type3A = arith.extui %lt3A_408 : i1 to i32
      %cond3A = arith.constant 0 : i32
      %cond3A_409 = arith.cmpi ne, %convert_element_type3A, %cond3A : i32
      scf.if %cond3A_409 {
        %mul3A_632 = arith.constant 2 : i32
        %mul3A_633 = arith.muli %mul3A_632, %scan3A_89 : i32
        %add3A_634 = arith.constant 2 : i32
        %add3A_635 = arith.addi %mul3A_633, %add3A_634 : i32
        %mul3A_636 = arith.constant 4 : i32
        %mul3A_637 = arith.muli %add3A_635, %mul3A_636 : i32
        %add3A_638 = arith.constant 0 : i32
        %add3A_639 = arith.addi %mul3A_637, %add3A_638 : i32
        %dma_start3A_640 = arith.constant 0 : i32
        %dma_start3A_641 = arith.constant 0 : i32
        %dma_start3A_642 = tpu.memref_slice %arg10[%dma_start3A_640, %dma_start3A_641] : memref<512x64xf32, #tpu.memory_space<vmem>> -> memref<128x64xf32, #tpu.memory_space<vmem>>
        %dma_start3A_643 = arith.constant 0 : i32
        %dma_start3A_644 = tpu.memref_slice %arg8[%add3A_639, %dma_start3A_643] : memref<16x128xi32, #tpu.memory_space<vmem>> -> memref<1x128xi32, #tpu.memory_space<vmem>>
        %dma_start3A_645 = tpu.memref_squeeze %dma_start3A_644 : memref<1x128xi32, #tpu.memory_space<vmem>> -> memref<128xi32, #tpu.memory_space<vmem>>
        %dma_start3A_646 = arith.constant 0 : i32
        %dma_start3A_647 = arith.constant 0 : i32
        %dma_start3A_648 = tpu.memref_slice %arg2[%dma_start3A_646, %dma_start3A_647] : memref<100000x64xf32, #tpu.memory_space<hbm>> -> memref<100000x64xf32, #tpu.memory_space<hbm>>
        tpu.enqueue_indirect_dma source(%dma_start3A_648 : memref<100000x64xf32, #tpu.memory_space<hbm>>) target(%dma_start3A_642 : memref<128x64xf32, #tpu.memory_space<vmem>>) offsets(%dma_start3A_645 : memref<128xi32, #tpu.memory_space<vmem>>) semaphore(%arg14 : memref<!tpu.dma_semaphore, #tpu.memory_space<semaphore_mem>>)
        %mul3A_649 = arith.constant 4 : i32
        %mul3A_650 = arith.muli %add3A_635, %mul3A_649 : i32
        %add3A_651 = arith.constant 0 : i32
        %add3A_652 = arith.addi %mul3A_650, %add3A_651 : i32
        %dma_start3A_653 = arith.constant 0 : i32
        %dma_start3A_654 = arith.constant 0 : i32
        %dma_start3A_655 = tpu.memref_slice %arg12[%dma_start3A_653, %dma_start3A_654] : memref<512x16xf32, #tpu.memory_space<vmem>> -> memref<128x16xf32, #tpu.memory_space<vmem>>
        %dma_start3A_656 = arith.constant 0 : i32
        %dma_start3A_657 = tpu.memref_slice %arg9[%add3A_652, %dma_start3A_656] : memref<16x128xi32, #tpu.memory_space<vmem>> -> memref<1x128xi32, #tpu.memory_space<vmem>>
        %dma_start3A_658 = tpu.memref_squeeze %dma_start3A_657 : memref<1x128xi32, #tpu.memory_space<vmem>> -> memref<128xi32, #tpu.memory_space<vmem>>
        %dma_start3A_659 = arith.constant 0 : i32
        %dma_start3A_660 = arith.constant 0 : i32
        %dma_start3A_661 = tpu.memref_slice %arg3[%dma_start3A_659, %dma_start3A_660] : memref<65536x16xf32, #tpu.memory_space<hbm>> -> memref<65536x16xf32, #tpu.memory_space<hbm>>
        tpu.enqueue_indirect_dma source(%dma_start3A_661 : memref<65536x16xf32, #tpu.memory_space<hbm>>) target(%dma_start3A_655 : memref<128x16xf32, #tpu.memory_space<vmem>>) offsets(%dma_start3A_658 : memref<128xi32, #tpu.memory_space<vmem>>) semaphore(%arg14 : memref<!tpu.dma_semaphore, #tpu.memory_space<semaphore_mem>>)
        %mul3A_662 = arith.constant 4 : i32
        %mul3A_663 = arith.muli %add3A_635, %mul3A_662 : i32
        %add3A_664 = arith.constant 1 : i32
        %add3A_665 = arith.addi %mul3A_663, %add3A_664 : i32
        %dma_start3A_666 = arith.constant 128 : i32
        %dma_start3A_667 = arith.constant 0 : i32
        %dma_start3A_668 = tpu.memref_slice %arg10[%dma_start3A_666, %dma_start3A_667] : memref<512x64xf32, #tpu.memory_space<vmem>> -> memref<128x64xf32, #tpu.memory_space<vmem>>
        %dma_start3A_669 = arith.constant 0 : i32
        %dma_start3A_670 = tpu.memref_slice %arg8[%add3A_665, %dma_start3A_669] : memref<16x128xi32, #tpu.memory_space<vmem>> -> memref<1x128xi32, #tpu.memory_space<vmem>>
        %dma_start3A_671 = tpu.memref_squeeze %dma_start3A_670 : memref<1x128xi32, #tpu.memory_space<vmem>> -> memref<128xi32, #tpu.memory_space<vmem>>
        %dma_start3A_672 = arith.constant 0 : i32
        %dma_start3A_673 = arith.constant 0 : i32
        %dma_start3A_674 = tpu.memref_slice %arg2[%dma_start3A_672, %dma_start3A_673] : memref<100000x64xf32, #tpu.memory_space<hbm>> -> memref<100000x64xf32, #tpu.memory_space<hbm>>
        tpu.enqueue_indirect_dma source(%dma_start3A_674 : memref<100000x64xf32, #tpu.memory_space<hbm>>) target(%dma_start3A_668 : memref<128x64xf32, #tpu.memory_space<vmem>>) offsets(%dma_start3A_671 : memref<128xi32, #tpu.memory_space<vmem>>) semaphore(%arg14 : memref<!tpu.dma_semaphore, #tpu.memory_space<semaphore_mem>>)
        %mul3A_675 = arith.constant 4 : i32
        %mul3A_676 = arith.muli %add3A_635, %mul3A_675 : i32
        %add3A_677 = arith.constant 1 : i32
        %add3A_678 = arith.addi %mul3A_676, %add3A_677 : i32
        %dma_start3A_679 = arith.constant 128 : i32
        %dma_start3A_680 = arith.constant 0 : i32
        %dma_start3A_681 = tpu.memref_slice %arg12[%dma_start3A_679, %dma_start3A_680] : memref<512x16xf32, #tpu.memory_space<vmem>> -> memref<128x16xf32, #tpu.memory_space<vmem>>
        %dma_start3A_682 = arith.constant 0 : i32
        %dma_start3A_683 = tpu.memref_slice %arg9[%add3A_678, %dma_start3A_682] : memref<16x128xi32, #tpu.memory_space<vmem>> -> memref<1x128xi32, #tpu.memory_space<vmem>>
        %dma_start3A_684 = tpu.memref_squeeze %dma_start3A_683 : memref<1x128xi32, #tpu.memory_space<vmem>> -> memref<128xi32, #tpu.memory_space<vmem>>
        %dma_start3A_685 = arith.constant 0 : i32
        %dma_start3A_686 = arith.constant 0 : i32
        %dma_start3A_687 = tpu.memref_slice %arg3[%dma_start3A_685, %dma_start3A_686] : memref<65536x16xf32, #tpu.memory_space<hbm>> -> memref<65536x16xf32, #tpu.memory_space<hbm>>
        tpu.enqueue_indirect_dma source(%dma_start3A_687 : memref<65536x16xf32, #tpu.memory_space<hbm>>) target(%dma_start3A_681 : memref<128x16xf32, #tpu.memory_space<vmem>>) offsets(%dma_start3A_684 : memref<128xi32, #tpu.memory_space<vmem>>) semaphore(%arg14 : memref<!tpu.dma_semaphore, #tpu.memory_space<semaphore_mem>>)
        %mul3A_688 = arith.constant 4 : i32
        %mul3A_689 = arith.muli %add3A_635, %mul3A_688 : i32
        %add3A_690 = arith.constant 2 : i32
        %add3A_691 = arith.addi %mul3A_689, %add3A_690 : i32
        %dma_start3A_692 = arith.constant 256 : i32
        %dma_start3A_693 = arith.constant 0 : i32
        %dma_start3A_694 = tpu.memref_slice %arg10[%dma_start3A_692, %dma_start3A_693] : memref<512x64xf32, #tpu.memory_space<vmem>> -> memref<128x64xf32, #tpu.memory_space<vmem>>
        %dma_start3A_695 = arith.constant 0 : i32
        %dma_start3A_696 = tpu.memref_slice %arg8[%add3A_691, %dma_start3A_695] : memref<16x128xi32, #tpu.memory_space<vmem>> -> memref<1x128xi32, #tpu.memory_space<vmem>>
        %dma_start3A_697 = tpu.memref_squeeze %dma_start3A_696 : memref<1x128xi32, #tpu.memory_space<vmem>> -> memref<128xi32, #tpu.memory_space<vmem>>
        %dma_start3A_698 = arith.constant 0 : i32
        %dma_start3A_699 = arith.constant 0 : i32
        %dma_start3A_700 = tpu.memref_slice %arg2[%dma_start3A_698, %dma_start3A_699] : memref<100000x64xf32, #tpu.memory_space<hbm>> -> memref<100000x64xf32, #tpu.memory_space<hbm>>
        tpu.enqueue_indirect_dma source(%dma_start3A_700 : memref<100000x64xf32, #tpu.memory_space<hbm>>) target(%dma_start3A_694 : memref<128x64xf32, #tpu.memory_space<vmem>>) offsets(%dma_start3A_697 : memref<128xi32, #tpu.memory_space<vmem>>) semaphore(%arg14 : memref<!tpu.dma_semaphore, #tpu.memory_space<semaphore_mem>>)
        %mul3A_701 = arith.constant 4 : i32
        %mul3A_702 = arith.muli %add3A_635, %mul3A_701 : i32
        %add3A_703 = arith.constant 2 : i32
        %add3A_704 = arith.addi %mul3A_702, %add3A_703 : i32
        %dma_start3A_705 = arith.constant 256 : i32
        %dma_start3A_706 = arith.constant 0 : i32
        %dma_start3A_707 = tpu.memref_slice %arg12[%dma_start3A_705, %dma_start3A_706] : memref<512x16xf32, #tpu.memory_space<vmem>> -> memref<128x16xf32, #tpu.memory_space<vmem>>
        %dma_start3A_708 = arith.constant 0 : i32
        %dma_start3A_709 = tpu.memref_slice %arg9[%add3A_704, %dma_start3A_708] : memref<16x128xi32, #tpu.memory_space<vmem>> -> memref<1x128xi32, #tpu.memory_space<vmem>>
        %dma_start3A_710 = tpu.memref_squeeze %dma_start3A_709 : memref<1x128xi32, #tpu.memory_space<vmem>> -> memref<128xi32, #tpu.memory_space<vmem>>
        %dma_start3A_711 = arith.constant 0 : i32
        %dma_start3A_712 = arith.constant 0 : i32
        %dma_start3A_713 = tpu.memref_slice %arg3[%dma_start3A_711, %dma_start3A_712] : memref<65536x16xf32, #tpu.memory_space<hbm>> -> memref<65536x16xf32, #tpu.memory_space<hbm>>
        tpu.enqueue_indirect_dma source(%dma_start3A_713 : memref<65536x16xf32, #tpu.memory_space<hbm>>) target(%dma_start3A_707 : memref<128x16xf32, #tpu.memory_space<vmem>>) offsets(%dma_start3A_710 : memref<128xi32, #tpu.memory_space<vmem>>) semaphore(%arg14 : memref<!tpu.dma_semaphore, #tpu.memory_space<semaphore_mem>>)
        %mul3A_714 = arith.constant 4 : i32
        %mul3A_715 = arith.muli %add3A_635, %mul3A_714 : i32
        %add3A_716 = arith.constant 3 : i32
        %add3A_717 = arith.addi %mul3A_715, %add3A_716 : i32
        %dma_start3A_718 = arith.constant 384 : i32
        %dma_start3A_719 = arith.constant 0 : i32
        %dma_start3A_720 = tpu.memref_slice %arg10[%dma_start3A_718, %dma_start3A_719] : memref<512x64xf32, #tpu.memory_space<vmem>> -> memref<128x64xf32, #tpu.memory_space<vmem>>
        %dma_start3A_721 = arith.constant 0 : i32
        %dma_start3A_722 = tpu.memref_slice %arg8[%add3A_717, %dma_start3A_721] : memref<16x128xi32, #tpu.memory_space<vmem>> -> memref<1x128xi32, #tpu.memory_space<vmem>>
        %dma_start3A_723 = tpu.memref_squeeze %dma_start3A_722 : memref<1x128xi32, #tpu.memory_space<vmem>> -> memref<128xi32, #tpu.memory_space<vmem>>
        %dma_start3A_724 = arith.constant 0 : i32
        %dma_start3A_725 = arith.constant 0 : i32
        %dma_start3A_726 = tpu.memref_slice %arg2[%dma_start3A_724, %dma_start3A_725] : memref<100000x64xf32, #tpu.memory_space<hbm>> -> memref<100000x64xf32, #tpu.memory_space<hbm>>
        tpu.enqueue_indirect_dma source(%dma_start3A_726 : memref<100000x64xf32, #tpu.memory_space<hbm>>) target(%dma_start3A_720 : memref<128x64xf32, #tpu.memory_space<vmem>>) offsets(%dma_start3A_723 : memref<128xi32, #tpu.memory_space<vmem>>) semaphore(%arg14 : memref<!tpu.dma_semaphore, #tpu.memory_space<semaphore_mem>>)
        %mul3A_727 = arith.constant 4 : i32
        %mul3A_728 = arith.muli %add3A_635, %mul3A_727 : i32
        %add3A_729 = arith.constant 3 : i32
        %add3A_730 = arith.addi %mul3A_728, %add3A_729 : i32
        %dma_start3A_731 = arith.constant 384 : i32
        %dma_start3A_732 = arith.constant 0 : i32
        %dma_start3A_733 = tpu.memref_slice %arg12[%dma_start3A_731, %dma_start3A_732] : memref<512x16xf32, #tpu.memory_space<vmem>> -> memref<128x16xf32, #tpu.memory_space<vmem>>
        %dma_start3A_734 = arith.constant 0 : i32
        %dma_start3A_735 = tpu.memref_slice %arg9[%add3A_730, %dma_start3A_734] : memref<16x128xi32, #tpu.memory_space<vmem>> -> memref<1x128xi32, #tpu.memory_space<vmem>>
        %dma_start3A_736 = tpu.memref_squeeze %dma_start3A_735 : memref<1x128xi32, #tpu.memory_space<vmem>> -> memref<128xi32, #tpu.memory_space<vmem>>
        %dma_start3A_737 = arith.constant 0 : i32
        %dma_start3A_738 = arith.constant 0 : i32
        %dma_start3A_739 = tpu.memref_slice %arg3[%dma_start3A_737, %dma_start3A_738] : memref<65536x16xf32, #tpu.memory_space<hbm>> -> memref<65536x16xf32, #tpu.memory_space<hbm>>
        tpu.enqueue_indirect_dma source(%dma_start3A_739 : memref<65536x16xf32, #tpu.memory_space<hbm>>) target(%dma_start3A_733 : memref<128x16xf32, #tpu.memory_space<vmem>>) offsets(%dma_start3A_736 : memref<128xi32, #tpu.memory_space<vmem>>) semaphore(%arg14 : memref<!tpu.dma_semaphore, #tpu.memory_space<semaphore_mem>>)
      } else {
      }
      %dma_wait3A_410 = arith.constant 0 : i32
      %dma_wait3A_411 = arith.constant 0 : i32
      %dma_wait3A_412 = tpu.memref_slice %arg11[%dma_wait3A_410, %dma_wait3A_411] : memref<512x64xf32, #tpu.memory_space<vmem>> -> memref<128x64xf32, #tpu.memory_space<vmem>>
      %dma_wait3A_413 = arith.constant 0 : i32
      %dma_wait3A_414 = arith.constant 0 : i32
      %dma_wait3A_415 = tpu.memref_slice %arg2[%dma_wait3A_413, %dma_wait3A_414] : memref<100000x64xf32, #tpu.memory_space<hbm>> -> memref<128x64xf32, #tpu.memory_space<hbm>>
      %dma_wait3A_416 = arith.constant 0 : i32
      %dma_wait3A_417 = arith.constant 0 : i32
      %dma_wait3A_418 = tpu.memref_slice %arg11[%dma_wait3A_416, %dma_wait3A_417] : memref<512x64xf32, #tpu.memory_space<vmem>> -> memref<128x64xf32, #tpu.memory_space<vmem>>
      %dma_wait3A_419 = arith.constant 0 : i32
      %dma_wait3A_420 = arith.constant 0 : i32
      %dma_wait3A_421 = tpu.memref_slice %arg2[%dma_wait3A_419, %dma_wait3A_420] : memref<100000x64xf32, #tpu.memory_space<hbm>> -> memref<128x64xf32, #tpu.memory_space<hbm>>
      tpu.wait_dma2 semaphore(%arg14 : memref<!tpu.dma_semaphore, #tpu.memory_space<semaphore_mem>>) src(%dma_wait3A_421 : memref<128x64xf32, #tpu.memory_space<hbm>>) dst(%dma_wait3A_418 : memref<128x64xf32, #tpu.memory_space<vmem>>)
      %dma_wait3A_422 = arith.constant 0 : i32
      %dma_wait3A_423 = arith.constant 0 : i32
      %dma_wait3A_424 = tpu.memref_slice %arg13[%dma_wait3A_422, %dma_wait3A_423] : memref<512x16xf32, #tpu.memory_space<vmem>> -> memref<128x16xf32, #tpu.memory_space<vmem>>
      %dma_wait3A_425 = arith.constant 0 : i32
      %dma_wait3A_426 = arith.constant 0 : i32
      %dma_wait3A_427 = tpu.memref_slice %arg3[%dma_wait3A_425, %dma_wait3A_426] : memref<65536x16xf32, #tpu.memory_space<hbm>> -> memref<128x16xf32, #tpu.memory_space<hbm>>
      %dma_wait3A_428 = arith.constant 0 : i32
      %dma_wait3A_429 = arith.constant 0 : i32
      %dma_wait3A_430 = tpu.memref_slice %arg13[%dma_wait3A_428, %dma_wait3A_429] : memref<512x16xf32, #tpu.memory_space<vmem>> -> memref<128x16xf32, #tpu.memory_space<vmem>>
      %dma_wait3A_431 = arith.constant 0 : i32
      %dma_wait3A_432 = arith.constant 0 : i32
      %dma_wait3A_433 = tpu.memref_slice %arg3[%dma_wait3A_431, %dma_wait3A_432] : memref<65536x16xf32, #tpu.memory_space<hbm>> -> memref<128x16xf32, #tpu.memory_space<hbm>>
      tpu.wait_dma2 semaphore(%arg14 : memref<!tpu.dma_semaphore, #tpu.memory_space<semaphore_mem>>) src(%dma_wait3A_433 : memref<128x16xf32, #tpu.memory_space<hbm>>) dst(%dma_wait3A_430 : memref<128x16xf32, #tpu.memory_space<vmem>>)
      %dma_wait3A_434 = arith.constant 128 : i32
      %dma_wait3A_435 = arith.constant 0 : i32
      %dma_wait3A_436 = tpu.memref_slice %arg11[%dma_wait3A_434, %dma_wait3A_435] : memref<512x64xf32, #tpu.memory_space<vmem>> -> memref<128x64xf32, #tpu.memory_space<vmem>>
      %dma_wait3A_437 = arith.constant 0 : i32
      %dma_wait3A_438 = arith.constant 0 : i32
      %dma_wait3A_439 = tpu.memref_slice %arg2[%dma_wait3A_437, %dma_wait3A_438] : memref<100000x64xf32, #tpu.memory_space<hbm>> -> memref<128x64xf32, #tpu.memory_space<hbm>>
      %dma_wait3A_440 = arith.constant 128 : i32
      %dma_wait3A_441 = arith.constant 0 : i32
      %dma_wait3A_442 = tpu.memref_slice %arg11[%dma_wait3A_440, %dma_wait3A_441] : memref<512x64xf32, #tpu.memory_space<vmem>> -> memref<128x64xf32, #tpu.memory_space<vmem>>
      %dma_wait3A_443 = arith.constant 0 : i32
      %dma_wait3A_444 = arith.constant 0 : i32
      %dma_wait3A_445 = tpu.memref_slice %arg2[%dma_wait3A_443, %dma_wait3A_444] : memref<100000x64xf32, #tpu.memory_space<hbm>> -> memref<128x64xf32, #tpu.memory_space<hbm>>
      tpu.wait_dma2 semaphore(%arg14 : memref<!tpu.dma_semaphore, #tpu.memory_space<semaphore_mem>>) src(%dma_wait3A_445 : memref<128x64xf32, #tpu.memory_space<hbm>>) dst(%dma_wait3A_442 : memref<128x64xf32, #tpu.memory_space<vmem>>)
      %dma_wait3A_446 = arith.constant 128 : i32
      %dma_wait3A_447 = arith.constant 0 : i32
      %dma_wait3A_448 = tpu.memref_slice %arg13[%dma_wait3A_446, %dma_wait3A_447] : memref<512x16xf32, #tpu.memory_space<vmem>> -> memref<128x16xf32, #tpu.memory_space<vmem>>
      %dma_wait3A_449 = arith.constant 0 : i32
      %dma_wait3A_450 = arith.constant 0 : i32
      %dma_wait3A_451 = tpu.memref_slice %arg3[%dma_wait3A_449, %dma_wait3A_450] : memref<65536x16xf32, #tpu.memory_space<hbm>> -> memref<128x16xf32, #tpu.memory_space<hbm>>
      %dma_wait3A_452 = arith.constant 128 : i32
      %dma_wait3A_453 = arith.constant 0 : i32
      %dma_wait3A_454 = tpu.memref_slice %arg13[%dma_wait3A_452, %dma_wait3A_453] : memref<512x16xf32, #tpu.memory_space<vmem>> -> memref<128x16xf32, #tpu.memory_space<vmem>>
      %dma_wait3A_455 = arith.constant 0 : i32
      %dma_wait3A_456 = arith.constant 0 : i32
      %dma_wait3A_457 = tpu.memref_slice %arg3[%dma_wait3A_455, %dma_wait3A_456] : memref<65536x16xf32, #tpu.memory_space<hbm>> -> memref<128x16xf32, #tpu.memory_space<hbm>>
      tpu.wait_dma2 semaphore(%arg14 : memref<!tpu.dma_semaphore, #tpu.memory_space<semaphore_mem>>) src(%dma_wait3A_457 : memref<128x16xf32, #tpu.memory_space<hbm>>) dst(%dma_wait3A_454 : memref<128x16xf32, #tpu.memory_space<vmem>>)
      %dma_wait3A_458 = arith.constant 256 : i32
      %dma_wait3A_459 = arith.constant 0 : i32
      %dma_wait3A_460 = tpu.memref_slice %arg11[%dma_wait3A_458, %dma_wait3A_459] : memref<512x64xf32, #tpu.memory_space<vmem>> -> memref<128x64xf32, #tpu.memory_space<vmem>>
      %dma_wait3A_461 = arith.constant 0 : i32
      %dma_wait3A_462 = arith.constant 0 : i32
      %dma_wait3A_463 = tpu.memref_slice %arg2[%dma_wait3A_461, %dma_wait3A_462] : memref<100000x64xf32, #tpu.memory_space<hbm>> -> memref<128x64xf32, #tpu.memory_space<hbm>>
      %dma_wait3A_464 = arith.constant 256 : i32
      %dma_wait3A_465 = arith.constant 0 : i32
      %dma_wait3A_466 = tpu.memref_slice %arg11[%dma_wait3A_464, %dma_wait3A_465] : memref<512x64xf32, #tpu.memory_space<vmem>> -> memref<128x64xf32, #tpu.memory_space<vmem>>
      %dma_wait3A_467 = arith.constant 0 : i32
      %dma_wait3A_468 = arith.constant 0 : i32
      %dma_wait3A_469 = tpu.memref_slice %arg2[%dma_wait3A_467, %dma_wait3A_468] : memref<100000x64xf32, #tpu.memory_space<hbm>> -> memref<128x64xf32, #tpu.memory_space<hbm>>
      tpu.wait_dma2 semaphore(%arg14 : memref<!tpu.dma_semaphore, #tpu.memory_space<semaphore_mem>>) src(%dma_wait3A_469 : memref<128x64xf32, #tpu.memory_space<hbm>>) dst(%dma_wait3A_466 : memref<128x64xf32, #tpu.memory_space<vmem>>)
      %dma_wait3A_470 = arith.constant 256 : i32
      %dma_wait3A_471 = arith.constant 0 : i32
      %dma_wait3A_472 = tpu.memref_slice %arg13[%dma_wait3A_470, %dma_wait3A_471] : memref<512x16xf32, #tpu.memory_space<vmem>> -> memref<128x16xf32, #tpu.memory_space<vmem>>
      %dma_wait3A_473 = arith.constant 0 : i32
      %dma_wait3A_474 = arith.constant 0 : i32
      %dma_wait3A_475 = tpu.memref_slice %arg3[%dma_wait3A_473, %dma_wait3A_474] : memref<65536x16xf32, #tpu.memory_space<hbm>> -> memref<128x16xf32, #tpu.memory_space<hbm>>
      %dma_wait3A_476 = arith.constant 256 : i32
      %dma_wait3A_477 = arith.constant 0 : i32
      %dma_wait3A_478 = tpu.memref_slice %arg13[%dma_wait3A_476, %dma_wait3A_477] : memref<512x16xf32, #tpu.memory_space<vmem>> -> memref<128x16xf32, #tpu.memory_space<vmem>>
      %dma_wait3A_479 = arith.constant 0 : i32
      %dma_wait3A_480 = arith.constant 0 : i32
      %dma_wait3A_481 = tpu.memref_slice %arg3[%dma_wait3A_479, %dma_wait3A_480] : memref<65536x16xf32, #tpu.memory_space<hbm>> -> memref<128x16xf32, #tpu.memory_space<hbm>>
      tpu.wait_dma2 semaphore(%arg14 : memref<!tpu.dma_semaphore, #tpu.memory_space<semaphore_mem>>) src(%dma_wait3A_481 : memref<128x16xf32, #tpu.memory_space<hbm>>) dst(%dma_wait3A_478 : memref<128x16xf32, #tpu.memory_space<vmem>>)
      %dma_wait3A_482 = arith.constant 384 : i32
      %dma_wait3A_483 = arith.constant 0 : i32
      %dma_wait3A_484 = tpu.memref_slice %arg11[%dma_wait3A_482, %dma_wait3A_483] : memref<512x64xf32, #tpu.memory_space<vmem>> -> memref<128x64xf32, #tpu.memory_space<vmem>>
      %dma_wait3A_485 = arith.constant 0 : i32
      %dma_wait3A_486 = arith.constant 0 : i32
      %dma_wait3A_487 = tpu.memref_slice %arg2[%dma_wait3A_485, %dma_wait3A_486] : memref<100000x64xf32, #tpu.memory_space<hbm>> -> memref<128x64xf32, #tpu.memory_space<hbm>>
      %dma_wait3A_488 = arith.constant 384 : i32
      %dma_wait3A_489 = arith.constant 0 : i32
      %dma_wait3A_490 = tpu.memref_slice %arg11[%dma_wait3A_488, %dma_wait3A_489] : memref<512x64xf32, #tpu.memory_space<vmem>> -> memref<128x64xf32, #tpu.memory_space<vmem>>
      %dma_wait3A_491 = arith.constant 0 : i32
      %dma_wait3A_492 = arith.constant 0 : i32
      %dma_wait3A_493 = tpu.memref_slice %arg2[%dma_wait3A_491, %dma_wait3A_492] : memref<100000x64xf32, #tpu.memory_space<hbm>> -> memref<128x64xf32, #tpu.memory_space<hbm>>
      tpu.wait_dma2 semaphore(%arg14 : memref<!tpu.dma_semaphore, #tpu.memory_space<semaphore_mem>>) src(%dma_wait3A_493 : memref<128x64xf32, #tpu.memory_space<hbm>>) dst(%dma_wait3A_490 : memref<128x64xf32, #tpu.memory_space<vmem>>)
      %dma_wait3A_494 = arith.constant 384 : i32
      %dma_wait3A_495 = arith.constant 0 : i32
      %dma_wait3A_496 = tpu.memref_slice %arg13[%dma_wait3A_494, %dma_wait3A_495] : memref<512x16xf32, #tpu.memory_space<vmem>> -> memref<128x16xf32, #tpu.memory_space<vmem>>
      %dma_wait3A_497 = arith.constant 0 : i32
      %dma_wait3A_498 = arith.constant 0 : i32
      %dma_wait3A_499 = tpu.memref_slice %arg3[%dma_wait3A_497, %dma_wait3A_498] : memref<65536x16xf32, #tpu.memory_space<hbm>> -> memref<128x16xf32, #tpu.memory_space<hbm>>
      %dma_wait3A_500 = arith.constant 384 : i32
      %dma_wait3A_501 = arith.constant 0 : i32
      %dma_wait3A_502 = tpu.memref_slice %arg13[%dma_wait3A_500, %dma_wait3A_501] : memref<512x16xf32, #tpu.memory_space<vmem>> -> memref<128x16xf32, #tpu.memory_space<vmem>>
      %dma_wait3A_503 = arith.constant 0 : i32
      %dma_wait3A_504 = arith.constant 0 : i32
      %dma_wait3A_505 = tpu.memref_slice %arg3[%dma_wait3A_503, %dma_wait3A_504] : memref<65536x16xf32, #tpu.memory_space<hbm>> -> memref<128x16xf32, #tpu.memory_space<hbm>>
      tpu.wait_dma2 semaphore(%arg14 : memref<!tpu.dma_semaphore, #tpu.memory_space<semaphore_mem>>) src(%dma_wait3A_505 : memref<128x16xf32, #tpu.memory_space<hbm>>) dst(%dma_wait3A_502 : memref<128x16xf32, #tpu.memory_space<vmem>>)
      %mul3A_506 = arith.constant 2 : i32
      %mul3A_507 = arith.muli %mul3A_506, %scan3A_89 : i32
      %add3A_508 = arith.constant 1 : i32
      %add3A_509 = arith.addi %mul3A_507, %add3A_508 : i32
      %mul3A_510 = arith.constant 2048 : i32
      %mul3A_511 = arith.muli %add3A, %mul3A_510 : i32
      %mul3A_512 = arith.constant 512 : i32
      %mul3A_513 = arith.muli %add3A_509, %mul3A_512 : i32
      %add3A_514 = arith.addi %mul3A_511, %mul3A_513 : i32
      %jit3A_515 = arith.constant 2048 : i32
      %div3A_516 = arith.divsi %add3A_514, %jit3A_515 : i32
      %sign3A_517 = arith.constant 0 : i32
      %sign3A_518 = arith.cmpi sgt, %add3A_514, %sign3A_517 : i32
      %sign3A_519 = arith.extui %sign3A_518 : i1 to i32
      %sign3A_520 = arith.constant 0 : i32
      %sign3A_521 = arith.cmpi slt, %add3A_514, %sign3A_520 : i32
      %sign3A_522 = arith.extui %sign3A_521 : i1 to i32
      %sign3A_523 = arith.subi %sign3A_519, %sign3A_522 : i32
      %sign3A_524 = arith.constant 0 : i32
      %sign3A_525 = arith.cmpi sgt, %jit3A_515, %sign3A_524 : i32
      %sign3A_526 = arith.extui %sign3A_525 : i1 to i32
      %sign3A_527 = arith.constant 0 : i32
      %sign3A_528 = arith.cmpi slt, %jit3A_515, %sign3A_527 : i32
      %sign3A_529 = arith.extui %sign3A_528 : i1 to i32
      %sign3A_530 = arith.subi %sign3A_526, %sign3A_529 : i32
      %ne3A_531 = arith.cmpi ne, %sign3A_523, %sign3A_530 : i32
      %rem3A_532 = arith.remsi %add3A_514, %jit3A_515 : i32
      %ne3A_533 = arith.constant 0 : i32
      %ne3A_534 = arith.cmpi ne, %rem3A_532, %ne3A_533 : i32
      %and3A_535 = arith.andi %ne3A_531, %ne3A_534 : i1
      %sub3A_536 = arith.constant 1 : i32
      %sub3A_537 = arith.subi %div3A_516, %sub3A_536 : i32
      %select_n3A_538 = arith.select %and3A_535, %sub3A_537, %div3A_516 : i32
      %jit3A_539 = arith.constant 2048 : i32
      %eq3A_540 = arith.constant 0 : i32
      %eq3A_541 = arith.cmpi eq, %jit3A_539, %eq3A_540 : i32
      %jit3A_542 = arith.constant 1 : i32
      %select_n3A_543 = arith.select %eq3A_541, %jit3A_542, %jit3A_539 : i32
      %rem3A_544 = arith.remsi %add3A_514, %select_n3A_543 : i32
      %ne3A_545 = arith.constant 0 : i32
      %ne3A_546 = arith.cmpi ne, %rem3A_544, %ne3A_545 : i32
      %lt3A_547 = arith.constant 0 : i32
      %lt3A_548 = arith.cmpi slt, %rem3A_544, %lt3A_547 : i32
      %lt3A_549 = arith.constant 0 : i32
      %lt3A_550 = arith.cmpi slt, %select_n3A_543, %lt3A_549 : i32
      %ne3A_551 = arith.xori %lt3A_548, %lt3A_550 : i1
      %and3A_552 = arith.andi %ne3A_551, %ne3A_546 : i1
      %add3A_553 = arith.addi %rem3A_544, %select_n3A_543 : i32
      %select_n3A_554 = arith.select %and3A_552, %add3A_553, %rem3A_544 : i32
      %mul3A_555 = arith.constant 1024 : i32
      %mul3A_556 = arith.muli %select_n3A_538, %mul3A_555 : i32
      %jit3A_557 = arith.constant 1024 : i32
      %eq3A_558 = arith.constant 0 : i32
      %eq3A_559 = arith.cmpi eq, %jit3A_557, %eq3A_558 : i32
      %jit3A_560 = arith.constant 1 : i32
      %select_n3A_561 = arith.select %eq3A_559, %jit3A_560, %jit3A_557 : i32
      %rem3A_562 = arith.remsi %select_n3A_554, %select_n3A_561 : i32
      %ne3A_563 = arith.constant 0 : i32
      %ne3A_564 = arith.cmpi ne, %rem3A_562, %ne3A_563 : i32
      %lt3A_565 = arith.constant 0 : i32
      %lt3A_566 = arith.cmpi slt, %rem3A_562, %lt3A_565 : i32
      %lt3A_567 = arith.constant 0 : i32
      %lt3A_568 = arith.cmpi slt, %select_n3A_561, %lt3A_567 : i32
      %ne3A_569 = arith.xori %lt3A_566, %lt3A_568 : i1
      %and3A_570 = arith.andi %ne3A_569, %ne3A_564 : i1
      %add3A_571 = arith.addi %rem3A_562, %select_n3A_561 : i32
      %select_n3A_572 = arith.select %and3A_570, %add3A_571, %rem3A_562 : i32
      %add3A_573 = arith.addi %mul3A_556, %select_n3A_572 : i32
      %jit3A_574 = arith.constant 1024 : i32
      %div3A_575 = arith.divsi %select_n3A_554, %jit3A_574 : i32
      %sign3A_576 = arith.constant 0 : i32
      %sign3A_577 = arith.cmpi sgt, %select_n3A_554, %sign3A_576 : i32
      %sign3A_578 = arith.extui %sign3A_577 : i1 to i32
      %sign3A_579 = arith.constant 0 : i32
      %sign3A_580 = arith.cmpi slt, %select_n3A_554, %sign3A_579 : i32
      %sign3A_581 = arith.extui %sign3A_580 : i1 to i32
      %sign3A_582 = arith.subi %sign3A_578, %sign3A_581 : i32
      %sign3A_583 = arith.constant 0 : i32
      %sign3A_584 = arith.cmpi sgt, %jit3A_574, %sign3A_583 : i32
      %sign3A_585 = arith.extui %sign3A_584 : i1 to i32
      %sign3A_586 = arith.constant 0 : i32
      %sign3A_587 = arith.cmpi slt, %jit3A_574, %sign3A_586 : i32
      %sign3A_588 = arith.extui %sign3A_587 : i1 to i32
      %sign3A_589 = arith.subi %sign3A_585, %sign3A_588 : i32
      %ne3A_590 = arith.cmpi ne, %sign3A_582, %sign3A_589 : i32
      %rem3A_591 = arith.remsi %select_n3A_554, %jit3A_574 : i32
      %ne3A_592 = arith.constant 0 : i32
      %ne3A_593 = arith.cmpi ne, %rem3A_591, %ne3A_592 : i32
      %and3A_594 = arith.andi %ne3A_590, %ne3A_593 : i1
      %sub3A_595 = arith.constant 1 : i32
      %sub3A_596 = arith.subi %div3A_575, %sub3A_595 : i32
      %select_n3A_597 = arith.select %and3A_594, %sub3A_596, %div3A_575 : i32
      %mul3A_598 = arith.constant 64 : i32
      %mul3A_599 = arith.muli %select_n3A_597, %mul3A_598 : i32
      "tpu.region"() ({
        %run_scoped3A = tpu.sem_alloc : memref<!tpu.dma_semaphore, #tpu.memory_space<semaphore_mem>>
        %dma_start3A_632 = tpu.memref_slice %arg6[%add3A_573, %mul3A_599] : memref<32768x128xf32, #tpu.memory_space<hbm>> -> memref<512x64xf32, #tpu.memory_space<hbm>>
        %dma_start3A_633 = tpu.memref_slice %arg6[%add3A_573, %mul3A_599] : memref<32768x128xf32, #tpu.memory_space<hbm>> -> memref<512x64xf32, #tpu.memory_space<hbm>>
        tpu.enqueue_dma source(%arg11 : memref<512x64xf32, #tpu.memory_space<vmem>>) target(%dma_start3A_633 : memref<512x64xf32, #tpu.memory_space<hbm>>) target_semaphore(%run_scoped3A : memref<!tpu.dma_semaphore, #tpu.memory_space<semaphore_mem>>)
        %dma_wait3A_634 = tpu.memref_slice %arg6[%add3A_573, %mul3A_599] : memref<32768x128xf32, #tpu.memory_space<hbm>> -> memref<512x64xf32, #tpu.memory_space<hbm>>
        %dma_wait3A_635 = tpu.memref_slice %arg6[%add3A_573, %mul3A_599] : memref<32768x128xf32, #tpu.memory_space<hbm>> -> memref<512x64xf32, #tpu.memory_space<hbm>>
        tpu.wait_dma2 semaphore(%run_scoped3A : memref<!tpu.dma_semaphore, #tpu.memory_space<semaphore_mem>>) src(%arg11 : memref<512x64xf32, #tpu.memory_space<vmem>>) dst(%dma_wait3A_635 : memref<512x64xf32, #tpu.memory_space<hbm>>)
        tpu.yield
      }) : () -> ()
      %mul3A_600 = arith.constant 256 : i32
      %mul3A_601 = arith.muli %select_n3A_538, %mul3A_600 : i32
      %jit3A_602 = arith.constant 256 : i32
      %div3A_603 = arith.divsi %select_n3A_554, %jit3A_602 : i32
      %sign3A_604 = arith.constant 0 : i32
      %sign3A_605 = arith.cmpi sgt, %select_n3A_554, %sign3A_604 : i32
      %sign3A_606 = arith.extui %sign3A_605 : i1 to i32
      %sign3A_607 = arith.constant 0 : i32
      %sign3A_608 = arith.cmpi slt, %select_n3A_554, %sign3A_607 : i32
      %sign3A_609 = arith.extui %sign3A_608 : i1 to i32
      %sign3A_610 = arith.subi %sign3A_606, %sign3A_609 : i32
      %sign3A_611 = arith.constant 0 : i32
      %sign3A_612 = arith.cmpi sgt, %jit3A_602, %sign3A_611 : i32
      %sign3A_613 = arith.extui %sign3A_612 : i1 to i32
      %sign3A_614 = arith.constant 0 : i32
      %sign3A_615 = arith.cmpi slt, %jit3A_602, %sign3A_614 : i32
      %sign3A_616 = arith.extui %sign3A_615 : i1 to i32
      %sign3A_617 = arith.subi %sign3A_613, %sign3A_616 : i32
      %ne3A_618 = arith.cmpi ne, %sign3A_610, %sign3A_617 : i32
      %rem3A_619 = arith.remsi %select_n3A_554, %jit3A_602 : i32
      %ne3A_620 = arith.constant 0 : i32
      %ne3A_621 = arith.cmpi ne, %rem3A_619, %ne3A_620 : i32
      %and3A_622 = arith.andi %ne3A_618, %ne3A_621 : i1
      %sub3A_623 = arith.constant 1 : i32
      %sub3A_624 = arith.subi %div3A_603, %sub3A_623 : i32
      %select_n3A_625 = arith.select %and3A_622, %sub3A_624, %div3A_603 : i32
      %mul3A_626 = arith.constant 16 : i32
      %mul3A_627 = arith.muli %select_n3A_625, %mul3A_626 : i32
      "tpu.region"() ({
        %run_scoped3A = tpu.sem_alloc : memref<!tpu.dma_semaphore, #tpu.memory_space<semaphore_mem>>
        %dma_start3A_632 = arith.constant 0 : i32
        %dma_start3A_633 = arith.constant 0 : i32
        %dma_start3A_634 = tpu.memref_slice %arg13[%dma_start3A_632, %dma_start3A_633] : memref<512x16xf32, #tpu.memory_space<vmem>> -> memref<256x16xf32, #tpu.memory_space<vmem>>
        %dma_start3A_635 = tpu.memref_slice %arg7[%mul3A_601, %mul3A_627] : memref<8192x128xf32, #tpu.memory_space<hbm>> -> memref<256x16xf32, #tpu.memory_space<hbm>>
        %dma_start3A_636 = tpu.memref_slice %arg7[%mul3A_601, %mul3A_627] : memref<8192x128xf32, #tpu.memory_space<hbm>> -> memref<256x16xf32, #tpu.memory_space<hbm>>
        %dma_start3A_637 = arith.constant 0 : i32
        %dma_start3A_638 = arith.constant 0 : i32
        %dma_start3A_639 = tpu.memref_slice %arg13[%dma_start3A_637, %dma_start3A_638] : memref<512x16xf32, #tpu.memory_space<vmem>> -> memref<256x16xf32, #tpu.memory_space<vmem>>
        tpu.enqueue_dma source(%dma_start3A_639 : memref<256x16xf32, #tpu.memory_space<vmem>>) target(%dma_start3A_636 : memref<256x16xf32, #tpu.memory_space<hbm>>) target_semaphore(%run_scoped3A : memref<!tpu.dma_semaphore, #tpu.memory_space<semaphore_mem>>)
        %dma_wait3A_640 = arith.constant 0 : i32
        %dma_wait3A_641 = arith.constant 0 : i32
        %dma_wait3A_642 = tpu.memref_slice %arg13[%dma_wait3A_640, %dma_wait3A_641] : memref<512x16xf32, #tpu.memory_space<vmem>> -> memref<256x16xf32, #tpu.memory_space<vmem>>
        %dma_wait3A_643 = tpu.memref_slice %arg7[%mul3A_601, %mul3A_627] : memref<8192x128xf32, #tpu.memory_space<hbm>> -> memref<256x16xf32, #tpu.memory_space<hbm>>
        %dma_wait3A_644 = tpu.memref_slice %arg7[%mul3A_601, %mul3A_627] : memref<8192x128xf32, #tpu.memory_space<hbm>> -> memref<256x16xf32, #tpu.memory_space<hbm>>
        %dma_wait3A_645 = arith.constant 0 : i32
        %dma_wait3A_646 = arith.constant 0 : i32
        %dma_wait3A_647 = tpu.memref_slice %arg13[%dma_wait3A_645, %dma_wait3A_646] : memref<512x16xf32, #tpu.memory_space<vmem>> -> memref<256x16xf32, #tpu.memory_space<vmem>>
        tpu.wait_dma2 semaphore(%run_scoped3A : memref<!tpu.dma_semaphore, #tpu.memory_space<semaphore_mem>>) src(%dma_wait3A_647 : memref<256x16xf32, #tpu.memory_space<vmem>>) dst(%dma_wait3A_644 : memref<256x16xf32, #tpu.memory_space<hbm>>)
        tpu.yield
      }) : () -> ()
      %add3A_628 = arith.constant 1 : i32
      %add3A_629 = arith.addi %select_n3A_625, %add3A_628 : i32
      %mul3A_630 = arith.constant 16 : i32
      %mul3A_631 = arith.muli %add3A_629, %mul3A_630 : i32
      "tpu.region"() ({
        %run_scoped3A = tpu.sem_alloc : memref<!tpu.dma_semaphore, #tpu.memory_space<semaphore_mem>>
        %dma_start3A_632 = arith.constant 256 : i32
        %dma_start3A_633 = arith.constant 0 : i32
        %dma_start3A_634 = tpu.memref_slice %arg13[%dma_start3A_632, %dma_start3A_633] : memref<512x16xf32, #tpu.memory_space<vmem>> -> memref<256x16xf32, #tpu.memory_space<vmem>>
        %dma_start3A_635 = tpu.memref_slice %arg7[%mul3A_601, %mul3A_631] : memref<8192x128xf32, #tpu.memory_space<hbm>> -> memref<256x16xf32, #tpu.memory_space<hbm>>
        %dma_start3A_636 = tpu.memref_slice %arg7[%mul3A_601, %mul3A_631] : memref<8192x128xf32, #tpu.memory_space<hbm>> -> memref<256x16xf32, #tpu.memory_space<hbm>>
        %dma_start3A_637 = arith.constant 256 : i32
        %dma_start3A_638 = arith.constant 0 : i32
        %dma_start3A_639 = tpu.memref_slice %arg13[%dma_start3A_637, %dma_start3A_638] : memref<512x16xf32, #tpu.memory_space<vmem>> -> memref<256x16xf32, #tpu.memory_space<vmem>>
        tpu.enqueue_dma source(%dma_start3A_639 : memref<256x16xf32, #tpu.memory_space<vmem>>) target(%dma_start3A_636 : memref<256x16xf32, #tpu.memory_space<hbm>>) target_semaphore(%run_scoped3A : memref<!tpu.dma_semaphore, #tpu.memory_space<semaphore_mem>>)
        %dma_wait3A_640 = arith.constant 256 : i32
        %dma_wait3A_641 = arith.constant 0 : i32
        %dma_wait3A_642 = tpu.memref_slice %arg13[%dma_wait3A_640, %dma_wait3A_641] : memref<512x16xf32, #tpu.memory_space<vmem>> -> memref<256x16xf32, #tpu.memory_space<vmem>>
        %dma_wait3A_643 = tpu.memref_slice %arg7[%mul3A_601, %mul3A_631] : memref<8192x128xf32, #tpu.memory_space<hbm>> -> memref<256x16xf32, #tpu.memory_space<hbm>>
        %dma_wait3A_644 = tpu.memref_slice %arg7[%mul3A_601, %mul3A_631] : memref<8192x128xf32, #tpu.memory_space<hbm>> -> memref<256x16xf32, #tpu.memory_space<hbm>>
        %dma_wait3A_645 = arith.constant 256 : i32
        %dma_wait3A_646 = arith.constant 0 : i32
        %dma_wait3A_647 = tpu.memref_slice %arg13[%dma_wait3A_645, %dma_wait3A_646] : memref<512x16xf32, #tpu.memory_space<vmem>> -> memref<256x16xf32, #tpu.memory_space<vmem>>
        tpu.wait_dma2 semaphore(%run_scoped3A : memref<!tpu.dma_semaphore, #tpu.memory_space<semaphore_mem>>) src(%dma_wait3A_647 : memref<256x16xf32, #tpu.memory_space<vmem>>) dst(%dma_wait3A_644 : memref<256x16xf32, #tpu.memory_space<hbm>>)
        tpu.yield
      }) : () -> ()
    }
    %scan3A_88 = arith.constant 2 : i32
    return
  }
}

#map = affine_map<(d0, d1) -> (0, 0)>
module attributes {stable_mosaic.version = 14 : i64} {
  func.func @_sc_gather(%arg0: i32, %arg1: i32, %arg2: memref<100000x64xf32, #tpu.memory_space<hbm>>, %arg3: memref<65536x16xf32, #tpu.memory_space<hbm>>, %arg4: memref<512x128xi32, #tpu.memory_space<hbm>>, %arg5: memref<512x128xi32, #tpu.memory_space<hbm>>, %arg6: memref<32768x128xf32, #tpu.memory_space<hbm>>, %arg7: memref<8192x128xf32, #tpu.memory_space<hbm>>, %arg8: memref<16x128xi32, #tpu.memory_space<vmem>>, %arg9: memref<16x128xi32, #tpu.memory_space<vmem>>, %arg10: memref<512x64xf32, #tpu.memory_space<vmem>>, %arg11: memref<512x64xf32, #tpu.memory_space<vmem>>, %arg12: memref<512x16xf32, #tpu.memory_space<vmem>>, %arg13: memref<512x16xf32, #tpu.memory_space<vmem>>, %arg14: memref<!tpu.dma_semaphore, #tpu.memory_space<semaphore_mem>>) attributes {dimension_semantics = [#tpu.dimension_semantics<core_parallel>, #tpu.dimension_semantics<subcore_parallel>], iteration_bounds = array<i64: 2, 16>, scalar_prefetch = 0 : i64, scratch_operands = 7 : i64, tpu.core_type = #tpu.core_type<sc_vector_subcore>, window_params = [{transform_indices = #map}, {transform_indices = #map}, {transform_indices = #map}, {transform_indices = #map}, {transform_indices = #map}, {transform_indices = #map}]} {
    %mul3A = arith.constant 2 : i32
    %mul3A_0 = arith.muli %arg1, %mul3A : i32
    %add3A = arith.addi %mul3A_0, %arg0 : i32
    %mul3A_1 = arith.constant 16 : i32
    %mul3A_2 = arith.muli %add3A, %mul3A_1 : i32
    "tpu.region"() ({
      %run_scoped3A = tpu.sem_alloc : memref<!tpu.dma_semaphore, #tpu.memory_space<semaphore_mem>>
      %dma_start3A_89 = arith.constant 0 : i32
      %dma_start3A_90 = tpu.memref_slice %arg4[%mul3A_2, %dma_start3A_89] : memref<512x128xi32, #tpu.memory_space<hbm>> -> memref<16x128xi32, #tpu.memory_space<hbm>>
      %dma_start3A_91 = arith.constant 0 : i32
      %dma_start3A_92 = tpu.memref_slice %arg4[%mul3A_2, %dma_start3A_91] : memref<512x128xi32, #tpu.memory_space<hbm>> -> memref<16x128xi32, #tpu.memory_space<hbm>>
      tpu.enqueue_dma source(%dma_start3A_92 : memref<16x128xi32, #tpu.memory_space<hbm>>) target(%arg8 : memref<16x128xi32, #tpu.memory_space<vmem>>) target_semaphore(%run_scoped3A : memref<!tpu.dma_semaphore, #tpu.memory_space<semaphore_mem>>)
      %dma_wait3A = arith.constant 0 : i32
      %dma_wait3A_93 = tpu.memref_slice %arg4[%mul3A_2, %dma_wait3A] : memref<512x128xi32, #tpu.memory_space<hbm>> -> memref<16x128xi32, #tpu.memory_space<hbm>>
      %dma_wait3A_94 = arith.constant 0 : i32
      %dma_wait3A_95 = tpu.memref_slice %arg4[%mul3A_2, %dma_wait3A_94] : memref<512x128xi32, #tpu.memory_space<hbm>> -> memref<16x128xi32, #tpu.memory_space<hbm>>
      tpu.wait_dma2 semaphore(%run_scoped3A : memref<!tpu.dma_semaphore, #tpu.memory_space<semaphore_mem>>) src(%dma_wait3A_95 : memref<16x128xi32, #tpu.memory_space<hbm>>) dst(%arg8 : memref<16x128xi32, #tpu.memory_space<vmem>>)
      tpu.yield
    }) : () -> ()
    %mul3A_3 = arith.constant 16 : i32
    %mul3A_4 = arith.muli %add3A, %mul3A_3 : i32
    "tpu.region"() ({
      %run_scoped3A = tpu.sem_alloc : memref<!tpu.dma_semaphore, #tpu.memory_space<semaphore_mem>>
      %dma_start3A_89 = arith.constant 0 : i32
      %dma_start3A_90 = tpu.memref_slice %arg5[%mul3A_4, %dma_start3A_89] : memref<512x128xi32, #tpu.memory_space<hbm>> -> memref<16x128xi32, #tpu.memory_space<hbm>>
      %dma_start3A_91 = arith.constant 0 : i32
      %dma_start3A_92 = tpu.memref_slice %arg5[%mul3A_4, %dma_start3A_91] : memref<512x128xi32, #tpu.memory_space<hbm>> -> memref<16x128xi32, #tpu.memory_space<hbm>>
      tpu.enqueue_dma source(%dma_start3A_92 : memref<16x128xi32, #tpu.memory_space<hbm>>) target(%arg9 : memref<16x128xi32, #tpu.memory_space<vmem>>) target_semaphore(%run_scoped3A : memref<!tpu.dma_semaphore, #tpu.memory_space<semaphore_mem>>)
      %dma_wait3A = arith.constant 0 : i32
      %dma_wait3A_93 = tpu.memref_slice %arg5[%mul3A_4, %dma_wait3A] : memref<512x128xi32, #tpu.memory_space<hbm>> -> memref<16x128xi32, #tpu.memory_space<hbm>>
      %dma_wait3A_94 = arith.constant 0 : i32
      %dma_wait3A_95 = tpu.memref_slice %arg5[%mul3A_4, %dma_wait3A_94] : memref<512x128xi32, #tpu.memory_space<hbm>> -> memref<16x128xi32, #tpu.memory_space<hbm>>
      tpu.wait_dma2 semaphore(%run_scoped3A : memref<!tpu.dma_semaphore, #tpu.memory_space<semaphore_mem>>) src(%dma_wait3A_95 : memref<16x128xi32, #tpu.memory_space<hbm>>) dst(%arg9 : memref<16x128xi32, #tpu.memory_space<vmem>>)
      tpu.yield
    }) : () -> ()
    %dma_start3A = arith.constant 0 : i32
    %dma_start3A_5 = arith.constant 0 : i32
    %dma_start3A_6 = arith.constant 0 : i32
    %dma_start3A_7 = tpu.memref_slice %arg10[%dma_start3A_5, %dma_start3A_6] : memref<512x64xf32, #tpu.memory_space<vmem>> -> memref<128x64xf32, #tpu.memory_space<vmem>>
    %dma_start3A_8 = arith.constant 0 : i32
    %dma_start3A_9 = tpu.memref_slice %arg8[%dma_start3A, %dma_start3A_8] : memref<16x128xi32, #tpu.memory_space<vmem>> -> memref<1x128xi32, #tpu.memory_space<vmem>>
    %dma_start3A_10 = tpu.memref_squeeze %dma_start3A_9 : memref<1x128xi32, #tpu.memory_space<vmem>> -> memref<128xi32, #tpu.memory_space<vmem>>
    %dma_start3A_11 = arith.constant 0 : i32
    %dma_start3A_12 = arith.constant 0 : i32
    %dma_start3A_13 = tpu.memref_slice %arg2[%dma_start3A_11, %dma_start3A_12] : memref<100000x64xf32, #tpu.memory_space<hbm>> -> memref<100000x64xf32, #tpu.memory_space<hbm>>
    tpu.enqueue_indirect_dma source(%dma_start3A_13 : memref<100000x64xf32, #tpu.memory_space<hbm>>) target(%dma_start3A_7 : memref<128x64xf32, #tpu.memory_space<vmem>>) offsets(%dma_start3A_10 : memref<128xi32, #tpu.memory_space<vmem>>) semaphore(%arg14 : memref<!tpu.dma_semaphore, #tpu.memory_space<semaphore_mem>>)
    %dma_start3A_14 = arith.constant 0 : i32
    %dma_start3A_15 = arith.constant 0 : i32
    %dma_start3A_16 = arith.constant 0 : i32
    %dma_start3A_17 = tpu.memref_slice %arg12[%dma_start3A_15, %dma_start3A_16] : memref<512x16xf32, #tpu.memory_space<vmem>> -> memref<128x16xf32, #tpu.memory_space<vmem>>
    %dma_start3A_18 = arith.constant 0 : i32
    %dma_start3A_19 = tpu.memref_slice %arg9[%dma_start3A_14, %dma_start3A_18] : memref<16x128xi32, #tpu.memory_space<vmem>> -> memref<1x128xi32, #tpu.memory_space<vmem>>
    %dma_start3A_20 = tpu.memref_squeeze %dma_start3A_19 : memref<1x128xi32, #tpu.memory_space<vmem>> -> memref<128xi32, #tpu.memory_space<vmem>>
    %dma_start3A_21 = arith.constant 0 : i32
    %dma_start3A_22 = arith.constant 0 : i32
    %dma_start3A_23 = tpu.memref_slice %arg3[%dma_start3A_21, %dma_start3A_22] : memref<65536x16xf32, #tpu.memory_space<hbm>> -> memref<65536x16xf32, #tpu.memory_space<hbm>>
    tpu.enqueue_indirect_dma source(%dma_start3A_23 : memref<65536x16xf32, #tpu.memory_space<hbm>>) target(%dma_start3A_17 : memref<128x16xf32, #tpu.memory_space<vmem>>) offsets(%dma_start3A_20 : memref<128xi32, #tpu.memory_space<vmem>>) semaphore(%arg14 : memref<!tpu.dma_semaphore, #tpu.memory_space<semaphore_mem>>)
    %dma_start3A_24 = arith.constant 1 : i32
    %dma_start3A_25 = arith.constant 128 : i32
    %dma_start3A_26 = arith.constant 0 : i32
    %dma_start3A_27 = tpu.memref_slice %arg10[%dma_start3A_25, %dma_start3A_26] : memref<512x64xf32, #tpu.memory_space<vmem>> -> memref<128x64xf32, #tpu.memory_space<vmem>>
    %dma_start3A_28 = arith.constant 0 : i32
    %dma_start3A_29 = tpu.memref_slice %arg8[%dma_start3A_24, %dma_start3A_28] : memref<16x128xi32, #tpu.memory_space<vmem>> -> memref<1x128xi32, #tpu.memory_space<vmem>>
    %dma_start3A_30 = tpu.memref_squeeze %dma_start3A_29 : memref<1x128xi32, #tpu.memory_space<vmem>> -> memref<128xi32, #tpu.memory_space<vmem>>
    %dma_start3A_31 = arith.constant 0 : i32
    %dma_start3A_32 = arith.constant 0 : i32
    %dma_start3A_33 = tpu.memref_slice %arg2[%dma_start3A_31, %dma_start3A_32] : memref<100000x64xf32, #tpu.memory_space<hbm>> -> memref<100000x64xf32, #tpu.memory_space<hbm>>
    tpu.enqueue_indirect_dma source(%dma_start3A_33 : memref<100000x64xf32, #tpu.memory_space<hbm>>) target(%dma_start3A_27 : memref<128x64xf32, #tpu.memory_space<vmem>>) offsets(%dma_start3A_30 : memref<128xi32, #tpu.memory_space<vmem>>) semaphore(%arg14 : memref<!tpu.dma_semaphore, #tpu.memory_space<semaphore_mem>>)
    %dma_start3A_34 = arith.constant 1 : i32
    %dma_start3A_35 = arith.constant 128 : i32
    %dma_start3A_36 = arith.constant 0 : i32
    %dma_start3A_37 = tpu.memref_slice %arg12[%dma_start3A_35, %dma_start3A_36] : memref<512x16xf32, #tpu.memory_space<vmem>> -> memref<128x16xf32, #tpu.memory_space<vmem>>
    %dma_start3A_38 = arith.constant 0 : i32
    %dma_start3A_39 = tpu.memref_slice %arg9[%dma_start3A_34, %dma_start3A_38] : memref<16x128xi32, #tpu.memory_space<vmem>> -> memref<1x128xi32, #tpu.memory_space<vmem>>
    %dma_start3A_40 = tpu.memref_squeeze %dma_start3A_39 : memref<1x128xi32, #tpu.memory_space<vmem>> -> memref<128xi32, #tpu.memory_space<vmem>>
    %dma_start3A_41 = arith.constant 0 : i32
    %dma_start3A_42 = arith.constant 0 : i32
    %dma_start3A_43 = tpu.memref_slice %arg3[%dma_start3A_41, %dma_start3A_42] : memref<65536x16xf32, #tpu.memory_space<hbm>> -> memref<65536x16xf32, #tpu.memory_space<hbm>>
    tpu.enqueue_indirect_dma source(%dma_start3A_43 : memref<65536x16xf32, #tpu.memory_space<hbm>>) target(%dma_start3A_37 : memref<128x16xf32, #tpu.memory_space<vmem>>) offsets(%dma_start3A_40 : memref<128xi32, #tpu.memory_space<vmem>>) semaphore(%arg14 : memref<!tpu.dma_semaphore, #tpu.memory_space<semaphore_mem>>)
    %dma_start3A_44 = arith.constant 2 : i32
    %dma_start3A_45 = arith.constant 256 : i32
    %dma_start3A_46 = arith.constant 0 : i32
    %dma_start3A_47 = tpu.memref_slice %arg10[%dma_start3A_45, %dma_start3A_46] : memref<512x64xf32, #tpu.memory_space<vmem>> -> memref<128x64xf32, #tpu.memory_space<vmem>>
    %dma_start3A_48 = arith.constant 0 : i32
    %dma_start3A_49 = tpu.memref_slice %arg8[%dma_start3A_44, %dma_start3A_48] : memref<16x128xi32, #tpu.memory_space<vmem>> -> memref<1x128xi32, #tpu.memory_space<vmem>>
    %dma_start3A_50 = tpu.memref_squeeze %dma_start3A_49 : memref<1x128xi32, #tpu.memory_space<vmem>> -> memref<128xi32, #tpu.memory_space<vmem>>
    %dma_start3A_51 = arith.constant 0 : i32
    %dma_start3A_52 = arith.constant 0 : i32
    %dma_start3A_53 = tpu.memref_slice %arg2[%dma_start3A_51, %dma_start3A_52] : memref<100000x64xf32, #tpu.memory_space<hbm>> -> memref<100000x64xf32, #tpu.memory_space<hbm>>
    tpu.enqueue_indirect_dma source(%dma_start3A_53 : memref<100000x64xf32, #tpu.memory_space<hbm>>) target(%dma_start3A_47 : memref<128x64xf32, #tpu.memory_space<vmem>>) offsets(%dma_start3A_50 : memref<128xi32, #tpu.memory_space<vmem>>) semaphore(%arg14 : memref<!tpu.dma_semaphore, #tpu.memory_space<semaphore_mem>>)
    %dma_start3A_54 = arith.constant 2 : i32
    %dma_start3A_55 = arith.constant 256 : i32
    %dma_start3A_56 = arith.constant 0 : i32
    %dma_start3A_57 = tpu.memref_slice %arg12[%dma_start3A_55, %dma_start3A_56] : memref<512x16xf32, #tpu.memory_space<vmem>> -> memref<128x16xf32, #tpu.memory_space<vmem>>
    %dma_start3A_58 = arith.constant 0 : i32
    %dma_start3A_59 = tpu.memref_slice %arg9[%dma_start3A_54, %dma_start3A_58] : memref<16x128xi32, #tpu.memory_space<vmem>> -> memref<1x128xi32, #tpu.memory_space<vmem>>
    %dma_start3A_60 = tpu.memref_squeeze %dma_start3A_59 : memref<1x128xi32, #tpu.memory_space<vmem>> -> memref<128xi32, #tpu.memory_space<vmem>>
    %dma_start3A_61 = arith.constant 0 : i32
    %dma_start3A_62 = arith.constant 0 : i32
    %dma_start3A_63 = tpu.memref_slice %arg3[%dma_start3A_61, %dma_start3A_62] : memref<65536x16xf32, #tpu.memory_space<hbm>> -> memref<65536x16xf32, #tpu.memory_space<hbm>>
    tpu.enqueue_indirect_dma source(%dma_start3A_63 : memref<65536x16xf32, #tpu.memory_space<hbm>>) target(%dma_start3A_57 : memref<128x16xf32, #tpu.memory_space<vmem>>) offsets(%dma_start3A_60 : memref<128xi32, #tpu.memory_space<vmem>>) semaphore(%arg14 : memref<!tpu.dma_semaphore, #tpu.memory_space<semaphore_mem>>)
    %dma_start3A_64 = arith.constant 3 : i32
    %dma_start3A_65 = arith.constant 384 : i32
    %dma_start3A_66 = arith.constant 0 : i32
    %dma_start3A_67 = tpu.memref_slice %arg10[%dma_start3A_65, %dma_start3A_66] : memref<512x64xf32, #tpu.memory_space<vmem>> -> memref<128x64xf32, #tpu.memory_space<vmem>>
    %dma_start3A_68 = arith.constant 0 : i32
    %dma_start3A_69 = tpu.memref_slice %arg8[%dma_start3A_64, %dma_start3A_68] : memref<16x128xi32, #tpu.memory_space<vmem>> -> memref<1x128xi32, #tpu.memory_space<vmem>>
    %dma_start3A_70 = tpu.memref_squeeze %dma_start3A_69 : memref<1x128xi32, #tpu.memory_space<vmem>> -> memref<128xi32, #tpu.memory_space<vmem>>
    %dma_start3A_71 = arith.constant 0 : i32
    %dma_start3A_72 = arith.constant 0 : i32
    %dma_start3A_73 = tpu.memref_slice %arg2[%dma_start3A_71, %dma_start3A_72] : memref<100000x64xf32, #tpu.memory_space<hbm>> -> memref<100000x64xf32, #tpu.memory_space<hbm>>
    tpu.enqueue_indirect_dma source(%dma_start3A_73 : memref<100000x64xf32, #tpu.memory_space<hbm>>) target(%dma_start3A_67 : memref<128x64xf32, #tpu.memory_space<vmem>>) offsets(%dma_start3A_70 : memref<128xi32, #tpu.memory_space<vmem>>) semaphore(%arg14 : memref<!tpu.dma_semaphore, #tpu.memory_space<semaphore_mem>>)
    %dma_start3A_74 = arith.constant 3 : i32
    %dma_start3A_75 = arith.constant 384 : i32
    %dma_start3A_76 = arith.constant 0 : i32
    %dma_start3A_77 = tpu.memref_slice %arg12[%dma_start3A_75, %dma_start3A_76] : memref<512x16xf32, #tpu.memory_space<vmem>> -> memref<128x16xf32, #tpu.memory_space<vmem>>
    %dma_start3A_78 = arith.constant 0 : i32
    %dma_start3A_79 = tpu.memref_slice %arg9[%dma_start3A_74, %dma_start3A_78] : memref<16x128xi32, #tpu.memory_space<vmem>> -> memref<1x128xi32, #tpu.memory_space<vmem>>
    %dma_start3A_80 = tpu.memref_squeeze %dma_start3A_79 : memref<1x128xi32, #tpu.memory_space<vmem>> -> memref<128xi32, #tpu.memory_space<vmem>>
    %dma_start3A_81 = arith.constant 0 : i32
    %dma_start3A_82 = arith.constant 0 : i32
    %dma_start3A_83 = tpu.memref_slice %arg3[%dma_start3A_81, %dma_start3A_82] : memref<65536x16xf32, #tpu.memory_space<hbm>> -> memref<65536x16xf32, #tpu.memory_space<hbm>>
    tpu.enqueue_indirect_dma source(%dma_start3A_83 : memref<65536x16xf32, #tpu.memory_space<hbm>>) target(%dma_start3A_77 : memref<128x16xf32, #tpu.memory_space<vmem>>) offsets(%dma_start3A_80 : memref<128xi32, #tpu.memory_space<vmem>>) semaphore(%arg14 : memref<!tpu.dma_semaphore, #tpu.memory_space<semaphore_mem>>)
    %scan3A = arith.constant 0 : i32
    %scan3A_84 = arith.constant 0 : i32
    %scan3A_85 = arith.constant 2 : i32
    %scan3A_86 = arith.addi %scan3A_84, %scan3A_85 : i32
    %scan3A_87 = arith.constant 1 : i32
    scf.for %scan3A_89 = %scan3A_84 to %scan3A_86 step %scan3A_87  : i32 {
      %mul3A_90 = arith.constant 2 : i32
      %mul3A_91 = arith.muli %mul3A_90, %scan3A_89 : i32
      %add3A_92 = arith.constant 1 : i32
      %add3A_93 = arith.addi %mul3A_91, %add3A_92 : i32
      %mul3A_94 = arith.constant 4 : i32
      %mul3A_95 = arith.muli %add3A_93, %mul3A_94 : i32
      %add3A_96 = arith.constant 0 : i32
      %add3A_97 = arith.addi %mul3A_95, %add3A_96 : i32
      %dma_start3A_98 = arith.constant 0 : i32
      %dma_start3A_99 = arith.constant 0 : i32
      %dma_start3A_100 = tpu.memref_slice %arg11[%dma_start3A_98, %dma_start3A_99] : memref<512x64xf32, #tpu.memory_space<vmem>> -> memref<128x64xf32, #tpu.memory_space<vmem>>
      %dma_start3A_101 = arith.constant 0 : i32
      %dma_start3A_102 = tpu.memref_slice %arg8[%add3A_97, %dma_start3A_101] : memref<16x128xi32, #tpu.memory_space<vmem>> -> memref<1x128xi32, #tpu.memory_space<vmem>>
      %dma_start3A_103 = tpu.memref_squeeze %dma_start3A_102 : memref<1x128xi32, #tpu.memory_space<vmem>> -> memref<128xi32, #tpu.memory_space<vmem>>
      %dma_start3A_104 = arith.constant 0 : i32
      %dma_start3A_105 = arith.constant 0 : i32
      %dma_start3A_106 = tpu.memref_slice %arg2[%dma_start3A_104, %dma_start3A_105] : memref<100000x64xf32, #tpu.memory_space<hbm>> -> memref<100000x64xf32, #tpu.memory_space<hbm>>
      tpu.enqueue_indirect_dma source(%dma_start3A_106 : memref<100000x64xf32, #tpu.memory_space<hbm>>) target(%dma_start3A_100 : memref<128x64xf32, #tpu.memory_space<vmem>>) offsets(%dma_start3A_103 : memref<128xi32, #tpu.memory_space<vmem>>) semaphore(%arg14 : memref<!tpu.dma_semaphore, #tpu.memory_space<semaphore_mem>>)
      %mul3A_107 = arith.constant 4 : i32
      %mul3A_108 = arith.muli %add3A_93, %mul3A_107 : i32
      %add3A_109 = arith.constant 0 : i32
      %add3A_110 = arith.addi %mul3A_108, %add3A_109 : i32
      %dma_start3A_111 = arith.constant 0 : i32
      %dma_start3A_112 = arith.constant 0 : i32
      %dma_start3A_113 = tpu.memref_slice %arg13[%dma_start3A_111, %dma_start3A_112] : memref<512x16xf32, #tpu.memory_space<vmem>> -> memref<128x16xf32, #tpu.memory_space<vmem>>
      %dma_start3A_114 = arith.constant 0 : i32
      %dma_start3A_115 = tpu.memref_slice %arg9[%add3A_110, %dma_start3A_114] : memref<16x128xi32, #tpu.memory_space<vmem>> -> memref<1x128xi32, #tpu.memory_space<vmem>>
      %dma_start3A_116 = tpu.memref_squeeze %dma_start3A_115 : memref<1x128xi32, #tpu.memory_space<vmem>> -> memref<128xi32, #tpu.memory_space<vmem>>
      %dma_start3A_117 = arith.constant 0 : i32
      %dma_start3A_118 = arith.constant 0 : i32
      %dma_start3A_119 = tpu.memref_slice %arg3[%dma_start3A_117, %dma_start3A_118] : memref<65536x16xf32, #tpu.memory_space<hbm>> -> memref<65536x16xf32, #tpu.memory_space<hbm>>
      tpu.enqueue_indirect_dma source(%dma_start3A_119 : memref<65536x16xf32, #tpu.memory_space<hbm>>) target(%dma_start3A_113 : memref<128x16xf32, #tpu.memory_space<vmem>>) offsets(%dma_start3A_116 : memref<128xi32, #tpu.memory_space<vmem>>) semaphore(%arg14 : memref<!tpu.dma_semaphore, #tpu.memory_space<semaphore_mem>>)
      %mul3A_120 = arith.constant 4 : i32
      %mul3A_121 = arith.muli %add3A_93, %mul3A_120 : i32
      %add3A_122 = arith.constant 1 : i32
      %add3A_123 = arith.addi %mul3A_121, %add3A_122 : i32
      %dma_start3A_124 = arith.constant 128 : i32
      %dma_start3A_125 = arith.constant 0 : i32
      %dma_start3A_126 = tpu.memref_slice %arg11[%dma_start3A_124, %dma_start3A_125] : memref<512x64xf32, #tpu.memory_space<vmem>> -> memref<128x64xf32, #tpu.memory_space<vmem>>
      %dma_start3A_127 = arith.constant 0 : i32
      %dma_start3A_128 = tpu.memref_slice %arg8[%add3A_123, %dma_start3A_127] : memref<16x128xi32, #tpu.memory_space<vmem>> -> memref<1x128xi32, #tpu.memory_space<vmem>>
      %dma_start3A_129 = tpu.memref_squeeze %dma_start3A_128 : memref<1x128xi32, #tpu.memory_space<vmem>> -> memref<128xi32, #tpu.memory_space<vmem>>
      %dma_start3A_130 = arith.constant 0 : i32
      %dma_start3A_131 = arith.constant 0 : i32
      %dma_start3A_132 = tpu.memref_slice %arg2[%dma_start3A_130, %dma_start3A_131] : memref<100000x64xf32, #tpu.memory_space<hbm>> -> memref<100000x64xf32, #tpu.memory_space<hbm>>
      tpu.enqueue_indirect_dma source(%dma_start3A_132 : memref<100000x64xf32, #tpu.memory_space<hbm>>) target(%dma_start3A_126 : memref<128x64xf32, #tpu.memory_space<vmem>>) offsets(%dma_start3A_129 : memref<128xi32, #tpu.memory_space<vmem>>) semaphore(%arg14 : memref<!tpu.dma_semaphore, #tpu.memory_space<semaphore_mem>>)
      %mul3A_133 = arith.constant 4 : i32
      %mul3A_134 = arith.muli %add3A_93, %mul3A_133 : i32
      %add3A_135 = arith.constant 1 : i32
      %add3A_136 = arith.addi %mul3A_134, %add3A_135 : i32
      %dma_start3A_137 = arith.constant 128 : i32
      %dma_start3A_138 = arith.constant 0 : i32
      %dma_start3A_139 = tpu.memref_slice %arg13[%dma_start3A_137, %dma_start3A_138] : memref<512x16xf32, #tpu.memory_space<vmem>> -> memref<128x16xf32, #tpu.memory_space<vmem>>
      %dma_start3A_140 = arith.constant 0 : i32
      %dma_start3A_141 = tpu.memref_slice %arg9[%add3A_136, %dma_start3A_140] : memref<16x128xi32, #tpu.memory_space<vmem>> -> memref<1x128xi32, #tpu.memory_space<vmem>>
      %dma_start3A_142 = tpu.memref_squeeze %dma_start3A_141 : memref<1x128xi32, #tpu.memory_space<vmem>> -> memref<128xi32, #tpu.memory_space<vmem>>
      %dma_start3A_143 = arith.constant 0 : i32
      %dma_start3A_144 = arith.constant 0 : i32
      %dma_start3A_145 = tpu.memref_slice %arg3[%dma_start3A_143, %dma_start3A_144] : memref<65536x16xf32, #tpu.memory_space<hbm>> -> memref<65536x16xf32, #tpu.memory_space<hbm>>
      tpu.enqueue_indirect_dma source(%dma_start3A_145 : memref<65536x16xf32, #tpu.memory_space<hbm>>) target(%dma_start3A_139 : memref<128x16xf32, #tpu.memory_space<vmem>>) offsets(%dma_start3A_142 : memref<128xi32, #tpu.memory_space<vmem>>) semaphore(%arg14 : memref<!tpu.dma_semaphore, #tpu.memory_space<semaphore_mem>>)
      %mul3A_146 = arith.constant 4 : i32
      %mul3A_147 = arith.muli %add3A_93, %mul3A_146 : i32
      %add3A_148 = arith.constant 2 : i32
      %add3A_149 = arith.addi %mul3A_147, %add3A_148 : i32
      %dma_start3A_150 = arith.constant 256 : i32
      %dma_start3A_151 = arith.constant 0 : i32
      %dma_start3A_152 = tpu.memref_slice %arg11[%dma_start3A_150, %dma_start3A_151] : memref<512x64xf32, #tpu.memory_space<vmem>> -> memref<128x64xf32, #tpu.memory_space<vmem>>
      %dma_start3A_153 = arith.constant 0 : i32
      %dma_start3A_154 = tpu.memref_slice %arg8[%add3A_149, %dma_start3A_153] : memref<16x128xi32, #tpu.memory_space<vmem>> -> memref<1x128xi32, #tpu.memory_space<vmem>>
      %dma_start3A_155 = tpu.memref_squeeze %dma_start3A_154 : memref<1x128xi32, #tpu.memory_space<vmem>> -> memref<128xi32, #tpu.memory_space<vmem>>
      %dma_start3A_156 = arith.constant 0 : i32
      %dma_start3A_157 = arith.constant 0 : i32
      %dma_start3A_158 = tpu.memref_slice %arg2[%dma_start3A_156, %dma_start3A_157] : memref<100000x64xf32, #tpu.memory_space<hbm>> -> memref<100000x64xf32, #tpu.memory_space<hbm>>
      tpu.enqueue_indirect_dma source(%dma_start3A_158 : memref<100000x64xf32, #tpu.memory_space<hbm>>) target(%dma_start3A_152 : memref<128x64xf32, #tpu.memory_space<vmem>>) offsets(%dma_start3A_155 : memref<128xi32, #tpu.memory_space<vmem>>) semaphore(%arg14 : memref<!tpu.dma_semaphore, #tpu.memory_space<semaphore_mem>>)
      %mul3A_159 = arith.constant 4 : i32
      %mul3A_160 = arith.muli %add3A_93, %mul3A_159 : i32
      %add3A_161 = arith.constant 2 : i32
      %add3A_162 = arith.addi %mul3A_160, %add3A_161 : i32
      %dma_start3A_163 = arith.constant 256 : i32
      %dma_start3A_164 = arith.constant 0 : i32
      %dma_start3A_165 = tpu.memref_slice %arg13[%dma_start3A_163, %dma_start3A_164] : memref<512x16xf32, #tpu.memory_space<vmem>> -> memref<128x16xf32, #tpu.memory_space<vmem>>
      %dma_start3A_166 = arith.constant 0 : i32
      %dma_start3A_167 = tpu.memref_slice %arg9[%add3A_162, %dma_start3A_166] : memref<16x128xi32, #tpu.memory_space<vmem>> -> memref<1x128xi32, #tpu.memory_space<vmem>>
      %dma_start3A_168 = tpu.memref_squeeze %dma_start3A_167 : memref<1x128xi32, #tpu.memory_space<vmem>> -> memref<128xi32, #tpu.memory_space<vmem>>
      %dma_start3A_169 = arith.constant 0 : i32
      %dma_start3A_170 = arith.constant 0 : i32
      %dma_start3A_171 = tpu.memref_slice %arg3[%dma_start3A_169, %dma_start3A_170] : memref<65536x16xf32, #tpu.memory_space<hbm>> -> memref<65536x16xf32, #tpu.memory_space<hbm>>
      tpu.enqueue_indirect_dma source(%dma_start3A_171 : memref<65536x16xf32, #tpu.memory_space<hbm>>) target(%dma_start3A_165 : memref<128x16xf32, #tpu.memory_space<vmem>>) offsets(%dma_start3A_168 : memref<128xi32, #tpu.memory_space<vmem>>) semaphore(%arg14 : memref<!tpu.dma_semaphore, #tpu.memory_space<semaphore_mem>>)
      %mul3A_172 = arith.constant 4 : i32
      %mul3A_173 = arith.muli %add3A_93, %mul3A_172 : i32
      %add3A_174 = arith.constant 3 : i32
      %add3A_175 = arith.addi %mul3A_173, %add3A_174 : i32
      %dma_start3A_176 = arith.constant 384 : i32
      %dma_start3A_177 = arith.constant 0 : i32
      %dma_start3A_178 = tpu.memref_slice %arg11[%dma_start3A_176, %dma_start3A_177] : memref<512x64xf32, #tpu.memory_space<vmem>> -> memref<128x64xf32, #tpu.memory_space<vmem>>
      %dma_start3A_179 = arith.constant 0 : i32
      %dma_start3A_180 = tpu.memref_slice %arg8[%add3A_175, %dma_start3A_179] : memref<16x128xi32, #tpu.memory_space<vmem>> -> memref<1x128xi32, #tpu.memory_space<vmem>>
      %dma_start3A_181 = tpu.memref_squeeze %dma_start3A_180 : memref<1x128xi32, #tpu.memory_space<vmem>> -> memref<128xi32, #tpu.memory_space<vmem>>
      %dma_start3A_182 = arith.constant 0 : i32
      %dma_start3A_183 = arith.constant 0 : i32
      %dma_start3A_184 = tpu.memref_slice %arg2[%dma_start3A_182, %dma_start3A_183] : memref<100000x64xf32, #tpu.memory_space<hbm>> -> memref<100000x64xf32, #tpu.memory_space<hbm>>
      tpu.enqueue_indirect_dma source(%dma_start3A_184 : memref<100000x64xf32, #tpu.memory_space<hbm>>) target(%dma_start3A_178 : memref<128x64xf32, #tpu.memory_space<vmem>>) offsets(%dma_start3A_181 : memref<128xi32, #tpu.memory_space<vmem>>) semaphore(%arg14 : memref<!tpu.dma_semaphore, #tpu.memory_space<semaphore_mem>>)
      %mul3A_185 = arith.constant 4 : i32
      %mul3A_186 = arith.muli %add3A_93, %mul3A_185 : i32
      %add3A_187 = arith.constant 3 : i32
      %add3A_188 = arith.addi %mul3A_186, %add3A_187 : i32
      %dma_start3A_189 = arith.constant 384 : i32
      %dma_start3A_190 = arith.constant 0 : i32
      %dma_start3A_191 = tpu.memref_slice %arg13[%dma_start3A_189, %dma_start3A_190] : memref<512x16xf32, #tpu.memory_space<vmem>> -> memref<128x16xf32, #tpu.memory_space<vmem>>
      %dma_start3A_192 = arith.constant 0 : i32
      %dma_start3A_193 = tpu.memref_slice %arg9[%add3A_188, %dma_start3A_192] : memref<16x128xi32, #tpu.memory_space<vmem>> -> memref<1x128xi32, #tpu.memory_space<vmem>>
      %dma_start3A_194 = tpu.memref_squeeze %dma_start3A_193 : memref<1x128xi32, #tpu.memory_space<vmem>> -> memref<128xi32, #tpu.memory_space<vmem>>
      %dma_start3A_195 = arith.constant 0 : i32
      %dma_start3A_196 = arith.constant 0 : i32
      %dma_start3A_197 = tpu.memref_slice %arg3[%dma_start3A_195, %dma_start3A_196] : memref<65536x16xf32, #tpu.memory_space<hbm>> -> memref<65536x16xf32, #tpu.memory_space<hbm>>
      tpu.enqueue_indirect_dma source(%dma_start3A_197 : memref<65536x16xf32, #tpu.memory_space<hbm>>) target(%dma_start3A_191 : memref<128x16xf32, #tpu.memory_space<vmem>>) offsets(%dma_start3A_194 : memref<128xi32, #tpu.memory_space<vmem>>) semaphore(%arg14 : memref<!tpu.dma_semaphore, #tpu.memory_space<semaphore_mem>>)
      %dma_wait3A = arith.constant 0 : i32
      %dma_wait3A_198 = arith.constant 0 : i32
      %dma_wait3A_199 = tpu.memref_slice %arg10[%dma_wait3A, %dma_wait3A_198] : memref<512x64xf32, #tpu.memory_space<vmem>> -> memref<128x64xf32, #tpu.memory_space<vmem>>
      %dma_wait3A_200 = arith.constant 0 : i32
      %dma_wait3A_201 = arith.constant 0 : i32
      %dma_wait3A_202 = tpu.memref_slice %arg2[%dma_wait3A_200, %dma_wait3A_201] : memref<100000x64xf32, #tpu.memory_space<hbm>> -> memref<128x64xf32, #tpu.memory_space<hbm>>
      %dma_wait3A_203 = arith.constant 0 : i32
      %dma_wait3A_204 = arith.constant 0 : i32
      %dma_wait3A_205 = tpu.memref_slice %arg10[%dma_wait3A_203, %dma_wait3A_204] : memref<512x64xf32, #tpu.memory_space<vmem>> -> memref<128x64xf32, #tpu.memory_space<vmem>>
      %dma_wait3A_206 = arith.constant 0 : i32
      %dma_wait3A_207 = arith.constant 0 : i32
      %dma_wait3A_208 = tpu.memref_slice %arg2[%dma_wait3A_206, %dma_wait3A_207] : memref<100000x64xf32, #tpu.memory_space<hbm>> -> memref<128x64xf32, #tpu.memory_space<hbm>>
      tpu.wait_dma2 semaphore(%arg14 : memref<!tpu.dma_semaphore, #tpu.memory_space<semaphore_mem>>) src(%dma_wait3A_208 : memref<128x64xf32, #tpu.memory_space<hbm>>) dst(%dma_wait3A_205 : memref<128x64xf32, #tpu.memory_space<vmem>>)
      %dma_wait3A_209 = arith.constant 0 : i32
      %dma_wait3A_210 = arith.constant 0 : i32
      %dma_wait3A_211 = tpu.memref_slice %arg12[%dma_wait3A_209, %dma_wait3A_210] : memref<512x16xf32, #tpu.memory_space<vmem>> -> memref<128x16xf32, #tpu.memory_space<vmem>>
      %dma_wait3A_212 = arith.constant 0 : i32
      %dma_wait3A_213 = arith.constant 0 : i32
      %dma_wait3A_214 = tpu.memref_slice %arg3[%dma_wait3A_212, %dma_wait3A_213] : memref<65536x16xf32, #tpu.memory_space<hbm>> -> memref<128x16xf32, #tpu.memory_space<hbm>>
      %dma_wait3A_215 = arith.constant 0 : i32
      %dma_wait3A_216 = arith.constant 0 : i32
      %dma_wait3A_217 = tpu.memref_slice %arg12[%dma_wait3A_215, %dma_wait3A_216] : memref<512x16xf32, #tpu.memory_space<vmem>> -> memref<128x16xf32, #tpu.memory_space<vmem>>
      %dma_wait3A_218 = arith.constant 0 : i32
      %dma_wait3A_219 = arith.constant 0 : i32
      %dma_wait3A_220 = tpu.memref_slice %arg3[%dma_wait3A_218, %dma_wait3A_219] : memref<65536x16xf32, #tpu.memory_space<hbm>> -> memref<128x16xf32, #tpu.memory_space<hbm>>
      tpu.wait_dma2 semaphore(%arg14 : memref<!tpu.dma_semaphore, #tpu.memory_space<semaphore_mem>>) src(%dma_wait3A_220 : memref<128x16xf32, #tpu.memory_space<hbm>>) dst(%dma_wait3A_217 : memref<128x16xf32, #tpu.memory_space<vmem>>)
      %dma_wait3A_221 = arith.constant 128 : i32
      %dma_wait3A_222 = arith.constant 0 : i32
      %dma_wait3A_223 = tpu.memref_slice %arg10[%dma_wait3A_221, %dma_wait3A_222] : memref<512x64xf32, #tpu.memory_space<vmem>> -> memref<128x64xf32, #tpu.memory_space<vmem>>
      %dma_wait3A_224 = arith.constant 0 : i32
      %dma_wait3A_225 = arith.constant 0 : i32
      %dma_wait3A_226 = tpu.memref_slice %arg2[%dma_wait3A_224, %dma_wait3A_225] : memref<100000x64xf32, #tpu.memory_space<hbm>> -> memref<128x64xf32, #tpu.memory_space<hbm>>
      %dma_wait3A_227 = arith.constant 128 : i32
      %dma_wait3A_228 = arith.constant 0 : i32
      %dma_wait3A_229 = tpu.memref_slice %arg10[%dma_wait3A_227, %dma_wait3A_228] : memref<512x64xf32, #tpu.memory_space<vmem>> -> memref<128x64xf32, #tpu.memory_space<vmem>>
      %dma_wait3A_230 = arith.constant 0 : i32
      %dma_wait3A_231 = arith.constant 0 : i32
      %dma_wait3A_232 = tpu.memref_slice %arg2[%dma_wait3A_230, %dma_wait3A_231] : memref<100000x64xf32, #tpu.memory_space<hbm>> -> memref<128x64xf32, #tpu.memory_space<hbm>>
      tpu.wait_dma2 semaphore(%arg14 : memref<!tpu.dma_semaphore, #tpu.memory_space<semaphore_mem>>) src(%dma_wait3A_232 : memref<128x64xf32, #tpu.memory_space<hbm>>) dst(%dma_wait3A_229 : memref<128x64xf32, #tpu.memory_space<vmem>>)
      %dma_wait3A_233 = arith.constant 128 : i32
      %dma_wait3A_234 = arith.constant 0 : i32
      %dma_wait3A_235 = tpu.memref_slice %arg12[%dma_wait3A_233, %dma_wait3A_234] : memref<512x16xf32, #tpu.memory_space<vmem>> -> memref<128x16xf32, #tpu.memory_space<vmem>>
      %dma_wait3A_236 = arith.constant 0 : i32
      %dma_wait3A_237 = arith.constant 0 : i32
      %dma_wait3A_238 = tpu.memref_slice %arg3[%dma_wait3A_236, %dma_wait3A_237] : memref<65536x16xf32, #tpu.memory_space<hbm>> -> memref<128x16xf32, #tpu.memory_space<hbm>>
      %dma_wait3A_239 = arith.constant 128 : i32
      %dma_wait3A_240 = arith.constant 0 : i32
      %dma_wait3A_241 = tpu.memref_slice %arg12[%dma_wait3A_239, %dma_wait3A_240] : memref<512x16xf32, #tpu.memory_space<vmem>> -> memref<128x16xf32, #tpu.memory_space<vmem>>
      %dma_wait3A_242 = arith.constant 0 : i32
      %dma_wait3A_243 = arith.constant 0 : i32
      %dma_wait3A_244 = tpu.memref_slice %arg3[%dma_wait3A_242, %dma_wait3A_243] : memref<65536x16xf32, #tpu.memory_space<hbm>> -> memref<128x16xf32, #tpu.memory_space<hbm>>
      tpu.wait_dma2 semaphore(%arg14 : memref<!tpu.dma_semaphore, #tpu.memory_space<semaphore_mem>>) src(%dma_wait3A_244 : memref<128x16xf32, #tpu.memory_space<hbm>>) dst(%dma_wait3A_241 : memref<128x16xf32, #tpu.memory_space<vmem>>)
      %dma_wait3A_245 = arith.constant 256 : i32
      %dma_wait3A_246 = arith.constant 0 : i32
      %dma_wait3A_247 = tpu.memref_slice %arg10[%dma_wait3A_245, %dma_wait3A_246] : memref<512x64xf32, #tpu.memory_space<vmem>> -> memref<128x64xf32, #tpu.memory_space<vmem>>
      %dma_wait3A_248 = arith.constant 0 : i32
      %dma_wait3A_249 = arith.constant 0 : i32
      %dma_wait3A_250 = tpu.memref_slice %arg2[%dma_wait3A_248, %dma_wait3A_249] : memref<100000x64xf32, #tpu.memory_space<hbm>> -> memref<128x64xf32, #tpu.memory_space<hbm>>
      %dma_wait3A_251 = arith.constant 256 : i32
      %dma_wait3A_252 = arith.constant 0 : i32
      %dma_wait3A_253 = tpu.memref_slice %arg10[%dma_wait3A_251, %dma_wait3A_252] : memref<512x64xf32, #tpu.memory_space<vmem>> -> memref<128x64xf32, #tpu.memory_space<vmem>>
      %dma_wait3A_254 = arith.constant 0 : i32
      %dma_wait3A_255 = arith.constant 0 : i32
      %dma_wait3A_256 = tpu.memref_slice %arg2[%dma_wait3A_254, %dma_wait3A_255] : memref<100000x64xf32, #tpu.memory_space<hbm>> -> memref<128x64xf32, #tpu.memory_space<hbm>>
      tpu.wait_dma2 semaphore(%arg14 : memref<!tpu.dma_semaphore, #tpu.memory_space<semaphore_mem>>) src(%dma_wait3A_256 : memref<128x64xf32, #tpu.memory_space<hbm>>) dst(%dma_wait3A_253 : memref<128x64xf32, #tpu.memory_space<vmem>>)
      %dma_wait3A_257 = arith.constant 256 : i32
      %dma_wait3A_258 = arith.constant 0 : i32
      %dma_wait3A_259 = tpu.memref_slice %arg12[%dma_wait3A_257, %dma_wait3A_258] : memref<512x16xf32, #tpu.memory_space<vmem>> -> memref<128x16xf32, #tpu.memory_space<vmem>>
      %dma_wait3A_260 = arith.constant 0 : i32
      %dma_wait3A_261 = arith.constant 0 : i32
      %dma_wait3A_262 = tpu.memref_slice %arg3[%dma_wait3A_260, %dma_wait3A_261] : memref<65536x16xf32, #tpu.memory_space<hbm>> -> memref<128x16xf32, #tpu.memory_space<hbm>>
      %dma_wait3A_263 = arith.constant 256 : i32
      %dma_wait3A_264 = arith.constant 0 : i32
      %dma_wait3A_265 = tpu.memref_slice %arg12[%dma_wait3A_263, %dma_wait3A_264] : memref<512x16xf32, #tpu.memory_space<vmem>> -> memref<128x16xf32, #tpu.memory_space<vmem>>
      %dma_wait3A_266 = arith.constant 0 : i32
      %dma_wait3A_267 = arith.constant 0 : i32
      %dma_wait3A_268 = tpu.memref_slice %arg3[%dma_wait3A_266, %dma_wait3A_267] : memref<65536x16xf32, #tpu.memory_space<hbm>> -> memref<128x16xf32, #tpu.memory_space<hbm>>
      tpu.wait_dma2 semaphore(%arg14 : memref<!tpu.dma_semaphore, #tpu.memory_space<semaphore_mem>>) src(%dma_wait3A_268 : memref<128x16xf32, #tpu.memory_space<hbm>>) dst(%dma_wait3A_265 : memref<128x16xf32, #tpu.memory_space<vmem>>)
      %dma_wait3A_269 = arith.constant 384 : i32
      %dma_wait3A_270 = arith.constant 0 : i32
      %dma_wait3A_271 = tpu.memref_slice %arg10[%dma_wait3A_269, %dma_wait3A_270] : memref<512x64xf32, #tpu.memory_space<vmem>> -> memref<128x64xf32, #tpu.memory_space<vmem>>
      %dma_wait3A_272 = arith.constant 0 : i32
      %dma_wait3A_273 = arith.constant 0 : i32
      %dma_wait3A_274 = tpu.memref_slice %arg2[%dma_wait3A_272, %dma_wait3A_273] : memref<100000x64xf32, #tpu.memory_space<hbm>> -> memref<128x64xf32, #tpu.memory_space<hbm>>
      %dma_wait3A_275 = arith.constant 384 : i32
      %dma_wait3A_276 = arith.constant 0 : i32
      %dma_wait3A_277 = tpu.memref_slice %arg10[%dma_wait3A_275, %dma_wait3A_276] : memref<512x64xf32, #tpu.memory_space<vmem>> -> memref<128x64xf32, #tpu.memory_space<vmem>>
      %dma_wait3A_278 = arith.constant 0 : i32
      %dma_wait3A_279 = arith.constant 0 : i32
      %dma_wait3A_280 = tpu.memref_slice %arg2[%dma_wait3A_278, %dma_wait3A_279] : memref<100000x64xf32, #tpu.memory_space<hbm>> -> memref<128x64xf32, #tpu.memory_space<hbm>>
      tpu.wait_dma2 semaphore(%arg14 : memref<!tpu.dma_semaphore, #tpu.memory_space<semaphore_mem>>) src(%dma_wait3A_280 : memref<128x64xf32, #tpu.memory_space<hbm>>) dst(%dma_wait3A_277 : memref<128x64xf32, #tpu.memory_space<vmem>>)
      %dma_wait3A_281 = arith.constant 384 : i32
      %dma_wait3A_282 = arith.constant 0 : i32
      %dma_wait3A_283 = tpu.memref_slice %arg12[%dma_wait3A_281, %dma_wait3A_282] : memref<512x16xf32, #tpu.memory_space<vmem>> -> memref<128x16xf32, #tpu.memory_space<vmem>>
      %dma_wait3A_284 = arith.constant 0 : i32
      %dma_wait3A_285 = arith.constant 0 : i32
      %dma_wait3A_286 = tpu.memref_slice %arg3[%dma_wait3A_284, %dma_wait3A_285] : memref<65536x16xf32, #tpu.memory_space<hbm>> -> memref<128x16xf32, #tpu.memory_space<hbm>>
      %dma_wait3A_287 = arith.constant 384 : i32
      %dma_wait3A_288 = arith.constant 0 : i32
      %dma_wait3A_289 = tpu.memref_slice %arg12[%dma_wait3A_287, %dma_wait3A_288] : memref<512x16xf32, #tpu.memory_space<vmem>> -> memref<128x16xf32, #tpu.memory_space<vmem>>
      %dma_wait3A_290 = arith.constant 0 : i32
      %dma_wait3A_291 = arith.constant 0 : i32
      %dma_wait3A_292 = tpu.memref_slice %arg3[%dma_wait3A_290, %dma_wait3A_291] : memref<65536x16xf32, #tpu.memory_space<hbm>> -> memref<128x16xf32, #tpu.memory_space<hbm>>
      tpu.wait_dma2 semaphore(%arg14 : memref<!tpu.dma_semaphore, #tpu.memory_space<semaphore_mem>>) src(%dma_wait3A_292 : memref<128x16xf32, #tpu.memory_space<hbm>>) dst(%dma_wait3A_289 : memref<128x16xf32, #tpu.memory_space<vmem>>)
      %mul3A_293 = arith.constant 2 : i32
      %mul3A_294 = arith.muli %mul3A_293, %scan3A_89 : i32
      %mul3A_295 = arith.constant 2048 : i32
      %mul3A_296 = arith.muli %add3A, %mul3A_295 : i32
      %mul3A_297 = arith.constant 512 : i32
      %mul3A_298 = arith.muli %mul3A_294, %mul3A_297 : i32
      %add3A_299 = arith.addi %mul3A_296, %mul3A_298 : i32
      %jit3A = arith.constant 2048 : i32
      %div3A = arith.divsi %add3A_299, %jit3A : i32
      %sign3A = arith.constant 0 : i32
      %sign3A_300 = arith.cmpi sgt, %add3A_299, %sign3A : i32
      %sign3A_301 = arith.extui %sign3A_300 : i1 to i32
      %sign3A_302 = arith.constant 0 : i32
      %sign3A_303 = arith.cmpi slt, %add3A_299, %sign3A_302 : i32
      %sign3A_304 = arith.extui %sign3A_303 : i1 to i32
      %sign3A_305 = arith.subi %sign3A_301, %sign3A_304 : i32
      %sign3A_306 = arith.constant 0 : i32
      %sign3A_307 = arith.cmpi sgt, %jit3A, %sign3A_306 : i32
      %sign3A_308 = arith.extui %sign3A_307 : i1 to i32
      %sign3A_309 = arith.constant 0 : i32
      %sign3A_310 = arith.cmpi slt, %jit3A, %sign3A_309 : i32
      %sign3A_311 = arith.extui %sign3A_310 : i1 to i32
      %sign3A_312 = arith.subi %sign3A_308, %sign3A_311 : i32
      %ne3A = arith.cmpi ne, %sign3A_305, %sign3A_312 : i32
      %rem3A = arith.remsi %add3A_299, %jit3A : i32
      %ne3A_313 = arith.constant 0 : i32
      %ne3A_314 = arith.cmpi ne, %rem3A, %ne3A_313 : i32
      %and3A = arith.andi %ne3A, %ne3A_314 : i1
      %sub3A = arith.constant 1 : i32
      %sub3A_315 = arith.subi %div3A, %sub3A : i32
      %select_n3A = arith.select %and3A, %sub3A_315, %div3A : i32
      %jit3A_316 = arith.constant 2048 : i32
      %eq3A = arith.constant 0 : i32
      %eq3A_317 = arith.cmpi eq, %jit3A_316, %eq3A : i32
      %jit3A_318 = arith.constant 1 : i32
      %select_n3A_319 = arith.select %eq3A_317, %jit3A_318, %jit3A_316 : i32
      %rem3A_320 = arith.remsi %add3A_299, %select_n3A_319 : i32
      %ne3A_321 = arith.constant 0 : i32
      %ne3A_322 = arith.cmpi ne, %rem3A_320, %ne3A_321 : i32
      %lt3A = arith.constant 0 : i32
      %lt3A_323 = arith.cmpi slt, %rem3A_320, %lt3A : i32
      %lt3A_324 = arith.constant 0 : i32
      %lt3A_325 = arith.cmpi slt, %select_n3A_319, %lt3A_324 : i32
      %ne3A_326 = arith.xori %lt3A_323, %lt3A_325 : i1
      %and3A_327 = arith.andi %ne3A_326, %ne3A_322 : i1
      %add3A_328 = arith.addi %rem3A_320, %select_n3A_319 : i32
      %select_n3A_329 = arith.select %and3A_327, %add3A_328, %rem3A_320 : i32
      %mul3A_330 = arith.constant 1024 : i32
      %mul3A_331 = arith.muli %select_n3A, %mul3A_330 : i32
      %jit3A_332 = arith.constant 1024 : i32
      %eq3A_333 = arith.constant 0 : i32
      %eq3A_334 = arith.cmpi eq, %jit3A_332, %eq3A_333 : i32
      %jit3A_335 = arith.constant 1 : i32
      %select_n3A_336 = arith.select %eq3A_334, %jit3A_335, %jit3A_332 : i32
      %rem3A_337 = arith.remsi %select_n3A_329, %select_n3A_336 : i32
      %ne3A_338 = arith.constant 0 : i32
      %ne3A_339 = arith.cmpi ne, %rem3A_337, %ne3A_338 : i32
      %lt3A_340 = arith.constant 0 : i32
      %lt3A_341 = arith.cmpi slt, %rem3A_337, %lt3A_340 : i32
      %lt3A_342 = arith.constant 0 : i32
      %lt3A_343 = arith.cmpi slt, %select_n3A_336, %lt3A_342 : i32
      %ne3A_344 = arith.xori %lt3A_341, %lt3A_343 : i1
      %and3A_345 = arith.andi %ne3A_344, %ne3A_339 : i1
      %add3A_346 = arith.addi %rem3A_337, %select_n3A_336 : i32
      %select_n3A_347 = arith.select %and3A_345, %add3A_346, %rem3A_337 : i32
      %add3A_348 = arith.addi %mul3A_331, %select_n3A_347 : i32
      %jit3A_349 = arith.constant 1024 : i32
      %div3A_350 = arith.divsi %select_n3A_329, %jit3A_349 : i32
      %sign3A_351 = arith.constant 0 : i32
      %sign3A_352 = arith.cmpi sgt, %select_n3A_329, %sign3A_351 : i32
      %sign3A_353 = arith.extui %sign3A_352 : i1 to i32
      %sign3A_354 = arith.constant 0 : i32
      %sign3A_355 = arith.cmpi slt, %select_n3A_329, %sign3A_354 : i32
      %sign3A_356 = arith.extui %sign3A_355 : i1 to i32
      %sign3A_357 = arith.subi %sign3A_353, %sign3A_356 : i32
      %sign3A_358 = arith.constant 0 : i32
      %sign3A_359 = arith.cmpi sgt, %jit3A_349, %sign3A_358 : i32
      %sign3A_360 = arith.extui %sign3A_359 : i1 to i32
      %sign3A_361 = arith.constant 0 : i32
      %sign3A_362 = arith.cmpi slt, %jit3A_349, %sign3A_361 : i32
      %sign3A_363 = arith.extui %sign3A_362 : i1 to i32
      %sign3A_364 = arith.subi %sign3A_360, %sign3A_363 : i32
      %ne3A_365 = arith.cmpi ne, %sign3A_357, %sign3A_364 : i32
      %rem3A_366 = arith.remsi %select_n3A_329, %jit3A_349 : i32
      %ne3A_367 = arith.constant 0 : i32
      %ne3A_368 = arith.cmpi ne, %rem3A_366, %ne3A_367 : i32
      %and3A_369 = arith.andi %ne3A_365, %ne3A_368 : i1
      %sub3A_370 = arith.constant 1 : i32
      %sub3A_371 = arith.subi %div3A_350, %sub3A_370 : i32
      %select_n3A_372 = arith.select %and3A_369, %sub3A_371, %div3A_350 : i32
      %mul3A_373 = arith.constant 64 : i32
      %mul3A_374 = arith.muli %select_n3A_372, %mul3A_373 : i32
      "tpu.region"() ({
        %run_scoped3A = tpu.sem_alloc : memref<!tpu.dma_semaphore, #tpu.memory_space<semaphore_mem>>
        %dma_start3A_632 = tpu.memref_slice %arg6[%add3A_348, %mul3A_374] : memref<32768x128xf32, #tpu.memory_space<hbm>> -> memref<512x64xf32, #tpu.memory_space<hbm>>
        %dma_start3A_633 = tpu.memref_slice %arg6[%add3A_348, %mul3A_374] : memref<32768x128xf32, #tpu.memory_space<hbm>> -> memref<512x64xf32, #tpu.memory_space<hbm>>
        tpu.enqueue_dma source(%arg10 : memref<512x64xf32, #tpu.memory_space<vmem>>) target(%dma_start3A_633 : memref<512x64xf32, #tpu.memory_space<hbm>>) target_semaphore(%run_scoped3A : memref<!tpu.dma_semaphore, #tpu.memory_space<semaphore_mem>>)
        %dma_wait3A_634 = tpu.memref_slice %arg6[%add3A_348, %mul3A_374] : memref<32768x128xf32, #tpu.memory_space<hbm>> -> memref<512x64xf32, #tpu.memory_space<hbm>>
        %dma_wait3A_635 = tpu.memref_slice %arg6[%add3A_348, %mul3A_374] : memref<32768x128xf32, #tpu.memory_space<hbm>> -> memref<512x64xf32, #tpu.memory_space<hbm>>
        tpu.wait_dma2 semaphore(%run_scoped3A : memref<!tpu.dma_semaphore, #tpu.memory_space<semaphore_mem>>) src(%arg10 : memref<512x64xf32, #tpu.memory_space<vmem>>) dst(%dma_wait3A_635 : memref<512x64xf32, #tpu.memory_space<hbm>>)
        tpu.yield
      }) : () -> ()
      %mul3A_375 = arith.constant 256 : i32
      %mul3A_376 = arith.muli %select_n3A, %mul3A_375 : i32
      %jit3A_377 = arith.constant 256 : i32
      %div3A_378 = arith.divsi %select_n3A_329, %jit3A_377 : i32
      %sign3A_379 = arith.constant 0 : i32
      %sign3A_380 = arith.cmpi sgt, %select_n3A_329, %sign3A_379 : i32
      %sign3A_381 = arith.extui %sign3A_380 : i1 to i32
      %sign3A_382 = arith.constant 0 : i32
      %sign3A_383 = arith.cmpi slt, %select_n3A_329, %sign3A_382 : i32
      %sign3A_384 = arith.extui %sign3A_383 : i1 to i32
      %sign3A_385 = arith.subi %sign3A_381, %sign3A_384 : i32
      %sign3A_386 = arith.constant 0 : i32
      %sign3A_387 = arith.cmpi sgt, %jit3A_377, %sign3A_386 : i32
      %sign3A_388 = arith.extui %sign3A_387 : i1 to i32
      %sign3A_389 = arith.constant 0 : i32
      %sign3A_390 = arith.cmpi slt, %jit3A_377, %sign3A_389 : i32
      %sign3A_391 = arith.extui %sign3A_390 : i1 to i32
      %sign3A_392 = arith.subi %sign3A_388, %sign3A_391 : i32
      %ne3A_393 = arith.cmpi ne, %sign3A_385, %sign3A_392 : i32
      %rem3A_394 = arith.remsi %select_n3A_329, %jit3A_377 : i32
      %ne3A_395 = arith.constant 0 : i32
      %ne3A_396 = arith.cmpi ne, %rem3A_394, %ne3A_395 : i32
      %and3A_397 = arith.andi %ne3A_393, %ne3A_396 : i1
      %sub3A_398 = arith.constant 1 : i32
      %sub3A_399 = arith.subi %div3A_378, %sub3A_398 : i32
      %select_n3A_400 = arith.select %and3A_397, %sub3A_399, %div3A_378 : i32
      %mul3A_401 = arith.constant 16 : i32
      %mul3A_402 = arith.muli %select_n3A_400, %mul3A_401 : i32
      "tpu.region"() ({
        %run_scoped3A = tpu.sem_alloc : memref<!tpu.dma_semaphore, #tpu.memory_space<semaphore_mem>>
        %dma_start3A_632 = arith.constant 0 : i32
        %dma_start3A_633 = arith.constant 0 : i32
        %dma_start3A_634 = tpu.memref_slice %arg12[%dma_start3A_632, %dma_start3A_633] : memref<512x16xf32, #tpu.memory_space<vmem>> -> memref<256x16xf32, #tpu.memory_space<vmem>>
        %dma_start3A_635 = tpu.memref_slice %arg7[%mul3A_376, %mul3A_402] : memref<8192x128xf32, #tpu.memory_space<hbm>> -> memref<256x16xf32, #tpu.memory_space<hbm>>
        %dma_start3A_636 = tpu.memref_slice %arg7[%mul3A_376, %mul3A_402] : memref<8192x128xf32, #tpu.memory_space<hbm>> -> memref<256x16xf32, #tpu.memory_space<hbm>>
        %dma_start3A_637 = arith.constant 0 : i32
        %dma_start3A_638 = arith.constant 0 : i32
        %dma_start3A_639 = tpu.memref_slice %arg12[%dma_start3A_637, %dma_start3A_638] : memref<512x16xf32, #tpu.memory_space<vmem>> -> memref<256x16xf32, #tpu.memory_space<vmem>>
        tpu.enqueue_dma source(%dma_start3A_639 : memref<256x16xf32, #tpu.memory_space<vmem>>) target(%dma_start3A_636 : memref<256x16xf32, #tpu.memory_space<hbm>>) target_semaphore(%run_scoped3A : memref<!tpu.dma_semaphore, #tpu.memory_space<semaphore_mem>>)
        %dma_wait3A_640 = arith.constant 0 : i32
        %dma_wait3A_641 = arith.constant 0 : i32
        %dma_wait3A_642 = tpu.memref_slice %arg12[%dma_wait3A_640, %dma_wait3A_641] : memref<512x16xf32, #tpu.memory_space<vmem>> -> memref<256x16xf32, #tpu.memory_space<vmem>>
        %dma_wait3A_643 = tpu.memref_slice %arg7[%mul3A_376, %mul3A_402] : memref<8192x128xf32, #tpu.memory_space<hbm>> -> memref<256x16xf32, #tpu.memory_space<hbm>>
        %dma_wait3A_644 = tpu.memref_slice %arg7[%mul3A_376, %mul3A_402] : memref<8192x128xf32, #tpu.memory_space<hbm>> -> memref<256x16xf32, #tpu.memory_space<hbm>>
        %dma_wait3A_645 = arith.constant 0 : i32
        %dma_wait3A_646 = arith.constant 0 : i32
        %dma_wait3A_647 = tpu.memref_slice %arg12[%dma_wait3A_645, %dma_wait3A_646] : memref<512x16xf32, #tpu.memory_space<vmem>> -> memref<256x16xf32, #tpu.memory_space<vmem>>
        tpu.wait_dma2 semaphore(%run_scoped3A : memref<!tpu.dma_semaphore, #tpu.memory_space<semaphore_mem>>) src(%dma_wait3A_647 : memref<256x16xf32, #tpu.memory_space<vmem>>) dst(%dma_wait3A_644 : memref<256x16xf32, #tpu.memory_space<hbm>>)
        tpu.yield
      }) : () -> ()
      %add3A_403 = arith.constant 1 : i32
      %add3A_404 = arith.addi %select_n3A_400, %add3A_403 : i32
      %mul3A_405 = arith.constant 16 : i32
      %mul3A_406 = arith.muli %add3A_404, %mul3A_405 : i32
      "tpu.region"() ({
        %run_scoped3A = tpu.sem_alloc : memref<!tpu.dma_semaphore, #tpu.memory_space<semaphore_mem>>
        %dma_start3A_632 = arith.constant 256 : i32
        %dma_start3A_633 = arith.constant 0 : i32
        %dma_start3A_634 = tpu.memref_slice %arg12[%dma_start3A_632, %dma_start3A_633] : memref<512x16xf32, #tpu.memory_space<vmem>> -> memref<256x16xf32, #tpu.memory_space<vmem>>
        %dma_start3A_635 = tpu.memref_slice %arg7[%mul3A_376, %mul3A_406] : memref<8192x128xf32, #tpu.memory_space<hbm>> -> memref<256x16xf32, #tpu.memory_space<hbm>>
        %dma_start3A_636 = tpu.memref_slice %arg7[%mul3A_376, %mul3A_406] : memref<8192x128xf32, #tpu.memory_space<hbm>> -> memref<256x16xf32, #tpu.memory_space<hbm>>
        %dma_start3A_637 = arith.constant 256 : i32
        %dma_start3A_638 = arith.constant 0 : i32
        %dma_start3A_639 = tpu.memref_slice %arg12[%dma_start3A_637, %dma_start3A_638] : memref<512x16xf32, #tpu.memory_space<vmem>> -> memref<256x16xf32, #tpu.memory_space<vmem>>
        tpu.enqueue_dma source(%dma_start3A_639 : memref<256x16xf32, #tpu.memory_space<vmem>>) target(%dma_start3A_636 : memref<256x16xf32, #tpu.memory_space<hbm>>) target_semaphore(%run_scoped3A : memref<!tpu.dma_semaphore, #tpu.memory_space<semaphore_mem>>)
        %dma_wait3A_640 = arith.constant 256 : i32
        %dma_wait3A_641 = arith.constant 0 : i32
        %dma_wait3A_642 = tpu.memref_slice %arg12[%dma_wait3A_640, %dma_wait3A_641] : memref<512x16xf32, #tpu.memory_space<vmem>> -> memref<256x16xf32, #tpu.memory_space<vmem>>
        %dma_wait3A_643 = tpu.memref_slice %arg7[%mul3A_376, %mul3A_406] : memref<8192x128xf32, #tpu.memory_space<hbm>> -> memref<256x16xf32, #tpu.memory_space<hbm>>
        %dma_wait3A_644 = tpu.memref_slice %arg7[%mul3A_376, %mul3A_406] : memref<8192x128xf32, #tpu.memory_space<hbm>> -> memref<256x16xf32, #tpu.memory_space<hbm>>
        %dma_wait3A_645 = arith.constant 256 : i32
        %dma_wait3A_646 = arith.constant 0 : i32
        %dma_wait3A_647 = tpu.memref_slice %arg12[%dma_wait3A_645, %dma_wait3A_646] : memref<512x16xf32, #tpu.memory_space<vmem>> -> memref<256x16xf32, #tpu.memory_space<vmem>>
        tpu.wait_dma2 semaphore(%run_scoped3A : memref<!tpu.dma_semaphore, #tpu.memory_space<semaphore_mem>>) src(%dma_wait3A_647 : memref<256x16xf32, #tpu.memory_space<vmem>>) dst(%dma_wait3A_644 : memref<256x16xf32, #tpu.memory_space<hbm>>)
        tpu.yield
      }) : () -> ()
      %lt3A_407 = arith.constant 1 : i32
      %lt3A_408 = arith.cmpi slt, %scan3A_89, %lt3A_407 : i32
      %convert_element_type3A = arith.extui %lt3A_408 : i1 to i32
      %cond3A = arith.constant 0 : i32
      %cond3A_409 = arith.cmpi ne, %convert_element_type3A, %cond3A : i32
      scf.if %cond3A_409 {
        %mul3A_632 = arith.constant 2 : i32
        %mul3A_633 = arith.muli %mul3A_632, %scan3A_89 : i32
        %add3A_634 = arith.constant 2 : i32
        %add3A_635 = arith.addi %mul3A_633, %add3A_634 : i32
        %mul3A_636 = arith.constant 4 : i32
        %mul3A_637 = arith.muli %add3A_635, %mul3A_636 : i32
        %add3A_638 = arith.constant 0 : i32
        %add3A_639 = arith.addi %mul3A_637, %add3A_638 : i32
        %dma_start3A_640 = arith.constant 0 : i32
        %dma_start3A_641 = arith.constant 0 : i32
        %dma_start3A_642 = tpu.memref_slice %arg10[%dma_start3A_640, %dma_start3A_641] : memref<512x64xf32, #tpu.memory_space<vmem>> -> memref<128x64xf32, #tpu.memory_space<vmem>>
        %dma_start3A_643 = arith.constant 0 : i32
        %dma_start3A_644 = tpu.memref_slice %arg8[%add3A_639, %dma_start3A_643] : memref<16x128xi32, #tpu.memory_space<vmem>> -> memref<1x128xi32, #tpu.memory_space<vmem>>
        %dma_start3A_645 = tpu.memref_squeeze %dma_start3A_644 : memref<1x128xi32, #tpu.memory_space<vmem>> -> memref<128xi32, #tpu.memory_space<vmem>>
        %dma_start3A_646 = arith.constant 0 : i32
        %dma_start3A_647 = arith.constant 0 : i32
        %dma_start3A_648 = tpu.memref_slice %arg2[%dma_start3A_646, %dma_start3A_647] : memref<100000x64xf32, #tpu.memory_space<hbm>> -> memref<100000x64xf32, #tpu.memory_space<hbm>>
        tpu.enqueue_indirect_dma source(%dma_start3A_648 : memref<100000x64xf32, #tpu.memory_space<hbm>>) target(%dma_start3A_642 : memref<128x64xf32, #tpu.memory_space<vmem>>) offsets(%dma_start3A_645 : memref<128xi32, #tpu.memory_space<vmem>>) semaphore(%arg14 : memref<!tpu.dma_semaphore, #tpu.memory_space<semaphore_mem>>)
        %mul3A_649 = arith.constant 4 : i32
        %mul3A_650 = arith.muli %add3A_635, %mul3A_649 : i32
        %add3A_651 = arith.constant 0 : i32
        %add3A_652 = arith.addi %mul3A_650, %add3A_651 : i32
        %dma_start3A_653 = arith.constant 0 : i32
        %dma_start3A_654 = arith.constant 0 : i32
        %dma_start3A_655 = tpu.memref_slice %arg12[%dma_start3A_653, %dma_start3A_654] : memref<512x16xf32, #tpu.memory_space<vmem>> -> memref<128x16xf32, #tpu.memory_space<vmem>>
        %dma_start3A_656 = arith.constant 0 : i32
        %dma_start3A_657 = tpu.memref_slice %arg9[%add3A_652, %dma_start3A_656] : memref<16x128xi32, #tpu.memory_space<vmem>> -> memref<1x128xi32, #tpu.memory_space<vmem>>
        %dma_start3A_658 = tpu.memref_squeeze %dma_start3A_657 : memref<1x128xi32, #tpu.memory_space<vmem>> -> memref<128xi32, #tpu.memory_space<vmem>>
        %dma_start3A_659 = arith.constant 0 : i32
        %dma_start3A_660 = arith.constant 0 : i32
        %dma_start3A_661 = tpu.memref_slice %arg3[%dma_start3A_659, %dma_start3A_660] : memref<65536x16xf32, #tpu.memory_space<hbm>> -> memref<65536x16xf32, #tpu.memory_space<hbm>>
        tpu.enqueue_indirect_dma source(%dma_start3A_661 : memref<65536x16xf32, #tpu.memory_space<hbm>>) target(%dma_start3A_655 : memref<128x16xf32, #tpu.memory_space<vmem>>) offsets(%dma_start3A_658 : memref<128xi32, #tpu.memory_space<vmem>>) semaphore(%arg14 : memref<!tpu.dma_semaphore, #tpu.memory_space<semaphore_mem>>)
        %mul3A_662 = arith.constant 4 : i32
        %mul3A_663 = arith.muli %add3A_635, %mul3A_662 : i32
        %add3A_664 = arith.constant 1 : i32
        %add3A_665 = arith.addi %mul3A_663, %add3A_664 : i32
        %dma_start3A_666 = arith.constant 128 : i32
        %dma_start3A_667 = arith.constant 0 : i32
        %dma_start3A_668 = tpu.memref_slice %arg10[%dma_start3A_666, %dma_start3A_667] : memref<512x64xf32, #tpu.memory_space<vmem>> -> memref<128x64xf32, #tpu.memory_space<vmem>>
        %dma_start3A_669 = arith.constant 0 : i32
        %dma_start3A_670 = tpu.memref_slice %arg8[%add3A_665, %dma_start3A_669] : memref<16x128xi32, #tpu.memory_space<vmem>> -> memref<1x128xi32, #tpu.memory_space<vmem>>
        %dma_start3A_671 = tpu.memref_squeeze %dma_start3A_670 : memref<1x128xi32, #tpu.memory_space<vmem>> -> memref<128xi32, #tpu.memory_space<vmem>>
        %dma_start3A_672 = arith.constant 0 : i32
        %dma_start3A_673 = arith.constant 0 : i32
        %dma_start3A_674 = tpu.memref_slice %arg2[%dma_start3A_672, %dma_start3A_673] : memref<100000x64xf32, #tpu.memory_space<hbm>> -> memref<100000x64xf32, #tpu.memory_space<hbm>>
        tpu.enqueue_indirect_dma source(%dma_start3A_674 : memref<100000x64xf32, #tpu.memory_space<hbm>>) target(%dma_start3A_668 : memref<128x64xf32, #tpu.memory_space<vmem>>) offsets(%dma_start3A_671 : memref<128xi32, #tpu.memory_space<vmem>>) semaphore(%arg14 : memref<!tpu.dma_semaphore, #tpu.memory_space<semaphore_mem>>)
        %mul3A_675 = arith.constant 4 : i32
        %mul3A_676 = arith.muli %add3A_635, %mul3A_675 : i32
        %add3A_677 = arith.constant 1 : i32
        %add3A_678 = arith.addi %mul3A_676, %add3A_677 : i32
        %dma_start3A_679 = arith.constant 128 : i32
        %dma_start3A_680 = arith.constant 0 : i32
        %dma_start3A_681 = tpu.memref_slice %arg12[%dma_start3A_679, %dma_start3A_680] : memref<512x16xf32, #tpu.memory_space<vmem>> -> memref<128x16xf32, #tpu.memory_space<vmem>>
        %dma_start3A_682 = arith.constant 0 : i32
        %dma_start3A_683 = tpu.memref_slice %arg9[%add3A_678, %dma_start3A_682] : memref<16x128xi32, #tpu.memory_space<vmem>> -> memref<1x128xi32, #tpu.memory_space<vmem>>
        %dma_start3A_684 = tpu.memref_squeeze %dma_start3A_683 : memref<1x128xi32, #tpu.memory_space<vmem>> -> memref<128xi32, #tpu.memory_space<vmem>>
        %dma_start3A_685 = arith.constant 0 : i32
        %dma_start3A_686 = arith.constant 0 : i32
        %dma_start3A_687 = tpu.memref_slice %arg3[%dma_start3A_685, %dma_start3A_686] : memref<65536x16xf32, #tpu.memory_space<hbm>> -> memref<65536x16xf32, #tpu.memory_space<hbm>>
        tpu.enqueue_indirect_dma source(%dma_start3A_687 : memref<65536x16xf32, #tpu.memory_space<hbm>>) target(%dma_start3A_681 : memref<128x16xf32, #tpu.memory_space<vmem>>) offsets(%dma_start3A_684 : memref<128xi32, #tpu.memory_space<vmem>>) semaphore(%arg14 : memref<!tpu.dma_semaphore, #tpu.memory_space<semaphore_mem>>)
        %mul3A_688 = arith.constant 4 : i32
        %mul3A_689 = arith.muli %add3A_635, %mul3A_688 : i32
        %add3A_690 = arith.constant 2 : i32
        %add3A_691 = arith.addi %mul3A_689, %add3A_690 : i32
        %dma_start3A_692 = arith.constant 256 : i32
        %dma_start3A_693 = arith.constant 0 : i32
        %dma_start3A_694 = tpu.memref_slice %arg10[%dma_start3A_692, %dma_start3A_693] : memref<512x64xf32, #tpu.memory_space<vmem>> -> memref<128x64xf32, #tpu.memory_space<vmem>>
        %dma_start3A_695 = arith.constant 0 : i32
        %dma_start3A_696 = tpu.memref_slice %arg8[%add3A_691, %dma_start3A_695] : memref<16x128xi32, #tpu.memory_space<vmem>> -> memref<1x128xi32, #tpu.memory_space<vmem>>
        %dma_start3A_697 = tpu.memref_squeeze %dma_start3A_696 : memref<1x128xi32, #tpu.memory_space<vmem>> -> memref<128xi32, #tpu.memory_space<vmem>>
        %dma_start3A_698 = arith.constant 0 : i32
        %dma_start3A_699 = arith.constant 0 : i32
        %dma_start3A_700 = tpu.memref_slice %arg2[%dma_start3A_698, %dma_start3A_699] : memref<100000x64xf32, #tpu.memory_space<hbm>> -> memref<100000x64xf32, #tpu.memory_space<hbm>>
        tpu.enqueue_indirect_dma source(%dma_start3A_700 : memref<100000x64xf32, #tpu.memory_space<hbm>>) target(%dma_start3A_694 : memref<128x64xf32, #tpu.memory_space<vmem>>) offsets(%dma_start3A_697 : memref<128xi32, #tpu.memory_space<vmem>>) semaphore(%arg14 : memref<!tpu.dma_semaphore, #tpu.memory_space<semaphore_mem>>)
        %mul3A_701 = arith.constant 4 : i32
        %mul3A_702 = arith.muli %add3A_635, %mul3A_701 : i32
        %add3A_703 = arith.constant 2 : i32
        %add3A_704 = arith.addi %mul3A_702, %add3A_703 : i32
        %dma_start3A_705 = arith.constant 256 : i32
        %dma_start3A_706 = arith.constant 0 : i32
        %dma_start3A_707 = tpu.memref_slice %arg12[%dma_start3A_705, %dma_start3A_706] : memref<512x16xf32, #tpu.memory_space<vmem>> -> memref<128x16xf32, #tpu.memory_space<vmem>>
        %dma_start3A_708 = arith.constant 0 : i32
        %dma_start3A_709 = tpu.memref_slice %arg9[%add3A_704, %dma_start3A_708] : memref<16x128xi32, #tpu.memory_space<vmem>> -> memref<1x128xi32, #tpu.memory_space<vmem>>
        %dma_start3A_710 = tpu.memref_squeeze %dma_start3A_709 : memref<1x128xi32, #tpu.memory_space<vmem>> -> memref<128xi32, #tpu.memory_space<vmem>>
        %dma_start3A_711 = arith.constant 0 : i32
        %dma_start3A_712 = arith.constant 0 : i32
        %dma_start3A_713 = tpu.memref_slice %arg3[%dma_start3A_711, %dma_start3A_712] : memref<65536x16xf32, #tpu.memory_space<hbm>> -> memref<65536x16xf32, #tpu.memory_space<hbm>>
        tpu.enqueue_indirect_dma source(%dma_start3A_713 : memref<65536x16xf32, #tpu.memory_space<hbm>>) target(%dma_start3A_707 : memref<128x16xf32, #tpu.memory_space<vmem>>) offsets(%dma_start3A_710 : memref<128xi32, #tpu.memory_space<vmem>>) semaphore(%arg14 : memref<!tpu.dma_semaphore, #tpu.memory_space<semaphore_mem>>)
        %mul3A_714 = arith.constant 4 : i32
        %mul3A_715 = arith.muli %add3A_635, %mul3A_714 : i32
        %add3A_716 = arith.constant 3 : i32
        %add3A_717 = arith.addi %mul3A_715, %add3A_716 : i32
        %dma_start3A_718 = arith.constant 384 : i32
        %dma_start3A_719 = arith.constant 0 : i32
        %dma_start3A_720 = tpu.memref_slice %arg10[%dma_start3A_718, %dma_start3A_719] : memref<512x64xf32, #tpu.memory_space<vmem>> -> memref<128x64xf32, #tpu.memory_space<vmem>>
        %dma_start3A_721 = arith.constant 0 : i32
        %dma_start3A_722 = tpu.memref_slice %arg8[%add3A_717, %dma_start3A_721] : memref<16x128xi32, #tpu.memory_space<vmem>> -> memref<1x128xi32, #tpu.memory_space<vmem>>
        %dma_start3A_723 = tpu.memref_squeeze %dma_start3A_722 : memref<1x128xi32, #tpu.memory_space<vmem>> -> memref<128xi32, #tpu.memory_space<vmem>>
        %dma_start3A_724 = arith.constant 0 : i32
        %dma_start3A_725 = arith.constant 0 : i32
        %dma_start3A_726 = tpu.memref_slice %arg2[%dma_start3A_724, %dma_start3A_725] : memref<100000x64xf32, #tpu.memory_space<hbm>> -> memref<100000x64xf32, #tpu.memory_space<hbm>>
        tpu.enqueue_indirect_dma source(%dma_start3A_726 : memref<100000x64xf32, #tpu.memory_space<hbm>>) target(%dma_start3A_720 : memref<128x64xf32, #tpu.memory_space<vmem>>) offsets(%dma_start3A_723 : memref<128xi32, #tpu.memory_space<vmem>>) semaphore(%arg14 : memref<!tpu.dma_semaphore, #tpu.memory_space<semaphore_mem>>)
        %mul3A_727 = arith.constant 4 : i32
        %mul3A_728 = arith.muli %add3A_635, %mul3A_727 : i32
        %add3A_729 = arith.constant 3 : i32
        %add3A_730 = arith.addi %mul3A_728, %add3A_729 : i32
        %dma_start3A_731 = arith.constant 384 : i32
        %dma_start3A_732 = arith.constant 0 : i32
        %dma_start3A_733 = tpu.memref_slice %arg12[%dma_start3A_731, %dma_start3A_732] : memref<512x16xf32, #tpu.memory_space<vmem>> -> memref<128x16xf32, #tpu.memory_space<vmem>>
        %dma_start3A_734 = arith.constant 0 : i32
        %dma_start3A_735 = tpu.memref_slice %arg9[%add3A_730, %dma_start3A_734] : memref<16x128xi32, #tpu.memory_space<vmem>> -> memref<1x128xi32, #tpu.memory_space<vmem>>
        %dma_start3A_736 = tpu.memref_squeeze %dma_start3A_735 : memref<1x128xi32, #tpu.memory_space<vmem>> -> memref<128xi32, #tpu.memory_space<vmem>>
        %dma_start3A_737 = arith.constant 0 : i32
        %dma_start3A_738 = arith.constant 0 : i32
        %dma_start3A_739 = tpu.memref_slice %arg3[%dma_start3A_737, %dma_start3A_738] : memref<65536x16xf32, #tpu.memory_space<hbm>> -> memref<65536x16xf32, #tpu.memory_space<hbm>>
        tpu.enqueue_indirect_dma source(%dma_start3A_739 : memref<65536x16xf32, #tpu.memory_space<hbm>>) target(%dma_start3A_733 : memref<128x16xf32, #tpu.memory_space<vmem>>) offsets(%dma_start3A_736 : memref<128xi32, #tpu.memory_space<vmem>>) semaphore(%arg14 : memref<!tpu.dma_semaphore, #tpu.memory_space<semaphore_mem>>)
      } else {
      }
      %dma_wait3A_410 = arith.constant 0 : i32
      %dma_wait3A_411 = arith.constant 0 : i32
      %dma_wait3A_412 = tpu.memref_slice %arg11[%dma_wait3A_410, %dma_wait3A_411] : memref<512x64xf32, #tpu.memory_space<vmem>> -> memref<128x64xf32, #tpu.memory_space<vmem>>
      %dma_wait3A_413 = arith.constant 0 : i32
      %dma_wait3A_414 = arith.constant 0 : i32
      %dma_wait3A_415 = tpu.memref_slice %arg2[%dma_wait3A_413, %dma_wait3A_414] : memref<100000x64xf32, #tpu.memory_space<hbm>> -> memref<128x64xf32, #tpu.memory_space<hbm>>
      %dma_wait3A_416 = arith.constant 0 : i32
      %dma_wait3A_417 = arith.constant 0 : i32
      %dma_wait3A_418 = tpu.memref_slice %arg11[%dma_wait3A_416, %dma_wait3A_417] : memref<512x64xf32, #tpu.memory_space<vmem>> -> memref<128x64xf32, #tpu.memory_space<vmem>>
      %dma_wait3A_419 = arith.constant 0 : i32
      %dma_wait3A_420 = arith.constant 0 : i32
      %dma_wait3A_421 = tpu.memref_slice %arg2[%dma_wait3A_419, %dma_wait3A_420] : memref<100000x64xf32, #tpu.memory_space<hbm>> -> memref<128x64xf32, #tpu.memory_space<hbm>>
      tpu.wait_dma2 semaphore(%arg14 : memref<!tpu.dma_semaphore, #tpu.memory_space<semaphore_mem>>) src(%dma_wait3A_421 : memref<128x64xf32, #tpu.memory_space<hbm>>) dst(%dma_wait3A_418 : memref<128x64xf32, #tpu.memory_space<vmem>>)
      %dma_wait3A_422 = arith.constant 0 : i32
      %dma_wait3A_423 = arith.constant 0 : i32
      %dma_wait3A_424 = tpu.memref_slice %arg13[%dma_wait3A_422, %dma_wait3A_423] : memref<512x16xf32, #tpu.memory_space<vmem>> -> memref<128x16xf32, #tpu.memory_space<vmem>>
      %dma_wait3A_425 = arith.constant 0 : i32
      %dma_wait3A_426 = arith.constant 0 : i32
      %dma_wait3A_427 = tpu.memref_slice %arg3[%dma_wait3A_425, %dma_wait3A_426] : memref<65536x16xf32, #tpu.memory_space<hbm>> -> memref<128x16xf32, #tpu.memory_space<hbm>>
      %dma_wait3A_428 = arith.constant 0 : i32
      %dma_wait3A_429 = arith.constant 0 : i32
      %dma_wait3A_430 = tpu.memref_slice %arg13[%dma_wait3A_428, %dma_wait3A_429] : memref<512x16xf32, #tpu.memory_space<vmem>> -> memref<128x16xf32, #tpu.memory_space<vmem>>
      %dma_wait3A_431 = arith.constant 0 : i32
      %dma_wait3A_432 = arith.constant 0 : i32
      %dma_wait3A_433 = tpu.memref_slice %arg3[%dma_wait3A_431, %dma_wait3A_432] : memref<65536x16xf32, #tpu.memory_space<hbm>> -> memref<128x16xf32, #tpu.memory_space<hbm>>
      tpu.wait_dma2 semaphore(%arg14 : memref<!tpu.dma_semaphore, #tpu.memory_space<semaphore_mem>>) src(%dma_wait3A_433 : memref<128x16xf32, #tpu.memory_space<hbm>>) dst(%dma_wait3A_430 : memref<128x16xf32, #tpu.memory_space<vmem>>)
      %dma_wait3A_434 = arith.constant 128 : i32
      %dma_wait3A_435 = arith.constant 0 : i32
      %dma_wait3A_436 = tpu.memref_slice %arg11[%dma_wait3A_434, %dma_wait3A_435] : memref<512x64xf32, #tpu.memory_space<vmem>> -> memref<128x64xf32, #tpu.memory_space<vmem>>
      %dma_wait3A_437 = arith.constant 0 : i32
      %dma_wait3A_438 = arith.constant 0 : i32
      %dma_wait3A_439 = tpu.memref_slice %arg2[%dma_wait3A_437, %dma_wait3A_438] : memref<100000x64xf32, #tpu.memory_space<hbm>> -> memref<128x64xf32, #tpu.memory_space<hbm>>
      %dma_wait3A_440 = arith.constant 128 : i32
      %dma_wait3A_441 = arith.constant 0 : i32
      %dma_wait3A_442 = tpu.memref_slice %arg11[%dma_wait3A_440, %dma_wait3A_441] : memref<512x64xf32, #tpu.memory_space<vmem>> -> memref<128x64xf32, #tpu.memory_space<vmem>>
      %dma_wait3A_443 = arith.constant 0 : i32
      %dma_wait3A_444 = arith.constant 0 : i32
      %dma_wait3A_445 = tpu.memref_slice %arg2[%dma_wait3A_443, %dma_wait3A_444] : memref<100000x64xf32, #tpu.memory_space<hbm>> -> memref<128x64xf32, #tpu.memory_space<hbm>>
      tpu.wait_dma2 semaphore(%arg14 : memref<!tpu.dma_semaphore, #tpu.memory_space<semaphore_mem>>) src(%dma_wait3A_445 : memref<128x64xf32, #tpu.memory_space<hbm>>) dst(%dma_wait3A_442 : memref<128x64xf32, #tpu.memory_space<vmem>>)
      %dma_wait3A_446 = arith.constant 128 : i32
      %dma_wait3A_447 = arith.constant 0 : i32
      %dma_wait3A_448 = tpu.memref_slice %arg13[%dma_wait3A_446, %dma_wait3A_447] : memref<512x16xf32, #tpu.memory_space<vmem>> -> memref<128x16xf32, #tpu.memory_space<vmem>>
      %dma_wait3A_449 = arith.constant 0 : i32
      %dma_wait3A_450 = arith.constant 0 : i32
      %dma_wait3A_451 = tpu.memref_slice %arg3[%dma_wait3A_449, %dma_wait3A_450] : memref<65536x16xf32, #tpu.memory_space<hbm>> -> memref<128x16xf32, #tpu.memory_space<hbm>>
      %dma_wait3A_452 = arith.constant 128 : i32
      %dma_wait3A_453 = arith.constant 0 : i32
      %dma_wait3A_454 = tpu.memref_slice %arg13[%dma_wait3A_452, %dma_wait3A_453] : memref<512x16xf32, #tpu.memory_space<vmem>> -> memref<128x16xf32, #tpu.memory_space<vmem>>
      %dma_wait3A_455 = arith.constant 0 : i32
      %dma_wait3A_456 = arith.constant 0 : i32
      %dma_wait3A_457 = tpu.memref_slice %arg3[%dma_wait3A_455, %dma_wait3A_456] : memref<65536x16xf32, #tpu.memory_space<hbm>> -> memref<128x16xf32, #tpu.memory_space<hbm>>
      tpu.wait_dma2 semaphore(%arg14 : memref<!tpu.dma_semaphore, #tpu.memory_space<semaphore_mem>>) src(%dma_wait3A_457 : memref<128x16xf32, #tpu.memory_space<hbm>>) dst(%dma_wait3A_454 : memref<128x16xf32, #tpu.memory_space<vmem>>)
      %dma_wait3A_458 = arith.constant 256 : i32
      %dma_wait3A_459 = arith.constant 0 : i32
      %dma_wait3A_460 = tpu.memref_slice %arg11[%dma_wait3A_458, %dma_wait3A_459] : memref<512x64xf32, #tpu.memory_space<vmem>> -> memref<128x64xf32, #tpu.memory_space<vmem>>
      %dma_wait3A_461 = arith.constant 0 : i32
      %dma_wait3A_462 = arith.constant 0 : i32
      %dma_wait3A_463 = tpu.memref_slice %arg2[%dma_wait3A_461, %dma_wait3A_462] : memref<100000x64xf32, #tpu.memory_space<hbm>> -> memref<128x64xf32, #tpu.memory_space<hbm>>
      %dma_wait3A_464 = arith.constant 256 : i32
      %dma_wait3A_465 = arith.constant 0 : i32
      %dma_wait3A_466 = tpu.memref_slice %arg11[%dma_wait3A_464, %dma_wait3A_465] : memref<512x64xf32, #tpu.memory_space<vmem>> -> memref<128x64xf32, #tpu.memory_space<vmem>>
      %dma_wait3A_467 = arith.constant 0 : i32
      %dma_wait3A_468 = arith.constant 0 : i32
      %dma_wait3A_469 = tpu.memref_slice %arg2[%dma_wait3A_467, %dma_wait3A_468] : memref<100000x64xf32, #tpu.memory_space<hbm>> -> memref<128x64xf32, #tpu.memory_space<hbm>>
      tpu.wait_dma2 semaphore(%arg14 : memref<!tpu.dma_semaphore, #tpu.memory_space<semaphore_mem>>) src(%dma_wait3A_469 : memref<128x64xf32, #tpu.memory_space<hbm>>) dst(%dma_wait3A_466 : memref<128x64xf32, #tpu.memory_space<vmem>>)
      %dma_wait3A_470 = arith.constant 256 : i32
      %dma_wait3A_471 = arith.constant 0 : i32
      %dma_wait3A_472 = tpu.memref_slice %arg13[%dma_wait3A_470, %dma_wait3A_471] : memref<512x16xf32, #tpu.memory_space<vmem>> -> memref<128x16xf32, #tpu.memory_space<vmem>>
      %dma_wait3A_473 = arith.constant 0 : i32
      %dma_wait3A_474 = arith.constant 0 : i32
      %dma_wait3A_475 = tpu.memref_slice %arg3[%dma_wait3A_473, %dma_wait3A_474] : memref<65536x16xf32, #tpu.memory_space<hbm>> -> memref<128x16xf32, #tpu.memory_space<hbm>>
      %dma_wait3A_476 = arith.constant 256 : i32
      %dma_wait3A_477 = arith.constant 0 : i32
      %dma_wait3A_478 = tpu.memref_slice %arg13[%dma_wait3A_476, %dma_wait3A_477] : memref<512x16xf32, #tpu.memory_space<vmem>> -> memref<128x16xf32, #tpu.memory_space<vmem>>
      %dma_wait3A_479 = arith.constant 0 : i32
      %dma_wait3A_480 = arith.constant 0 : i32
      %dma_wait3A_481 = tpu.memref_slice %arg3[%dma_wait3A_479, %dma_wait3A_480] : memref<65536x16xf32, #tpu.memory_space<hbm>> -> memref<128x16xf32, #tpu.memory_space<hbm>>
      tpu.wait_dma2 semaphore(%arg14 : memref<!tpu.dma_semaphore, #tpu.memory_space<semaphore_mem>>) src(%dma_wait3A_481 : memref<128x16xf32, #tpu.memory_space<hbm>>) dst(%dma_wait3A_478 : memref<128x16xf32, #tpu.memory_space<vmem>>)
      %dma_wait3A_482 = arith.constant 384 : i32
      %dma_wait3A_483 = arith.constant 0 : i32
      %dma_wait3A_484 = tpu.memref_slice %arg11[%dma_wait3A_482, %dma_wait3A_483] : memref<512x64xf32, #tpu.memory_space<vmem>> -> memref<128x64xf32, #tpu.memory_space<vmem>>
      %dma_wait3A_485 = arith.constant 0 : i32
      %dma_wait3A_486 = arith.constant 0 : i32
      %dma_wait3A_487 = tpu.memref_slice %arg2[%dma_wait3A_485, %dma_wait3A_486] : memref<100000x64xf32, #tpu.memory_space<hbm>> -> memref<128x64xf32, #tpu.memory_space<hbm>>
      %dma_wait3A_488 = arith.constant 384 : i32
      %dma_wait3A_489 = arith.constant 0 : i32
      %dma_wait3A_490 = tpu.memref_slice %arg11[%dma_wait3A_488, %dma_wait3A_489] : memref<512x64xf32, #tpu.memory_space<vmem>> -> memref<128x64xf32, #tpu.memory_space<vmem>>
      %dma_wait3A_491 = arith.constant 0 : i32
      %dma_wait3A_492 = arith.constant 0 : i32
      %dma_wait3A_493 = tpu.memref_slice %arg2[%dma_wait3A_491, %dma_wait3A_492] : memref<100000x64xf32, #tpu.memory_space<hbm>> -> memref<128x64xf32, #tpu.memory_space<hbm>>
      tpu.wait_dma2 semaphore(%arg14 : memref<!tpu.dma_semaphore, #tpu.memory_space<semaphore_mem>>) src(%dma_wait3A_493 : memref<128x64xf32, #tpu.memory_space<hbm>>) dst(%dma_wait3A_490 : memref<128x64xf32, #tpu.memory_space<vmem>>)
      %dma_wait3A_494 = arith.constant 384 : i32
      %dma_wait3A_495 = arith.constant 0 : i32
      %dma_wait3A_496 = tpu.memref_slice %arg13[%dma_wait3A_494, %dma_wait3A_495] : memref<512x16xf32, #tpu.memory_space<vmem>> -> memref<128x16xf32, #tpu.memory_space<vmem>>
      %dma_wait3A_497 = arith.constant 0 : i32
      %dma_wait3A_498 = arith.constant 0 : i32
      %dma_wait3A_499 = tpu.memref_slice %arg3[%dma_wait3A_497, %dma_wait3A_498] : memref<65536x16xf32, #tpu.memory_space<hbm>> -> memref<128x16xf32, #tpu.memory_space<hbm>>
      %dma_wait3A_500 = arith.constant 384 : i32
      %dma_wait3A_501 = arith.constant 0 : i32
      %dma_wait3A_502 = tpu.memref_slice %arg13[%dma_wait3A_500, %dma_wait3A_501] : memref<512x16xf32, #tpu.memory_space<vmem>> -> memref<128x16xf32, #tpu.memory_space<vmem>>
      %dma_wait3A_503 = arith.constant 0 : i32
      %dma_wait3A_504 = arith.constant 0 : i32
      %dma_wait3A_505 = tpu.memref_slice %arg3[%dma_wait3A_503, %dma_wait3A_504] : memref<65536x16xf32, #tpu.memory_space<hbm>> -> memref<128x16xf32, #tpu.memory_space<hbm>>
      tpu.wait_dma2 semaphore(%arg14 : memref<!tpu.dma_semaphore, #tpu.memory_space<semaphore_mem>>) src(%dma_wait3A_505 : memref<128x16xf32, #tpu.memory_space<hbm>>) dst(%dma_wait3A_502 : memref<128x16xf32, #tpu.memory_space<vmem>>)
      %mul3A_506 = arith.constant 2 : i32
      %mul3A_507 = arith.muli %mul3A_506, %scan3A_89 : i32
      %add3A_508 = arith.constant 1 : i32
      %add3A_509 = arith.addi %mul3A_507, %add3A_508 : i32
      %mul3A_510 = arith.constant 2048 : i32
      %mul3A_511 = arith.muli %add3A, %mul3A_510 : i32
      %mul3A_512 = arith.constant 512 : i32
      %mul3A_513 = arith.muli %add3A_509, %mul3A_512 : i32
      %add3A_514 = arith.addi %mul3A_511, %mul3A_513 : i32
      %jit3A_515 = arith.constant 2048 : i32
      %div3A_516 = arith.divsi %add3A_514, %jit3A_515 : i32
      %sign3A_517 = arith.constant 0 : i32
      %sign3A_518 = arith.cmpi sgt, %add3A_514, %sign3A_517 : i32
      %sign3A_519 = arith.extui %sign3A_518 : i1 to i32
      %sign3A_520 = arith.constant 0 : i32
      %sign3A_521 = arith.cmpi slt, %add3A_514, %sign3A_520 : i32
      %sign3A_522 = arith.extui %sign3A_521 : i1 to i32
      %sign3A_523 = arith.subi %sign3A_519, %sign3A_522 : i32
      %sign3A_524 = arith.constant 0 : i32
      %sign3A_525 = arith.cmpi sgt, %jit3A_515, %sign3A_524 : i32
      %sign3A_526 = arith.extui %sign3A_525 : i1 to i32
      %sign3A_527 = arith.constant 0 : i32
      %sign3A_528 = arith.cmpi slt, %jit3A_515, %sign3A_527 : i32
      %sign3A_529 = arith.extui %sign3A_528 : i1 to i32
      %sign3A_530 = arith.subi %sign3A_526, %sign3A_529 : i32
      %ne3A_531 = arith.cmpi ne, %sign3A_523, %sign3A_530 : i32
      %rem3A_532 = arith.remsi %add3A_514, %jit3A_515 : i32
      %ne3A_533 = arith.constant 0 : i32
      %ne3A_534 = arith.cmpi ne, %rem3A_532, %ne3A_533 : i32
      %and3A_535 = arith.andi %ne3A_531, %ne3A_534 : i1
      %sub3A_536 = arith.constant 1 : i32
      %sub3A_537 = arith.subi %div3A_516, %sub3A_536 : i32
      %select_n3A_538 = arith.select %and3A_535, %sub3A_537, %div3A_516 : i32
      %jit3A_539 = arith.constant 2048 : i32
      %eq3A_540 = arith.constant 0 : i32
      %eq3A_541 = arith.cmpi eq, %jit3A_539, %eq3A_540 : i32
      %jit3A_542 = arith.constant 1 : i32
      %select_n3A_543 = arith.select %eq3A_541, %jit3A_542, %jit3A_539 : i32
      %rem3A_544 = arith.remsi %add3A_514, %select_n3A_543 : i32
      %ne3A_545 = arith.constant 0 : i32
      %ne3A_546 = arith.cmpi ne, %rem3A_544, %ne3A_545 : i32
      %lt3A_547 = arith.constant 0 : i32
      %lt3A_548 = arith.cmpi slt, %rem3A_544, %lt3A_547 : i32
      %lt3A_549 = arith.constant 0 : i32
      %lt3A_550 = arith.cmpi slt, %select_n3A_543, %lt3A_549 : i32
      %ne3A_551 = arith.xori %lt3A_548, %lt3A_550 : i1
      %and3A_552 = arith.andi %ne3A_551, %ne3A_546 : i1
      %add3A_553 = arith.addi %rem3A_544, %select_n3A_543 : i32
      %select_n3A_554 = arith.select %and3A_552, %add3A_553, %rem3A_544 : i32
      %mul3A_555 = arith.constant 1024 : i32
      %mul3A_556 = arith.muli %select_n3A_538, %mul3A_555 : i32
      %jit3A_557 = arith.constant 1024 : i32
      %eq3A_558 = arith.constant 0 : i32
      %eq3A_559 = arith.cmpi eq, %jit3A_557, %eq3A_558 : i32
      %jit3A_560 = arith.constant 1 : i32
      %select_n3A_561 = arith.select %eq3A_559, %jit3A_560, %jit3A_557 : i32
      %rem3A_562 = arith.remsi %select_n3A_554, %select_n3A_561 : i32
      %ne3A_563 = arith.constant 0 : i32
      %ne3A_564 = arith.cmpi ne, %rem3A_562, %ne3A_563 : i32
      %lt3A_565 = arith.constant 0 : i32
      %lt3A_566 = arith.cmpi slt, %rem3A_562, %lt3A_565 : i32
      %lt3A_567 = arith.constant 0 : i32
      %lt3A_568 = arith.cmpi slt, %select_n3A_561, %lt3A_567 : i32
      %ne3A_569 = arith.xori %lt3A_566, %lt3A_568 : i1
      %and3A_570 = arith.andi %ne3A_569, %ne3A_564 : i1
      %add3A_571 = arith.addi %rem3A_562, %select_n3A_561 : i32
      %select_n3A_572 = arith.select %and3A_570, %add3A_571, %rem3A_562 : i32
      %add3A_573 = arith.addi %mul3A_556, %select_n3A_572 : i32
      %jit3A_574 = arith.constant 1024 : i32
      %div3A_575 = arith.divsi %select_n3A_554, %jit3A_574 : i32
      %sign3A_576 = arith.constant 0 : i32
      %sign3A_577 = arith.cmpi sgt, %select_n3A_554, %sign3A_576 : i32
      %sign3A_578 = arith.extui %sign3A_577 : i1 to i32
      %sign3A_579 = arith.constant 0 : i32
      %sign3A_580 = arith.cmpi slt, %select_n3A_554, %sign3A_579 : i32
      %sign3A_581 = arith.extui %sign3A_580 : i1 to i32
      %sign3A_582 = arith.subi %sign3A_578, %sign3A_581 : i32
      %sign3A_583 = arith.constant 0 : i32
      %sign3A_584 = arith.cmpi sgt, %jit3A_574, %sign3A_583 : i32
      %sign3A_585 = arith.extui %sign3A_584 : i1 to i32
      %sign3A_586 = arith.constant 0 : i32
      %sign3A_587 = arith.cmpi slt, %jit3A_574, %sign3A_586 : i32
      %sign3A_588 = arith.extui %sign3A_587 : i1 to i32
      %sign3A_589 = arith.subi %sign3A_585, %sign3A_588 : i32
      %ne3A_590 = arith.cmpi ne, %sign3A_582, %sign3A_589 : i32
      %rem3A_591 = arith.remsi %select_n3A_554, %jit3A_574 : i32
      %ne3A_592 = arith.constant 0 : i32
      %ne3A_593 = arith.cmpi ne, %rem3A_591, %ne3A_592 : i32
      %and3A_594 = arith.andi %ne3A_590, %ne3A_593 : i1
      %sub3A_595 = arith.constant 1 : i32
      %sub3A_596 = arith.subi %div3A_575, %sub3A_595 : i32
      %select_n3A_597 = arith.select %and3A_594, %sub3A_596, %div3A_575 : i32
      %mul3A_598 = arith.constant 64 : i32
      %mul3A_599 = arith.muli %select_n3A_597, %mul3A_598 : i32
      "tpu.region"() ({
        %run_scoped3A = tpu.sem_alloc : memref<!tpu.dma_semaphore, #tpu.memory_space<semaphore_mem>>
        %dma_start3A_632 = tpu.memref_slice %arg6[%add3A_573, %mul3A_599] : memref<32768x128xf32, #tpu.memory_space<hbm>> -> memref<512x64xf32, #tpu.memory_space<hbm>>
        %dma_start3A_633 = tpu.memref_slice %arg6[%add3A_573, %mul3A_599] : memref<32768x128xf32, #tpu.memory_space<hbm>> -> memref<512x64xf32, #tpu.memory_space<hbm>>
        tpu.enqueue_dma source(%arg11 : memref<512x64xf32, #tpu.memory_space<vmem>>) target(%dma_start3A_633 : memref<512x64xf32, #tpu.memory_space<hbm>>) target_semaphore(%run_scoped3A : memref<!tpu.dma_semaphore, #tpu.memory_space<semaphore_mem>>)
        %dma_wait3A_634 = tpu.memref_slice %arg6[%add3A_573, %mul3A_599] : memref<32768x128xf32, #tpu.memory_space<hbm>> -> memref<512x64xf32, #tpu.memory_space<hbm>>
        %dma_wait3A_635 = tpu.memref_slice %arg6[%add3A_573, %mul3A_599] : memref<32768x128xf32, #tpu.memory_space<hbm>> -> memref<512x64xf32, #tpu.memory_space<hbm>>
        tpu.wait_dma2 semaphore(%run_scoped3A : memref<!tpu.dma_semaphore, #tpu.memory_space<semaphore_mem>>) src(%arg11 : memref<512x64xf32, #tpu.memory_space<vmem>>) dst(%dma_wait3A_635 : memref<512x64xf32, #tpu.memory_space<hbm>>)
        tpu.yield
      }) : () -> ()
      %mul3A_600 = arith.constant 256 : i32
      %mul3A_601 = arith.muli %select_n3A_538, %mul3A_600 : i32
      %jit3A_602 = arith.constant 256 : i32
      %div3A_603 = arith.divsi %select_n3A_554, %jit3A_602 : i32
      %sign3A_604 = arith.constant 0 : i32
      %sign3A_605 = arith.cmpi sgt, %select_n3A_554, %sign3A_604 : i32
      %sign3A_606 = arith.extui %sign3A_605 : i1 to i32
      %sign3A_607 = arith.constant 0 : i32
      %sign3A_608 = arith.cmpi slt, %select_n3A_554, %sign3A_607 : i32
      %sign3A_609 = arith.extui %sign3A_608 : i1 to i32
      %sign3A_610 = arith.subi %sign3A_606, %sign3A_609 : i32
      %sign3A_611 = arith.constant 0 : i32
      %sign3A_612 = arith.cmpi sgt, %jit3A_602, %sign3A_611 : i32
      %sign3A_613 = arith.extui %sign3A_612 : i1 to i32
      %sign3A_614 = arith.constant 0 : i32
      %sign3A_615 = arith.cmpi slt, %jit3A_602, %sign3A_614 : i32
      %sign3A_616 = arith.extui %sign3A_615 : i1 to i32
      %sign3A_617 = arith.subi %sign3A_613, %sign3A_616 : i32
      %ne3A_618 = arith.cmpi ne, %sign3A_610, %sign3A_617 : i32
      %rem3A_619 = arith.remsi %select_n3A_554, %jit3A_602 : i32
      %ne3A_620 = arith.constant 0 : i32
      %ne3A_621 = arith.cmpi ne, %rem3A_619, %ne3A_620 : i32
      %and3A_622 = arith.andi %ne3A_618, %ne3A_621 : i1
      %sub3A_623 = arith.constant 1 : i32
      %sub3A_624 = arith.subi %div3A_603, %sub3A_623 : i32
      %select_n3A_625 = arith.select %and3A_622, %sub3A_624, %div3A_603 : i32
      %mul3A_626 = arith.constant 16 : i32
      %mul3A_627 = arith.muli %select_n3A_625, %mul3A_626 : i32
      "tpu.region"() ({
        %run_scoped3A = tpu.sem_alloc : memref<!tpu.dma_semaphore, #tpu.memory_space<semaphore_mem>>
        %dma_start3A_632 = arith.constant 0 : i32
        %dma_start3A_633 = arith.constant 0 : i32
        %dma_start3A_634 = tpu.memref_slice %arg13[%dma_start3A_632, %dma_start3A_633] : memref<512x16xf32, #tpu.memory_space<vmem>> -> memref<256x16xf32, #tpu.memory_space<vmem>>
        %dma_start3A_635 = tpu.memref_slice %arg7[%mul3A_601, %mul3A_627] : memref<8192x128xf32, #tpu.memory_space<hbm>> -> memref<256x16xf32, #tpu.memory_space<hbm>>
        %dma_start3A_636 = tpu.memref_slice %arg7[%mul3A_601, %mul3A_627] : memref<8192x128xf32, #tpu.memory_space<hbm>> -> memref<256x16xf32, #tpu.memory_space<hbm>>
        %dma_start3A_637 = arith.constant 0 : i32
        %dma_start3A_638 = arith.constant 0 : i32
        %dma_start3A_639 = tpu.memref_slice %arg13[%dma_start3A_637, %dma_start3A_638] : memref<512x16xf32, #tpu.memory_space<vmem>> -> memref<256x16xf32, #tpu.memory_space<vmem>>
        tpu.enqueue_dma source(%dma_start3A_639 : memref<256x16xf32, #tpu.memory_space<vmem>>) target(%dma_start3A_636 : memref<256x16xf32, #tpu.memory_space<hbm>>) target_semaphore(%run_scoped3A : memref<!tpu.dma_semaphore, #tpu.memory_space<semaphore_mem>>)
        %dma_wait3A_640 = arith.constant 0 : i32
        %dma_wait3A_641 = arith.constant 0 : i32
        %dma_wait3A_642 = tpu.memref_slice %arg13[%dma_wait3A_640, %dma_wait3A_641] : memref<512x16xf32, #tpu.memory_space<vmem>> -> memref<256x16xf32, #tpu.memory_space<vmem>>
        %dma_wait3A_643 = tpu.memref_slice %arg7[%mul3A_601, %mul3A_627] : memref<8192x128xf32, #tpu.memory_space<hbm>> -> memref<256x16xf32, #tpu.memory_space<hbm>>
        %dma_wait3A_644 = tpu.memref_slice %arg7[%mul3A_601, %mul3A_627] : memref<8192x128xf32, #tpu.memory_space<hbm>> -> memref<256x16xf32, #tpu.memory_space<hbm>>
        %dma_wait3A_645 = arith.constant 0 : i32
        %dma_wait3A_646 = arith.constant 0 : i32
        %dma_wait3A_647 = tpu.memref_slice %arg13[%dma_wait3A_645, %dma_wait3A_646] : memref<512x16xf32, #tpu.memory_space<vmem>> -> memref<256x16xf32, #tpu.memory_space<vmem>>
        tpu.wait_dma2 semaphore(%run_scoped3A : memref<!tpu.dma_semaphore, #tpu.memory_space<semaphore_mem>>) src(%dma_wait3A_647 : memref<256x16xf32, #tpu.memory_space<vmem>>) dst(%dma_wait3A_644 : memref<256x16xf32, #tpu.memory_space<hbm>>)
        tpu.yield
      }) : () -> ()
      %add3A_628 = arith.constant 1 : i32
      %add3A_629 = arith.addi %select_n3A_625, %add3A_628 : i32
      %mul3A_630 = arith.constant 16 : i32
      %mul3A_631 = arith.muli %add3A_629, %mul3A_630 : i32
      "tpu.region"() ({
        %run_scoped3A = tpu.sem_alloc : memref<!tpu.dma_semaphore, #tpu.memory_space<semaphore_mem>>
        %dma_start3A_632 = arith.constant 256 : i32
        %dma_start3A_633 = arith.constant 0 : i32
        %dma_start3A_634 = tpu.memref_slice %arg13[%dma_start3A_632, %dma_start3A_633] : memref<512x16xf32, #tpu.memory_space<vmem>> -> memref<256x16xf32, #tpu.memory_space<vmem>>
        %dma_start3A_635 = tpu.memref_slice %arg7[%mul3A_601, %mul3A_631] : memref<8192x128xf32, #tpu.memory_space<hbm>> -> memref<256x16xf32, #tpu.memory_space<hbm>>
        %dma_start3A_636 = tpu.memref_slice %arg7[%mul3A_601, %mul3A_631] : memref<8192x128xf32, #tpu.memory_space<hbm>> -> memref<256x16xf32, #tpu.memory_space<hbm>>
        %dma_start3A_637 = arith.constant 256 : i32
        %dma_start3A_638 = arith.constant 0 : i32
        %dma_start3A_639 = tpu.memref_slice %arg13[%dma_start3A_637, %dma_start3A_638] : memref<512x16xf32, #tpu.memory_space<vmem>> -> memref<256x16xf32, #tpu.memory_space<vmem>>
        tpu.enqueue_dma source(%dma_start3A_639 : memref<256x16xf32, #tpu.memory_space<vmem>>) target(%dma_start3A_636 : memref<256x16xf32, #tpu.memory_space<hbm>>) target_semaphore(%run_scoped3A : memref<!tpu.dma_semaphore, #tpu.memory_space<semaphore_mem>>)
        %dma_wait3A_640 = arith.constant 256 : i32
        %dma_wait3A_641 = arith.constant 0 : i32
        %dma_wait3A_642 = tpu.memref_slice %arg13[%dma_wait3A_640, %dma_wait3A_641] : memref<512x16xf32, #tpu.memory_space<vmem>> -> memref<256x16xf32, #tpu.memory_space<vmem>>
        %dma_wait3A_643 = tpu.memref_slice %arg7[%mul3A_601, %mul3A_631] : memref<8192x128xf32, #tpu.memory_space<hbm>> -> memref<256x16xf32, #tpu.memory_space<hbm>>
        %dma_wait3A_644 = tpu.memref_slice %arg7[%mul3A_601, %mul3A_631] : memref<8192x128xf32, #tpu.memory_space<hbm>> -> memref<256x16xf32, #tpu.memory_space<hbm>>
        %dma_wait3A_645 = arith.constant 256 : i32
        %dma_wait3A_646 = arith.constant 0 : i32
        %dma_wait3A_647 = tpu.memref_slice %arg13[%dma_wait3A_645, %dma_wait3A_646] : memref<512x16xf32, #tpu.memory_space<vmem>> -> memref<256x16xf32, #tpu.memory_space<vmem>>
        tpu.wait_dma2 semaphore(%run_scoped3A : memref<!tpu.dma_semaphore, #tpu.memory_space<semaphore_mem>>) src(%dma_wait3A_647 : memref<256x16xf32, #tpu.memory_space<vmem>>) dst(%dma_wait3A_644 : memref<256x16xf32, #tpu.memory_space<hbm>>)
        tpu.yield
      }) : () -> ()
    }
    %scan3A_88 = arith.constant 2 : i32
    return
  }
}

#map = affine_map<(d0, d1) -> (0, 0)>
module attributes {stable_mosaic.version = 14 : i64} {
  func.func @_sc_gather(%arg0: i32, %arg1: i32, %arg2: memref<100000x64xf32, #tpu.memory_space<hbm>>, %arg3: memref<65536x16xf32, #tpu.memory_space<hbm>>, %arg4: memref<512x128xi32, #tpu.memory_space<hbm>>, %arg5: memref<512x128xi32, #tpu.memory_space<hbm>>, %arg6: memref<32768x128xf32, #tpu.memory_space<hbm>>, %arg7: memref<8192x128xf32, #tpu.memory_space<hbm>>, %arg8: memref<16x128xi32, #tpu.memory_space<vmem>>, %arg9: memref<16x128xi32, #tpu.memory_space<vmem>>, %arg10: memref<512x64xf32, #tpu.memory_space<vmem>>, %arg11: memref<512x64xf32, #tpu.memory_space<vmem>>, %arg12: memref<512x16xf32, #tpu.memory_space<vmem>>, %arg13: memref<512x16xf32, #tpu.memory_space<vmem>>, %arg14: memref<!tpu.dma_semaphore, #tpu.memory_space<semaphore_mem>>) attributes {dimension_semantics = [#tpu.dimension_semantics<core_parallel>, #tpu.dimension_semantics<subcore_parallel>], iteration_bounds = array<i64: 2, 16>, scalar_prefetch = 0 : i64, scratch_operands = 7 : i64, tpu.core_type = #tpu.core_type<sc_vector_subcore>, window_params = [{transform_indices = #map}, {transform_indices = #map}, {transform_indices = #map}, {transform_indices = #map}, {transform_indices = #map}, {transform_indices = #map}]} {
    %mul3A = arith.constant 2 : i32
    %mul3A_0 = arith.muli %arg1, %mul3A : i32
    %add3A = arith.addi %mul3A_0, %arg0 : i32
    %mul3A_1 = arith.constant 16 : i32
    %mul3A_2 = arith.muli %add3A, %mul3A_1 : i32
    "tpu.region"() ({
      %run_scoped3A = tpu.sem_alloc : memref<!tpu.dma_semaphore, #tpu.memory_space<semaphore_mem>>
      %dma_start3A_89 = arith.constant 0 : i32
      %dma_start3A_90 = tpu.memref_slice %arg4[%mul3A_2, %dma_start3A_89] : memref<512x128xi32, #tpu.memory_space<hbm>> -> memref<16x128xi32, #tpu.memory_space<hbm>>
      %dma_start3A_91 = arith.constant 0 : i32
      %dma_start3A_92 = tpu.memref_slice %arg4[%mul3A_2, %dma_start3A_91] : memref<512x128xi32, #tpu.memory_space<hbm>> -> memref<16x128xi32, #tpu.memory_space<hbm>>
      tpu.enqueue_dma source(%dma_start3A_92 : memref<16x128xi32, #tpu.memory_space<hbm>>) target(%arg8 : memref<16x128xi32, #tpu.memory_space<vmem>>) target_semaphore(%run_scoped3A : memref<!tpu.dma_semaphore, #tpu.memory_space<semaphore_mem>>)
      %dma_wait3A = arith.constant 0 : i32
      %dma_wait3A_93 = tpu.memref_slice %arg4[%mul3A_2, %dma_wait3A] : memref<512x128xi32, #tpu.memory_space<hbm>> -> memref<16x128xi32, #tpu.memory_space<hbm>>
      %dma_wait3A_94 = arith.constant 0 : i32
      %dma_wait3A_95 = tpu.memref_slice %arg4[%mul3A_2, %dma_wait3A_94] : memref<512x128xi32, #tpu.memory_space<hbm>> -> memref<16x128xi32, #tpu.memory_space<hbm>>
      tpu.wait_dma2 semaphore(%run_scoped3A : memref<!tpu.dma_semaphore, #tpu.memory_space<semaphore_mem>>) src(%dma_wait3A_95 : memref<16x128xi32, #tpu.memory_space<hbm>>) dst(%arg8 : memref<16x128xi32, #tpu.memory_space<vmem>>)
      tpu.yield
    }) : () -> ()
    %mul3A_3 = arith.constant 16 : i32
    %mul3A_4 = arith.muli %add3A, %mul3A_3 : i32
    "tpu.region"() ({
      %run_scoped3A = tpu.sem_alloc : memref<!tpu.dma_semaphore, #tpu.memory_space<semaphore_mem>>
      %dma_start3A_89 = arith.constant 0 : i32
      %dma_start3A_90 = tpu.memref_slice %arg5[%mul3A_4, %dma_start3A_89] : memref<512x128xi32, #tpu.memory_space<hbm>> -> memref<16x128xi32, #tpu.memory_space<hbm>>
      %dma_start3A_91 = arith.constant 0 : i32
      %dma_start3A_92 = tpu.memref_slice %arg5[%mul3A_4, %dma_start3A_91] : memref<512x128xi32, #tpu.memory_space<hbm>> -> memref<16x128xi32, #tpu.memory_space<hbm>>
      tpu.enqueue_dma source(%dma_start3A_92 : memref<16x128xi32, #tpu.memory_space<hbm>>) target(%arg9 : memref<16x128xi32, #tpu.memory_space<vmem>>) target_semaphore(%run_scoped3A : memref<!tpu.dma_semaphore, #tpu.memory_space<semaphore_mem>>)
      %dma_wait3A = arith.constant 0 : i32
      %dma_wait3A_93 = tpu.memref_slice %arg5[%mul3A_4, %dma_wait3A] : memref<512x128xi32, #tpu.memory_space<hbm>> -> memref<16x128xi32, #tpu.memory_space<hbm>>
      %dma_wait3A_94 = arith.constant 0 : i32
      %dma_wait3A_95 = tpu.memref_slice %arg5[%mul3A_4, %dma_wait3A_94] : memref<512x128xi32, #tpu.memory_space<hbm>> -> memref<16x128xi32, #tpu.memory_space<hbm>>
      tpu.wait_dma2 semaphore(%run_scoped3A : memref<!tpu.dma_semaphore, #tpu.memory_space<semaphore_mem>>) src(%dma_wait3A_95 : memref<16x128xi32, #tpu.memory_space<hbm>>) dst(%arg9 : memref<16x128xi32, #tpu.memory_space<vmem>>)
      tpu.yield
    }) : () -> ()
    %dma_start3A = arith.constant 0 : i32
    %dma_start3A_5 = arith.constant 0 : i32
    %dma_start3A_6 = arith.constant 0 : i32
    %dma_start3A_7 = tpu.memref_slice %arg10[%dma_start3A_5, %dma_start3A_6] : memref<512x64xf32, #tpu.memory_space<vmem>> -> memref<128x64xf32, #tpu.memory_space<vmem>>
    %dma_start3A_8 = arith.constant 0 : i32
    %dma_start3A_9 = tpu.memref_slice %arg8[%dma_start3A, %dma_start3A_8] : memref<16x128xi32, #tpu.memory_space<vmem>> -> memref<1x128xi32, #tpu.memory_space<vmem>>
    %dma_start3A_10 = tpu.memref_squeeze %dma_start3A_9 : memref<1x128xi32, #tpu.memory_space<vmem>> -> memref<128xi32, #tpu.memory_space<vmem>>
    %dma_start3A_11 = arith.constant 0 : i32
    %dma_start3A_12 = arith.constant 0 : i32
    %dma_start3A_13 = tpu.memref_slice %arg2[%dma_start3A_11, %dma_start3A_12] : memref<100000x64xf32, #tpu.memory_space<hbm>> -> memref<100000x64xf32, #tpu.memory_space<hbm>>
    tpu.enqueue_indirect_dma source(%dma_start3A_13 : memref<100000x64xf32, #tpu.memory_space<hbm>>) target(%dma_start3A_7 : memref<128x64xf32, #tpu.memory_space<vmem>>) offsets(%dma_start3A_10 : memref<128xi32, #tpu.memory_space<vmem>>) semaphore(%arg14 : memref<!tpu.dma_semaphore, #tpu.memory_space<semaphore_mem>>)
    %dma_start3A_14 = arith.constant 0 : i32
    %dma_start3A_15 = arith.constant 0 : i32
    %dma_start3A_16 = arith.constant 0 : i32
    %dma_start3A_17 = tpu.memref_slice %arg12[%dma_start3A_15, %dma_start3A_16] : memref<512x16xf32, #tpu.memory_space<vmem>> -> memref<128x16xf32, #tpu.memory_space<vmem>>
    %dma_start3A_18 = arith.constant 0 : i32
    %dma_start3A_19 = tpu.memref_slice %arg9[%dma_start3A_14, %dma_start3A_18] : memref<16x128xi32, #tpu.memory_space<vmem>> -> memref<1x128xi32, #tpu.memory_space<vmem>>
    %dma_start3A_20 = tpu.memref_squeeze %dma_start3A_19 : memref<1x128xi32, #tpu.memory_space<vmem>> -> memref<128xi32, #tpu.memory_space<vmem>>
    %dma_start3A_21 = arith.constant 0 : i32
    %dma_start3A_22 = arith.constant 0 : i32
    %dma_start3A_23 = tpu.memref_slice %arg3[%dma_start3A_21, %dma_start3A_22] : memref<65536x16xf32, #tpu.memory_space<hbm>> -> memref<65536x16xf32, #tpu.memory_space<hbm>>
    tpu.enqueue_indirect_dma source(%dma_start3A_23 : memref<65536x16xf32, #tpu.memory_space<hbm>>) target(%dma_start3A_17 : memref<128x16xf32, #tpu.memory_space<vmem>>) offsets(%dma_start3A_20 : memref<128xi32, #tpu.memory_space<vmem>>) semaphore(%arg14 : memref<!tpu.dma_semaphore, #tpu.memory_space<semaphore_mem>>)
    %dma_start3A_24 = arith.constant 1 : i32
    %dma_start3A_25 = arith.constant 128 : i32
    %dma_start3A_26 = arith.constant 0 : i32
    %dma_start3A_27 = tpu.memref_slice %arg10[%dma_start3A_25, %dma_start3A_26] : memref<512x64xf32, #tpu.memory_space<vmem>> -> memref<128x64xf32, #tpu.memory_space<vmem>>
    %dma_start3A_28 = arith.constant 0 : i32
    %dma_start3A_29 = tpu.memref_slice %arg8[%dma_start3A_24, %dma_start3A_28] : memref<16x128xi32, #tpu.memory_space<vmem>> -> memref<1x128xi32, #tpu.memory_space<vmem>>
    %dma_start3A_30 = tpu.memref_squeeze %dma_start3A_29 : memref<1x128xi32, #tpu.memory_space<vmem>> -> memref<128xi32, #tpu.memory_space<vmem>>
    %dma_start3A_31 = arith.constant 0 : i32
    %dma_start3A_32 = arith.constant 0 : i32
    %dma_start3A_33 = tpu.memref_slice %arg2[%dma_start3A_31, %dma_start3A_32] : memref<100000x64xf32, #tpu.memory_space<hbm>> -> memref<100000x64xf32, #tpu.memory_space<hbm>>
    tpu.enqueue_indirect_dma source(%dma_start3A_33 : memref<100000x64xf32, #tpu.memory_space<hbm>>) target(%dma_start3A_27 : memref<128x64xf32, #tpu.memory_space<vmem>>) offsets(%dma_start3A_30 : memref<128xi32, #tpu.memory_space<vmem>>) semaphore(%arg14 : memref<!tpu.dma_semaphore, #tpu.memory_space<semaphore_mem>>)
    %dma_start3A_34 = arith.constant 1 : i32
    %dma_start3A_35 = arith.constant 128 : i32
    %dma_start3A_36 = arith.constant 0 : i32
    %dma_start3A_37 = tpu.memref_slice %arg12[%dma_start3A_35, %dma_start3A_36] : memref<512x16xf32, #tpu.memory_space<vmem>> -> memref<128x16xf32, #tpu.memory_space<vmem>>
    %dma_start3A_38 = arith.constant 0 : i32
    %dma_start3A_39 = tpu.memref_slice %arg9[%dma_start3A_34, %dma_start3A_38] : memref<16x128xi32, #tpu.memory_space<vmem>> -> memref<1x128xi32, #tpu.memory_space<vmem>>
    %dma_start3A_40 = tpu.memref_squeeze %dma_start3A_39 : memref<1x128xi32, #tpu.memory_space<vmem>> -> memref<128xi32, #tpu.memory_space<vmem>>
    %dma_start3A_41 = arith.constant 0 : i32
    %dma_start3A_42 = arith.constant 0 : i32
    %dma_start3A_43 = tpu.memref_slice %arg3[%dma_start3A_41, %dma_start3A_42] : memref<65536x16xf32, #tpu.memory_space<hbm>> -> memref<65536x16xf32, #tpu.memory_space<hbm>>
    tpu.enqueue_indirect_dma source(%dma_start3A_43 : memref<65536x16xf32, #tpu.memory_space<hbm>>) target(%dma_start3A_37 : memref<128x16xf32, #tpu.memory_space<vmem>>) offsets(%dma_start3A_40 : memref<128xi32, #tpu.memory_space<vmem>>) semaphore(%arg14 : memref<!tpu.dma_semaphore, #tpu.memory_space<semaphore_mem>>)
    %dma_start3A_44 = arith.constant 2 : i32
    %dma_start3A_45 = arith.constant 256 : i32
    %dma_start3A_46 = arith.constant 0 : i32
    %dma_start3A_47 = tpu.memref_slice %arg10[%dma_start3A_45, %dma_start3A_46] : memref<512x64xf32, #tpu.memory_space<vmem>> -> memref<128x64xf32, #tpu.memory_space<vmem>>
    %dma_start3A_48 = arith.constant 0 : i32
    %dma_start3A_49 = tpu.memref_slice %arg8[%dma_start3A_44, %dma_start3A_48] : memref<16x128xi32, #tpu.memory_space<vmem>> -> memref<1x128xi32, #tpu.memory_space<vmem>>
    %dma_start3A_50 = tpu.memref_squeeze %dma_start3A_49 : memref<1x128xi32, #tpu.memory_space<vmem>> -> memref<128xi32, #tpu.memory_space<vmem>>
    %dma_start3A_51 = arith.constant 0 : i32
    %dma_start3A_52 = arith.constant 0 : i32
    %dma_start3A_53 = tpu.memref_slice %arg2[%dma_start3A_51, %dma_start3A_52] : memref<100000x64xf32, #tpu.memory_space<hbm>> -> memref<100000x64xf32, #tpu.memory_space<hbm>>
    tpu.enqueue_indirect_dma source(%dma_start3A_53 : memref<100000x64xf32, #tpu.memory_space<hbm>>) target(%dma_start3A_47 : memref<128x64xf32, #tpu.memory_space<vmem>>) offsets(%dma_start3A_50 : memref<128xi32, #tpu.memory_space<vmem>>) semaphore(%arg14 : memref<!tpu.dma_semaphore, #tpu.memory_space<semaphore_mem>>)
    %dma_start3A_54 = arith.constant 2 : i32
    %dma_start3A_55 = arith.constant 256 : i32
    %dma_start3A_56 = arith.constant 0 : i32
    %dma_start3A_57 = tpu.memref_slice %arg12[%dma_start3A_55, %dma_start3A_56] : memref<512x16xf32, #tpu.memory_space<vmem>> -> memref<128x16xf32, #tpu.memory_space<vmem>>
    %dma_start3A_58 = arith.constant 0 : i32
    %dma_start3A_59 = tpu.memref_slice %arg9[%dma_start3A_54, %dma_start3A_58] : memref<16x128xi32, #tpu.memory_space<vmem>> -> memref<1x128xi32, #tpu.memory_space<vmem>>
    %dma_start3A_60 = tpu.memref_squeeze %dma_start3A_59 : memref<1x128xi32, #tpu.memory_space<vmem>> -> memref<128xi32, #tpu.memory_space<vmem>>
    %dma_start3A_61 = arith.constant 0 : i32
    %dma_start3A_62 = arith.constant 0 : i32
    %dma_start3A_63 = tpu.memref_slice %arg3[%dma_start3A_61, %dma_start3A_62] : memref<65536x16xf32, #tpu.memory_space<hbm>> -> memref<65536x16xf32, #tpu.memory_space<hbm>>
    tpu.enqueue_indirect_dma source(%dma_start3A_63 : memref<65536x16xf32, #tpu.memory_space<hbm>>) target(%dma_start3A_57 : memref<128x16xf32, #tpu.memory_space<vmem>>) offsets(%dma_start3A_60 : memref<128xi32, #tpu.memory_space<vmem>>) semaphore(%arg14 : memref<!tpu.dma_semaphore, #tpu.memory_space<semaphore_mem>>)
    %dma_start3A_64 = arith.constant 3 : i32
    %dma_start3A_65 = arith.constant 384 : i32
    %dma_start3A_66 = arith.constant 0 : i32
    %dma_start3A_67 = tpu.memref_slice %arg10[%dma_start3A_65, %dma_start3A_66] : memref<512x64xf32, #tpu.memory_space<vmem>> -> memref<128x64xf32, #tpu.memory_space<vmem>>
    %dma_start3A_68 = arith.constant 0 : i32
    %dma_start3A_69 = tpu.memref_slice %arg8[%dma_start3A_64, %dma_start3A_68] : memref<16x128xi32, #tpu.memory_space<vmem>> -> memref<1x128xi32, #tpu.memory_space<vmem>>
    %dma_start3A_70 = tpu.memref_squeeze %dma_start3A_69 : memref<1x128xi32, #tpu.memory_space<vmem>> -> memref<128xi32, #tpu.memory_space<vmem>>
    %dma_start3A_71 = arith.constant 0 : i32
    %dma_start3A_72 = arith.constant 0 : i32
    %dma_start3A_73 = tpu.memref_slice %arg2[%dma_start3A_71, %dma_start3A_72] : memref<100000x64xf32, #tpu.memory_space<hbm>> -> memref<100000x64xf32, #tpu.memory_space<hbm>>
    tpu.enqueue_indirect_dma source(%dma_start3A_73 : memref<100000x64xf32, #tpu.memory_space<hbm>>) target(%dma_start3A_67 : memref<128x64xf32, #tpu.memory_space<vmem>>) offsets(%dma_start3A_70 : memref<128xi32, #tpu.memory_space<vmem>>) semaphore(%arg14 : memref<!tpu.dma_semaphore, #tpu.memory_space<semaphore_mem>>)
    %dma_start3A_74 = arith.constant 3 : i32
    %dma_start3A_75 = arith.constant 384 : i32
    %dma_start3A_76 = arith.constant 0 : i32
    %dma_start3A_77 = tpu.memref_slice %arg12[%dma_start3A_75, %dma_start3A_76] : memref<512x16xf32, #tpu.memory_space<vmem>> -> memref<128x16xf32, #tpu.memory_space<vmem>>
    %dma_start3A_78 = arith.constant 0 : i32
    %dma_start3A_79 = tpu.memref_slice %arg9[%dma_start3A_74, %dma_start3A_78] : memref<16x128xi32, #tpu.memory_space<vmem>> -> memref<1x128xi32, #tpu.memory_space<vmem>>
    %dma_start3A_80 = tpu.memref_squeeze %dma_start3A_79 : memref<1x128xi32, #tpu.memory_space<vmem>> -> memref<128xi32, #tpu.memory_space<vmem>>
    %dma_start3A_81 = arith.constant 0 : i32
    %dma_start3A_82 = arith.constant 0 : i32
    %dma_start3A_83 = tpu.memref_slice %arg3[%dma_start3A_81, %dma_start3A_82] : memref<65536x16xf32, #tpu.memory_space<hbm>> -> memref<65536x16xf32, #tpu.memory_space<hbm>>
    tpu.enqueue_indirect_dma source(%dma_start3A_83 : memref<65536x16xf32, #tpu.memory_space<hbm>>) target(%dma_start3A_77 : memref<128x16xf32, #tpu.memory_space<vmem>>) offsets(%dma_start3A_80 : memref<128xi32, #tpu.memory_space<vmem>>) semaphore(%arg14 : memref<!tpu.dma_semaphore, #tpu.memory_space<semaphore_mem>>)
    %scan3A = arith.constant 0 : i32
    %scan3A_84 = arith.constant 0 : i32
    %scan3A_85 = arith.constant 2 : i32
    %scan3A_86 = arith.addi %scan3A_84, %scan3A_85 : i32
    %scan3A_87 = arith.constant 1 : i32
    scf.for %scan3A_89 = %scan3A_84 to %scan3A_86 step %scan3A_87  : i32 {
      %mul3A_90 = arith.constant 2 : i32
      %mul3A_91 = arith.muli %mul3A_90, %scan3A_89 : i32
      %add3A_92 = arith.constant 1 : i32
      %add3A_93 = arith.addi %mul3A_91, %add3A_92 : i32
      %mul3A_94 = arith.constant 4 : i32
      %mul3A_95 = arith.muli %add3A_93, %mul3A_94 : i32
      %add3A_96 = arith.constant 0 : i32
      %add3A_97 = arith.addi %mul3A_95, %add3A_96 : i32
      %dma_start3A_98 = arith.constant 0 : i32
      %dma_start3A_99 = arith.constant 0 : i32
      %dma_start3A_100 = tpu.memref_slice %arg11[%dma_start3A_98, %dma_start3A_99] : memref<512x64xf32, #tpu.memory_space<vmem>> -> memref<128x64xf32, #tpu.memory_space<vmem>>
      %dma_start3A_101 = arith.constant 0 : i32
      %dma_start3A_102 = tpu.memref_slice %arg8[%add3A_97, %dma_start3A_101] : memref<16x128xi32, #tpu.memory_space<vmem>> -> memref<1x128xi32, #tpu.memory_space<vmem>>
      %dma_start3A_103 = tpu.memref_squeeze %dma_start3A_102 : memref<1x128xi32, #tpu.memory_space<vmem>> -> memref<128xi32, #tpu.memory_space<vmem>>
      %dma_start3A_104 = arith.constant 0 : i32
      %dma_start3A_105 = arith.constant 0 : i32
      %dma_start3A_106 = tpu.memref_slice %arg2[%dma_start3A_104, %dma_start3A_105] : memref<100000x64xf32, #tpu.memory_space<hbm>> -> memref<100000x64xf32, #tpu.memory_space<hbm>>
      tpu.enqueue_indirect_dma source(%dma_start3A_106 : memref<100000x64xf32, #tpu.memory_space<hbm>>) target(%dma_start3A_100 : memref<128x64xf32, #tpu.memory_space<vmem>>) offsets(%dma_start3A_103 : memref<128xi32, #tpu.memory_space<vmem>>) semaphore(%arg14 : memref<!tpu.dma_semaphore, #tpu.memory_space<semaphore_mem>>)
      %mul3A_107 = arith.constant 4 : i32
      %mul3A_108 = arith.muli %add3A_93, %mul3A_107 : i32
      %add3A_109 = arith.constant 0 : i32
      %add3A_110 = arith.addi %mul3A_108, %add3A_109 : i32
      %dma_start3A_111 = arith.constant 0 : i32
      %dma_start3A_112 = arith.constant 0 : i32
      %dma_start3A_113 = tpu.memref_slice %arg13[%dma_start3A_111, %dma_start3A_112] : memref<512x16xf32, #tpu.memory_space<vmem>> -> memref<128x16xf32, #tpu.memory_space<vmem>>
      %dma_start3A_114 = arith.constant 0 : i32
      %dma_start3A_115 = tpu.memref_slice %arg9[%add3A_110, %dma_start3A_114] : memref<16x128xi32, #tpu.memory_space<vmem>> -> memref<1x128xi32, #tpu.memory_space<vmem>>
      %dma_start3A_116 = tpu.memref_squeeze %dma_start3A_115 : memref<1x128xi32, #tpu.memory_space<vmem>> -> memref<128xi32, #tpu.memory_space<vmem>>
      %dma_start3A_117 = arith.constant 0 : i32
      %dma_start3A_118 = arith.constant 0 : i32
      %dma_start3A_119 = tpu.memref_slice %arg3[%dma_start3A_117, %dma_start3A_118] : memref<65536x16xf32, #tpu.memory_space<hbm>> -> memref<65536x16xf32, #tpu.memory_space<hbm>>
      tpu.enqueue_indirect_dma source(%dma_start3A_119 : memref<65536x16xf32, #tpu.memory_space<hbm>>) target(%dma_start3A_113 : memref<128x16xf32, #tpu.memory_space<vmem>>) offsets(%dma_start3A_116 : memref<128xi32, #tpu.memory_space<vmem>>) semaphore(%arg14 : memref<!tpu.dma_semaphore, #tpu.memory_space<semaphore_mem>>)
      %mul3A_120 = arith.constant 4 : i32
      %mul3A_121 = arith.muli %add3A_93, %mul3A_120 : i32
      %add3A_122 = arith.constant 1 : i32
      %add3A_123 = arith.addi %mul3A_121, %add3A_122 : i32
      %dma_start3A_124 = arith.constant 128 : i32
      %dma_start3A_125 = arith.constant 0 : i32
      %dma_start3A_126 = tpu.memref_slice %arg11[%dma_start3A_124, %dma_start3A_125] : memref<512x64xf32, #tpu.memory_space<vmem>> -> memref<128x64xf32, #tpu.memory_space<vmem>>
      %dma_start3A_127 = arith.constant 0 : i32
      %dma_start3A_128 = tpu.memref_slice %arg8[%add3A_123, %dma_start3A_127] : memref<16x128xi32, #tpu.memory_space<vmem>> -> memref<1x128xi32, #tpu.memory_space<vmem>>
      %dma_start3A_129 = tpu.memref_squeeze %dma_start3A_128 : memref<1x128xi32, #tpu.memory_space<vmem>> -> memref<128xi32, #tpu.memory_space<vmem>>
      %dma_start3A_130 = arith.constant 0 : i32
      %dma_start3A_131 = arith.constant 0 : i32
      %dma_start3A_132 = tpu.memref_slice %arg2[%dma_start3A_130, %dma_start3A_131] : memref<100000x64xf32, #tpu.memory_space<hbm>> -> memref<100000x64xf32, #tpu.memory_space<hbm>>
      tpu.enqueue_indirect_dma source(%dma_start3A_132 : memref<100000x64xf32, #tpu.memory_space<hbm>>) target(%dma_start3A_126 : memref<128x64xf32, #tpu.memory_space<vmem>>) offsets(%dma_start3A_129 : memref<128xi32, #tpu.memory_space<vmem>>) semaphore(%arg14 : memref<!tpu.dma_semaphore, #tpu.memory_space<semaphore_mem>>)
      %mul3A_133 = arith.constant 4 : i32
      %mul3A_134 = arith.muli %add3A_93, %mul3A_133 : i32
      %add3A_135 = arith.constant 1 : i32
      %add3A_136 = arith.addi %mul3A_134, %add3A_135 : i32
      %dma_start3A_137 = arith.constant 128 : i32
      %dma_start3A_138 = arith.constant 0 : i32
      %dma_start3A_139 = tpu.memref_slice %arg13[%dma_start3A_137, %dma_start3A_138] : memref<512x16xf32, #tpu.memory_space<vmem>> -> memref<128x16xf32, #tpu.memory_space<vmem>>
      %dma_start3A_140 = arith.constant 0 : i32
      %dma_start3A_141 = tpu.memref_slice %arg9[%add3A_136, %dma_start3A_140] : memref<16x128xi32, #tpu.memory_space<vmem>> -> memref<1x128xi32, #tpu.memory_space<vmem>>
      %dma_start3A_142 = tpu.memref_squeeze %dma_start3A_141 : memref<1x128xi32, #tpu.memory_space<vmem>> -> memref<128xi32, #tpu.memory_space<vmem>>
      %dma_start3A_143 = arith.constant 0 : i32
      %dma_start3A_144 = arith.constant 0 : i32
      %dma_start3A_145 = tpu.memref_slice %arg3[%dma_start3A_143, %dma_start3A_144] : memref<65536x16xf32, #tpu.memory_space<hbm>> -> memref<65536x16xf32, #tpu.memory_space<hbm>>
      tpu.enqueue_indirect_dma source(%dma_start3A_145 : memref<65536x16xf32, #tpu.memory_space<hbm>>) target(%dma_start3A_139 : memref<128x16xf32, #tpu.memory_space<vmem>>) offsets(%dma_start3A_142 : memref<128xi32, #tpu.memory_space<vmem>>) semaphore(%arg14 : memref<!tpu.dma_semaphore, #tpu.memory_space<semaphore_mem>>)
      %mul3A_146 = arith.constant 4 : i32
      %mul3A_147 = arith.muli %add3A_93, %mul3A_146 : i32
      %add3A_148 = arith.constant 2 : i32
      %add3A_149 = arith.addi %mul3A_147, %add3A_148 : i32
      %dma_start3A_150 = arith.constant 256 : i32
      %dma_start3A_151 = arith.constant 0 : i32
      %dma_start3A_152 = tpu.memref_slice %arg11[%dma_start3A_150, %dma_start3A_151] : memref<512x64xf32, #tpu.memory_space<vmem>> -> memref<128x64xf32, #tpu.memory_space<vmem>>
      %dma_start3A_153 = arith.constant 0 : i32
      %dma_start3A_154 = tpu.memref_slice %arg8[%add3A_149, %dma_start3A_153] : memref<16x128xi32, #tpu.memory_space<vmem>> -> memref<1x128xi32, #tpu.memory_space<vmem>>
      %dma_start3A_155 = tpu.memref_squeeze %dma_start3A_154 : memref<1x128xi32, #tpu.memory_space<vmem>> -> memref<128xi32, #tpu.memory_space<vmem>>
      %dma_start3A_156 = arith.constant 0 : i32
      %dma_start3A_157 = arith.constant 0 : i32
      %dma_start3A_158 = tpu.memref_slice %arg2[%dma_start3A_156, %dma_start3A_157] : memref<100000x64xf32, #tpu.memory_space<hbm>> -> memref<100000x64xf32, #tpu.memory_space<hbm>>
      tpu.enqueue_indirect_dma source(%dma_start3A_158 : memref<100000x64xf32, #tpu.memory_space<hbm>>) target(%dma_start3A_152 : memref<128x64xf32, #tpu.memory_space<vmem>>) offsets(%dma_start3A_155 : memref<128xi32, #tpu.memory_space<vmem>>) semaphore(%arg14 : memref<!tpu.dma_semaphore, #tpu.memory_space<semaphore_mem>>)
      %mul3A_159 = arith.constant 4 : i32
      %mul3A_160 = arith.muli %add3A_93, %mul3A_159 : i32
      %add3A_161 = arith.constant 2 : i32
      %add3A_162 = arith.addi %mul3A_160, %add3A_161 : i32
      %dma_start3A_163 = arith.constant 256 : i32
      %dma_start3A_164 = arith.constant 0 : i32
      %dma_start3A_165 = tpu.memref_slice %arg13[%dma_start3A_163, %dma_start3A_164] : memref<512x16xf32, #tpu.memory_space<vmem>> -> memref<128x16xf32, #tpu.memory_space<vmem>>
      %dma_start3A_166 = arith.constant 0 : i32
      %dma_start3A_167 = tpu.memref_slice %arg9[%add3A_162, %dma_start3A_166] : memref<16x128xi32, #tpu.memory_space<vmem>> -> memref<1x128xi32, #tpu.memory_space<vmem>>
      %dma_start3A_168 = tpu.memref_squeeze %dma_start3A_167 : memref<1x128xi32, #tpu.memory_space<vmem>> -> memref<128xi32, #tpu.memory_space<vmem>>
      %dma_start3A_169 = arith.constant 0 : i32
      %dma_start3A_170 = arith.constant 0 : i32
      %dma_start3A_171 = tpu.memref_slice %arg3[%dma_start3A_169, %dma_start3A_170] : memref<65536x16xf32, #tpu.memory_space<hbm>> -> memref<65536x16xf32, #tpu.memory_space<hbm>>
      tpu.enqueue_indirect_dma source(%dma_start3A_171 : memref<65536x16xf32, #tpu.memory_space<hbm>>) target(%dma_start3A_165 : memref<128x16xf32, #tpu.memory_space<vmem>>) offsets(%dma_start3A_168 : memref<128xi32, #tpu.memory_space<vmem>>) semaphore(%arg14 : memref<!tpu.dma_semaphore, #tpu.memory_space<semaphore_mem>>)
      %mul3A_172 = arith.constant 4 : i32
      %mul3A_173 = arith.muli %add3A_93, %mul3A_172 : i32
      %add3A_174 = arith.constant 3 : i32
      %add3A_175 = arith.addi %mul3A_173, %add3A_174 : i32
      %dma_start3A_176 = arith.constant 384 : i32
      %dma_start3A_177 = arith.constant 0 : i32
      %dma_start3A_178 = tpu.memref_slice %arg11[%dma_start3A_176, %dma_start3A_177] : memref<512x64xf32, #tpu.memory_space<vmem>> -> memref<128x64xf32, #tpu.memory_space<vmem>>
      %dma_start3A_179 = arith.constant 0 : i32
      %dma_start3A_180 = tpu.memref_slice %arg8[%add3A_175, %dma_start3A_179] : memref<16x128xi32, #tpu.memory_space<vmem>> -> memref<1x128xi32, #tpu.memory_space<vmem>>
      %dma_start3A_181 = tpu.memref_squeeze %dma_start3A_180 : memref<1x128xi32, #tpu.memory_space<vmem>> -> memref<128xi32, #tpu.memory_space<vmem>>
      %dma_start3A_182 = arith.constant 0 : i32
      %dma_start3A_183 = arith.constant 0 : i32
      %dma_start3A_184 = tpu.memref_slice %arg2[%dma_start3A_182, %dma_start3A_183] : memref<100000x64xf32, #tpu.memory_space<hbm>> -> memref<100000x64xf32, #tpu.memory_space<hbm>>
      tpu.enqueue_indirect_dma source(%dma_start3A_184 : memref<100000x64xf32, #tpu.memory_space<hbm>>) target(%dma_start3A_178 : memref<128x64xf32, #tpu.memory_space<vmem>>) offsets(%dma_start3A_181 : memref<128xi32, #tpu.memory_space<vmem>>) semaphore(%arg14 : memref<!tpu.dma_semaphore, #tpu.memory_space<semaphore_mem>>)
      %mul3A_185 = arith.constant 4 : i32
      %mul3A_186 = arith.muli %add3A_93, %mul3A_185 : i32
      %add3A_187 = arith.constant 3 : i32
      %add3A_188 = arith.addi %mul3A_186, %add3A_187 : i32
      %dma_start3A_189 = arith.constant 384 : i32
      %dma_start3A_190 = arith.constant 0 : i32
      %dma_start3A_191 = tpu.memref_slice %arg13[%dma_start3A_189, %dma_start3A_190] : memref<512x16xf32, #tpu.memory_space<vmem>> -> memref<128x16xf32, #tpu.memory_space<vmem>>
      %dma_start3A_192 = arith.constant 0 : i32
      %dma_start3A_193 = tpu.memref_slice %arg9[%add3A_188, %dma_start3A_192] : memref<16x128xi32, #tpu.memory_space<vmem>> -> memref<1x128xi32, #tpu.memory_space<vmem>>
      %dma_start3A_194 = tpu.memref_squeeze %dma_start3A_193 : memref<1x128xi32, #tpu.memory_space<vmem>> -> memref<128xi32, #tpu.memory_space<vmem>>
      %dma_start3A_195 = arith.constant 0 : i32
      %dma_start3A_196 = arith.constant 0 : i32
      %dma_start3A_197 = tpu.memref_slice %arg3[%dma_start3A_195, %dma_start3A_196] : memref<65536x16xf32, #tpu.memory_space<hbm>> -> memref<65536x16xf32, #tpu.memory_space<hbm>>
      tpu.enqueue_indirect_dma source(%dma_start3A_197 : memref<65536x16xf32, #tpu.memory_space<hbm>>) target(%dma_start3A_191 : memref<128x16xf32, #tpu.memory_space<vmem>>) offsets(%dma_start3A_194 : memref<128xi32, #tpu.memory_space<vmem>>) semaphore(%arg14 : memref<!tpu.dma_semaphore, #tpu.memory_space<semaphore_mem>>)
      %dma_wait3A = arith.constant 0 : i32
      %dma_wait3A_198 = arith.constant 0 : i32
      %dma_wait3A_199 = tpu.memref_slice %arg10[%dma_wait3A, %dma_wait3A_198] : memref<512x64xf32, #tpu.memory_space<vmem>> -> memref<128x64xf32, #tpu.memory_space<vmem>>
      %dma_wait3A_200 = arith.constant 0 : i32
      %dma_wait3A_201 = arith.constant 0 : i32
      %dma_wait3A_202 = tpu.memref_slice %arg2[%dma_wait3A_200, %dma_wait3A_201] : memref<100000x64xf32, #tpu.memory_space<hbm>> -> memref<128x64xf32, #tpu.memory_space<hbm>>
      %dma_wait3A_203 = arith.constant 0 : i32
      %dma_wait3A_204 = arith.constant 0 : i32
      %dma_wait3A_205 = tpu.memref_slice %arg10[%dma_wait3A_203, %dma_wait3A_204] : memref<512x64xf32, #tpu.memory_space<vmem>> -> memref<128x64xf32, #tpu.memory_space<vmem>>
      %dma_wait3A_206 = arith.constant 0 : i32
      %dma_wait3A_207 = arith.constant 0 : i32
      %dma_wait3A_208 = tpu.memref_slice %arg2[%dma_wait3A_206, %dma_wait3A_207] : memref<100000x64xf32, #tpu.memory_space<hbm>> -> memref<128x64xf32, #tpu.memory_space<hbm>>
      tpu.wait_dma2 semaphore(%arg14 : memref<!tpu.dma_semaphore, #tpu.memory_space<semaphore_mem>>) src(%dma_wait3A_208 : memref<128x64xf32, #tpu.memory_space<hbm>>) dst(%dma_wait3A_205 : memref<128x64xf32, #tpu.memory_space<vmem>>)
      %dma_wait3A_209 = arith.constant 0 : i32
      %dma_wait3A_210 = arith.constant 0 : i32
      %dma_wait3A_211 = tpu.memref_slice %arg12[%dma_wait3A_209, %dma_wait3A_210] : memref<512x16xf32, #tpu.memory_space<vmem>> -> memref<128x16xf32, #tpu.memory_space<vmem>>
      %dma_wait3A_212 = arith.constant 0 : i32
      %dma_wait3A_213 = arith.constant 0 : i32
      %dma_wait3A_214 = tpu.memref_slice %arg3[%dma_wait3A_212, %dma_wait3A_213] : memref<65536x16xf32, #tpu.memory_space<hbm>> -> memref<128x16xf32, #tpu.memory_space<hbm>>
      %dma_wait3A_215 = arith.constant 0 : i32
      %dma_wait3A_216 = arith.constant 0 : i32
      %dma_wait3A_217 = tpu.memref_slice %arg12[%dma_wait3A_215, %dma_wait3A_216] : memref<512x16xf32, #tpu.memory_space<vmem>> -> memref<128x16xf32, #tpu.memory_space<vmem>>
      %dma_wait3A_218 = arith.constant 0 : i32
      %dma_wait3A_219 = arith.constant 0 : i32
      %dma_wait3A_220 = tpu.memref_slice %arg3[%dma_wait3A_218, %dma_wait3A_219] : memref<65536x16xf32, #tpu.memory_space<hbm>> -> memref<128x16xf32, #tpu.memory_space<hbm>>
      tpu.wait_dma2 semaphore(%arg14 : memref<!tpu.dma_semaphore, #tpu.memory_space<semaphore_mem>>) src(%dma_wait3A_220 : memref<128x16xf32, #tpu.memory_space<hbm>>) dst(%dma_wait3A_217 : memref<128x16xf32, #tpu.memory_space<vmem>>)
      %dma_wait3A_221 = arith.constant 128 : i32
      %dma_wait3A_222 = arith.constant 0 : i32
      %dma_wait3A_223 = tpu.memref_slice %arg10[%dma_wait3A_221, %dma_wait3A_222] : memref<512x64xf32, #tpu.memory_space<vmem>> -> memref<128x64xf32, #tpu.memory_space<vmem>>
      %dma_wait3A_224 = arith.constant 0 : i32
      %dma_wait3A_225 = arith.constant 0 : i32
      %dma_wait3A_226 = tpu.memref_slice %arg2[%dma_wait3A_224, %dma_wait3A_225] : memref<100000x64xf32, #tpu.memory_space<hbm>> -> memref<128x64xf32, #tpu.memory_space<hbm>>
      %dma_wait3A_227 = arith.constant 128 : i32
      %dma_wait3A_228 = arith.constant 0 : i32
      %dma_wait3A_229 = tpu.memref_slice %arg10[%dma_wait3A_227, %dma_wait3A_228] : memref<512x64xf32, #tpu.memory_space<vmem>> -> memref<128x64xf32, #tpu.memory_space<vmem>>
      %dma_wait3A_230 = arith.constant 0 : i32
      %dma_wait3A_231 = arith.constant 0 : i32
      %dma_wait3A_232 = tpu.memref_slice %arg2[%dma_wait3A_230, %dma_wait3A_231] : memref<100000x64xf32, #tpu.memory_space<hbm>> -> memref<128x64xf32, #tpu.memory_space<hbm>>
      tpu.wait_dma2 semaphore(%arg14 : memref<!tpu.dma_semaphore, #tpu.memory_space<semaphore_mem>>) src(%dma_wait3A_232 : memref<128x64xf32, #tpu.memory_space<hbm>>) dst(%dma_wait3A_229 : memref<128x64xf32, #tpu.memory_space<vmem>>)
      %dma_wait3A_233 = arith.constant 128 : i32
      %dma_wait3A_234 = arith.constant 0 : i32
      %dma_wait3A_235 = tpu.memref_slice %arg12[%dma_wait3A_233, %dma_wait3A_234] : memref<512x16xf32, #tpu.memory_space<vmem>> -> memref<128x16xf32, #tpu.memory_space<vmem>>
      %dma_wait3A_236 = arith.constant 0 : i32
      %dma_wait3A_237 = arith.constant 0 : i32
      %dma_wait3A_238 = tpu.memref_slice %arg3[%dma_wait3A_236, %dma_wait3A_237] : memref<65536x16xf32, #tpu.memory_space<hbm>> -> memref<128x16xf32, #tpu.memory_space<hbm>>
      %dma_wait3A_239 = arith.constant 128 : i32
      %dma_wait3A_240 = arith.constant 0 : i32
      %dma_wait3A_241 = tpu.memref_slice %arg12[%dma_wait3A_239, %dma_wait3A_240] : memref<512x16xf32, #tpu.memory_space<vmem>> -> memref<128x16xf32, #tpu.memory_space<vmem>>
      %dma_wait3A_242 = arith.constant 0 : i32
      %dma_wait3A_243 = arith.constant 0 : i32
      %dma_wait3A_244 = tpu.memref_slice %arg3[%dma_wait3A_242, %dma_wait3A_243] : memref<65536x16xf32, #tpu.memory_space<hbm>> -> memref<128x16xf32, #tpu.memory_space<hbm>>
      tpu.wait_dma2 semaphore(%arg14 : memref<!tpu.dma_semaphore, #tpu.memory_space<semaphore_mem>>) src(%dma_wait3A_244 : memref<128x16xf32, #tpu.memory_space<hbm>>) dst(%dma_wait3A_241 : memref<128x16xf32, #tpu.memory_space<vmem>>)
      %dma_wait3A_245 = arith.constant 256 : i32
      %dma_wait3A_246 = arith.constant 0 : i32
      %dma_wait3A_247 = tpu.memref_slice %arg10[%dma_wait3A_245, %dma_wait3A_246] : memref<512x64xf32, #tpu.memory_space<vmem>> -> memref<128x64xf32, #tpu.memory_space<vmem>>
      %dma_wait3A_248 = arith.constant 0 : i32
      %dma_wait3A_249 = arith.constant 0 : i32
      %dma_wait3A_250 = tpu.memref_slice %arg2[%dma_wait3A_248, %dma_wait3A_249] : memref<100000x64xf32, #tpu.memory_space<hbm>> -> memref<128x64xf32, #tpu.memory_space<hbm>>
      %dma_wait3A_251 = arith.constant 256 : i32
      %dma_wait3A_252 = arith.constant 0 : i32
      %dma_wait3A_253 = tpu.memref_slice %arg10[%dma_wait3A_251, %dma_wait3A_252] : memref<512x64xf32, #tpu.memory_space<vmem>> -> memref<128x64xf32, #tpu.memory_space<vmem>>
      %dma_wait3A_254 = arith.constant 0 : i32
      %dma_wait3A_255 = arith.constant 0 : i32
      %dma_wait3A_256 = tpu.memref_slice %arg2[%dma_wait3A_254, %dma_wait3A_255] : memref<100000x64xf32, #tpu.memory_space<hbm>> -> memref<128x64xf32, #tpu.memory_space<hbm>>
      tpu.wait_dma2 semaphore(%arg14 : memref<!tpu.dma_semaphore, #tpu.memory_space<semaphore_mem>>) src(%dma_wait3A_256 : memref<128x64xf32, #tpu.memory_space<hbm>>) dst(%dma_wait3A_253 : memref<128x64xf32, #tpu.memory_space<vmem>>)
      %dma_wait3A_257 = arith.constant 256 : i32
      %dma_wait3A_258 = arith.constant 0 : i32
      %dma_wait3A_259 = tpu.memref_slice %arg12[%dma_wait3A_257, %dma_wait3A_258] : memref<512x16xf32, #tpu.memory_space<vmem>> -> memref<128x16xf32, #tpu.memory_space<vmem>>
      %dma_wait3A_260 = arith.constant 0 : i32
      %dma_wait3A_261 = arith.constant 0 : i32
      %dma_wait3A_262 = tpu.memref_slice %arg3[%dma_wait3A_260, %dma_wait3A_261] : memref<65536x16xf32, #tpu.memory_space<hbm>> -> memref<128x16xf32, #tpu.memory_space<hbm>>
      %dma_wait3A_263 = arith.constant 256 : i32
      %dma_wait3A_264 = arith.constant 0 : i32
      %dma_wait3A_265 = tpu.memref_slice %arg12[%dma_wait3A_263, %dma_wait3A_264] : memref<512x16xf32, #tpu.memory_space<vmem>> -> memref<128x16xf32, #tpu.memory_space<vmem>>
      %dma_wait3A_266 = arith.constant 0 : i32
      %dma_wait3A_267 = arith.constant 0 : i32
      %dma_wait3A_268 = tpu.memref_slice %arg3[%dma_wait3A_266, %dma_wait3A_267] : memref<65536x16xf32, #tpu.memory_space<hbm>> -> memref<128x16xf32, #tpu.memory_space<hbm>>
      tpu.wait_dma2 semaphore(%arg14 : memref<!tpu.dma_semaphore, #tpu.memory_space<semaphore_mem>>) src(%dma_wait3A_268 : memref<128x16xf32, #tpu.memory_space<hbm>>) dst(%dma_wait3A_265 : memref<128x16xf32, #tpu.memory_space<vmem>>)
      %dma_wait3A_269 = arith.constant 384 : i32
      %dma_wait3A_270 = arith.constant 0 : i32
      %dma_wait3A_271 = tpu.memref_slice %arg10[%dma_wait3A_269, %dma_wait3A_270] : memref<512x64xf32, #tpu.memory_space<vmem>> -> memref<128x64xf32, #tpu.memory_space<vmem>>
      %dma_wait3A_272 = arith.constant 0 : i32
      %dma_wait3A_273 = arith.constant 0 : i32
      %dma_wait3A_274 = tpu.memref_slice %arg2[%dma_wait3A_272, %dma_wait3A_273] : memref<100000x64xf32, #tpu.memory_space<hbm>> -> memref<128x64xf32, #tpu.memory_space<hbm>>
      %dma_wait3A_275 = arith.constant 384 : i32
      %dma_wait3A_276 = arith.constant 0 : i32
      %dma_wait3A_277 = tpu.memref_slice %arg10[%dma_wait3A_275, %dma_wait3A_276] : memref<512x64xf32, #tpu.memory_space<vmem>> -> memref<128x64xf32, #tpu.memory_space<vmem>>
      %dma_wait3A_278 = arith.constant 0 : i32
      %dma_wait3A_279 = arith.constant 0 : i32
      %dma_wait3A_280 = tpu.memref_slice %arg2[%dma_wait3A_278, %dma_wait3A_279] : memref<100000x64xf32, #tpu.memory_space<hbm>> -> memref<128x64xf32, #tpu.memory_space<hbm>>
      tpu.wait_dma2 semaphore(%arg14 : memref<!tpu.dma_semaphore, #tpu.memory_space<semaphore_mem>>) src(%dma_wait3A_280 : memref<128x64xf32, #tpu.memory_space<hbm>>) dst(%dma_wait3A_277 : memref<128x64xf32, #tpu.memory_space<vmem>>)
      %dma_wait3A_281 = arith.constant 384 : i32
      %dma_wait3A_282 = arith.constant 0 : i32
      %dma_wait3A_283 = tpu.memref_slice %arg12[%dma_wait3A_281, %dma_wait3A_282] : memref<512x16xf32, #tpu.memory_space<vmem>> -> memref<128x16xf32, #tpu.memory_space<vmem>>
      %dma_wait3A_284 = arith.constant 0 : i32
      %dma_wait3A_285 = arith.constant 0 : i32
      %dma_wait3A_286 = tpu.memref_slice %arg3[%dma_wait3A_284, %dma_wait3A_285] : memref<65536x16xf32, #tpu.memory_space<hbm>> -> memref<128x16xf32, #tpu.memory_space<hbm>>
      %dma_wait3A_287 = arith.constant 384 : i32
      %dma_wait3A_288 = arith.constant 0 : i32
      %dma_wait3A_289 = tpu.memref_slice %arg12[%dma_wait3A_287, %dma_wait3A_288] : memref<512x16xf32, #tpu.memory_space<vmem>> -> memref<128x16xf32, #tpu.memory_space<vmem>>
      %dma_wait3A_290 = arith.constant 0 : i32
      %dma_wait3A_291 = arith.constant 0 : i32
      %dma_wait3A_292 = tpu.memref_slice %arg3[%dma_wait3A_290, %dma_wait3A_291] : memref<65536x16xf32, #tpu.memory_space<hbm>> -> memref<128x16xf32, #tpu.memory_space<hbm>>
      tpu.wait_dma2 semaphore(%arg14 : memref<!tpu.dma_semaphore, #tpu.memory_space<semaphore_mem>>) src(%dma_wait3A_292 : memref<128x16xf32, #tpu.memory_space<hbm>>) dst(%dma_wait3A_289 : memref<128x16xf32, #tpu.memory_space<vmem>>)
      %mul3A_293 = arith.constant 2 : i32
      %mul3A_294 = arith.muli %mul3A_293, %scan3A_89 : i32
      %mul3A_295 = arith.constant 2048 : i32
      %mul3A_296 = arith.muli %add3A, %mul3A_295 : i32
      %mul3A_297 = arith.constant 512 : i32
      %mul3A_298 = arith.muli %mul3A_294, %mul3A_297 : i32
      %add3A_299 = arith.addi %mul3A_296, %mul3A_298 : i32
      %jit3A = arith.constant 2048 : i32
      %div3A = arith.divsi %add3A_299, %jit3A : i32
      %sign3A = arith.constant 0 : i32
      %sign3A_300 = arith.cmpi sgt, %add3A_299, %sign3A : i32
      %sign3A_301 = arith.extui %sign3A_300 : i1 to i32
      %sign3A_302 = arith.constant 0 : i32
      %sign3A_303 = arith.cmpi slt, %add3A_299, %sign3A_302 : i32
      %sign3A_304 = arith.extui %sign3A_303 : i1 to i32
      %sign3A_305 = arith.subi %sign3A_301, %sign3A_304 : i32
      %sign3A_306 = arith.constant 0 : i32
      %sign3A_307 = arith.cmpi sgt, %jit3A, %sign3A_306 : i32
      %sign3A_308 = arith.extui %sign3A_307 : i1 to i32
      %sign3A_309 = arith.constant 0 : i32
      %sign3A_310 = arith.cmpi slt, %jit3A, %sign3A_309 : i32
      %sign3A_311 = arith.extui %sign3A_310 : i1 to i32
      %sign3A_312 = arith.subi %sign3A_308, %sign3A_311 : i32
      %ne3A = arith.cmpi ne, %sign3A_305, %sign3A_312 : i32
      %rem3A = arith.remsi %add3A_299, %jit3A : i32
      %ne3A_313 = arith.constant 0 : i32
      %ne3A_314 = arith.cmpi ne, %rem3A, %ne3A_313 : i32
      %and3A = arith.andi %ne3A, %ne3A_314 : i1
      %sub3A = arith.constant 1 : i32
      %sub3A_315 = arith.subi %div3A, %sub3A : i32
      %select_n3A = arith.select %and3A, %sub3A_315, %div3A : i32
      %jit3A_316 = arith.constant 2048 : i32
      %eq3A = arith.constant 0 : i32
      %eq3A_317 = arith.cmpi eq, %jit3A_316, %eq3A : i32
      %jit3A_318 = arith.constant 1 : i32
      %select_n3A_319 = arith.select %eq3A_317, %jit3A_318, %jit3A_316 : i32
      %rem3A_320 = arith.remsi %add3A_299, %select_n3A_319 : i32
      %ne3A_321 = arith.constant 0 : i32
      %ne3A_322 = arith.cmpi ne, %rem3A_320, %ne3A_321 : i32
      %lt3A = arith.constant 0 : i32
      %lt3A_323 = arith.cmpi slt, %rem3A_320, %lt3A : i32
      %lt3A_324 = arith.constant 0 : i32
      %lt3A_325 = arith.cmpi slt, %select_n3A_319, %lt3A_324 : i32
      %ne3A_326 = arith.xori %lt3A_323, %lt3A_325 : i1
      %and3A_327 = arith.andi %ne3A_326, %ne3A_322 : i1
      %add3A_328 = arith.addi %rem3A_320, %select_n3A_319 : i32
      %select_n3A_329 = arith.select %and3A_327, %add3A_328, %rem3A_320 : i32
      %mul3A_330 = arith.constant 1024 : i32
      %mul3A_331 = arith.muli %select_n3A, %mul3A_330 : i32
      %jit3A_332 = arith.constant 1024 : i32
      %eq3A_333 = arith.constant 0 : i32
      %eq3A_334 = arith.cmpi eq, %jit3A_332, %eq3A_333 : i32
      %jit3A_335 = arith.constant 1 : i32
      %select_n3A_336 = arith.select %eq3A_334, %jit3A_335, %jit3A_332 : i32
      %rem3A_337 = arith.remsi %select_n3A_329, %select_n3A_336 : i32
      %ne3A_338 = arith.constant 0 : i32
      %ne3A_339 = arith.cmpi ne, %rem3A_337, %ne3A_338 : i32
      %lt3A_340 = arith.constant 0 : i32
      %lt3A_341 = arith.cmpi slt, %rem3A_337, %lt3A_340 : i32
      %lt3A_342 = arith.constant 0 : i32
      %lt3A_343 = arith.cmpi slt, %select_n3A_336, %lt3A_342 : i32
      %ne3A_344 = arith.xori %lt3A_341, %lt3A_343 : i1
      %and3A_345 = arith.andi %ne3A_344, %ne3A_339 : i1
      %add3A_346 = arith.addi %rem3A_337, %select_n3A_336 : i32
      %select_n3A_347 = arith.select %and3A_345, %add3A_346, %rem3A_337 : i32
      %add3A_348 = arith.addi %mul3A_331, %select_n3A_347 : i32
      %jit3A_349 = arith.constant 1024 : i32
      %div3A_350 = arith.divsi %select_n3A_329, %jit3A_349 : i32
      %sign3A_351 = arith.constant 0 : i32
      %sign3A_352 = arith.cmpi sgt, %select_n3A_329, %sign3A_351 : i32
      %sign3A_353 = arith.extui %sign3A_352 : i1 to i32
      %sign3A_354 = arith.constant 0 : i32
      %sign3A_355 = arith.cmpi slt, %select_n3A_329, %sign3A_354 : i32
      %sign3A_356 = arith.extui %sign3A_355 : i1 to i32
      %sign3A_357 = arith.subi %sign3A_353, %sign3A_356 : i32
      %sign3A_358 = arith.constant 0 : i32
      %sign3A_359 = arith.cmpi sgt, %jit3A_349, %sign3A_358 : i32
      %sign3A_360 = arith.extui %sign3A_359 : i1 to i32
      %sign3A_361 = arith.constant 0 : i32
      %sign3A_362 = arith.cmpi slt, %jit3A_349, %sign3A_361 : i32
      %sign3A_363 = arith.extui %sign3A_362 : i1 to i32
      %sign3A_364 = arith.subi %sign3A_360, %sign3A_363 : i32
      %ne3A_365 = arith.cmpi ne, %sign3A_357, %sign3A_364 : i32
      %rem3A_366 = arith.remsi %select_n3A_329, %jit3A_349 : i32
      %ne3A_367 = arith.constant 0 : i32
      %ne3A_368 = arith.cmpi ne, %rem3A_366, %ne3A_367 : i32
      %and3A_369 = arith.andi %ne3A_365, %ne3A_368 : i1
      %sub3A_370 = arith.constant 1 : i32
      %sub3A_371 = arith.subi %div3A_350, %sub3A_370 : i32
      %select_n3A_372 = arith.select %and3A_369, %sub3A_371, %div3A_350 : i32
      %mul3A_373 = arith.constant 64 : i32
      %mul3A_374 = arith.muli %select_n3A_372, %mul3A_373 : i32
      "tpu.region"() ({
        %run_scoped3A = tpu.sem_alloc : memref<!tpu.dma_semaphore, #tpu.memory_space<semaphore_mem>>
        %dma_start3A_632 = tpu.memref_slice %arg6[%add3A_348, %mul3A_374] : memref<32768x128xf32, #tpu.memory_space<hbm>> -> memref<512x64xf32, #tpu.memory_space<hbm>>
        %dma_start3A_633 = tpu.memref_slice %arg6[%add3A_348, %mul3A_374] : memref<32768x128xf32, #tpu.memory_space<hbm>> -> memref<512x64xf32, #tpu.memory_space<hbm>>
        tpu.enqueue_dma source(%arg10 : memref<512x64xf32, #tpu.memory_space<vmem>>) target(%dma_start3A_633 : memref<512x64xf32, #tpu.memory_space<hbm>>) target_semaphore(%run_scoped3A : memref<!tpu.dma_semaphore, #tpu.memory_space<semaphore_mem>>)
        %dma_wait3A_634 = tpu.memref_slice %arg6[%add3A_348, %mul3A_374] : memref<32768x128xf32, #tpu.memory_space<hbm>> -> memref<512x64xf32, #tpu.memory_space<hbm>>
        %dma_wait3A_635 = tpu.memref_slice %arg6[%add3A_348, %mul3A_374] : memref<32768x128xf32, #tpu.memory_space<hbm>> -> memref<512x64xf32, #tpu.memory_space<hbm>>
        tpu.wait_dma2 semaphore(%run_scoped3A : memref<!tpu.dma_semaphore, #tpu.memory_space<semaphore_mem>>) src(%arg10 : memref<512x64xf32, #tpu.memory_space<vmem>>) dst(%dma_wait3A_635 : memref<512x64xf32, #tpu.memory_space<hbm>>)
        tpu.yield
      }) : () -> ()
      %mul3A_375 = arith.constant 256 : i32
      %mul3A_376 = arith.muli %select_n3A, %mul3A_375 : i32
      %jit3A_377 = arith.constant 256 : i32
      %div3A_378 = arith.divsi %select_n3A_329, %jit3A_377 : i32
      %sign3A_379 = arith.constant 0 : i32
      %sign3A_380 = arith.cmpi sgt, %select_n3A_329, %sign3A_379 : i32
      %sign3A_381 = arith.extui %sign3A_380 : i1 to i32
      %sign3A_382 = arith.constant 0 : i32
      %sign3A_383 = arith.cmpi slt, %select_n3A_329, %sign3A_382 : i32
      %sign3A_384 = arith.extui %sign3A_383 : i1 to i32
      %sign3A_385 = arith.subi %sign3A_381, %sign3A_384 : i32
      %sign3A_386 = arith.constant 0 : i32
      %sign3A_387 = arith.cmpi sgt, %jit3A_377, %sign3A_386 : i32
      %sign3A_388 = arith.extui %sign3A_387 : i1 to i32
      %sign3A_389 = arith.constant 0 : i32
      %sign3A_390 = arith.cmpi slt, %jit3A_377, %sign3A_389 : i32
      %sign3A_391 = arith.extui %sign3A_390 : i1 to i32
      %sign3A_392 = arith.subi %sign3A_388, %sign3A_391 : i32
      %ne3A_393 = arith.cmpi ne, %sign3A_385, %sign3A_392 : i32
      %rem3A_394 = arith.remsi %select_n3A_329, %jit3A_377 : i32
      %ne3A_395 = arith.constant 0 : i32
      %ne3A_396 = arith.cmpi ne, %rem3A_394, %ne3A_395 : i32
      %and3A_397 = arith.andi %ne3A_393, %ne3A_396 : i1
      %sub3A_398 = arith.constant 1 : i32
      %sub3A_399 = arith.subi %div3A_378, %sub3A_398 : i32
      %select_n3A_400 = arith.select %and3A_397, %sub3A_399, %div3A_378 : i32
      %mul3A_401 = arith.constant 16 : i32
      %mul3A_402 = arith.muli %select_n3A_400, %mul3A_401 : i32
      "tpu.region"() ({
        %run_scoped3A = tpu.sem_alloc : memref<!tpu.dma_semaphore, #tpu.memory_space<semaphore_mem>>
        %dma_start3A_632 = arith.constant 0 : i32
        %dma_start3A_633 = arith.constant 0 : i32
        %dma_start3A_634 = tpu.memref_slice %arg12[%dma_start3A_632, %dma_start3A_633] : memref<512x16xf32, #tpu.memory_space<vmem>> -> memref<256x16xf32, #tpu.memory_space<vmem>>
        %dma_start3A_635 = tpu.memref_slice %arg7[%mul3A_376, %mul3A_402] : memref<8192x128xf32, #tpu.memory_space<hbm>> -> memref<256x16xf32, #tpu.memory_space<hbm>>
        %dma_start3A_636 = tpu.memref_slice %arg7[%mul3A_376, %mul3A_402] : memref<8192x128xf32, #tpu.memory_space<hbm>> -> memref<256x16xf32, #tpu.memory_space<hbm>>
        %dma_start3A_637 = arith.constant 0 : i32
        %dma_start3A_638 = arith.constant 0 : i32
        %dma_start3A_639 = tpu.memref_slice %arg12[%dma_start3A_637, %dma_start3A_638] : memref<512x16xf32, #tpu.memory_space<vmem>> -> memref<256x16xf32, #tpu.memory_space<vmem>>
        tpu.enqueue_dma source(%dma_start3A_639 : memref<256x16xf32, #tpu.memory_space<vmem>>) target(%dma_start3A_636 : memref<256x16xf32, #tpu.memory_space<hbm>>) target_semaphore(%run_scoped3A : memref<!tpu.dma_semaphore, #tpu.memory_space<semaphore_mem>>)
        %dma_wait3A_640 = arith.constant 0 : i32
        %dma_wait3A_641 = arith.constant 0 : i32
        %dma_wait3A_642 = tpu.memref_slice %arg12[%dma_wait3A_640, %dma_wait3A_641] : memref<512x16xf32, #tpu.memory_space<vmem>> -> memref<256x16xf32, #tpu.memory_space<vmem>>
        %dma_wait3A_643 = tpu.memref_slice %arg7[%mul3A_376, %mul3A_402] : memref<8192x128xf32, #tpu.memory_space<hbm>> -> memref<256x16xf32, #tpu.memory_space<hbm>>
        %dma_wait3A_644 = tpu.memref_slice %arg7[%mul3A_376, %mul3A_402] : memref<8192x128xf32, #tpu.memory_space<hbm>> -> memref<256x16xf32, #tpu.memory_space<hbm>>
        %dma_wait3A_645 = arith.constant 0 : i32
        %dma_wait3A_646 = arith.constant 0 : i32
        %dma_wait3A_647 = tpu.memref_slice %arg12[%dma_wait3A_645, %dma_wait3A_646] : memref<512x16xf32, #tpu.memory_space<vmem>> -> memref<256x16xf32, #tpu.memory_space<vmem>>
        tpu.wait_dma2 semaphore(%run_scoped3A : memref<!tpu.dma_semaphore, #tpu.memory_space<semaphore_mem>>) src(%dma_wait3A_647 : memref<256x16xf32, #tpu.memory_space<vmem>>) dst(%dma_wait3A_644 : memref<256x16xf32, #tpu.memory_space<hbm>>)
        tpu.yield
      }) : () -> ()
      %add3A_403 = arith.constant 1 : i32
      %add3A_404 = arith.addi %select_n3A_400, %add3A_403 : i32
      %mul3A_405 = arith.constant 16 : i32
      %mul3A_406 = arith.muli %add3A_404, %mul3A_405 : i32
      "tpu.region"() ({
        %run_scoped3A = tpu.sem_alloc : memref<!tpu.dma_semaphore, #tpu.memory_space<semaphore_mem>>
        %dma_start3A_632 = arith.constant 256 : i32
        %dma_start3A_633 = arith.constant 0 : i32
        %dma_start3A_634 = tpu.memref_slice %arg12[%dma_start3A_632, %dma_start3A_633] : memref<512x16xf32, #tpu.memory_space<vmem>> -> memref<256x16xf32, #tpu.memory_space<vmem>>
        %dma_start3A_635 = tpu.memref_slice %arg7[%mul3A_376, %mul3A_406] : memref<8192x128xf32, #tpu.memory_space<hbm>> -> memref<256x16xf32, #tpu.memory_space<hbm>>
        %dma_start3A_636 = tpu.memref_slice %arg7[%mul3A_376, %mul3A_406] : memref<8192x128xf32, #tpu.memory_space<hbm>> -> memref<256x16xf32, #tpu.memory_space<hbm>>
        %dma_start3A_637 = arith.constant 256 : i32
        %dma_start3A_638 = arith.constant 0 : i32
        %dma_start3A_639 = tpu.memref_slice %arg12[%dma_start3A_637, %dma_start3A_638] : memref<512x16xf32, #tpu.memory_space<vmem>> -> memref<256x16xf32, #tpu.memory_space<vmem>>
        tpu.enqueue_dma source(%dma_start3A_639 : memref<256x16xf32, #tpu.memory_space<vmem>>) target(%dma_start3A_636 : memref<256x16xf32, #tpu.memory_space<hbm>>) target_semaphore(%run_scoped3A : memref<!tpu.dma_semaphore, #tpu.memory_space<semaphore_mem>>)
        %dma_wait3A_640 = arith.constant 256 : i32
        %dma_wait3A_641 = arith.constant 0 : i32
        %dma_wait3A_642 = tpu.memref_slice %arg12[%dma_wait3A_640, %dma_wait3A_641] : memref<512x16xf32, #tpu.memory_space<vmem>> -> memref<256x16xf32, #tpu.memory_space<vmem>>
        %dma_wait3A_643 = tpu.memref_slice %arg7[%mul3A_376, %mul3A_406] : memref<8192x128xf32, #tpu.memory_space<hbm>> -> memref<256x16xf32, #tpu.memory_space<hbm>>
        %dma_wait3A_644 = tpu.memref_slice %arg7[%mul3A_376, %mul3A_406] : memref<8192x128xf32, #tpu.memory_space<hbm>> -> memref<256x16xf32, #tpu.memory_space<hbm>>
        %dma_wait3A_645 = arith.constant 256 : i32
        %dma_wait3A_646 = arith.constant 0 : i32
        %dma_wait3A_647 = tpu.memref_slice %arg12[%dma_wait3A_645, %dma_wait3A_646] : memref<512x16xf32, #tpu.memory_space<vmem>> -> memref<256x16xf32, #tpu.memory_space<vmem>>
        tpu.wait_dma2 semaphore(%run_scoped3A : memref<!tpu.dma_semaphore, #tpu.memory_space<semaphore_mem>>) src(%dma_wait3A_647 : memref<256x16xf32, #tpu.memory_space<vmem>>) dst(%dma_wait3A_644 : memref<256x16xf32, #tpu.memory_space<hbm>>)
        tpu.yield
      }) : () -> ()
      %lt3A_407 = arith.constant 1 : i32
      %lt3A_408 = arith.cmpi slt, %scan3A_89, %lt3A_407 : i32
      %convert_element_type3A = arith.extui %lt3A_408 : i1 to i32
      %cond3A = arith.constant 0 : i32
      %cond3A_409 = arith.cmpi ne, %convert_element_type3A, %cond3A : i32
      scf.if %cond3A_409 {
        %mul3A_632 = arith.constant 2 : i32
        %mul3A_633 = arith.muli %mul3A_632, %scan3A_89 : i32
        %add3A_634 = arith.constant 2 : i32
        %add3A_635 = arith.addi %mul3A_633, %add3A_634 : i32
        %mul3A_636 = arith.constant 4 : i32
        %mul3A_637 = arith.muli %add3A_635, %mul3A_636 : i32
        %add3A_638 = arith.constant 0 : i32
        %add3A_639 = arith.addi %mul3A_637, %add3A_638 : i32
        %dma_start3A_640 = arith.constant 0 : i32
        %dma_start3A_641 = arith.constant 0 : i32
        %dma_start3A_642 = tpu.memref_slice %arg10[%dma_start3A_640, %dma_start3A_641] : memref<512x64xf32, #tpu.memory_space<vmem>> -> memref<128x64xf32, #tpu.memory_space<vmem>>
        %dma_start3A_643 = arith.constant 0 : i32
        %dma_start3A_644 = tpu.memref_slice %arg8[%add3A_639, %dma_start3A_643] : memref<16x128xi32, #tpu.memory_space<vmem>> -> memref<1x128xi32, #tpu.memory_space<vmem>>
        %dma_start3A_645 = tpu.memref_squeeze %dma_start3A_644 : memref<1x128xi32, #tpu.memory_space<vmem>> -> memref<128xi32, #tpu.memory_space<vmem>>
        %dma_start3A_646 = arith.constant 0 : i32
        %dma_start3A_647 = arith.constant 0 : i32
        %dma_start3A_648 = tpu.memref_slice %arg2[%dma_start3A_646, %dma_start3A_647] : memref<100000x64xf32, #tpu.memory_space<hbm>> -> memref<100000x64xf32, #tpu.memory_space<hbm>>
        tpu.enqueue_indirect_dma source(%dma_start3A_648 : memref<100000x64xf32, #tpu.memory_space<hbm>>) target(%dma_start3A_642 : memref<128x64xf32, #tpu.memory_space<vmem>>) offsets(%dma_start3A_645 : memref<128xi32, #tpu.memory_space<vmem>>) semaphore(%arg14 : memref<!tpu.dma_semaphore, #tpu.memory_space<semaphore_mem>>)
        %mul3A_649 = arith.constant 4 : i32
        %mul3A_650 = arith.muli %add3A_635, %mul3A_649 : i32
        %add3A_651 = arith.constant 0 : i32
        %add3A_652 = arith.addi %mul3A_650, %add3A_651 : i32
        %dma_start3A_653 = arith.constant 0 : i32
        %dma_start3A_654 = arith.constant 0 : i32
        %dma_start3A_655 = tpu.memref_slice %arg12[%dma_start3A_653, %dma_start3A_654] : memref<512x16xf32, #tpu.memory_space<vmem>> -> memref<128x16xf32, #tpu.memory_space<vmem>>
        %dma_start3A_656 = arith.constant 0 : i32
        %dma_start3A_657 = tpu.memref_slice %arg9[%add3A_652, %dma_start3A_656] : memref<16x128xi32, #tpu.memory_space<vmem>> -> memref<1x128xi32, #tpu.memory_space<vmem>>
        %dma_start3A_658 = tpu.memref_squeeze %dma_start3A_657 : memref<1x128xi32, #tpu.memory_space<vmem>> -> memref<128xi32, #tpu.memory_space<vmem>>
        %dma_start3A_659 = arith.constant 0 : i32
        %dma_start3A_660 = arith.constant 0 : i32
        %dma_start3A_661 = tpu.memref_slice %arg3[%dma_start3A_659, %dma_start3A_660] : memref<65536x16xf32, #tpu.memory_space<hbm>> -> memref<65536x16xf32, #tpu.memory_space<hbm>>
        tpu.enqueue_indirect_dma source(%dma_start3A_661 : memref<65536x16xf32, #tpu.memory_space<hbm>>) target(%dma_start3A_655 : memref<128x16xf32, #tpu.memory_space<vmem>>) offsets(%dma_start3A_658 : memref<128xi32, #tpu.memory_space<vmem>>) semaphore(%arg14 : memref<!tpu.dma_semaphore, #tpu.memory_space<semaphore_mem>>)
        %mul3A_662 = arith.constant 4 : i32
        %mul3A_663 = arith.muli %add3A_635, %mul3A_662 : i32
        %add3A_664 = arith.constant 1 : i32
        %add3A_665 = arith.addi %mul3A_663, %add3A_664 : i32
        %dma_start3A_666 = arith.constant 128 : i32
        %dma_start3A_667 = arith.constant 0 : i32
        %dma_start3A_668 = tpu.memref_slice %arg10[%dma_start3A_666, %dma_start3A_667] : memref<512x64xf32, #tpu.memory_space<vmem>> -> memref<128x64xf32, #tpu.memory_space<vmem>>
        %dma_start3A_669 = arith.constant 0 : i32
        %dma_start3A_670 = tpu.memref_slice %arg8[%add3A_665, %dma_start3A_669] : memref<16x128xi32, #tpu.memory_space<vmem>> -> memref<1x128xi32, #tpu.memory_space<vmem>>
        %dma_start3A_671 = tpu.memref_squeeze %dma_start3A_670 : memref<1x128xi32, #tpu.memory_space<vmem>> -> memref<128xi32, #tpu.memory_space<vmem>>
        %dma_start3A_672 = arith.constant 0 : i32
        %dma_start3A_673 = arith.constant 0 : i32
        %dma_start3A_674 = tpu.memref_slice %arg2[%dma_start3A_672, %dma_start3A_673] : memref<100000x64xf32, #tpu.memory_space<hbm>> -> memref<100000x64xf32, #tpu.memory_space<hbm>>
        tpu.enqueue_indirect_dma source(%dma_start3A_674 : memref<100000x64xf32, #tpu.memory_space<hbm>>) target(%dma_start3A_668 : memref<128x64xf32, #tpu.memory_space<vmem>>) offsets(%dma_start3A_671 : memref<128xi32, #tpu.memory_space<vmem>>) semaphore(%arg14 : memref<!tpu.dma_semaphore, #tpu.memory_space<semaphore_mem>>)
        %mul3A_675 = arith.constant 4 : i32
        %mul3A_676 = arith.muli %add3A_635, %mul3A_675 : i32
        %add3A_677 = arith.constant 1 : i32
        %add3A_678 = arith.addi %mul3A_676, %add3A_677 : i32
        %dma_start3A_679 = arith.constant 128 : i32
        %dma_start3A_680 = arith.constant 0 : i32
        %dma_start3A_681 = tpu.memref_slice %arg12[%dma_start3A_679, %dma_start3A_680] : memref<512x16xf32, #tpu.memory_space<vmem>> -> memref<128x16xf32, #tpu.memory_space<vmem>>
        %dma_start3A_682 = arith.constant 0 : i32
        %dma_start3A_683 = tpu.memref_slice %arg9[%add3A_678, %dma_start3A_682] : memref<16x128xi32, #tpu.memory_space<vmem>> -> memref<1x128xi32, #tpu.memory_space<vmem>>
        %dma_start3A_684 = tpu.memref_squeeze %dma_start3A_683 : memref<1x128xi32, #tpu.memory_space<vmem>> -> memref<128xi32, #tpu.memory_space<vmem>>
        %dma_start3A_685 = arith.constant 0 : i32
        %dma_start3A_686 = arith.constant 0 : i32
        %dma_start3A_687 = tpu.memref_slice %arg3[%dma_start3A_685, %dma_start3A_686] : memref<65536x16xf32, #tpu.memory_space<hbm>> -> memref<65536x16xf32, #tpu.memory_space<hbm>>
        tpu.enqueue_indirect_dma source(%dma_start3A_687 : memref<65536x16xf32, #tpu.memory_space<hbm>>) target(%dma_start3A_681 : memref<128x16xf32, #tpu.memory_space<vmem>>) offsets(%dma_start3A_684 : memref<128xi32, #tpu.memory_space<vmem>>) semaphore(%arg14 : memref<!tpu.dma_semaphore, #tpu.memory_space<semaphore_mem>>)
        %mul3A_688 = arith.constant 4 : i32
        %mul3A_689 = arith.muli %add3A_635, %mul3A_688 : i32
        %add3A_690 = arith.constant 2 : i32
        %add3A_691 = arith.addi %mul3A_689, %add3A_690 : i32
        %dma_start3A_692 = arith.constant 256 : i32
        %dma_start3A_693 = arith.constant 0 : i32
        %dma_start3A_694 = tpu.memref_slice %arg10[%dma_start3A_692, %dma_start3A_693] : memref<512x64xf32, #tpu.memory_space<vmem>> -> memref<128x64xf32, #tpu.memory_space<vmem>>
        %dma_start3A_695 = arith.constant 0 : i32
        %dma_start3A_696 = tpu.memref_slice %arg8[%add3A_691, %dma_start3A_695] : memref<16x128xi32, #tpu.memory_space<vmem>> -> memref<1x128xi32, #tpu.memory_space<vmem>>
        %dma_start3A_697 = tpu.memref_squeeze %dma_start3A_696 : memref<1x128xi32, #tpu.memory_space<vmem>> -> memref<128xi32, #tpu.memory_space<vmem>>
        %dma_start3A_698 = arith.constant 0 : i32
        %dma_start3A_699 = arith.constant 0 : i32
        %dma_start3A_700 = tpu.memref_slice %arg2[%dma_start3A_698, %dma_start3A_699] : memref<100000x64xf32, #tpu.memory_space<hbm>> -> memref<100000x64xf32, #tpu.memory_space<hbm>>
        tpu.enqueue_indirect_dma source(%dma_start3A_700 : memref<100000x64xf32, #tpu.memory_space<hbm>>) target(%dma_start3A_694 : memref<128x64xf32, #tpu.memory_space<vmem>>) offsets(%dma_start3A_697 : memref<128xi32, #tpu.memory_space<vmem>>) semaphore(%arg14 : memref<!tpu.dma_semaphore, #tpu.memory_space<semaphore_mem>>)
        %mul3A_701 = arith.constant 4 : i32
        %mul3A_702 = arith.muli %add3A_635, %mul3A_701 : i32
        %add3A_703 = arith.constant 2 : i32
        %add3A_704 = arith.addi %mul3A_702, %add3A_703 : i32
        %dma_start3A_705 = arith.constant 256 : i32
        %dma_start3A_706 = arith.constant 0 : i32
        %dma_start3A_707 = tpu.memref_slice %arg12[%dma_start3A_705, %dma_start3A_706] : memref<512x16xf32, #tpu.memory_space<vmem>> -> memref<128x16xf32, #tpu.memory_space<vmem>>
        %dma_start3A_708 = arith.constant 0 : i32
        %dma_start3A_709 = tpu.memref_slice %arg9[%add3A_704, %dma_start3A_708] : memref<16x128xi32, #tpu.memory_space<vmem>> -> memref<1x128xi32, #tpu.memory_space<vmem>>
        %dma_start3A_710 = tpu.memref_squeeze %dma_start3A_709 : memref<1x128xi32, #tpu.memory_space<vmem>> -> memref<128xi32, #tpu.memory_space<vmem>>
        %dma_start3A_711 = arith.constant 0 : i32
        %dma_start3A_712 = arith.constant 0 : i32
        %dma_start3A_713 = tpu.memref_slice %arg3[%dma_start3A_711, %dma_start3A_712] : memref<65536x16xf32, #tpu.memory_space<hbm>> -> memref<65536x16xf32, #tpu.memory_space<hbm>>
        tpu.enqueue_indirect_dma source(%dma_start3A_713 : memref<65536x16xf32, #tpu.memory_space<hbm>>) target(%dma_start3A_707 : memref<128x16xf32, #tpu.memory_space<vmem>>) offsets(%dma_start3A_710 : memref<128xi32, #tpu.memory_space<vmem>>) semaphore(%arg14 : memref<!tpu.dma_semaphore, #tpu.memory_space<semaphore_mem>>)
        %mul3A_714 = arith.constant 4 : i32
        %mul3A_715 = arith.muli %add3A_635, %mul3A_714 : i32
        %add3A_716 = arith.constant 3 : i32
        %add3A_717 = arith.addi %mul3A_715, %add3A_716 : i32
        %dma_start3A_718 = arith.constant 384 : i32
        %dma_start3A_719 = arith.constant 0 : i32
        %dma_start3A_720 = tpu.memref_slice %arg10[%dma_start3A_718, %dma_start3A_719] : memref<512x64xf32, #tpu.memory_space<vmem>> -> memref<128x64xf32, #tpu.memory_space<vmem>>
        %dma_start3A_721 = arith.constant 0 : i32
        %dma_start3A_722 = tpu.memref_slice %arg8[%add3A_717, %dma_start3A_721] : memref<16x128xi32, #tpu.memory_space<vmem>> -> memref<1x128xi32, #tpu.memory_space<vmem>>
        %dma_start3A_723 = tpu.memref_squeeze %dma_start3A_722 : memref<1x128xi32, #tpu.memory_space<vmem>> -> memref<128xi32, #tpu.memory_space<vmem>>
        %dma_start3A_724 = arith.constant 0 : i32
        %dma_start3A_725 = arith.constant 0 : i32
        %dma_start3A_726 = tpu.memref_slice %arg2[%dma_start3A_724, %dma_start3A_725] : memref<100000x64xf32, #tpu.memory_space<hbm>> -> memref<100000x64xf32, #tpu.memory_space<hbm>>
        tpu.enqueue_indirect_dma source(%dma_start3A_726 : memref<100000x64xf32, #tpu.memory_space<hbm>>) target(%dma_start3A_720 : memref<128x64xf32, #tpu.memory_space<vmem>>) offsets(%dma_start3A_723 : memref<128xi32, #tpu.memory_space<vmem>>) semaphore(%arg14 : memref<!tpu.dma_semaphore, #tpu.memory_space<semaphore_mem>>)
        %mul3A_727 = arith.constant 4 : i32
        %mul3A_728 = arith.muli %add3A_635, %mul3A_727 : i32
        %add3A_729 = arith.constant 3 : i32
        %add3A_730 = arith.addi %mul3A_728, %add3A_729 : i32
        %dma_start3A_731 = arith.constant 384 : i32
        %dma_start3A_732 = arith.constant 0 : i32
        %dma_start3A_733 = tpu.memref_slice %arg12[%dma_start3A_731, %dma_start3A_732] : memref<512x16xf32, #tpu.memory_space<vmem>> -> memref<128x16xf32, #tpu.memory_space<vmem>>
        %dma_start3A_734 = arith.constant 0 : i32
        %dma_start3A_735 = tpu.memref_slice %arg9[%add3A_730, %dma_start3A_734] : memref<16x128xi32, #tpu.memory_space<vmem>> -> memref<1x128xi32, #tpu.memory_space<vmem>>
        %dma_start3A_736 = tpu.memref_squeeze %dma_start3A_735 : memref<1x128xi32, #tpu.memory_space<vmem>> -> memref<128xi32, #tpu.memory_space<vmem>>
        %dma_start3A_737 = arith.constant 0 : i32
        %dma_start3A_738 = arith.constant 0 : i32
        %dma_start3A_739 = tpu.memref_slice %arg3[%dma_start3A_737, %dma_start3A_738] : memref<65536x16xf32, #tpu.memory_space<hbm>> -> memref<65536x16xf32, #tpu.memory_space<hbm>>
        tpu.enqueue_indirect_dma source(%dma_start3A_739 : memref<65536x16xf32, #tpu.memory_space<hbm>>) target(%dma_start3A_733 : memref<128x16xf32, #tpu.memory_space<vmem>>) offsets(%dma_start3A_736 : memref<128xi32, #tpu.memory_space<vmem>>) semaphore(%arg14 : memref<!tpu.dma_semaphore, #tpu.memory_space<semaphore_mem>>)
      } else {
      }
      %dma_wait3A_410 = arith.constant 0 : i32
      %dma_wait3A_411 = arith.constant 0 : i32
      %dma_wait3A_412 = tpu.memref_slice %arg11[%dma_wait3A_410, %dma_wait3A_411] : memref<512x64xf32, #tpu.memory_space<vmem>> -> memref<128x64xf32, #tpu.memory_space<vmem>>
      %dma_wait3A_413 = arith.constant 0 : i32
      %dma_wait3A_414 = arith.constant 0 : i32
      %dma_wait3A_415 = tpu.memref_slice %arg2[%dma_wait3A_413, %dma_wait3A_414] : memref<100000x64xf32, #tpu.memory_space<hbm>> -> memref<128x64xf32, #tpu.memory_space<hbm>>
      %dma_wait3A_416 = arith.constant 0 : i32
      %dma_wait3A_417 = arith.constant 0 : i32
      %dma_wait3A_418 = tpu.memref_slice %arg11[%dma_wait3A_416, %dma_wait3A_417] : memref<512x64xf32, #tpu.memory_space<vmem>> -> memref<128x64xf32, #tpu.memory_space<vmem>>
      %dma_wait3A_419 = arith.constant 0 : i32
      %dma_wait3A_420 = arith.constant 0 : i32
      %dma_wait3A_421 = tpu.memref_slice %arg2[%dma_wait3A_419, %dma_wait3A_420] : memref<100000x64xf32, #tpu.memory_space<hbm>> -> memref<128x64xf32, #tpu.memory_space<hbm>>
      tpu.wait_dma2 semaphore(%arg14 : memref<!tpu.dma_semaphore, #tpu.memory_space<semaphore_mem>>) src(%dma_wait3A_421 : memref<128x64xf32, #tpu.memory_space<hbm>>) dst(%dma_wait3A_418 : memref<128x64xf32, #tpu.memory_space<vmem>>)
      %dma_wait3A_422 = arith.constant 0 : i32
      %dma_wait3A_423 = arith.constant 0 : i32
      %dma_wait3A_424 = tpu.memref_slice %arg13[%dma_wait3A_422, %dma_wait3A_423] : memref<512x16xf32, #tpu.memory_space<vmem>> -> memref<128x16xf32, #tpu.memory_space<vmem>>
      %dma_wait3A_425 = arith.constant 0 : i32
      %dma_wait3A_426 = arith.constant 0 : i32
      %dma_wait3A_427 = tpu.memref_slice %arg3[%dma_wait3A_425, %dma_wait3A_426] : memref<65536x16xf32, #tpu.memory_space<hbm>> -> memref<128x16xf32, #tpu.memory_space<hbm>>
      %dma_wait3A_428 = arith.constant 0 : i32
      %dma_wait3A_429 = arith.constant 0 : i32
      %dma_wait3A_430 = tpu.memref_slice %arg13[%dma_wait3A_428, %dma_wait3A_429] : memref<512x16xf32, #tpu.memory_space<vmem>> -> memref<128x16xf32, #tpu.memory_space<vmem>>
      %dma_wait3A_431 = arith.constant 0 : i32
      %dma_wait3A_432 = arith.constant 0 : i32
      %dma_wait3A_433 = tpu.memref_slice %arg3[%dma_wait3A_431, %dma_wait3A_432] : memref<65536x16xf32, #tpu.memory_space<hbm>> -> memref<128x16xf32, #tpu.memory_space<hbm>>
      tpu.wait_dma2 semaphore(%arg14 : memref<!tpu.dma_semaphore, #tpu.memory_space<semaphore_mem>>) src(%dma_wait3A_433 : memref<128x16xf32, #tpu.memory_space<hbm>>) dst(%dma_wait3A_430 : memref<128x16xf32, #tpu.memory_space<vmem>>)
      %dma_wait3A_434 = arith.constant 128 : i32
      %dma_wait3A_435 = arith.constant 0 : i32
      %dma_wait3A_436 = tpu.memref_slice %arg11[%dma_wait3A_434, %dma_wait3A_435] : memref<512x64xf32, #tpu.memory_space<vmem>> -> memref<128x64xf32, #tpu.memory_space<vmem>>
      %dma_wait3A_437 = arith.constant 0 : i32
      %dma_wait3A_438 = arith.constant 0 : i32
      %dma_wait3A_439 = tpu.memref_slice %arg2[%dma_wait3A_437, %dma_wait3A_438] : memref<100000x64xf32, #tpu.memory_space<hbm>> -> memref<128x64xf32, #tpu.memory_space<hbm>>
      %dma_wait3A_440 = arith.constant 128 : i32
      %dma_wait3A_441 = arith.constant 0 : i32
      %dma_wait3A_442 = tpu.memref_slice %arg11[%dma_wait3A_440, %dma_wait3A_441] : memref<512x64xf32, #tpu.memory_space<vmem>> -> memref<128x64xf32, #tpu.memory_space<vmem>>
      %dma_wait3A_443 = arith.constant 0 : i32
      %dma_wait3A_444 = arith.constant 0 : i32
      %dma_wait3A_445 = tpu.memref_slice %arg2[%dma_wait3A_443, %dma_wait3A_444] : memref<100000x64xf32, #tpu.memory_space<hbm>> -> memref<128x64xf32, #tpu.memory_space<hbm>>
      tpu.wait_dma2 semaphore(%arg14 : memref<!tpu.dma_semaphore, #tpu.memory_space<semaphore_mem>>) src(%dma_wait3A_445 : memref<128x64xf32, #tpu.memory_space<hbm>>) dst(%dma_wait3A_442 : memref<128x64xf32, #tpu.memory_space<vmem>>)
      %dma_wait3A_446 = arith.constant 128 : i32
      %dma_wait3A_447 = arith.constant 0 : i32
      %dma_wait3A_448 = tpu.memref_slice %arg13[%dma_wait3A_446, %dma_wait3A_447] : memref<512x16xf32, #tpu.memory_space<vmem>> -> memref<128x16xf32, #tpu.memory_space<vmem>>
      %dma_wait3A_449 = arith.constant 0 : i32
      %dma_wait3A_450 = arith.constant 0 : i32
      %dma_wait3A_451 = tpu.memref_slice %arg3[%dma_wait3A_449, %dma_wait3A_450] : memref<65536x16xf32, #tpu.memory_space<hbm>> -> memref<128x16xf32, #tpu.memory_space<hbm>>
      %dma_wait3A_452 = arith.constant 128 : i32
      %dma_wait3A_453 = arith.constant 0 : i32
      %dma_wait3A_454 = tpu.memref_slice %arg13[%dma_wait3A_452, %dma_wait3A_453] : memref<512x16xf32, #tpu.memory_space<vmem>> -> memref<128x16xf32, #tpu.memory_space<vmem>>
      %dma_wait3A_455 = arith.constant 0 : i32
      %dma_wait3A_456 = arith.constant 0 : i32
      %dma_wait3A_457 = tpu.memref_slice %arg3[%dma_wait3A_455, %dma_wait3A_456] : memref<65536x16xf32, #tpu.memory_space<hbm>> -> memref<128x16xf32, #tpu.memory_space<hbm>>
      tpu.wait_dma2 semaphore(%arg14 : memref<!tpu.dma_semaphore, #tpu.memory_space<semaphore_mem>>) src(%dma_wait3A_457 : memref<128x16xf32, #tpu.memory_space<hbm>>) dst(%dma_wait3A_454 : memref<128x16xf32, #tpu.memory_space<vmem>>)
      %dma_wait3A_458 = arith.constant 256 : i32
      %dma_wait3A_459 = arith.constant 0 : i32
      %dma_wait3A_460 = tpu.memref_slice %arg11[%dma_wait3A_458, %dma_wait3A_459] : memref<512x64xf32, #tpu.memory_space<vmem>> -> memref<128x64xf32, #tpu.memory_space<vmem>>
      %dma_wait3A_461 = arith.constant 0 : i32
      %dma_wait3A_462 = arith.constant 0 : i32
      %dma_wait3A_463 = tpu.memref_slice %arg2[%dma_wait3A_461, %dma_wait3A_462] : memref<100000x64xf32, #tpu.memory_space<hbm>> -> memref<128x64xf32, #tpu.memory_space<hbm>>
      %dma_wait3A_464 = arith.constant 256 : i32
      %dma_wait3A_465 = arith.constant 0 : i32
      %dma_wait3A_466 = tpu.memref_slice %arg11[%dma_wait3A_464, %dma_wait3A_465] : memref<512x64xf32, #tpu.memory_space<vmem>> -> memref<128x64xf32, #tpu.memory_space<vmem>>
      %dma_wait3A_467 = arith.constant 0 : i32
      %dma_wait3A_468 = arith.constant 0 : i32
      %dma_wait3A_469 = tpu.memref_slice %arg2[%dma_wait3A_467, %dma_wait3A_468] : memref<100000x64xf32, #tpu.memory_space<hbm>> -> memref<128x64xf32, #tpu.memory_space<hbm>>
      tpu.wait_dma2 semaphore(%arg14 : memref<!tpu.dma_semaphore, #tpu.memory_space<semaphore_mem>>) src(%dma_wait3A_469 : memref<128x64xf32, #tpu.memory_space<hbm>>) dst(%dma_wait3A_466 : memref<128x64xf32, #tpu.memory_space<vmem>>)
      %dma_wait3A_470 = arith.constant 256 : i32
      %dma_wait3A_471 = arith.constant 0 : i32
      %dma_wait3A_472 = tpu.memref_slice %arg13[%dma_wait3A_470, %dma_wait3A_471] : memref<512x16xf32, #tpu.memory_space<vmem>> -> memref<128x16xf32, #tpu.memory_space<vmem>>
      %dma_wait3A_473 = arith.constant 0 : i32
      %dma_wait3A_474 = arith.constant 0 : i32
      %dma_wait3A_475 = tpu.memref_slice %arg3[%dma_wait3A_473, %dma_wait3A_474] : memref<65536x16xf32, #tpu.memory_space<hbm>> -> memref<128x16xf32, #tpu.memory_space<hbm>>
      %dma_wait3A_476 = arith.constant 256 : i32
      %dma_wait3A_477 = arith.constant 0 : i32
      %dma_wait3A_478 = tpu.memref_slice %arg13[%dma_wait3A_476, %dma_wait3A_477] : memref<512x16xf32, #tpu.memory_space<vmem>> -> memref<128x16xf32, #tpu.memory_space<vmem>>
      %dma_wait3A_479 = arith.constant 0 : i32
      %dma_wait3A_480 = arith.constant 0 : i32
      %dma_wait3A_481 = tpu.memref_slice %arg3[%dma_wait3A_479, %dma_wait3A_480] : memref<65536x16xf32, #tpu.memory_space<hbm>> -> memref<128x16xf32, #tpu.memory_space<hbm>>
      tpu.wait_dma2 semaphore(%arg14 : memref<!tpu.dma_semaphore, #tpu.memory_space<semaphore_mem>>) src(%dma_wait3A_481 : memref<128x16xf32, #tpu.memory_space<hbm>>) dst(%dma_wait3A_478 : memref<128x16xf32, #tpu.memory_space<vmem>>)
      %dma_wait3A_482 = arith.constant 384 : i32
      %dma_wait3A_483 = arith.constant 0 : i32
      %dma_wait3A_484 = tpu.memref_slice %arg11[%dma_wait3A_482, %dma_wait3A_483] : memref<512x64xf32, #tpu.memory_space<vmem>> -> memref<128x64xf32, #tpu.memory_space<vmem>>
      %dma_wait3A_485 = arith.constant 0 : i32
      %dma_wait3A_486 = arith.constant 0 : i32
      %dma_wait3A_487 = tpu.memref_slice %arg2[%dma_wait3A_485, %dma_wait3A_486] : memref<100000x64xf32, #tpu.memory_space<hbm>> -> memref<128x64xf32, #tpu.memory_space<hbm>>
      %dma_wait3A_488 = arith.constant 384 : i32
      %dma_wait3A_489 = arith.constant 0 : i32
      %dma_wait3A_490 = tpu.memref_slice %arg11[%dma_wait3A_488, %dma_wait3A_489] : memref<512x64xf32, #tpu.memory_space<vmem>> -> memref<128x64xf32, #tpu.memory_space<vmem>>
      %dma_wait3A_491 = arith.constant 0 : i32
      %dma_wait3A_492 = arith.constant 0 : i32
      %dma_wait3A_493 = tpu.memref_slice %arg2[%dma_wait3A_491, %dma_wait3A_492] : memref<100000x64xf32, #tpu.memory_space<hbm>> -> memref<128x64xf32, #tpu.memory_space<hbm>>
      tpu.wait_dma2 semaphore(%arg14 : memref<!tpu.dma_semaphore, #tpu.memory_space<semaphore_mem>>) src(%dma_wait3A_493 : memref<128x64xf32, #tpu.memory_space<hbm>>) dst(%dma_wait3A_490 : memref<128x64xf32, #tpu.memory_space<vmem>>)
      %dma_wait3A_494 = arith.constant 384 : i32
      %dma_wait3A_495 = arith.constant 0 : i32
      %dma_wait3A_496 = tpu.memref_slice %arg13[%dma_wait3A_494, %dma_wait3A_495] : memref<512x16xf32, #tpu.memory_space<vmem>> -> memref<128x16xf32, #tpu.memory_space<vmem>>
      %dma_wait3A_497 = arith.constant 0 : i32
      %dma_wait3A_498 = arith.constant 0 : i32
      %dma_wait3A_499 = tpu.memref_slice %arg3[%dma_wait3A_497, %dma_wait3A_498] : memref<65536x16xf32, #tpu.memory_space<hbm>> -> memref<128x16xf32, #tpu.memory_space<hbm>>
      %dma_wait3A_500 = arith.constant 384 : i32
      %dma_wait3A_501 = arith.constant 0 : i32
      %dma_wait3A_502 = tpu.memref_slice %arg13[%dma_wait3A_500, %dma_wait3A_501] : memref<512x16xf32, #tpu.memory_space<vmem>> -> memref<128x16xf32, #tpu.memory_space<vmem>>
      %dma_wait3A_503 = arith.constant 0 : i32
      %dma_wait3A_504 = arith.constant 0 : i32
      %dma_wait3A_505 = tpu.memref_slice %arg3[%dma_wait3A_503, %dma_wait3A_504] : memref<65536x16xf32, #tpu.memory_space<hbm>> -> memref<128x16xf32, #tpu.memory_space<hbm>>
      tpu.wait_dma2 semaphore(%arg14 : memref<!tpu.dma_semaphore, #tpu.memory_space<semaphore_mem>>) src(%dma_wait3A_505 : memref<128x16xf32, #tpu.memory_space<hbm>>) dst(%dma_wait3A_502 : memref<128x16xf32, #tpu.memory_space<vmem>>)
      %mul3A_506 = arith.constant 2 : i32
      %mul3A_507 = arith.muli %mul3A_506, %scan3A_89 : i32
      %add3A_508 = arith.constant 1 : i32
      %add3A_509 = arith.addi %mul3A_507, %add3A_508 : i32
      %mul3A_510 = arith.constant 2048 : i32
      %mul3A_511 = arith.muli %add3A, %mul3A_510 : i32
      %mul3A_512 = arith.constant 512 : i32
      %mul3A_513 = arith.muli %add3A_509, %mul3A_512 : i32
      %add3A_514 = arith.addi %mul3A_511, %mul3A_513 : i32
      %jit3A_515 = arith.constant 2048 : i32
      %div3A_516 = arith.divsi %add3A_514, %jit3A_515 : i32
      %sign3A_517 = arith.constant 0 : i32
      %sign3A_518 = arith.cmpi sgt, %add3A_514, %sign3A_517 : i32
      %sign3A_519 = arith.extui %sign3A_518 : i1 to i32
      %sign3A_520 = arith.constant 0 : i32
      %sign3A_521 = arith.cmpi slt, %add3A_514, %sign3A_520 : i32
      %sign3A_522 = arith.extui %sign3A_521 : i1 to i32
      %sign3A_523 = arith.subi %sign3A_519, %sign3A_522 : i32
      %sign3A_524 = arith.constant 0 : i32
      %sign3A_525 = arith.cmpi sgt, %jit3A_515, %sign3A_524 : i32
      %sign3A_526 = arith.extui %sign3A_525 : i1 to i32
      %sign3A_527 = arith.constant 0 : i32
      %sign3A_528 = arith.cmpi slt, %jit3A_515, %sign3A_527 : i32
      %sign3A_529 = arith.extui %sign3A_528 : i1 to i32
      %sign3A_530 = arith.subi %sign3A_526, %sign3A_529 : i32
      %ne3A_531 = arith.cmpi ne, %sign3A_523, %sign3A_530 : i32
      %rem3A_532 = arith.remsi %add3A_514, %jit3A_515 : i32
      %ne3A_533 = arith.constant 0 : i32
      %ne3A_534 = arith.cmpi ne, %rem3A_532, %ne3A_533 : i32
      %and3A_535 = arith.andi %ne3A_531, %ne3A_534 : i1
      %sub3A_536 = arith.constant 1 : i32
      %sub3A_537 = arith.subi %div3A_516, %sub3A_536 : i32
      %select_n3A_538 = arith.select %and3A_535, %sub3A_537, %div3A_516 : i32
      %jit3A_539 = arith.constant 2048 : i32
      %eq3A_540 = arith.constant 0 : i32
      %eq3A_541 = arith.cmpi eq, %jit3A_539, %eq3A_540 : i32
      %jit3A_542 = arith.constant 1 : i32
      %select_n3A_543 = arith.select %eq3A_541, %jit3A_542, %jit3A_539 : i32
      %rem3A_544 = arith.remsi %add3A_514, %select_n3A_543 : i32
      %ne3A_545 = arith.constant 0 : i32
      %ne3A_546 = arith.cmpi ne, %rem3A_544, %ne3A_545 : i32
      %lt3A_547 = arith.constant 0 : i32
      %lt3A_548 = arith.cmpi slt, %rem3A_544, %lt3A_547 : i32
      %lt3A_549 = arith.constant 0 : i32
      %lt3A_550 = arith.cmpi slt, %select_n3A_543, %lt3A_549 : i32
      %ne3A_551 = arith.xori %lt3A_548, %lt3A_550 : i1
      %and3A_552 = arith.andi %ne3A_551, %ne3A_546 : i1
      %add3A_553 = arith.addi %rem3A_544, %select_n3A_543 : i32
      %select_n3A_554 = arith.select %and3A_552, %add3A_553, %rem3A_544 : i32
      %mul3A_555 = arith.constant 1024 : i32
      %mul3A_556 = arith.muli %select_n3A_538, %mul3A_555 : i32
      %jit3A_557 = arith.constant 1024 : i32
      %eq3A_558 = arith.constant 0 : i32
      %eq3A_559 = arith.cmpi eq, %jit3A_557, %eq3A_558 : i32
      %jit3A_560 = arith.constant 1 : i32
      %select_n3A_561 = arith.select %eq3A_559, %jit3A_560, %jit3A_557 : i32
      %rem3A_562 = arith.remsi %select_n3A_554, %select_n3A_561 : i32
      %ne3A_563 = arith.constant 0 : i32
      %ne3A_564 = arith.cmpi ne, %rem3A_562, %ne3A_563 : i32
      %lt3A_565 = arith.constant 0 : i32
      %lt3A_566 = arith.cmpi slt, %rem3A_562, %lt3A_565 : i32
      %lt3A_567 = arith.constant 0 : i32
      %lt3A_568 = arith.cmpi slt, %select_n3A_561, %lt3A_567 : i32
      %ne3A_569 = arith.xori %lt3A_566, %lt3A_568 : i1
      %and3A_570 = arith.andi %ne3A_569, %ne3A_564 : i1
      %add3A_571 = arith.addi %rem3A_562, %select_n3A_561 : i32
      %select_n3A_572 = arith.select %and3A_570, %add3A_571, %rem3A_562 : i32
      %add3A_573 = arith.addi %mul3A_556, %select_n3A_572 : i32
      %jit3A_574 = arith.constant 1024 : i32
      %div3A_575 = arith.divsi %select_n3A_554, %jit3A_574 : i32
      %sign3A_576 = arith.constant 0 : i32
      %sign3A_577 = arith.cmpi sgt, %select_n3A_554, %sign3A_576 : i32
      %sign3A_578 = arith.extui %sign3A_577 : i1 to i32
      %sign3A_579 = arith.constant 0 : i32
      %sign3A_580 = arith.cmpi slt, %select_n3A_554, %sign3A_579 : i32
      %sign3A_581 = arith.extui %sign3A_580 : i1 to i32
      %sign3A_582 = arith.subi %sign3A_578, %sign3A_581 : i32
      %sign3A_583 = arith.constant 0 : i32
      %sign3A_584 = arith.cmpi sgt, %jit3A_574, %sign3A_583 : i32
      %sign3A_585 = arith.extui %sign3A_584 : i1 to i32
      %sign3A_586 = arith.constant 0 : i32
      %sign3A_587 = arith.cmpi slt, %jit3A_574, %sign3A_586 : i32
      %sign3A_588 = arith.extui %sign3A_587 : i1 to i32
      %sign3A_589 = arith.subi %sign3A_585, %sign3A_588 : i32
      %ne3A_590 = arith.cmpi ne, %sign3A_582, %sign3A_589 : i32
      %rem3A_591 = arith.remsi %select_n3A_554, %jit3A_574 : i32
      %ne3A_592 = arith.constant 0 : i32
      %ne3A_593 = arith.cmpi ne, %rem3A_591, %ne3A_592 : i32
      %and3A_594 = arith.andi %ne3A_590, %ne3A_593 : i1
      %sub3A_595 = arith.constant 1 : i32
      %sub3A_596 = arith.subi %div3A_575, %sub3A_595 : i32
      %select_n3A_597 = arith.select %and3A_594, %sub3A_596, %div3A_575 : i32
      %mul3A_598 = arith.constant 64 : i32
      %mul3A_599 = arith.muli %select_n3A_597, %mul3A_598 : i32
      "tpu.region"() ({
        %run_scoped3A = tpu.sem_alloc : memref<!tpu.dma_semaphore, #tpu.memory_space<semaphore_mem>>
        %dma_start3A_632 = tpu.memref_slice %arg6[%add3A_573, %mul3A_599] : memref<32768x128xf32, #tpu.memory_space<hbm>> -> memref<512x64xf32, #tpu.memory_space<hbm>>
        %dma_start3A_633 = tpu.memref_slice %arg6[%add3A_573, %mul3A_599] : memref<32768x128xf32, #tpu.memory_space<hbm>> -> memref<512x64xf32, #tpu.memory_space<hbm>>
        tpu.enqueue_dma source(%arg11 : memref<512x64xf32, #tpu.memory_space<vmem>>) target(%dma_start3A_633 : memref<512x64xf32, #tpu.memory_space<hbm>>) target_semaphore(%run_scoped3A : memref<!tpu.dma_semaphore, #tpu.memory_space<semaphore_mem>>)
        %dma_wait3A_634 = tpu.memref_slice %arg6[%add3A_573, %mul3A_599] : memref<32768x128xf32, #tpu.memory_space<hbm>> -> memref<512x64xf32, #tpu.memory_space<hbm>>
        %dma_wait3A_635 = tpu.memref_slice %arg6[%add3A_573, %mul3A_599] : memref<32768x128xf32, #tpu.memory_space<hbm>> -> memref<512x64xf32, #tpu.memory_space<hbm>>
        tpu.wait_dma2 semaphore(%run_scoped3A : memref<!tpu.dma_semaphore, #tpu.memory_space<semaphore_mem>>) src(%arg11 : memref<512x64xf32, #tpu.memory_space<vmem>>) dst(%dma_wait3A_635 : memref<512x64xf32, #tpu.memory_space<hbm>>)
        tpu.yield
      }) : () -> ()
      %mul3A_600 = arith.constant 256 : i32
      %mul3A_601 = arith.muli %select_n3A_538, %mul3A_600 : i32
      %jit3A_602 = arith.constant 256 : i32
      %div3A_603 = arith.divsi %select_n3A_554, %jit3A_602 : i32
      %sign3A_604 = arith.constant 0 : i32
      %sign3A_605 = arith.cmpi sgt, %select_n3A_554, %sign3A_604 : i32
      %sign3A_606 = arith.extui %sign3A_605 : i1 to i32
      %sign3A_607 = arith.constant 0 : i32
      %sign3A_608 = arith.cmpi slt, %select_n3A_554, %sign3A_607 : i32
      %sign3A_609 = arith.extui %sign3A_608 : i1 to i32
      %sign3A_610 = arith.subi %sign3A_606, %sign3A_609 : i32
      %sign3A_611 = arith.constant 0 : i32
      %sign3A_612 = arith.cmpi sgt, %jit3A_602, %sign3A_611 : i32
      %sign3A_613 = arith.extui %sign3A_612 : i1 to i32
      %sign3A_614 = arith.constant 0 : i32
      %sign3A_615 = arith.cmpi slt, %jit3A_602, %sign3A_614 : i32
      %sign3A_616 = arith.extui %sign3A_615 : i1 to i32
      %sign3A_617 = arith.subi %sign3A_613, %sign3A_616 : i32
      %ne3A_618 = arith.cmpi ne, %sign3A_610, %sign3A_617 : i32
      %rem3A_619 = arith.remsi %select_n3A_554, %jit3A_602 : i32
      %ne3A_620 = arith.constant 0 : i32
      %ne3A_621 = arith.cmpi ne, %rem3A_619, %ne3A_620 : i32
      %and3A_622 = arith.andi %ne3A_618, %ne3A_621 : i1
      %sub3A_623 = arith.constant 1 : i32
      %sub3A_624 = arith.subi %div3A_603, %sub3A_623 : i32
      %select_n3A_625 = arith.select %and3A_622, %sub3A_624, %div3A_603 : i32
      %mul3A_626 = arith.constant 16 : i32
      %mul3A_627 = arith.muli %select_n3A_625, %mul3A_626 : i32
      "tpu.region"() ({
        %run_scoped3A = tpu.sem_alloc : memref<!tpu.dma_semaphore, #tpu.memory_space<semaphore_mem>>
        %dma_start3A_632 = arith.constant 0 : i32
        %dma_start3A_633 = arith.constant 0 : i32
        %dma_start3A_634 = tpu.memref_slice %arg13[%dma_start3A_632, %dma_start3A_633] : memref<512x16xf32, #tpu.memory_space<vmem>> -> memref<256x16xf32, #tpu.memory_space<vmem>>
        %dma_start3A_635 = tpu.memref_slice %arg7[%mul3A_601, %mul3A_627] : memref<8192x128xf32, #tpu.memory_space<hbm>> -> memref<256x16xf32, #tpu.memory_space<hbm>>
        %dma_start3A_636 = tpu.memref_slice %arg7[%mul3A_601, %mul3A_627] : memref<8192x128xf32, #tpu.memory_space<hbm>> -> memref<256x16xf32, #tpu.memory_space<hbm>>
        %dma_start3A_637 = arith.constant 0 : i32
        %dma_start3A_638 = arith.constant 0 : i32
        %dma_start3A_639 = tpu.memref_slice %arg13[%dma_start3A_637, %dma_start3A_638] : memref<512x16xf32, #tpu.memory_space<vmem>> -> memref<256x16xf32, #tpu.memory_space<vmem>>
        tpu.enqueue_dma source(%dma_start3A_639 : memref<256x16xf32, #tpu.memory_space<vmem>>) target(%dma_start3A_636 : memref<256x16xf32, #tpu.memory_space<hbm>>) target_semaphore(%run_scoped3A : memref<!tpu.dma_semaphore, #tpu.memory_space<semaphore_mem>>)
        %dma_wait3A_640 = arith.constant 0 : i32
        %dma_wait3A_641 = arith.constant 0 : i32
        %dma_wait3A_642 = tpu.memref_slice %arg13[%dma_wait3A_640, %dma_wait3A_641] : memref<512x16xf32, #tpu.memory_space<vmem>> -> memref<256x16xf32, #tpu.memory_space<vmem>>
        %dma_wait3A_643 = tpu.memref_slice %arg7[%mul3A_601, %mul3A_627] : memref<8192x128xf32, #tpu.memory_space<hbm>> -> memref<256x16xf32, #tpu.memory_space<hbm>>
        %dma_wait3A_644 = tpu.memref_slice %arg7[%mul3A_601, %mul3A_627] : memref<8192x128xf32, #tpu.memory_space<hbm>> -> memref<256x16xf32, #tpu.memory_space<hbm>>
        %dma_wait3A_645 = arith.constant 0 : i32
        %dma_wait3A_646 = arith.constant 0 : i32
        %dma_wait3A_647 = tpu.memref_slice %arg13[%dma_wait3A_645, %dma_wait3A_646] : memref<512x16xf32, #tpu.memory_space<vmem>> -> memref<256x16xf32, #tpu.memory_space<vmem>>
        tpu.wait_dma2 semaphore(%run_scoped3A : memref<!tpu.dma_semaphore, #tpu.memory_space<semaphore_mem>>) src(%dma_wait3A_647 : memref<256x16xf32, #tpu.memory_space<vmem>>) dst(%dma_wait3A_644 : memref<256x16xf32, #tpu.memory_space<hbm>>)
        tpu.yield
      }) : () -> ()
      %add3A_628 = arith.constant 1 : i32
      %add3A_629 = arith.addi %select_n3A_625, %add3A_628 : i32
      %mul3A_630 = arith.constant 16 : i32
      %mul3A_631 = arith.muli %add3A_629, %mul3A_630 : i32
      "tpu.region"() ({
        %run_scoped3A = tpu.sem_alloc : memref<!tpu.dma_semaphore, #tpu.memory_space<semaphore_mem>>
        %dma_start3A_632 = arith.constant 256 : i32
        %dma_start3A_633 = arith.constant 0 : i32
        %dma_start3A_634 = tpu.memref_slice %arg13[%dma_start3A_632, %dma_start3A_633] : memref<512x16xf32, #tpu.memory_space<vmem>> -> memref<256x16xf32, #tpu.memory_space<vmem>>
        %dma_start3A_635 = tpu.memref_slice %arg7[%mul3A_601, %mul3A_631] : memref<8192x128xf32, #tpu.memory_space<hbm>> -> memref<256x16xf32, #tpu.memory_space<hbm>>
        %dma_start3A_636 = tpu.memref_slice %arg7[%mul3A_601, %mul3A_631] : memref<8192x128xf32, #tpu.memory_space<hbm>> -> memref<256x16xf32, #tpu.memory_space<hbm>>
        %dma_start3A_637 = arith.constant 256 : i32
        %dma_start3A_638 = arith.constant 0 : i32
        %dma_start3A_639 = tpu.memref_slice %arg13[%dma_start3A_637, %dma_start3A_638] : memref<512x16xf32, #tpu.memory_space<vmem>> -> memref<256x16xf32, #tpu.memory_space<vmem>>
        tpu.enqueue_dma source(%dma_start3A_639 : memref<256x16xf32, #tpu.memory_space<vmem>>) target(%dma_start3A_636 : memref<256x16xf32, #tpu.memory_space<hbm>>) target_semaphore(%run_scoped3A : memref<!tpu.dma_semaphore, #tpu.memory_space<semaphore_mem>>)
        %dma_wait3A_640 = arith.constant 256 : i32
        %dma_wait3A_641 = arith.constant 0 : i32
        %dma_wait3A_642 = tpu.memref_slice %arg13[%dma_wait3A_640, %dma_wait3A_641] : memref<512x16xf32, #tpu.memory_space<vmem>> -> memref<256x16xf32, #tpu.memory_space<vmem>>
        %dma_wait3A_643 = tpu.memref_slice %arg7[%mul3A_601, %mul3A_631] : memref<8192x128xf32, #tpu.memory_space<hbm>> -> memref<256x16xf32, #tpu.memory_space<hbm>>
        %dma_wait3A_644 = tpu.memref_slice %arg7[%mul3A_601, %mul3A_631] : memref<8192x128xf32, #tpu.memory_space<hbm>> -> memref<256x16xf32, #tpu.memory_space<hbm>>
        %dma_wait3A_645 = arith.constant 256 : i32
        %dma_wait3A_646 = arith.constant 0 : i32
        %dma_wait3A_647 = tpu.memref_slice %arg13[%dma_wait3A_645, %dma_wait3A_646] : memref<512x16xf32, #tpu.memory_space<vmem>> -> memref<256x16xf32, #tpu.memory_space<vmem>>
        tpu.wait_dma2 semaphore(%run_scoped3A : memref<!tpu.dma_semaphore, #tpu.memory_space<semaphore_mem>>) src(%dma_wait3A_647 : memref<256x16xf32, #tpu.memory_space<vmem>>) dst(%dma_wait3A_644 : memref<256x16xf32, #tpu.memory_space<hbm>>)
        tpu.yield
      }) : () -> ()
    }
    %scan3A_88 = arith.constant 2 : i32
    return
  }
}

#map = affine_map<(d0, d1) -> (0, 0)>
module attributes {stable_mosaic.version = 14 : i64} {
  func.func @_sc_gather(%arg0: i32, %arg1: i32, %arg2: memref<100000x64xf32, #tpu.memory_space<hbm>>, %arg3: memref<65536x16xf32, #tpu.memory_space<hbm>>, %arg4: memref<512x128xi32, #tpu.memory_space<hbm>>, %arg5: memref<512x128xi32, #tpu.memory_space<hbm>>, %arg6: memref<32768x128xf32, #tpu.memory_space<hbm>>, %arg7: memref<8192x128xf32, #tpu.memory_space<hbm>>, %arg8: memref<16x128xi32, #tpu.memory_space<vmem>>, %arg9: memref<16x128xi32, #tpu.memory_space<vmem>>, %arg10: memref<512x64xf32, #tpu.memory_space<vmem>>, %arg11: memref<512x64xf32, #tpu.memory_space<vmem>>, %arg12: memref<512x16xf32, #tpu.memory_space<vmem>>, %arg13: memref<512x16xf32, #tpu.memory_space<vmem>>, %arg14: memref<!tpu.dma_semaphore, #tpu.memory_space<semaphore_mem>>) attributes {dimension_semantics = [#tpu.dimension_semantics<core_parallel>, #tpu.dimension_semantics<subcore_parallel>], iteration_bounds = array<i64: 2, 16>, scalar_prefetch = 0 : i64, scratch_operands = 7 : i64, tpu.core_type = #tpu.core_type<sc_vector_subcore>, window_params = [{transform_indices = #map}, {transform_indices = #map}, {transform_indices = #map}, {transform_indices = #map}, {transform_indices = #map}, {transform_indices = #map}]} {
    %mul3A = arith.constant 2 : i32
    %mul3A_0 = arith.muli %arg1, %mul3A : i32
    %add3A = arith.addi %mul3A_0, %arg0 : i32
    %mul3A_1 = arith.constant 16 : i32
    %mul3A_2 = arith.muli %add3A, %mul3A_1 : i32
    "tpu.region"() ({
      %run_scoped3A = tpu.sem_alloc : memref<!tpu.dma_semaphore, #tpu.memory_space<semaphore_mem>>
      %dma_start3A_89 = arith.constant 0 : i32
      %dma_start3A_90 = tpu.memref_slice %arg4[%mul3A_2, %dma_start3A_89] : memref<512x128xi32, #tpu.memory_space<hbm>> -> memref<16x128xi32, #tpu.memory_space<hbm>>
      %dma_start3A_91 = arith.constant 0 : i32
      %dma_start3A_92 = tpu.memref_slice %arg4[%mul3A_2, %dma_start3A_91] : memref<512x128xi32, #tpu.memory_space<hbm>> -> memref<16x128xi32, #tpu.memory_space<hbm>>
      tpu.enqueue_dma source(%dma_start3A_92 : memref<16x128xi32, #tpu.memory_space<hbm>>) target(%arg8 : memref<16x128xi32, #tpu.memory_space<vmem>>) target_semaphore(%run_scoped3A : memref<!tpu.dma_semaphore, #tpu.memory_space<semaphore_mem>>)
      %dma_wait3A = arith.constant 0 : i32
      %dma_wait3A_93 = tpu.memref_slice %arg4[%mul3A_2, %dma_wait3A] : memref<512x128xi32, #tpu.memory_space<hbm>> -> memref<16x128xi32, #tpu.memory_space<hbm>>
      %dma_wait3A_94 = arith.constant 0 : i32
      %dma_wait3A_95 = tpu.memref_slice %arg4[%mul3A_2, %dma_wait3A_94] : memref<512x128xi32, #tpu.memory_space<hbm>> -> memref<16x128xi32, #tpu.memory_space<hbm>>
      tpu.wait_dma2 semaphore(%run_scoped3A : memref<!tpu.dma_semaphore, #tpu.memory_space<semaphore_mem>>) src(%dma_wait3A_95 : memref<16x128xi32, #tpu.memory_space<hbm>>) dst(%arg8 : memref<16x128xi32, #tpu.memory_space<vmem>>)
      tpu.yield
    }) : () -> ()
    %mul3A_3 = arith.constant 16 : i32
    %mul3A_4 = arith.muli %add3A, %mul3A_3 : i32
    "tpu.region"() ({
      %run_scoped3A = tpu.sem_alloc : memref<!tpu.dma_semaphore, #tpu.memory_space<semaphore_mem>>
      %dma_start3A_89 = arith.constant 0 : i32
      %dma_start3A_90 = tpu.memref_slice %arg5[%mul3A_4, %dma_start3A_89] : memref<512x128xi32, #tpu.memory_space<hbm>> -> memref<16x128xi32, #tpu.memory_space<hbm>>
      %dma_start3A_91 = arith.constant 0 : i32
      %dma_start3A_92 = tpu.memref_slice %arg5[%mul3A_4, %dma_start3A_91] : memref<512x128xi32, #tpu.memory_space<hbm>> -> memref<16x128xi32, #tpu.memory_space<hbm>>
      tpu.enqueue_dma source(%dma_start3A_92 : memref<16x128xi32, #tpu.memory_space<hbm>>) target(%arg9 : memref<16x128xi32, #tpu.memory_space<vmem>>) target_semaphore(%run_scoped3A : memref<!tpu.dma_semaphore, #tpu.memory_space<semaphore_mem>>)
      %dma_wait3A = arith.constant 0 : i32
      %dma_wait3A_93 = tpu.memref_slice %arg5[%mul3A_4, %dma_wait3A] : memref<512x128xi32, #tpu.memory_space<hbm>> -> memref<16x128xi32, #tpu.memory_space<hbm>>
      %dma_wait3A_94 = arith.constant 0 : i32
      %dma_wait3A_95 = tpu.memref_slice %arg5[%mul3A_4, %dma_wait3A_94] : memref<512x128xi32, #tpu.memory_space<hbm>> -> memref<16x128xi32, #tpu.memory_space<hbm>>
      tpu.wait_dma2 semaphore(%run_scoped3A : memref<!tpu.dma_semaphore, #tpu.memory_space<semaphore_mem>>) src(%dma_wait3A_95 : memref<16x128xi32, #tpu.memory_space<hbm>>) dst(%arg9 : memref<16x128xi32, #tpu.memory_space<vmem>>)
      tpu.yield
    }) : () -> ()
    %dma_start3A = arith.constant 0 : i32
    %dma_start3A_5 = arith.constant 0 : i32
    %dma_start3A_6 = arith.constant 0 : i32
    %dma_start3A_7 = tpu.memref_slice %arg10[%dma_start3A_5, %dma_start3A_6] : memref<512x64xf32, #tpu.memory_space<vmem>> -> memref<128x64xf32, #tpu.memory_space<vmem>>
    %dma_start3A_8 = arith.constant 0 : i32
    %dma_start3A_9 = tpu.memref_slice %arg8[%dma_start3A, %dma_start3A_8] : memref<16x128xi32, #tpu.memory_space<vmem>> -> memref<1x128xi32, #tpu.memory_space<vmem>>
    %dma_start3A_10 = tpu.memref_squeeze %dma_start3A_9 : memref<1x128xi32, #tpu.memory_space<vmem>> -> memref<128xi32, #tpu.memory_space<vmem>>
    %dma_start3A_11 = arith.constant 0 : i32
    %dma_start3A_12 = arith.constant 0 : i32
    %dma_start3A_13 = tpu.memref_slice %arg2[%dma_start3A_11, %dma_start3A_12] : memref<100000x64xf32, #tpu.memory_space<hbm>> -> memref<100000x64xf32, #tpu.memory_space<hbm>>
    tpu.enqueue_indirect_dma source(%dma_start3A_13 : memref<100000x64xf32, #tpu.memory_space<hbm>>) target(%dma_start3A_7 : memref<128x64xf32, #tpu.memory_space<vmem>>) offsets(%dma_start3A_10 : memref<128xi32, #tpu.memory_space<vmem>>) semaphore(%arg14 : memref<!tpu.dma_semaphore, #tpu.memory_space<semaphore_mem>>)
    %dma_start3A_14 = arith.constant 0 : i32
    %dma_start3A_15 = arith.constant 0 : i32
    %dma_start3A_16 = arith.constant 0 : i32
    %dma_start3A_17 = tpu.memref_slice %arg12[%dma_start3A_15, %dma_start3A_16] : memref<512x16xf32, #tpu.memory_space<vmem>> -> memref<128x16xf32, #tpu.memory_space<vmem>>
    %dma_start3A_18 = arith.constant 0 : i32
    %dma_start3A_19 = tpu.memref_slice %arg9[%dma_start3A_14, %dma_start3A_18] : memref<16x128xi32, #tpu.memory_space<vmem>> -> memref<1x128xi32, #tpu.memory_space<vmem>>
    %dma_start3A_20 = tpu.memref_squeeze %dma_start3A_19 : memref<1x128xi32, #tpu.memory_space<vmem>> -> memref<128xi32, #tpu.memory_space<vmem>>
    %dma_start3A_21 = arith.constant 0 : i32
    %dma_start3A_22 = arith.constant 0 : i32
    %dma_start3A_23 = tpu.memref_slice %arg3[%dma_start3A_21, %dma_start3A_22] : memref<65536x16xf32, #tpu.memory_space<hbm>> -> memref<65536x16xf32, #tpu.memory_space<hbm>>
    tpu.enqueue_indirect_dma source(%dma_start3A_23 : memref<65536x16xf32, #tpu.memory_space<hbm>>) target(%dma_start3A_17 : memref<128x16xf32, #tpu.memory_space<vmem>>) offsets(%dma_start3A_20 : memref<128xi32, #tpu.memory_space<vmem>>) semaphore(%arg14 : memref<!tpu.dma_semaphore, #tpu.memory_space<semaphore_mem>>)
    %dma_start3A_24 = arith.constant 1 : i32
    %dma_start3A_25 = arith.constant 128 : i32
    %dma_start3A_26 = arith.constant 0 : i32
    %dma_start3A_27 = tpu.memref_slice %arg10[%dma_start3A_25, %dma_start3A_26] : memref<512x64xf32, #tpu.memory_space<vmem>> -> memref<128x64xf32, #tpu.memory_space<vmem>>
    %dma_start3A_28 = arith.constant 0 : i32
    %dma_start3A_29 = tpu.memref_slice %arg8[%dma_start3A_24, %dma_start3A_28] : memref<16x128xi32, #tpu.memory_space<vmem>> -> memref<1x128xi32, #tpu.memory_space<vmem>>
    %dma_start3A_30 = tpu.memref_squeeze %dma_start3A_29 : memref<1x128xi32, #tpu.memory_space<vmem>> -> memref<128xi32, #tpu.memory_space<vmem>>
    %dma_start3A_31 = arith.constant 0 : i32
    %dma_start3A_32 = arith.constant 0 : i32
    %dma_start3A_33 = tpu.memref_slice %arg2[%dma_start3A_31, %dma_start3A_32] : memref<100000x64xf32, #tpu.memory_space<hbm>> -> memref<100000x64xf32, #tpu.memory_space<hbm>>
    tpu.enqueue_indirect_dma source(%dma_start3A_33 : memref<100000x64xf32, #tpu.memory_space<hbm>>) target(%dma_start3A_27 : memref<128x64xf32, #tpu.memory_space<vmem>>) offsets(%dma_start3A_30 : memref<128xi32, #tpu.memory_space<vmem>>) semaphore(%arg14 : memref<!tpu.dma_semaphore, #tpu.memory_space<semaphore_mem>>)
    %dma_start3A_34 = arith.constant 1 : i32
    %dma_start3A_35 = arith.constant 128 : i32
    %dma_start3A_36 = arith.constant 0 : i32
    %dma_start3A_37 = tpu.memref_slice %arg12[%dma_start3A_35, %dma_start3A_36] : memref<512x16xf32, #tpu.memory_space<vmem>> -> memref<128x16xf32, #tpu.memory_space<vmem>>
    %dma_start3A_38 = arith.constant 0 : i32
    %dma_start3A_39 = tpu.memref_slice %arg9[%dma_start3A_34, %dma_start3A_38] : memref<16x128xi32, #tpu.memory_space<vmem>> -> memref<1x128xi32, #tpu.memory_space<vmem>>
    %dma_start3A_40 = tpu.memref_squeeze %dma_start3A_39 : memref<1x128xi32, #tpu.memory_space<vmem>> -> memref<128xi32, #tpu.memory_space<vmem>>
    %dma_start3A_41 = arith.constant 0 : i32
    %dma_start3A_42 = arith.constant 0 : i32
    %dma_start3A_43 = tpu.memref_slice %arg3[%dma_start3A_41, %dma_start3A_42] : memref<65536x16xf32, #tpu.memory_space<hbm>> -> memref<65536x16xf32, #tpu.memory_space<hbm>>
    tpu.enqueue_indirect_dma source(%dma_start3A_43 : memref<65536x16xf32, #tpu.memory_space<hbm>>) target(%dma_start3A_37 : memref<128x16xf32, #tpu.memory_space<vmem>>) offsets(%dma_start3A_40 : memref<128xi32, #tpu.memory_space<vmem>>) semaphore(%arg14 : memref<!tpu.dma_semaphore, #tpu.memory_space<semaphore_mem>>)
    %dma_start3A_44 = arith.constant 2 : i32
    %dma_start3A_45 = arith.constant 256 : i32
    %dma_start3A_46 = arith.constant 0 : i32
    %dma_start3A_47 = tpu.memref_slice %arg10[%dma_start3A_45, %dma_start3A_46] : memref<512x64xf32, #tpu.memory_space<vmem>> -> memref<128x64xf32, #tpu.memory_space<vmem>>
    %dma_start3A_48 = arith.constant 0 : i32
    %dma_start3A_49 = tpu.memref_slice %arg8[%dma_start3A_44, %dma_start3A_48] : memref<16x128xi32, #tpu.memory_space<vmem>> -> memref<1x128xi32, #tpu.memory_space<vmem>>
    %dma_start3A_50 = tpu.memref_squeeze %dma_start3A_49 : memref<1x128xi32, #tpu.memory_space<vmem>> -> memref<128xi32, #tpu.memory_space<vmem>>
    %dma_start3A_51 = arith.constant 0 : i32
    %dma_start3A_52 = arith.constant 0 : i32
    %dma_start3A_53 = tpu.memref_slice %arg2[%dma_start3A_51, %dma_start3A_52] : memref<100000x64xf32, #tpu.memory_space<hbm>> -> memref<100000x64xf32, #tpu.memory_space<hbm>>
    tpu.enqueue_indirect_dma source(%dma_start3A_53 : memref<100000x64xf32, #tpu.memory_space<hbm>>) target(%dma_start3A_47 : memref<128x64xf32, #tpu.memory_space<vmem>>) offsets(%dma_start3A_50 : memref<128xi32, #tpu.memory_space<vmem>>) semaphore(%arg14 : memref<!tpu.dma_semaphore, #tpu.memory_space<semaphore_mem>>)
    %dma_start3A_54 = arith.constant 2 : i32
    %dma_start3A_55 = arith.constant 256 : i32
    %dma_start3A_56 = arith.constant 0 : i32
    %dma_start3A_57 = tpu.memref_slice %arg12[%dma_start3A_55, %dma_start3A_56] : memref<512x16xf32, #tpu.memory_space<vmem>> -> memref<128x16xf32, #tpu.memory_space<vmem>>
    %dma_start3A_58 = arith.constant 0 : i32
    %dma_start3A_59 = tpu.memref_slice %arg9[%dma_start3A_54, %dma_start3A_58] : memref<16x128xi32, #tpu.memory_space<vmem>> -> memref<1x128xi32, #tpu.memory_space<vmem>>
    %dma_start3A_60 = tpu.memref_squeeze %dma_start3A_59 : memref<1x128xi32, #tpu.memory_space<vmem>> -> memref<128xi32, #tpu.memory_space<vmem>>
    %dma_start3A_61 = arith.constant 0 : i32
    %dma_start3A_62 = arith.constant 0 : i32
    %dma_start3A_63 = tpu.memref_slice %arg3[%dma_start3A_61, %dma_start3A_62] : memref<65536x16xf32, #tpu.memory_space<hbm>> -> memref<65536x16xf32, #tpu.memory_space<hbm>>
    tpu.enqueue_indirect_dma source(%dma_start3A_63 : memref<65536x16xf32, #tpu.memory_space<hbm>>) target(%dma_start3A_57 : memref<128x16xf32, #tpu.memory_space<vmem>>) offsets(%dma_start3A_60 : memref<128xi32, #tpu.memory_space<vmem>>) semaphore(%arg14 : memref<!tpu.dma_semaphore, #tpu.memory_space<semaphore_mem>>)
    %dma_start3A_64 = arith.constant 3 : i32
    %dma_start3A_65 = arith.constant 384 : i32
    %dma_start3A_66 = arith.constant 0 : i32
    %dma_start3A_67 = tpu.memref_slice %arg10[%dma_start3A_65, %dma_start3A_66] : memref<512x64xf32, #tpu.memory_space<vmem>> -> memref<128x64xf32, #tpu.memory_space<vmem>>
    %dma_start3A_68 = arith.constant 0 : i32
    %dma_start3A_69 = tpu.memref_slice %arg8[%dma_start3A_64, %dma_start3A_68] : memref<16x128xi32, #tpu.memory_space<vmem>> -> memref<1x128xi32, #tpu.memory_space<vmem>>
    %dma_start3A_70 = tpu.memref_squeeze %dma_start3A_69 : memref<1x128xi32, #tpu.memory_space<vmem>> -> memref<128xi32, #tpu.memory_space<vmem>>
    %dma_start3A_71 = arith.constant 0 : i32
    %dma_start3A_72 = arith.constant 0 : i32
    %dma_start3A_73 = tpu.memref_slice %arg2[%dma_start3A_71, %dma_start3A_72] : memref<100000x64xf32, #tpu.memory_space<hbm>> -> memref<100000x64xf32, #tpu.memory_space<hbm>>
    tpu.enqueue_indirect_dma source(%dma_start3A_73 : memref<100000x64xf32, #tpu.memory_space<hbm>>) target(%dma_start3A_67 : memref<128x64xf32, #tpu.memory_space<vmem>>) offsets(%dma_start3A_70 : memref<128xi32, #tpu.memory_space<vmem>>) semaphore(%arg14 : memref<!tpu.dma_semaphore, #tpu.memory_space<semaphore_mem>>)
    %dma_start3A_74 = arith.constant 3 : i32
    %dma_start3A_75 = arith.constant 384 : i32
    %dma_start3A_76 = arith.constant 0 : i32
    %dma_start3A_77 = tpu.memref_slice %arg12[%dma_start3A_75, %dma_start3A_76] : memref<512x16xf32, #tpu.memory_space<vmem>> -> memref<128x16xf32, #tpu.memory_space<vmem>>
    %dma_start3A_78 = arith.constant 0 : i32
    %dma_start3A_79 = tpu.memref_slice %arg9[%dma_start3A_74, %dma_start3A_78] : memref<16x128xi32, #tpu.memory_space<vmem>> -> memref<1x128xi32, #tpu.memory_space<vmem>>
    %dma_start3A_80 = tpu.memref_squeeze %dma_start3A_79 : memref<1x128xi32, #tpu.memory_space<vmem>> -> memref<128xi32, #tpu.memory_space<vmem>>
    %dma_start3A_81 = arith.constant 0 : i32
    %dma_start3A_82 = arith.constant 0 : i32
    %dma_start3A_83 = tpu.memref_slice %arg3[%dma_start3A_81, %dma_start3A_82] : memref<65536x16xf32, #tpu.memory_space<hbm>> -> memref<65536x16xf32, #tpu.memory_space<hbm>>
    tpu.enqueue_indirect_dma source(%dma_start3A_83 : memref<65536x16xf32, #tpu.memory_space<hbm>>) target(%dma_start3A_77 : memref<128x16xf32, #tpu.memory_space<vmem>>) offsets(%dma_start3A_80 : memref<128xi32, #tpu.memory_space<vmem>>) semaphore(%arg14 : memref<!tpu.dma_semaphore, #tpu.memory_space<semaphore_mem>>)
    %scan3A = arith.constant 0 : i32
    %scan3A_84 = arith.constant 0 : i32
    %scan3A_85 = arith.constant 2 : i32
    %scan3A_86 = arith.addi %scan3A_84, %scan3A_85 : i32
    %scan3A_87 = arith.constant 1 : i32
    scf.for %scan3A_89 = %scan3A_84 to %scan3A_86 step %scan3A_87  : i32 {
      %mul3A_90 = arith.constant 2 : i32
      %mul3A_91 = arith.muli %mul3A_90, %scan3A_89 : i32
      %add3A_92 = arith.constant 1 : i32
      %add3A_93 = arith.addi %mul3A_91, %add3A_92 : i32
      %mul3A_94 = arith.constant 4 : i32
      %mul3A_95 = arith.muli %add3A_93, %mul3A_94 : i32
      %add3A_96 = arith.constant 0 : i32
      %add3A_97 = arith.addi %mul3A_95, %add3A_96 : i32
      %dma_start3A_98 = arith.constant 0 : i32
      %dma_start3A_99 = arith.constant 0 : i32
      %dma_start3A_100 = tpu.memref_slice %arg11[%dma_start3A_98, %dma_start3A_99] : memref<512x64xf32, #tpu.memory_space<vmem>> -> memref<128x64xf32, #tpu.memory_space<vmem>>
      %dma_start3A_101 = arith.constant 0 : i32
      %dma_start3A_102 = tpu.memref_slice %arg8[%add3A_97, %dma_start3A_101] : memref<16x128xi32, #tpu.memory_space<vmem>> -> memref<1x128xi32, #tpu.memory_space<vmem>>
      %dma_start3A_103 = tpu.memref_squeeze %dma_start3A_102 : memref<1x128xi32, #tpu.memory_space<vmem>> -> memref<128xi32, #tpu.memory_space<vmem>>
      %dma_start3A_104 = arith.constant 0 : i32
      %dma_start3A_105 = arith.constant 0 : i32
      %dma_start3A_106 = tpu.memref_slice %arg2[%dma_start3A_104, %dma_start3A_105] : memref<100000x64xf32, #tpu.memory_space<hbm>> -> memref<100000x64xf32, #tpu.memory_space<hbm>>
      tpu.enqueue_indirect_dma source(%dma_start3A_106 : memref<100000x64xf32, #tpu.memory_space<hbm>>) target(%dma_start3A_100 : memref<128x64xf32, #tpu.memory_space<vmem>>) offsets(%dma_start3A_103 : memref<128xi32, #tpu.memory_space<vmem>>) semaphore(%arg14 : memref<!tpu.dma_semaphore, #tpu.memory_space<semaphore_mem>>)
      %mul3A_107 = arith.constant 4 : i32
      %mul3A_108 = arith.muli %add3A_93, %mul3A_107 : i32
      %add3A_109 = arith.constant 0 : i32
      %add3A_110 = arith.addi %mul3A_108, %add3A_109 : i32
      %dma_start3A_111 = arith.constant 0 : i32
      %dma_start3A_112 = arith.constant 0 : i32
      %dma_start3A_113 = tpu.memref_slice %arg13[%dma_start3A_111, %dma_start3A_112] : memref<512x16xf32, #tpu.memory_space<vmem>> -> memref<128x16xf32, #tpu.memory_space<vmem>>
      %dma_start3A_114 = arith.constant 0 : i32
      %dma_start3A_115 = tpu.memref_slice %arg9[%add3A_110, %dma_start3A_114] : memref<16x128xi32, #tpu.memory_space<vmem>> -> memref<1x128xi32, #tpu.memory_space<vmem>>
      %dma_start3A_116 = tpu.memref_squeeze %dma_start3A_115 : memref<1x128xi32, #tpu.memory_space<vmem>> -> memref<128xi32, #tpu.memory_space<vmem>>
      %dma_start3A_117 = arith.constant 0 : i32
      %dma_start3A_118 = arith.constant 0 : i32
      %dma_start3A_119 = tpu.memref_slice %arg3[%dma_start3A_117, %dma_start3A_118] : memref<65536x16xf32, #tpu.memory_space<hbm>> -> memref<65536x16xf32, #tpu.memory_space<hbm>>
      tpu.enqueue_indirect_dma source(%dma_start3A_119 : memref<65536x16xf32, #tpu.memory_space<hbm>>) target(%dma_start3A_113 : memref<128x16xf32, #tpu.memory_space<vmem>>) offsets(%dma_start3A_116 : memref<128xi32, #tpu.memory_space<vmem>>) semaphore(%arg14 : memref<!tpu.dma_semaphore, #tpu.memory_space<semaphore_mem>>)
      %mul3A_120 = arith.constant 4 : i32
      %mul3A_121 = arith.muli %add3A_93, %mul3A_120 : i32
      %add3A_122 = arith.constant 1 : i32
      %add3A_123 = arith.addi %mul3A_121, %add3A_122 : i32
      %dma_start3A_124 = arith.constant 128 : i32
      %dma_start3A_125 = arith.constant 0 : i32
      %dma_start3A_126 = tpu.memref_slice %arg11[%dma_start3A_124, %dma_start3A_125] : memref<512x64xf32, #tpu.memory_space<vmem>> -> memref<128x64xf32, #tpu.memory_space<vmem>>
      %dma_start3A_127 = arith.constant 0 : i32
      %dma_start3A_128 = tpu.memref_slice %arg8[%add3A_123, %dma_start3A_127] : memref<16x128xi32, #tpu.memory_space<vmem>> -> memref<1x128xi32, #tpu.memory_space<vmem>>
      %dma_start3A_129 = tpu.memref_squeeze %dma_start3A_128 : memref<1x128xi32, #tpu.memory_space<vmem>> -> memref<128xi32, #tpu.memory_space<vmem>>
      %dma_start3A_130 = arith.constant 0 : i32
      %dma_start3A_131 = arith.constant 0 : i32
      %dma_start3A_132 = tpu.memref_slice %arg2[%dma_start3A_130, %dma_start3A_131] : memref<100000x64xf32, #tpu.memory_space<hbm>> -> memref<100000x64xf32, #tpu.memory_space<hbm>>
      tpu.enqueue_indirect_dma source(%dma_start3A_132 : memref<100000x64xf32, #tpu.memory_space<hbm>>) target(%dma_start3A_126 : memref<128x64xf32, #tpu.memory_space<vmem>>) offsets(%dma_start3A_129 : memref<128xi32, #tpu.memory_space<vmem>>) semaphore(%arg14 : memref<!tpu.dma_semaphore, #tpu.memory_space<semaphore_mem>>)
      %mul3A_133 = arith.constant 4 : i32
      %mul3A_134 = arith.muli %add3A_93, %mul3A_133 : i32
      %add3A_135 = arith.constant 1 : i32
      %add3A_136 = arith.addi %mul3A_134, %add3A_135 : i32
      %dma_start3A_137 = arith.constant 128 : i32
      %dma_start3A_138 = arith.constant 0 : i32
      %dma_start3A_139 = tpu.memref_slice %arg13[%dma_start3A_137, %dma_start3A_138] : memref<512x16xf32, #tpu.memory_space<vmem>> -> memref<128x16xf32, #tpu.memory_space<vmem>>
      %dma_start3A_140 = arith.constant 0 : i32
      %dma_start3A_141 = tpu.memref_slice %arg9[%add3A_136, %dma_start3A_140] : memref<16x128xi32, #tpu.memory_space<vmem>> -> memref<1x128xi32, #tpu.memory_space<vmem>>
      %dma_start3A_142 = tpu.memref_squeeze %dma_start3A_141 : memref<1x128xi32, #tpu.memory_space<vmem>> -> memref<128xi32, #tpu.memory_space<vmem>>
      %dma_start3A_143 = arith.constant 0 : i32
      %dma_start3A_144 = arith.constant 0 : i32
      %dma_start3A_145 = tpu.memref_slice %arg3[%dma_start3A_143, %dma_start3A_144] : memref<65536x16xf32, #tpu.memory_space<hbm>> -> memref<65536x16xf32, #tpu.memory_space<hbm>>
      tpu.enqueue_indirect_dma source(%dma_start3A_145 : memref<65536x16xf32, #tpu.memory_space<hbm>>) target(%dma_start3A_139 : memref<128x16xf32, #tpu.memory_space<vmem>>) offsets(%dma_start3A_142 : memref<128xi32, #tpu.memory_space<vmem>>) semaphore(%arg14 : memref<!tpu.dma_semaphore, #tpu.memory_space<semaphore_mem>>)
      %mul3A_146 = arith.constant 4 : i32
      %mul3A_147 = arith.muli %add3A_93, %mul3A_146 : i32
      %add3A_148 = arith.constant 2 : i32
      %add3A_149 = arith.addi %mul3A_147, %add3A_148 : i32
      %dma_start3A_150 = arith.constant 256 : i32
      %dma_start3A_151 = arith.constant 0 : i32
      %dma_start3A_152 = tpu.memref_slice %arg11[%dma_start3A_150, %dma_start3A_151] : memref<512x64xf32, #tpu.memory_space<vmem>> -> memref<128x64xf32, #tpu.memory_space<vmem>>
      %dma_start3A_153 = arith.constant 0 : i32
      %dma_start3A_154 = tpu.memref_slice %arg8[%add3A_149, %dma_start3A_153] : memref<16x128xi32, #tpu.memory_space<vmem>> -> memref<1x128xi32, #tpu.memory_space<vmem>>
      %dma_start3A_155 = tpu.memref_squeeze %dma_start3A_154 : memref<1x128xi32, #tpu.memory_space<vmem>> -> memref<128xi32, #tpu.memory_space<vmem>>
      %dma_start3A_156 = arith.constant 0 : i32
      %dma_start3A_157 = arith.constant 0 : i32
      %dma_start3A_158 = tpu.memref_slice %arg2[%dma_start3A_156, %dma_start3A_157] : memref<100000x64xf32, #tpu.memory_space<hbm>> -> memref<100000x64xf32, #tpu.memory_space<hbm>>
      tpu.enqueue_indirect_dma source(%dma_start3A_158 : memref<100000x64xf32, #tpu.memory_space<hbm>>) target(%dma_start3A_152 : memref<128x64xf32, #tpu.memory_space<vmem>>) offsets(%dma_start3A_155 : memref<128xi32, #tpu.memory_space<vmem>>) semaphore(%arg14 : memref<!tpu.dma_semaphore, #tpu.memory_space<semaphore_mem>>)
      %mul3A_159 = arith.constant 4 : i32
      %mul3A_160 = arith.muli %add3A_93, %mul3A_159 : i32
      %add3A_161 = arith.constant 2 : i32
      %add3A_162 = arith.addi %mul3A_160, %add3A_161 : i32
      %dma_start3A_163 = arith.constant 256 : i32
      %dma_start3A_164 = arith.constant 0 : i32
      %dma_start3A_165 = tpu.memref_slice %arg13[%dma_start3A_163, %dma_start3A_164] : memref<512x16xf32, #tpu.memory_space<vmem>> -> memref<128x16xf32, #tpu.memory_space<vmem>>
      %dma_start3A_166 = arith.constant 0 : i32
      %dma_start3A_167 = tpu.memref_slice %arg9[%add3A_162, %dma_start3A_166] : memref<16x128xi32, #tpu.memory_space<vmem>> -> memref<1x128xi32, #tpu.memory_space<vmem>>
      %dma_start3A_168 = tpu.memref_squeeze %dma_start3A_167 : memref<1x128xi32, #tpu.memory_space<vmem>> -> memref<128xi32, #tpu.memory_space<vmem>>
      %dma_start3A_169 = arith.constant 0 : i32
      %dma_start3A_170 = arith.constant 0 : i32
      %dma_start3A_171 = tpu.memref_slice %arg3[%dma_start3A_169, %dma_start3A_170] : memref<65536x16xf32, #tpu.memory_space<hbm>> -> memref<65536x16xf32, #tpu.memory_space<hbm>>
      tpu.enqueue_indirect_dma source(%dma_start3A_171 : memref<65536x16xf32, #tpu.memory_space<hbm>>) target(%dma_start3A_165 : memref<128x16xf32, #tpu.memory_space<vmem>>) offsets(%dma_start3A_168 : memref<128xi32, #tpu.memory_space<vmem>>) semaphore(%arg14 : memref<!tpu.dma_semaphore, #tpu.memory_space<semaphore_mem>>)
      %mul3A_172 = arith.constant 4 : i32
      %mul3A_173 = arith.muli %add3A_93, %mul3A_172 : i32
      %add3A_174 = arith.constant 3 : i32
      %add3A_175 = arith.addi %mul3A_173, %add3A_174 : i32
      %dma_start3A_176 = arith.constant 384 : i32
      %dma_start3A_177 = arith.constant 0 : i32
      %dma_start3A_178 = tpu.memref_slice %arg11[%dma_start3A_176, %dma_start3A_177] : memref<512x64xf32, #tpu.memory_space<vmem>> -> memref<128x64xf32, #tpu.memory_space<vmem>>
      %dma_start3A_179 = arith.constant 0 : i32
      %dma_start3A_180 = tpu.memref_slice %arg8[%add3A_175, %dma_start3A_179] : memref<16x128xi32, #tpu.memory_space<vmem>> -> memref<1x128xi32, #tpu.memory_space<vmem>>
      %dma_start3A_181 = tpu.memref_squeeze %dma_start3A_180 : memref<1x128xi32, #tpu.memory_space<vmem>> -> memref<128xi32, #tpu.memory_space<vmem>>
      %dma_start3A_182 = arith.constant 0 : i32
      %dma_start3A_183 = arith.constant 0 : i32
      %dma_start3A_184 = tpu.memref_slice %arg2[%dma_start3A_182, %dma_start3A_183] : memref<100000x64xf32, #tpu.memory_space<hbm>> -> memref<100000x64xf32, #tpu.memory_space<hbm>>
      tpu.enqueue_indirect_dma source(%dma_start3A_184 : memref<100000x64xf32, #tpu.memory_space<hbm>>) target(%dma_start3A_178 : memref<128x64xf32, #tpu.memory_space<vmem>>) offsets(%dma_start3A_181 : memref<128xi32, #tpu.memory_space<vmem>>) semaphore(%arg14 : memref<!tpu.dma_semaphore, #tpu.memory_space<semaphore_mem>>)
      %mul3A_185 = arith.constant 4 : i32
      %mul3A_186 = arith.muli %add3A_93, %mul3A_185 : i32
      %add3A_187 = arith.constant 3 : i32
      %add3A_188 = arith.addi %mul3A_186, %add3A_187 : i32
      %dma_start3A_189 = arith.constant 384 : i32
      %dma_start3A_190 = arith.constant 0 : i32
      %dma_start3A_191 = tpu.memref_slice %arg13[%dma_start3A_189, %dma_start3A_190] : memref<512x16xf32, #tpu.memory_space<vmem>> -> memref<128x16xf32, #tpu.memory_space<vmem>>
      %dma_start3A_192 = arith.constant 0 : i32
      %dma_start3A_193 = tpu.memref_slice %arg9[%add3A_188, %dma_start3A_192] : memref<16x128xi32, #tpu.memory_space<vmem>> -> memref<1x128xi32, #tpu.memory_space<vmem>>
      %dma_start3A_194 = tpu.memref_squeeze %dma_start3A_193 : memref<1x128xi32, #tpu.memory_space<vmem>> -> memref<128xi32, #tpu.memory_space<vmem>>
      %dma_start3A_195 = arith.constant 0 : i32
      %dma_start3A_196 = arith.constant 0 : i32
      %dma_start3A_197 = tpu.memref_slice %arg3[%dma_start3A_195, %dma_start3A_196] : memref<65536x16xf32, #tpu.memory_space<hbm>> -> memref<65536x16xf32, #tpu.memory_space<hbm>>
      tpu.enqueue_indirect_dma source(%dma_start3A_197 : memref<65536x16xf32, #tpu.memory_space<hbm>>) target(%dma_start3A_191 : memref<128x16xf32, #tpu.memory_space<vmem>>) offsets(%dma_start3A_194 : memref<128xi32, #tpu.memory_space<vmem>>) semaphore(%arg14 : memref<!tpu.dma_semaphore, #tpu.memory_space<semaphore_mem>>)
      %dma_wait3A = arith.constant 0 : i32
      %dma_wait3A_198 = arith.constant 0 : i32
      %dma_wait3A_199 = tpu.memref_slice %arg10[%dma_wait3A, %dma_wait3A_198] : memref<512x64xf32, #tpu.memory_space<vmem>> -> memref<128x64xf32, #tpu.memory_space<vmem>>
      %dma_wait3A_200 = arith.constant 0 : i32
      %dma_wait3A_201 = arith.constant 0 : i32
      %dma_wait3A_202 = tpu.memref_slice %arg2[%dma_wait3A_200, %dma_wait3A_201] : memref<100000x64xf32, #tpu.memory_space<hbm>> -> memref<128x64xf32, #tpu.memory_space<hbm>>
      %dma_wait3A_203 = arith.constant 0 : i32
      %dma_wait3A_204 = arith.constant 0 : i32
      %dma_wait3A_205 = tpu.memref_slice %arg10[%dma_wait3A_203, %dma_wait3A_204] : memref<512x64xf32, #tpu.memory_space<vmem>> -> memref<128x64xf32, #tpu.memory_space<vmem>>
      %dma_wait3A_206 = arith.constant 0 : i32
      %dma_wait3A_207 = arith.constant 0 : i32
      %dma_wait3A_208 = tpu.memref_slice %arg2[%dma_wait3A_206, %dma_wait3A_207] : memref<100000x64xf32, #tpu.memory_space<hbm>> -> memref<128x64xf32, #tpu.memory_space<hbm>>
      tpu.wait_dma2 semaphore(%arg14 : memref<!tpu.dma_semaphore, #tpu.memory_space<semaphore_mem>>) src(%dma_wait3A_208 : memref<128x64xf32, #tpu.memory_space<hbm>>) dst(%dma_wait3A_205 : memref<128x64xf32, #tpu.memory_space<vmem>>)
      %dma_wait3A_209 = arith.constant 0 : i32
      %dma_wait3A_210 = arith.constant 0 : i32
      %dma_wait3A_211 = tpu.memref_slice %arg12[%dma_wait3A_209, %dma_wait3A_210] : memref<512x16xf32, #tpu.memory_space<vmem>> -> memref<128x16xf32, #tpu.memory_space<vmem>>
      %dma_wait3A_212 = arith.constant 0 : i32
      %dma_wait3A_213 = arith.constant 0 : i32
      %dma_wait3A_214 = tpu.memref_slice %arg3[%dma_wait3A_212, %dma_wait3A_213] : memref<65536x16xf32, #tpu.memory_space<hbm>> -> memref<128x16xf32, #tpu.memory_space<hbm>>
      %dma_wait3A_215 = arith.constant 0 : i32
      %dma_wait3A_216 = arith.constant 0 : i32
      %dma_wait3A_217 = tpu.memref_slice %arg12[%dma_wait3A_215, %dma_wait3A_216] : memref<512x16xf32, #tpu.memory_space<vmem>> -> memref<128x16xf32, #tpu.memory_space<vmem>>
      %dma_wait3A_218 = arith.constant 0 : i32
      %dma_wait3A_219 = arith.constant 0 : i32
      %dma_wait3A_220 = tpu.memref_slice %arg3[%dma_wait3A_218, %dma_wait3A_219] : memref<65536x16xf32, #tpu.memory_space<hbm>> -> memref<128x16xf32, #tpu.memory_space<hbm>>
      tpu.wait_dma2 semaphore(%arg14 : memref<!tpu.dma_semaphore, #tpu.memory_space<semaphore_mem>>) src(%dma_wait3A_220 : memref<128x16xf32, #tpu.memory_space<hbm>>) dst(%dma_wait3A_217 : memref<128x16xf32, #tpu.memory_space<vmem>>)
      %dma_wait3A_221 = arith.constant 128 : i32
      %dma_wait3A_222 = arith.constant 0 : i32
      %dma_wait3A_223 = tpu.memref_slice %arg10[%dma_wait3A_221, %dma_wait3A_222] : memref<512x64xf32, #tpu.memory_space<vmem>> -> memref<128x64xf32, #tpu.memory_space<vmem>>
      %dma_wait3A_224 = arith.constant 0 : i32
      %dma_wait3A_225 = arith.constant 0 : i32
      %dma_wait3A_226 = tpu.memref_slice %arg2[%dma_wait3A_224, %dma_wait3A_225] : memref<100000x64xf32, #tpu.memory_space<hbm>> -> memref<128x64xf32, #tpu.memory_space<hbm>>
      %dma_wait3A_227 = arith.constant 128 : i32
      %dma_wait3A_228 = arith.constant 0 : i32
      %dma_wait3A_229 = tpu.memref_slice %arg10[%dma_wait3A_227, %dma_wait3A_228] : memref<512x64xf32, #tpu.memory_space<vmem>> -> memref<128x64xf32, #tpu.memory_space<vmem>>
      %dma_wait3A_230 = arith.constant 0 : i32
      %dma_wait3A_231 = arith.constant 0 : i32
      %dma_wait3A_232 = tpu.memref_slice %arg2[%dma_wait3A_230, %dma_wait3A_231] : memref<100000x64xf32, #tpu.memory_space<hbm>> -> memref<128x64xf32, #tpu.memory_space<hbm>>
      tpu.wait_dma2 semaphore(%arg14 : memref<!tpu.dma_semaphore, #tpu.memory_space<semaphore_mem>>) src(%dma_wait3A_232 : memref<128x64xf32, #tpu.memory_space<hbm>>) dst(%dma_wait3A_229 : memref<128x64xf32, #tpu.memory_space<vmem>>)
      %dma_wait3A_233 = arith.constant 128 : i32
      %dma_wait3A_234 = arith.constant 0 : i32
      %dma_wait3A_235 = tpu.memref_slice %arg12[%dma_wait3A_233, %dma_wait3A_234] : memref<512x16xf32, #tpu.memory_space<vmem>> -> memref<128x16xf32, #tpu.memory_space<vmem>>
      %dma_wait3A_236 = arith.constant 0 : i32
      %dma_wait3A_237 = arith.constant 0 : i32
      %dma_wait3A_238 = tpu.memref_slice %arg3[%dma_wait3A_236, %dma_wait3A_237] : memref<65536x16xf32, #tpu.memory_space<hbm>> -> memref<128x16xf32, #tpu.memory_space<hbm>>
      %dma_wait3A_239 = arith.constant 128 : i32
      %dma_wait3A_240 = arith.constant 0 : i32
      %dma_wait3A_241 = tpu.memref_slice %arg12[%dma_wait3A_239, %dma_wait3A_240] : memref<512x16xf32, #tpu.memory_space<vmem>> -> memref<128x16xf32, #tpu.memory_space<vmem>>
      %dma_wait3A_242 = arith.constant 0 : i32
      %dma_wait3A_243 = arith.constant 0 : i32
      %dma_wait3A_244 = tpu.memref_slice %arg3[%dma_wait3A_242, %dma_wait3A_243] : memref<65536x16xf32, #tpu.memory_space<hbm>> -> memref<128x16xf32, #tpu.memory_space<hbm>>
      tpu.wait_dma2 semaphore(%arg14 : memref<!tpu.dma_semaphore, #tpu.memory_space<semaphore_mem>>) src(%dma_wait3A_244 : memref<128x16xf32, #tpu.memory_space<hbm>>) dst(%dma_wait3A_241 : memref<128x16xf32, #tpu.memory_space<vmem>>)
      %dma_wait3A_245 = arith.constant 256 : i32
      %dma_wait3A_246 = arith.constant 0 : i32
      %dma_wait3A_247 = tpu.memref_slice %arg10[%dma_wait3A_245, %dma_wait3A_246] : memref<512x64xf32, #tpu.memory_space<vmem>> -> memref<128x64xf32, #tpu.memory_space<vmem>>
      %dma_wait3A_248 = arith.constant 0 : i32
      %dma_wait3A_249 = arith.constant 0 : i32
      %dma_wait3A_250 = tpu.memref_slice %arg2[%dma_wait3A_248, %dma_wait3A_249] : memref<100000x64xf32, #tpu.memory_space<hbm>> -> memref<128x64xf32, #tpu.memory_space<hbm>>
      %dma_wait3A_251 = arith.constant 256 : i32
      %dma_wait3A_252 = arith.constant 0 : i32
      %dma_wait3A_253 = tpu.memref_slice %arg10[%dma_wait3A_251, %dma_wait3A_252] : memref<512x64xf32, #tpu.memory_space<vmem>> -> memref<128x64xf32, #tpu.memory_space<vmem>>
      %dma_wait3A_254 = arith.constant 0 : i32
      %dma_wait3A_255 = arith.constant 0 : i32
      %dma_wait3A_256 = tpu.memref_slice %arg2[%dma_wait3A_254, %dma_wait3A_255] : memref<100000x64xf32, #tpu.memory_space<hbm>> -> memref<128x64xf32, #tpu.memory_space<hbm>>
      tpu.wait_dma2 semaphore(%arg14 : memref<!tpu.dma_semaphore, #tpu.memory_space<semaphore_mem>>) src(%dma_wait3A_256 : memref<128x64xf32, #tpu.memory_space<hbm>>) dst(%dma_wait3A_253 : memref<128x64xf32, #tpu.memory_space<vmem>>)
      %dma_wait3A_257 = arith.constant 256 : i32
      %dma_wait3A_258 = arith.constant 0 : i32
      %dma_wait3A_259 = tpu.memref_slice %arg12[%dma_wait3A_257, %dma_wait3A_258] : memref<512x16xf32, #tpu.memory_space<vmem>> -> memref<128x16xf32, #tpu.memory_space<vmem>>
      %dma_wait3A_260 = arith.constant 0 : i32
      %dma_wait3A_261 = arith.constant 0 : i32
      %dma_wait3A_262 = tpu.memref_slice %arg3[%dma_wait3A_260, %dma_wait3A_261] : memref<65536x16xf32, #tpu.memory_space<hbm>> -> memref<128x16xf32, #tpu.memory_space<hbm>>
      %dma_wait3A_263 = arith.constant 256 : i32
      %dma_wait3A_264 = arith.constant 0 : i32
      %dma_wait3A_265 = tpu.memref_slice %arg12[%dma_wait3A_263, %dma_wait3A_264] : memref<512x16xf32, #tpu.memory_space<vmem>> -> memref<128x16xf32, #tpu.memory_space<vmem>>
      %dma_wait3A_266 = arith.constant 0 : i32
      %dma_wait3A_267 = arith.constant 0 : i32
      %dma_wait3A_268 = tpu.memref_slice %arg3[%dma_wait3A_266, %dma_wait3A_267] : memref<65536x16xf32, #tpu.memory_space<hbm>> -> memref<128x16xf32, #tpu.memory_space<hbm>>
      tpu.wait_dma2 semaphore(%arg14 : memref<!tpu.dma_semaphore, #tpu.memory_space<semaphore_mem>>) src(%dma_wait3A_268 : memref<128x16xf32, #tpu.memory_space<hbm>>) dst(%dma_wait3A_265 : memref<128x16xf32, #tpu.memory_space<vmem>>)
      %dma_wait3A_269 = arith.constant 384 : i32
      %dma_wait3A_270 = arith.constant 0 : i32
      %dma_wait3A_271 = tpu.memref_slice %arg10[%dma_wait3A_269, %dma_wait3A_270] : memref<512x64xf32, #tpu.memory_space<vmem>> -> memref<128x64xf32, #tpu.memory_space<vmem>>
      %dma_wait3A_272 = arith.constant 0 : i32
      %dma_wait3A_273 = arith.constant 0 : i32
      %dma_wait3A_274 = tpu.memref_slice %arg2[%dma_wait3A_272, %dma_wait3A_273] : memref<100000x64xf32, #tpu.memory_space<hbm>> -> memref<128x64xf32, #tpu.memory_space<hbm>>
      %dma_wait3A_275 = arith.constant 384 : i32
      %dma_wait3A_276 = arith.constant 0 : i32
      %dma_wait3A_277 = tpu.memref_slice %arg10[%dma_wait3A_275, %dma_wait3A_276] : memref<512x64xf32, #tpu.memory_space<vmem>> -> memref<128x64xf32, #tpu.memory_space<vmem>>
      %dma_wait3A_278 = arith.constant 0 : i32
      %dma_wait3A_279 = arith.constant 0 : i32
      %dma_wait3A_280 = tpu.memref_slice %arg2[%dma_wait3A_278, %dma_wait3A_279] : memref<100000x64xf32, #tpu.memory_space<hbm>> -> memref<128x64xf32, #tpu.memory_space<hbm>>
      tpu.wait_dma2 semaphore(%arg14 : memref<!tpu.dma_semaphore, #tpu.memory_space<semaphore_mem>>) src(%dma_wait3A_280 : memref<128x64xf32, #tpu.memory_space<hbm>>) dst(%dma_wait3A_277 : memref<128x64xf32, #tpu.memory_space<vmem>>)
      %dma_wait3A_281 = arith.constant 384 : i32
      %dma_wait3A_282 = arith.constant 0 : i32
      %dma_wait3A_283 = tpu.memref_slice %arg12[%dma_wait3A_281, %dma_wait3A_282] : memref<512x16xf32, #tpu.memory_space<vmem>> -> memref<128x16xf32, #tpu.memory_space<vmem>>
      %dma_wait3A_284 = arith.constant 0 : i32
      %dma_wait3A_285 = arith.constant 0 : i32
      %dma_wait3A_286 = tpu.memref_slice %arg3[%dma_wait3A_284, %dma_wait3A_285] : memref<65536x16xf32, #tpu.memory_space<hbm>> -> memref<128x16xf32, #tpu.memory_space<hbm>>
      %dma_wait3A_287 = arith.constant 384 : i32
      %dma_wait3A_288 = arith.constant 0 : i32
      %dma_wait3A_289 = tpu.memref_slice %arg12[%dma_wait3A_287, %dma_wait3A_288] : memref<512x16xf32, #tpu.memory_space<vmem>> -> memref<128x16xf32, #tpu.memory_space<vmem>>
      %dma_wait3A_290 = arith.constant 0 : i32
      %dma_wait3A_291 = arith.constant 0 : i32
      %dma_wait3A_292 = tpu.memref_slice %arg3[%dma_wait3A_290, %dma_wait3A_291] : memref<65536x16xf32, #tpu.memory_space<hbm>> -> memref<128x16xf32, #tpu.memory_space<hbm>>
      tpu.wait_dma2 semaphore(%arg14 : memref<!tpu.dma_semaphore, #tpu.memory_space<semaphore_mem>>) src(%dma_wait3A_292 : memref<128x16xf32, #tpu.memory_space<hbm>>) dst(%dma_wait3A_289 : memref<128x16xf32, #tpu.memory_space<vmem>>)
      %mul3A_293 = arith.constant 2 : i32
      %mul3A_294 = arith.muli %mul3A_293, %scan3A_89 : i32
      %mul3A_295 = arith.constant 2048 : i32
      %mul3A_296 = arith.muli %add3A, %mul3A_295 : i32
      %mul3A_297 = arith.constant 512 : i32
      %mul3A_298 = arith.muli %mul3A_294, %mul3A_297 : i32
      %add3A_299 = arith.addi %mul3A_296, %mul3A_298 : i32
      %jit3A = arith.constant 2048 : i32
      %div3A = arith.divsi %add3A_299, %jit3A : i32
      %sign3A = arith.constant 0 : i32
      %sign3A_300 = arith.cmpi sgt, %add3A_299, %sign3A : i32
      %sign3A_301 = arith.extui %sign3A_300 : i1 to i32
      %sign3A_302 = arith.constant 0 : i32
      %sign3A_303 = arith.cmpi slt, %add3A_299, %sign3A_302 : i32
      %sign3A_304 = arith.extui %sign3A_303 : i1 to i32
      %sign3A_305 = arith.subi %sign3A_301, %sign3A_304 : i32
      %sign3A_306 = arith.constant 0 : i32
      %sign3A_307 = arith.cmpi sgt, %jit3A, %sign3A_306 : i32
      %sign3A_308 = arith.extui %sign3A_307 : i1 to i32
      %sign3A_309 = arith.constant 0 : i32
      %sign3A_310 = arith.cmpi slt, %jit3A, %sign3A_309 : i32
      %sign3A_311 = arith.extui %sign3A_310 : i1 to i32
      %sign3A_312 = arith.subi %sign3A_308, %sign3A_311 : i32
      %ne3A = arith.cmpi ne, %sign3A_305, %sign3A_312 : i32
      %rem3A = arith.remsi %add3A_299, %jit3A : i32
      %ne3A_313 = arith.constant 0 : i32
      %ne3A_314 = arith.cmpi ne, %rem3A, %ne3A_313 : i32
      %and3A = arith.andi %ne3A, %ne3A_314 : i1
      %sub3A = arith.constant 1 : i32
      %sub3A_315 = arith.subi %div3A, %sub3A : i32
      %select_n3A = arith.select %and3A, %sub3A_315, %div3A : i32
      %jit3A_316 = arith.constant 2048 : i32
      %eq3A = arith.constant 0 : i32
      %eq3A_317 = arith.cmpi eq, %jit3A_316, %eq3A : i32
      %jit3A_318 = arith.constant 1 : i32
      %select_n3A_319 = arith.select %eq3A_317, %jit3A_318, %jit3A_316 : i32
      %rem3A_320 = arith.remsi %add3A_299, %select_n3A_319 : i32
      %ne3A_321 = arith.constant 0 : i32
      %ne3A_322 = arith.cmpi ne, %rem3A_320, %ne3A_321 : i32
      %lt3A = arith.constant 0 : i32
      %lt3A_323 = arith.cmpi slt, %rem3A_320, %lt3A : i32
      %lt3A_324 = arith.constant 0 : i32
      %lt3A_325 = arith.cmpi slt, %select_n3A_319, %lt3A_324 : i32
      %ne3A_326 = arith.xori %lt3A_323, %lt3A_325 : i1
      %and3A_327 = arith.andi %ne3A_326, %ne3A_322 : i1
      %add3A_328 = arith.addi %rem3A_320, %select_n3A_319 : i32
      %select_n3A_329 = arith.select %and3A_327, %add3A_328, %rem3A_320 : i32
      %mul3A_330 = arith.constant 1024 : i32
      %mul3A_331 = arith.muli %select_n3A, %mul3A_330 : i32
      %jit3A_332 = arith.constant 1024 : i32
      %eq3A_333 = arith.constant 0 : i32
      %eq3A_334 = arith.cmpi eq, %jit3A_332, %eq3A_333 : i32
      %jit3A_335 = arith.constant 1 : i32
      %select_n3A_336 = arith.select %eq3A_334, %jit3A_335, %jit3A_332 : i32
      %rem3A_337 = arith.remsi %select_n3A_329, %select_n3A_336 : i32
      %ne3A_338 = arith.constant 0 : i32
      %ne3A_339 = arith.cmpi ne, %rem3A_337, %ne3A_338 : i32
      %lt3A_340 = arith.constant 0 : i32
      %lt3A_341 = arith.cmpi slt, %rem3A_337, %lt3A_340 : i32
      %lt3A_342 = arith.constant 0 : i32
      %lt3A_343 = arith.cmpi slt, %select_n3A_336, %lt3A_342 : i32
      %ne3A_344 = arith.xori %lt3A_341, %lt3A_343 : i1
      %and3A_345 = arith.andi %ne3A_344, %ne3A_339 : i1
      %add3A_346 = arith.addi %rem3A_337, %select_n3A_336 : i32
      %select_n3A_347 = arith.select %and3A_345, %add3A_346, %rem3A_337 : i32
      %add3A_348 = arith.addi %mul3A_331, %select_n3A_347 : i32
      %jit3A_349 = arith.constant 1024 : i32
      %div3A_350 = arith.divsi %select_n3A_329, %jit3A_349 : i32
      %sign3A_351 = arith.constant 0 : i32
      %sign3A_352 = arith.cmpi sgt, %select_n3A_329, %sign3A_351 : i32
      %sign3A_353 = arith.extui %sign3A_352 : i1 to i32
      %sign3A_354 = arith.constant 0 : i32
      %sign3A_355 = arith.cmpi slt, %select_n3A_329, %sign3A_354 : i32
      %sign3A_356 = arith.extui %sign3A_355 : i1 to i32
      %sign3A_357 = arith.subi %sign3A_353, %sign3A_356 : i32
      %sign3A_358 = arith.constant 0 : i32
      %sign3A_359 = arith.cmpi sgt, %jit3A_349, %sign3A_358 : i32
      %sign3A_360 = arith.extui %sign3A_359 : i1 to i32
      %sign3A_361 = arith.constant 0 : i32
      %sign3A_362 = arith.cmpi slt, %jit3A_349, %sign3A_361 : i32
      %sign3A_363 = arith.extui %sign3A_362 : i1 to i32
      %sign3A_364 = arith.subi %sign3A_360, %sign3A_363 : i32
      %ne3A_365 = arith.cmpi ne, %sign3A_357, %sign3A_364 : i32
      %rem3A_366 = arith.remsi %select_n3A_329, %jit3A_349 : i32
      %ne3A_367 = arith.constant 0 : i32
      %ne3A_368 = arith.cmpi ne, %rem3A_366, %ne3A_367 : i32
      %and3A_369 = arith.andi %ne3A_365, %ne3A_368 : i1
      %sub3A_370 = arith.constant 1 : i32
      %sub3A_371 = arith.subi %div3A_350, %sub3A_370 : i32
      %select_n3A_372 = arith.select %and3A_369, %sub3A_371, %div3A_350 : i32
      %mul3A_373 = arith.constant 64 : i32
      %mul3A_374 = arith.muli %select_n3A_372, %mul3A_373 : i32
      "tpu.region"() ({
        %run_scoped3A = tpu.sem_alloc : memref<!tpu.dma_semaphore, #tpu.memory_space<semaphore_mem>>
        %dma_start3A_632 = tpu.memref_slice %arg6[%add3A_348, %mul3A_374] : memref<32768x128xf32, #tpu.memory_space<hbm>> -> memref<512x64xf32, #tpu.memory_space<hbm>>
        %dma_start3A_633 = tpu.memref_slice %arg6[%add3A_348, %mul3A_374] : memref<32768x128xf32, #tpu.memory_space<hbm>> -> memref<512x64xf32, #tpu.memory_space<hbm>>
        tpu.enqueue_dma source(%arg10 : memref<512x64xf32, #tpu.memory_space<vmem>>) target(%dma_start3A_633 : memref<512x64xf32, #tpu.memory_space<hbm>>) target_semaphore(%run_scoped3A : memref<!tpu.dma_semaphore, #tpu.memory_space<semaphore_mem>>)
        %dma_wait3A_634 = tpu.memref_slice %arg6[%add3A_348, %mul3A_374] : memref<32768x128xf32, #tpu.memory_space<hbm>> -> memref<512x64xf32, #tpu.memory_space<hbm>>
        %dma_wait3A_635 = tpu.memref_slice %arg6[%add3A_348, %mul3A_374] : memref<32768x128xf32, #tpu.memory_space<hbm>> -> memref<512x64xf32, #tpu.memory_space<hbm>>
        tpu.wait_dma2 semaphore(%run_scoped3A : memref<!tpu.dma_semaphore, #tpu.memory_space<semaphore_mem>>) src(%arg10 : memref<512x64xf32, #tpu.memory_space<vmem>>) dst(%dma_wait3A_635 : memref<512x64xf32, #tpu.memory_space<hbm>>)
        tpu.yield
      }) : () -> ()
      %mul3A_375 = arith.constant 256 : i32
      %mul3A_376 = arith.muli %select_n3A, %mul3A_375 : i32
      %jit3A_377 = arith.constant 256 : i32
      %div3A_378 = arith.divsi %select_n3A_329, %jit3A_377 : i32
      %sign3A_379 = arith.constant 0 : i32
      %sign3A_380 = arith.cmpi sgt, %select_n3A_329, %sign3A_379 : i32
      %sign3A_381 = arith.extui %sign3A_380 : i1 to i32
      %sign3A_382 = arith.constant 0 : i32
      %sign3A_383 = arith.cmpi slt, %select_n3A_329, %sign3A_382 : i32
      %sign3A_384 = arith.extui %sign3A_383 : i1 to i32
      %sign3A_385 = arith.subi %sign3A_381, %sign3A_384 : i32
      %sign3A_386 = arith.constant 0 : i32
      %sign3A_387 = arith.cmpi sgt, %jit3A_377, %sign3A_386 : i32
      %sign3A_388 = arith.extui %sign3A_387 : i1 to i32
      %sign3A_389 = arith.constant 0 : i32
      %sign3A_390 = arith.cmpi slt, %jit3A_377, %sign3A_389 : i32
      %sign3A_391 = arith.extui %sign3A_390 : i1 to i32
      %sign3A_392 = arith.subi %sign3A_388, %sign3A_391 : i32
      %ne3A_393 = arith.cmpi ne, %sign3A_385, %sign3A_392 : i32
      %rem3A_394 = arith.remsi %select_n3A_329, %jit3A_377 : i32
      %ne3A_395 = arith.constant 0 : i32
      %ne3A_396 = arith.cmpi ne, %rem3A_394, %ne3A_395 : i32
      %and3A_397 = arith.andi %ne3A_393, %ne3A_396 : i1
      %sub3A_398 = arith.constant 1 : i32
      %sub3A_399 = arith.subi %div3A_378, %sub3A_398 : i32
      %select_n3A_400 = arith.select %and3A_397, %sub3A_399, %div3A_378 : i32
      %mul3A_401 = arith.constant 16 : i32
      %mul3A_402 = arith.muli %select_n3A_400, %mul3A_401 : i32
      "tpu.region"() ({
        %run_scoped3A = tpu.sem_alloc : memref<!tpu.dma_semaphore, #tpu.memory_space<semaphore_mem>>
        %dma_start3A_632 = arith.constant 0 : i32
        %dma_start3A_633 = arith.constant 0 : i32
        %dma_start3A_634 = tpu.memref_slice %arg12[%dma_start3A_632, %dma_start3A_633] : memref<512x16xf32, #tpu.memory_space<vmem>> -> memref<256x16xf32, #tpu.memory_space<vmem>>
        %dma_start3A_635 = tpu.memref_slice %arg7[%mul3A_376, %mul3A_402] : memref<8192x128xf32, #tpu.memory_space<hbm>> -> memref<256x16xf32, #tpu.memory_space<hbm>>
        %dma_start3A_636 = tpu.memref_slice %arg7[%mul3A_376, %mul3A_402] : memref<8192x128xf32, #tpu.memory_space<hbm>> -> memref<256x16xf32, #tpu.memory_space<hbm>>
        %dma_start3A_637 = arith.constant 0 : i32
        %dma_start3A_638 = arith.constant 0 : i32
        %dma_start3A_639 = tpu.memref_slice %arg12[%dma_start3A_637, %dma_start3A_638] : memref<512x16xf32, #tpu.memory_space<vmem>> -> memref<256x16xf32, #tpu.memory_space<vmem>>
        tpu.enqueue_dma source(%dma_start3A_639 : memref<256x16xf32, #tpu.memory_space<vmem>>) target(%dma_start3A_636 : memref<256x16xf32, #tpu.memory_space<hbm>>) target_semaphore(%run_scoped3A : memref<!tpu.dma_semaphore, #tpu.memory_space<semaphore_mem>>)
        %dma_wait3A_640 = arith.constant 0 : i32
        %dma_wait3A_641 = arith.constant 0 : i32
        %dma_wait3A_642 = tpu.memref_slice %arg12[%dma_wait3A_640, %dma_wait3A_641] : memref<512x16xf32, #tpu.memory_space<vmem>> -> memref<256x16xf32, #tpu.memory_space<vmem>>
        %dma_wait3A_643 = tpu.memref_slice %arg7[%mul3A_376, %mul3A_402] : memref<8192x128xf32, #tpu.memory_space<hbm>> -> memref<256x16xf32, #tpu.memory_space<hbm>>
        %dma_wait3A_644 = tpu.memref_slice %arg7[%mul3A_376, %mul3A_402] : memref<8192x128xf32, #tpu.memory_space<hbm>> -> memref<256x16xf32, #tpu.memory_space<hbm>>
        %dma_wait3A_645 = arith.constant 0 : i32
        %dma_wait3A_646 = arith.constant 0 : i32
        %dma_wait3A_647 = tpu.memref_slice %arg12[%dma_wait3A_645, %dma_wait3A_646] : memref<512x16xf32, #tpu.memory_space<vmem>> -> memref<256x16xf32, #tpu.memory_space<vmem>>
        tpu.wait_dma2 semaphore(%run_scoped3A : memref<!tpu.dma_semaphore, #tpu.memory_space<semaphore_mem>>) src(%dma_wait3A_647 : memref<256x16xf32, #tpu.memory_space<vmem>>) dst(%dma_wait3A_644 : memref<256x16xf32, #tpu.memory_space<hbm>>)
        tpu.yield
      }) : () -> ()
      %add3A_403 = arith.constant 1 : i32
      %add3A_404 = arith.addi %select_n3A_400, %add3A_403 : i32
      %mul3A_405 = arith.constant 16 : i32
      %mul3A_406 = arith.muli %add3A_404, %mul3A_405 : i32
      "tpu.region"() ({
        %run_scoped3A = tpu.sem_alloc : memref<!tpu.dma_semaphore, #tpu.memory_space<semaphore_mem>>
        %dma_start3A_632 = arith.constant 256 : i32
        %dma_start3A_633 = arith.constant 0 : i32
        %dma_start3A_634 = tpu.memref_slice %arg12[%dma_start3A_632, %dma_start3A_633] : memref<512x16xf32, #tpu.memory_space<vmem>> -> memref<256x16xf32, #tpu.memory_space<vmem>>
        %dma_start3A_635 = tpu.memref_slice %arg7[%mul3A_376, %mul3A_406] : memref<8192x128xf32, #tpu.memory_space<hbm>> -> memref<256x16xf32, #tpu.memory_space<hbm>>
        %dma_start3A_636 = tpu.memref_slice %arg7[%mul3A_376, %mul3A_406] : memref<8192x128xf32, #tpu.memory_space<hbm>> -> memref<256x16xf32, #tpu.memory_space<hbm>>
        %dma_start3A_637 = arith.constant 256 : i32
        %dma_start3A_638 = arith.constant 0 : i32
        %dma_start3A_639 = tpu.memref_slice %arg12[%dma_start3A_637, %dma_start3A_638] : memref<512x16xf32, #tpu.memory_space<vmem>> -> memref<256x16xf32, #tpu.memory_space<vmem>>
        tpu.enqueue_dma source(%dma_start3A_639 : memref<256x16xf32, #tpu.memory_space<vmem>>) target(%dma_start3A_636 : memref<256x16xf32, #tpu.memory_space<hbm>>) target_semaphore(%run_scoped3A : memref<!tpu.dma_semaphore, #tpu.memory_space<semaphore_mem>>)
        %dma_wait3A_640 = arith.constant 256 : i32
        %dma_wait3A_641 = arith.constant 0 : i32
        %dma_wait3A_642 = tpu.memref_slice %arg12[%dma_wait3A_640, %dma_wait3A_641] : memref<512x16xf32, #tpu.memory_space<vmem>> -> memref<256x16xf32, #tpu.memory_space<vmem>>
        %dma_wait3A_643 = tpu.memref_slice %arg7[%mul3A_376, %mul3A_406] : memref<8192x128xf32, #tpu.memory_space<hbm>> -> memref<256x16xf32, #tpu.memory_space<hbm>>
        %dma_wait3A_644 = tpu.memref_slice %arg7[%mul3A_376, %mul3A_406] : memref<8192x128xf32, #tpu.memory_space<hbm>> -> memref<256x16xf32, #tpu.memory_space<hbm>>
        %dma_wait3A_645 = arith.constant 256 : i32
        %dma_wait3A_646 = arith.constant 0 : i32
        %dma_wait3A_647 = tpu.memref_slice %arg12[%dma_wait3A_645, %dma_wait3A_646] : memref<512x16xf32, #tpu.memory_space<vmem>> -> memref<256x16xf32, #tpu.memory_space<vmem>>
        tpu.wait_dma2 semaphore(%run_scoped3A : memref<!tpu.dma_semaphore, #tpu.memory_space<semaphore_mem>>) src(%dma_wait3A_647 : memref<256x16xf32, #tpu.memory_space<vmem>>) dst(%dma_wait3A_644 : memref<256x16xf32, #tpu.memory_space<hbm>>)
        tpu.yield
      }) : () -> ()
      %lt3A_407 = arith.constant 1 : i32
      %lt3A_408 = arith.cmpi slt, %scan3A_89, %lt3A_407 : i32
      %convert_element_type3A = arith.extui %lt3A_408 : i1 to i32
      %cond3A = arith.constant 0 : i32
      %cond3A_409 = arith.cmpi ne, %convert_element_type3A, %cond3A : i32
      scf.if %cond3A_409 {
        %mul3A_632 = arith.constant 2 : i32
        %mul3A_633 = arith.muli %mul3A_632, %scan3A_89 : i32
        %add3A_634 = arith.constant 2 : i32
        %add3A_635 = arith.addi %mul3A_633, %add3A_634 : i32
        %mul3A_636 = arith.constant 4 : i32
        %mul3A_637 = arith.muli %add3A_635, %mul3A_636 : i32
        %add3A_638 = arith.constant 0 : i32
        %add3A_639 = arith.addi %mul3A_637, %add3A_638 : i32
        %dma_start3A_640 = arith.constant 0 : i32
        %dma_start3A_641 = arith.constant 0 : i32
        %dma_start3A_642 = tpu.memref_slice %arg10[%dma_start3A_640, %dma_start3A_641] : memref<512x64xf32, #tpu.memory_space<vmem>> -> memref<128x64xf32, #tpu.memory_space<vmem>>
        %dma_start3A_643 = arith.constant 0 : i32
        %dma_start3A_644 = tpu.memref_slice %arg8[%add3A_639, %dma_start3A_643] : memref<16x128xi32, #tpu.memory_space<vmem>> -> memref<1x128xi32, #tpu.memory_space<vmem>>
        %dma_start3A_645 = tpu.memref_squeeze %dma_start3A_644 : memref<1x128xi32, #tpu.memory_space<vmem>> -> memref<128xi32, #tpu.memory_space<vmem>>
        %dma_start3A_646 = arith.constant 0 : i32
        %dma_start3A_647 = arith.constant 0 : i32
        %dma_start3A_648 = tpu.memref_slice %arg2[%dma_start3A_646, %dma_start3A_647] : memref<100000x64xf32, #tpu.memory_space<hbm>> -> memref<100000x64xf32, #tpu.memory_space<hbm>>
        tpu.enqueue_indirect_dma source(%dma_start3A_648 : memref<100000x64xf32, #tpu.memory_space<hbm>>) target(%dma_start3A_642 : memref<128x64xf32, #tpu.memory_space<vmem>>) offsets(%dma_start3A_645 : memref<128xi32, #tpu.memory_space<vmem>>) semaphore(%arg14 : memref<!tpu.dma_semaphore, #tpu.memory_space<semaphore_mem>>)
        %mul3A_649 = arith.constant 4 : i32
        %mul3A_650 = arith.muli %add3A_635, %mul3A_649 : i32
        %add3A_651 = arith.constant 0 : i32
        %add3A_652 = arith.addi %mul3A_650, %add3A_651 : i32
        %dma_start3A_653 = arith.constant 0 : i32
        %dma_start3A_654 = arith.constant 0 : i32
        %dma_start3A_655 = tpu.memref_slice %arg12[%dma_start3A_653, %dma_start3A_654] : memref<512x16xf32, #tpu.memory_space<vmem>> -> memref<128x16xf32, #tpu.memory_space<vmem>>
        %dma_start3A_656 = arith.constant 0 : i32
        %dma_start3A_657 = tpu.memref_slice %arg9[%add3A_652, %dma_start3A_656] : memref<16x128xi32, #tpu.memory_space<vmem>> -> memref<1x128xi32, #tpu.memory_space<vmem>>
        %dma_start3A_658 = tpu.memref_squeeze %dma_start3A_657 : memref<1x128xi32, #tpu.memory_space<vmem>> -> memref<128xi32, #tpu.memory_space<vmem>>
        %dma_start3A_659 = arith.constant 0 : i32
        %dma_start3A_660 = arith.constant 0 : i32
        %dma_start3A_661 = tpu.memref_slice %arg3[%dma_start3A_659, %dma_start3A_660] : memref<65536x16xf32, #tpu.memory_space<hbm>> -> memref<65536x16xf32, #tpu.memory_space<hbm>>
        tpu.enqueue_indirect_dma source(%dma_start3A_661 : memref<65536x16xf32, #tpu.memory_space<hbm>>) target(%dma_start3A_655 : memref<128x16xf32, #tpu.memory_space<vmem>>) offsets(%dma_start3A_658 : memref<128xi32, #tpu.memory_space<vmem>>) semaphore(%arg14 : memref<!tpu.dma_semaphore, #tpu.memory_space<semaphore_mem>>)
        %mul3A_662 = arith.constant 4 : i32
        %mul3A_663 = arith.muli %add3A_635, %mul3A_662 : i32
        %add3A_664 = arith.constant 1 : i32
        %add3A_665 = arith.addi %mul3A_663, %add3A_664 : i32
        %dma_start3A_666 = arith.constant 128 : i32
        %dma_start3A_667 = arith.constant 0 : i32
        %dma_start3A_668 = tpu.memref_slice %arg10[%dma_start3A_666, %dma_start3A_667] : memref<512x64xf32, #tpu.memory_space<vmem>> -> memref<128x64xf32, #tpu.memory_space<vmem>>
        %dma_start3A_669 = arith.constant 0 : i32
        %dma_start3A_670 = tpu.memref_slice %arg8[%add3A_665, %dma_start3A_669] : memref<16x128xi32, #tpu.memory_space<vmem>> -> memref<1x128xi32, #tpu.memory_space<vmem>>
        %dma_start3A_671 = tpu.memref_squeeze %dma_start3A_670 : memref<1x128xi32, #tpu.memory_space<vmem>> -> memref<128xi32, #tpu.memory_space<vmem>>
        %dma_start3A_672 = arith.constant 0 : i32
        %dma_start3A_673 = arith.constant 0 : i32
        %dma_start3A_674 = tpu.memref_slice %arg2[%dma_start3A_672, %dma_start3A_673] : memref<100000x64xf32, #tpu.memory_space<hbm>> -> memref<100000x64xf32, #tpu.memory_space<hbm>>
        tpu.enqueue_indirect_dma source(%dma_start3A_674 : memref<100000x64xf32, #tpu.memory_space<hbm>>) target(%dma_start3A_668 : memref<128x64xf32, #tpu.memory_space<vmem>>) offsets(%dma_start3A_671 : memref<128xi32, #tpu.memory_space<vmem>>) semaphore(%arg14 : memref<!tpu.dma_semaphore, #tpu.memory_space<semaphore_mem>>)
        %mul3A_675 = arith.constant 4 : i32
        %mul3A_676 = arith.muli %add3A_635, %mul3A_675 : i32
        %add3A_677 = arith.constant 1 : i32
        %add3A_678 = arith.addi %mul3A_676, %add3A_677 : i32
        %dma_start3A_679 = arith.constant 128 : i32
        %dma_start3A_680 = arith.constant 0 : i32
        %dma_start3A_681 = tpu.memref_slice %arg12[%dma_start3A_679, %dma_start3A_680] : memref<512x16xf32, #tpu.memory_space<vmem>> -> memref<128x16xf32, #tpu.memory_space<vmem>>
        %dma_start3A_682 = arith.constant 0 : i32
        %dma_start3A_683 = tpu.memref_slice %arg9[%add3A_678, %dma_start3A_682] : memref<16x128xi32, #tpu.memory_space<vmem>> -> memref<1x128xi32, #tpu.memory_space<vmem>>
        %dma_start3A_684 = tpu.memref_squeeze %dma_start3A_683 : memref<1x128xi32, #tpu.memory_space<vmem>> -> memref<128xi32, #tpu.memory_space<vmem>>
        %dma_start3A_685 = arith.constant 0 : i32
        %dma_start3A_686 = arith.constant 0 : i32
        %dma_start3A_687 = tpu.memref_slice %arg3[%dma_start3A_685, %dma_start3A_686] : memref<65536x16xf32, #tpu.memory_space<hbm>> -> memref<65536x16xf32, #tpu.memory_space<hbm>>
        tpu.enqueue_indirect_dma source(%dma_start3A_687 : memref<65536x16xf32, #tpu.memory_space<hbm>>) target(%dma_start3A_681 : memref<128x16xf32, #tpu.memory_space<vmem>>) offsets(%dma_start3A_684 : memref<128xi32, #tpu.memory_space<vmem>>) semaphore(%arg14 : memref<!tpu.dma_semaphore, #tpu.memory_space<semaphore_mem>>)
        %mul3A_688 = arith.constant 4 : i32
        %mul3A_689 = arith.muli %add3A_635, %mul3A_688 : i32
        %add3A_690 = arith.constant 2 : i32
        %add3A_691 = arith.addi %mul3A_689, %add3A_690 : i32
        %dma_start3A_692 = arith.constant 256 : i32
        %dma_start3A_693 = arith.constant 0 : i32
        %dma_start3A_694 = tpu.memref_slice %arg10[%dma_start3A_692, %dma_start3A_693] : memref<512x64xf32, #tpu.memory_space<vmem>> -> memref<128x64xf32, #tpu.memory_space<vmem>>
        %dma_start3A_695 = arith.constant 0 : i32
        %dma_start3A_696 = tpu.memref_slice %arg8[%add3A_691, %dma_start3A_695] : memref<16x128xi32, #tpu.memory_space<vmem>> -> memref<1x128xi32, #tpu.memory_space<vmem>>
        %dma_start3A_697 = tpu.memref_squeeze %dma_start3A_696 : memref<1x128xi32, #tpu.memory_space<vmem>> -> memref<128xi32, #tpu.memory_space<vmem>>
        %dma_start3A_698 = arith.constant 0 : i32
        %dma_start3A_699 = arith.constant 0 : i32
        %dma_start3A_700 = tpu.memref_slice %arg2[%dma_start3A_698, %dma_start3A_699] : memref<100000x64xf32, #tpu.memory_space<hbm>> -> memref<100000x64xf32, #tpu.memory_space<hbm>>
        tpu.enqueue_indirect_dma source(%dma_start3A_700 : memref<100000x64xf32, #tpu.memory_space<hbm>>) target(%dma_start3A_694 : memref<128x64xf32, #tpu.memory_space<vmem>>) offsets(%dma_start3A_697 : memref<128xi32, #tpu.memory_space<vmem>>) semaphore(%arg14 : memref<!tpu.dma_semaphore, #tpu.memory_space<semaphore_mem>>)
        %mul3A_701 = arith.constant 4 : i32
        %mul3A_702 = arith.muli %add3A_635, %mul3A_701 : i32
        %add3A_703 = arith.constant 2 : i32
        %add3A_704 = arith.addi %mul3A_702, %add3A_703 : i32
        %dma_start3A_705 = arith.constant 256 : i32
        %dma_start3A_706 = arith.constant 0 : i32
        %dma_start3A_707 = tpu.memref_slice %arg12[%dma_start3A_705, %dma_start3A_706] : memref<512x16xf32, #tpu.memory_space<vmem>> -> memref<128x16xf32, #tpu.memory_space<vmem>>
        %dma_start3A_708 = arith.constant 0 : i32
        %dma_start3A_709 = tpu.memref_slice %arg9[%add3A_704, %dma_start3A_708] : memref<16x128xi32, #tpu.memory_space<vmem>> -> memref<1x128xi32, #tpu.memory_space<vmem>>
        %dma_start3A_710 = tpu.memref_squeeze %dma_start3A_709 : memref<1x128xi32, #tpu.memory_space<vmem>> -> memref<128xi32, #tpu.memory_space<vmem>>
        %dma_start3A_711 = arith.constant 0 : i32
        %dma_start3A_712 = arith.constant 0 : i32
        %dma_start3A_713 = tpu.memref_slice %arg3[%dma_start3A_711, %dma_start3A_712] : memref<65536x16xf32, #tpu.memory_space<hbm>> -> memref<65536x16xf32, #tpu.memory_space<hbm>>
        tpu.enqueue_indirect_dma source(%dma_start3A_713 : memref<65536x16xf32, #tpu.memory_space<hbm>>) target(%dma_start3A_707 : memref<128x16xf32, #tpu.memory_space<vmem>>) offsets(%dma_start3A_710 : memref<128xi32, #tpu.memory_space<vmem>>) semaphore(%arg14 : memref<!tpu.dma_semaphore, #tpu.memory_space<semaphore_mem>>)
        %mul3A_714 = arith.constant 4 : i32
        %mul3A_715 = arith.muli %add3A_635, %mul3A_714 : i32
        %add3A_716 = arith.constant 3 : i32
        %add3A_717 = arith.addi %mul3A_715, %add3A_716 : i32
        %dma_start3A_718 = arith.constant 384 : i32
        %dma_start3A_719 = arith.constant 0 : i32
        %dma_start3A_720 = tpu.memref_slice %arg10[%dma_start3A_718, %dma_start3A_719] : memref<512x64xf32, #tpu.memory_space<vmem>> -> memref<128x64xf32, #tpu.memory_space<vmem>>
        %dma_start3A_721 = arith.constant 0 : i32
        %dma_start3A_722 = tpu.memref_slice %arg8[%add3A_717, %dma_start3A_721] : memref<16x128xi32, #tpu.memory_space<vmem>> -> memref<1x128xi32, #tpu.memory_space<vmem>>
        %dma_start3A_723 = tpu.memref_squeeze %dma_start3A_722 : memref<1x128xi32, #tpu.memory_space<vmem>> -> memref<128xi32, #tpu.memory_space<vmem>>
        %dma_start3A_724 = arith.constant 0 : i32
        %dma_start3A_725 = arith.constant 0 : i32
        %dma_start3A_726 = tpu.memref_slice %arg2[%dma_start3A_724, %dma_start3A_725] : memref<100000x64xf32, #tpu.memory_space<hbm>> -> memref<100000x64xf32, #tpu.memory_space<hbm>>
        tpu.enqueue_indirect_dma source(%dma_start3A_726 : memref<100000x64xf32, #tpu.memory_space<hbm>>) target(%dma_start3A_720 : memref<128x64xf32, #tpu.memory_space<vmem>>) offsets(%dma_start3A_723 : memref<128xi32, #tpu.memory_space<vmem>>) semaphore(%arg14 : memref<!tpu.dma_semaphore, #tpu.memory_space<semaphore_mem>>)
        %mul3A_727 = arith.constant 4 : i32
        %mul3A_728 = arith.muli %add3A_635, %mul3A_727 : i32
        %add3A_729 = arith.constant 3 : i32
        %add3A_730 = arith.addi %mul3A_728, %add3A_729 : i32
        %dma_start3A_731 = arith.constant 384 : i32
        %dma_start3A_732 = arith.constant 0 : i32
        %dma_start3A_733 = tpu.memref_slice %arg12[%dma_start3A_731, %dma_start3A_732] : memref<512x16xf32, #tpu.memory_space<vmem>> -> memref<128x16xf32, #tpu.memory_space<vmem>>
        %dma_start3A_734 = arith.constant 0 : i32
        %dma_start3A_735 = tpu.memref_slice %arg9[%add3A_730, %dma_start3A_734] : memref<16x128xi32, #tpu.memory_space<vmem>> -> memref<1x128xi32, #tpu.memory_space<vmem>>
        %dma_start3A_736 = tpu.memref_squeeze %dma_start3A_735 : memref<1x128xi32, #tpu.memory_space<vmem>> -> memref<128xi32, #tpu.memory_space<vmem>>
        %dma_start3A_737 = arith.constant 0 : i32
        %dma_start3A_738 = arith.constant 0 : i32
        %dma_start3A_739 = tpu.memref_slice %arg3[%dma_start3A_737, %dma_start3A_738] : memref<65536x16xf32, #tpu.memory_space<hbm>> -> memref<65536x16xf32, #tpu.memory_space<hbm>>
        tpu.enqueue_indirect_dma source(%dma_start3A_739 : memref<65536x16xf32, #tpu.memory_space<hbm>>) target(%dma_start3A_733 : memref<128x16xf32, #tpu.memory_space<vmem>>) offsets(%dma_start3A_736 : memref<128xi32, #tpu.memory_space<vmem>>) semaphore(%arg14 : memref<!tpu.dma_semaphore, #tpu.memory_space<semaphore_mem>>)
      } else {
      }
      %dma_wait3A_410 = arith.constant 0 : i32
      %dma_wait3A_411 = arith.constant 0 : i32
      %dma_wait3A_412 = tpu.memref_slice %arg11[%dma_wait3A_410, %dma_wait3A_411] : memref<512x64xf32, #tpu.memory_space<vmem>> -> memref<128x64xf32, #tpu.memory_space<vmem>>
      %dma_wait3A_413 = arith.constant 0 : i32
      %dma_wait3A_414 = arith.constant 0 : i32
      %dma_wait3A_415 = tpu.memref_slice %arg2[%dma_wait3A_413, %dma_wait3A_414] : memref<100000x64xf32, #tpu.memory_space<hbm>> -> memref<128x64xf32, #tpu.memory_space<hbm>>
      %dma_wait3A_416 = arith.constant 0 : i32
      %dma_wait3A_417 = arith.constant 0 : i32
      %dma_wait3A_418 = tpu.memref_slice %arg11[%dma_wait3A_416, %dma_wait3A_417] : memref<512x64xf32, #tpu.memory_space<vmem>> -> memref<128x64xf32, #tpu.memory_space<vmem>>
      %dma_wait3A_419 = arith.constant 0 : i32
      %dma_wait3A_420 = arith.constant 0 : i32
      %dma_wait3A_421 = tpu.memref_slice %arg2[%dma_wait3A_419, %dma_wait3A_420] : memref<100000x64xf32, #tpu.memory_space<hbm>> -> memref<128x64xf32, #tpu.memory_space<hbm>>
      tpu.wait_dma2 semaphore(%arg14 : memref<!tpu.dma_semaphore, #tpu.memory_space<semaphore_mem>>) src(%dma_wait3A_421 : memref<128x64xf32, #tpu.memory_space<hbm>>) dst(%dma_wait3A_418 : memref<128x64xf32, #tpu.memory_space<vmem>>)
      %dma_wait3A_422 = arith.constant 0 : i32
      %dma_wait3A_423 = arith.constant 0 : i32
      %dma_wait3A_424 = tpu.memref_slice %arg13[%dma_wait3A_422, %dma_wait3A_423] : memref<512x16xf32, #tpu.memory_space<vmem>> -> memref<128x16xf32, #tpu.memory_space<vmem>>
      %dma_wait3A_425 = arith.constant 0 : i32
      %dma_wait3A_426 = arith.constant 0 : i32
      %dma_wait3A_427 = tpu.memref_slice %arg3[%dma_wait3A_425, %dma_wait3A_426] : memref<65536x16xf32, #tpu.memory_space<hbm>> -> memref<128x16xf32, #tpu.memory_space<hbm>>
      %dma_wait3A_428 = arith.constant 0 : i32
      %dma_wait3A_429 = arith.constant 0 : i32
      %dma_wait3A_430 = tpu.memref_slice %arg13[%dma_wait3A_428, %dma_wait3A_429] : memref<512x16xf32, #tpu.memory_space<vmem>> -> memref<128x16xf32, #tpu.memory_space<vmem>>
      %dma_wait3A_431 = arith.constant 0 : i32
      %dma_wait3A_432 = arith.constant 0 : i32
      %dma_wait3A_433 = tpu.memref_slice %arg3[%dma_wait3A_431, %dma_wait3A_432] : memref<65536x16xf32, #tpu.memory_space<hbm>> -> memref<128x16xf32, #tpu.memory_space<hbm>>
      tpu.wait_dma2 semaphore(%arg14 : memref<!tpu.dma_semaphore, #tpu.memory_space<semaphore_mem>>) src(%dma_wait3A_433 : memref<128x16xf32, #tpu.memory_space<hbm>>) dst(%dma_wait3A_430 : memref<128x16xf32, #tpu.memory_space<vmem>>)
      %dma_wait3A_434 = arith.constant 128 : i32
      %dma_wait3A_435 = arith.constant 0 : i32
      %dma_wait3A_436 = tpu.memref_slice %arg11[%dma_wait3A_434, %dma_wait3A_435] : memref<512x64xf32, #tpu.memory_space<vmem>> -> memref<128x64xf32, #tpu.memory_space<vmem>>
      %dma_wait3A_437 = arith.constant 0 : i32
      %dma_wait3A_438 = arith.constant 0 : i32
      %dma_wait3A_439 = tpu.memref_slice %arg2[%dma_wait3A_437, %dma_wait3A_438] : memref<100000x64xf32, #tpu.memory_space<hbm>> -> memref<128x64xf32, #tpu.memory_space<hbm>>
      %dma_wait3A_440 = arith.constant 128 : i32
      %dma_wait3A_441 = arith.constant 0 : i32
      %dma_wait3A_442 = tpu.memref_slice %arg11[%dma_wait3A_440, %dma_wait3A_441] : memref<512x64xf32, #tpu.memory_space<vmem>> -> memref<128x64xf32, #tpu.memory_space<vmem>>
      %dma_wait3A_443 = arith.constant 0 : i32
      %dma_wait3A_444 = arith.constant 0 : i32
      %dma_wait3A_445 = tpu.memref_slice %arg2[%dma_wait3A_443, %dma_wait3A_444] : memref<100000x64xf32, #tpu.memory_space<hbm>> -> memref<128x64xf32, #tpu.memory_space<hbm>>
      tpu.wait_dma2 semaphore(%arg14 : memref<!tpu.dma_semaphore, #tpu.memory_space<semaphore_mem>>) src(%dma_wait3A_445 : memref<128x64xf32, #tpu.memory_space<hbm>>) dst(%dma_wait3A_442 : memref<128x64xf32, #tpu.memory_space<vmem>>)
      %dma_wait3A_446 = arith.constant 128 : i32
      %dma_wait3A_447 = arith.constant 0 : i32
      %dma_wait3A_448 = tpu.memref_slice %arg13[%dma_wait3A_446, %dma_wait3A_447] : memref<512x16xf32, #tpu.memory_space<vmem>> -> memref<128x16xf32, #tpu.memory_space<vmem>>
      %dma_wait3A_449 = arith.constant 0 : i32
      %dma_wait3A_450 = arith.constant 0 : i32
      %dma_wait3A_451 = tpu.memref_slice %arg3[%dma_wait3A_449, %dma_wait3A_450] : memref<65536x16xf32, #tpu.memory_space<hbm>> -> memref<128x16xf32, #tpu.memory_space<hbm>>
      %dma_wait3A_452 = arith.constant 128 : i32
      %dma_wait3A_453 = arith.constant 0 : i32
      %dma_wait3A_454 = tpu.memref_slice %arg13[%dma_wait3A_452, %dma_wait3A_453] : memref<512x16xf32, #tpu.memory_space<vmem>> -> memref<128x16xf32, #tpu.memory_space<vmem>>
      %dma_wait3A_455 = arith.constant 0 : i32
      %dma_wait3A_456 = arith.constant 0 : i32
      %dma_wait3A_457 = tpu.memref_slice %arg3[%dma_wait3A_455, %dma_wait3A_456] : memref<65536x16xf32, #tpu.memory_space<hbm>> -> memref<128x16xf32, #tpu.memory_space<hbm>>
      tpu.wait_dma2 semaphore(%arg14 : memref<!tpu.dma_semaphore, #tpu.memory_space<semaphore_mem>>) src(%dma_wait3A_457 : memref<128x16xf32, #tpu.memory_space<hbm>>) dst(%dma_wait3A_454 : memref<128x16xf32, #tpu.memory_space<vmem>>)
      %dma_wait3A_458 = arith.constant 256 : i32
      %dma_wait3A_459 = arith.constant 0 : i32
      %dma_wait3A_460 = tpu.memref_slice %arg11[%dma_wait3A_458, %dma_wait3A_459] : memref<512x64xf32, #tpu.memory_space<vmem>> -> memref<128x64xf32, #tpu.memory_space<vmem>>
      %dma_wait3A_461 = arith.constant 0 : i32
      %dma_wait3A_462 = arith.constant 0 : i32
      %dma_wait3A_463 = tpu.memref_slice %arg2[%dma_wait3A_461, %dma_wait3A_462] : memref<100000x64xf32, #tpu.memory_space<hbm>> -> memref<128x64xf32, #tpu.memory_space<hbm>>
      %dma_wait3A_464 = arith.constant 256 : i32
      %dma_wait3A_465 = arith.constant 0 : i32
      %dma_wait3A_466 = tpu.memref_slice %arg11[%dma_wait3A_464, %dma_wait3A_465] : memref<512x64xf32, #tpu.memory_space<vmem>> -> memref<128x64xf32, #tpu.memory_space<vmem>>
      %dma_wait3A_467 = arith.constant 0 : i32
      %dma_wait3A_468 = arith.constant 0 : i32
      %dma_wait3A_469 = tpu.memref_slice %arg2[%dma_wait3A_467, %dma_wait3A_468] : memref<100000x64xf32, #tpu.memory_space<hbm>> -> memref<128x64xf32, #tpu.memory_space<hbm>>
      tpu.wait_dma2 semaphore(%arg14 : memref<!tpu.dma_semaphore, #tpu.memory_space<semaphore_mem>>) src(%dma_wait3A_469 : memref<128x64xf32, #tpu.memory_space<hbm>>) dst(%dma_wait3A_466 : memref<128x64xf32, #tpu.memory_space<vmem>>)
      %dma_wait3A_470 = arith.constant 256 : i32
      %dma_wait3A_471 = arith.constant 0 : i32
      %dma_wait3A_472 = tpu.memref_slice %arg13[%dma_wait3A_470, %dma_wait3A_471] : memref<512x16xf32, #tpu.memory_space<vmem>> -> memref<128x16xf32, #tpu.memory_space<vmem>>
      %dma_wait3A_473 = arith.constant 0 : i32
      %dma_wait3A_474 = arith.constant 0 : i32
      %dma_wait3A_475 = tpu.memref_slice %arg3[%dma_wait3A_473, %dma_wait3A_474] : memref<65536x16xf32, #tpu.memory_space<hbm>> -> memref<128x16xf32, #tpu.memory_space<hbm>>
      %dma_wait3A_476 = arith.constant 256 : i32
      %dma_wait3A_477 = arith.constant 0 : i32
      %dma_wait3A_478 = tpu.memref_slice %arg13[%dma_wait3A_476, %dma_wait3A_477] : memref<512x16xf32, #tpu.memory_space<vmem>> -> memref<128x16xf32, #tpu.memory_space<vmem>>
      %dma_wait3A_479 = arith.constant 0 : i32
      %dma_wait3A_480 = arith.constant 0 : i32
      %dma_wait3A_481 = tpu.memref_slice %arg3[%dma_wait3A_479, %dma_wait3A_480] : memref<65536x16xf32, #tpu.memory_space<hbm>> -> memref<128x16xf32, #tpu.memory_space<hbm>>
      tpu.wait_dma2 semaphore(%arg14 : memref<!tpu.dma_semaphore, #tpu.memory_space<semaphore_mem>>) src(%dma_wait3A_481 : memref<128x16xf32, #tpu.memory_space<hbm>>) dst(%dma_wait3A_478 : memref<128x16xf32, #tpu.memory_space<vmem>>)
      %dma_wait3A_482 = arith.constant 384 : i32
      %dma_wait3A_483 = arith.constant 0 : i32
      %dma_wait3A_484 = tpu.memref_slice %arg11[%dma_wait3A_482, %dma_wait3A_483] : memref<512x64xf32, #tpu.memory_space<vmem>> -> memref<128x64xf32, #tpu.memory_space<vmem>>
      %dma_wait3A_485 = arith.constant 0 : i32
      %dma_wait3A_486 = arith.constant 0 : i32
      %dma_wait3A_487 = tpu.memref_slice %arg2[%dma_wait3A_485, %dma_wait3A_486] : memref<100000x64xf32, #tpu.memory_space<hbm>> -> memref<128x64xf32, #tpu.memory_space<hbm>>
      %dma_wait3A_488 = arith.constant 384 : i32
      %dma_wait3A_489 = arith.constant 0 : i32
      %dma_wait3A_490 = tpu.memref_slice %arg11[%dma_wait3A_488, %dma_wait3A_489] : memref<512x64xf32, #tpu.memory_space<vmem>> -> memref<128x64xf32, #tpu.memory_space<vmem>>
      %dma_wait3A_491 = arith.constant 0 : i32
      %dma_wait3A_492 = arith.constant 0 : i32
      %dma_wait3A_493 = tpu.memref_slice %arg2[%dma_wait3A_491, %dma_wait3A_492] : memref<100000x64xf32, #tpu.memory_space<hbm>> -> memref<128x64xf32, #tpu.memory_space<hbm>>
      tpu.wait_dma2 semaphore(%arg14 : memref<!tpu.dma_semaphore, #tpu.memory_space<semaphore_mem>>) src(%dma_wait3A_493 : memref<128x64xf32, #tpu.memory_space<hbm>>) dst(%dma_wait3A_490 : memref<128x64xf32, #tpu.memory_space<vmem>>)
      %dma_wait3A_494 = arith.constant 384 : i32
      %dma_wait3A_495 = arith.constant 0 : i32
      %dma_wait3A_496 = tpu.memref_slice %arg13[%dma_wait3A_494, %dma_wait3A_495] : memref<512x16xf32, #tpu.memory_space<vmem>> -> memref<128x16xf32, #tpu.memory_space<vmem>>
      %dma_wait3A_497 = arith.constant 0 : i32
      %dma_wait3A_498 = arith.constant 0 : i32
      %dma_wait3A_499 = tpu.memref_slice %arg3[%dma_wait3A_497, %dma_wait3A_498] : memref<65536x16xf32, #tpu.memory_space<hbm>> -> memref<128x16xf32, #tpu.memory_space<hbm>>
      %dma_wait3A_500 = arith.constant 384 : i32
      %dma_wait3A_501 = arith.constant 0 : i32
      %dma_wait3A_502 = tpu.memref_slice %arg13[%dma_wait3A_500, %dma_wait3A_501] : memref<512x16xf32, #tpu.memory_space<vmem>> -> memref<128x16xf32, #tpu.memory_space<vmem>>
      %dma_wait3A_503 = arith.constant 0 : i32
      %dma_wait3A_504 = arith.constant 0 : i32
      %dma_wait3A_505 = tpu.memref_slice %arg3[%dma_wait3A_503, %dma_wait3A_504] : memref<65536x16xf32, #tpu.memory_space<hbm>> -> memref<128x16xf32, #tpu.memory_space<hbm>>
      tpu.wait_dma2 semaphore(%arg14 : memref<!tpu.dma_semaphore, #tpu.memory_space<semaphore_mem>>) src(%dma_wait3A_505 : memref<128x16xf32, #tpu.memory_space<hbm>>) dst(%dma_wait3A_502 : memref<128x16xf32, #tpu.memory_space<vmem>>)
      %mul3A_506 = arith.constant 2 : i32
      %mul3A_507 = arith.muli %mul3A_506, %scan3A_89 : i32
      %add3A_508 = arith.constant 1 : i32
      %add3A_509 = arith.addi %mul3A_507, %add3A_508 : i32
      %mul3A_510 = arith.constant 2048 : i32
      %mul3A_511 = arith.muli %add3A, %mul3A_510 : i32
      %mul3A_512 = arith.constant 512 : i32
      %mul3A_513 = arith.muli %add3A_509, %mul3A_512 : i32
      %add3A_514 = arith.addi %mul3A_511, %mul3A_513 : i32
      %jit3A_515 = arith.constant 2048 : i32
      %div3A_516 = arith.divsi %add3A_514, %jit3A_515 : i32
      %sign3A_517 = arith.constant 0 : i32
      %sign3A_518 = arith.cmpi sgt, %add3A_514, %sign3A_517 : i32
      %sign3A_519 = arith.extui %sign3A_518 : i1 to i32
      %sign3A_520 = arith.constant 0 : i32
      %sign3A_521 = arith.cmpi slt, %add3A_514, %sign3A_520 : i32
      %sign3A_522 = arith.extui %sign3A_521 : i1 to i32
      %sign3A_523 = arith.subi %sign3A_519, %sign3A_522 : i32
      %sign3A_524 = arith.constant 0 : i32
      %sign3A_525 = arith.cmpi sgt, %jit3A_515, %sign3A_524 : i32
      %sign3A_526 = arith.extui %sign3A_525 : i1 to i32
      %sign3A_527 = arith.constant 0 : i32
      %sign3A_528 = arith.cmpi slt, %jit3A_515, %sign3A_527 : i32
      %sign3A_529 = arith.extui %sign3A_528 : i1 to i32
      %sign3A_530 = arith.subi %sign3A_526, %sign3A_529 : i32
      %ne3A_531 = arith.cmpi ne, %sign3A_523, %sign3A_530 : i32
      %rem3A_532 = arith.remsi %add3A_514, %jit3A_515 : i32
      %ne3A_533 = arith.constant 0 : i32
      %ne3A_534 = arith.cmpi ne, %rem3A_532, %ne3A_533 : i32
      %and3A_535 = arith.andi %ne3A_531, %ne3A_534 : i1
      %sub3A_536 = arith.constant 1 : i32
      %sub3A_537 = arith.subi %div3A_516, %sub3A_536 : i32
      %select_n3A_538 = arith.select %and3A_535, %sub3A_537, %div3A_516 : i32
      %jit3A_539 = arith.constant 2048 : i32
      %eq3A_540 = arith.constant 0 : i32
      %eq3A_541 = arith.cmpi eq, %jit3A_539, %eq3A_540 : i32
      %jit3A_542 = arith.constant 1 : i32
      %select_n3A_543 = arith.select %eq3A_541, %jit3A_542, %jit3A_539 : i32
      %rem3A_544 = arith.remsi %add3A_514, %select_n3A_543 : i32
      %ne3A_545 = arith.constant 0 : i32
      %ne3A_546 = arith.cmpi ne, %rem3A_544, %ne3A_545 : i32
      %lt3A_547 = arith.constant 0 : i32
      %lt3A_548 = arith.cmpi slt, %rem3A_544, %lt3A_547 : i32
      %lt3A_549 = arith.constant 0 : i32
      %lt3A_550 = arith.cmpi slt, %select_n3A_543, %lt3A_549 : i32
      %ne3A_551 = arith.xori %lt3A_548, %lt3A_550 : i1
      %and3A_552 = arith.andi %ne3A_551, %ne3A_546 : i1
      %add3A_553 = arith.addi %rem3A_544, %select_n3A_543 : i32
      %select_n3A_554 = arith.select %and3A_552, %add3A_553, %rem3A_544 : i32
      %mul3A_555 = arith.constant 1024 : i32
      %mul3A_556 = arith.muli %select_n3A_538, %mul3A_555 : i32
      %jit3A_557 = arith.constant 1024 : i32
      %eq3A_558 = arith.constant 0 : i32
      %eq3A_559 = arith.cmpi eq, %jit3A_557, %eq3A_558 : i32
      %jit3A_560 = arith.constant 1 : i32
      %select_n3A_561 = arith.select %eq3A_559, %jit3A_560, %jit3A_557 : i32
      %rem3A_562 = arith.remsi %select_n3A_554, %select_n3A_561 : i32
      %ne3A_563 = arith.constant 0 : i32
      %ne3A_564 = arith.cmpi ne, %rem3A_562, %ne3A_563 : i32
      %lt3A_565 = arith.constant 0 : i32
      %lt3A_566 = arith.cmpi slt, %rem3A_562, %lt3A_565 : i32
      %lt3A_567 = arith.constant 0 : i32
      %lt3A_568 = arith.cmpi slt, %select_n3A_561, %lt3A_567 : i32
      %ne3A_569 = arith.xori %lt3A_566, %lt3A_568 : i1
      %and3A_570 = arith.andi %ne3A_569, %ne3A_564 : i1
      %add3A_571 = arith.addi %rem3A_562, %select_n3A_561 : i32
      %select_n3A_572 = arith.select %and3A_570, %add3A_571, %rem3A_562 : i32
      %add3A_573 = arith.addi %mul3A_556, %select_n3A_572 : i32
      %jit3A_574 = arith.constant 1024 : i32
      %div3A_575 = arith.divsi %select_n3A_554, %jit3A_574 : i32
      %sign3A_576 = arith.constant 0 : i32
      %sign3A_577 = arith.cmpi sgt, %select_n3A_554, %sign3A_576 : i32
      %sign3A_578 = arith.extui %sign3A_577 : i1 to i32
      %sign3A_579 = arith.constant 0 : i32
      %sign3A_580 = arith.cmpi slt, %select_n3A_554, %sign3A_579 : i32
      %sign3A_581 = arith.extui %sign3A_580 : i1 to i32
      %sign3A_582 = arith.subi %sign3A_578, %sign3A_581 : i32
      %sign3A_583 = arith.constant 0 : i32
      %sign3A_584 = arith.cmpi sgt, %jit3A_574, %sign3A_583 : i32
      %sign3A_585 = arith.extui %sign3A_584 : i1 to i32
      %sign3A_586 = arith.constant 0 : i32
      %sign3A_587 = arith.cmpi slt, %jit3A_574, %sign3A_586 : i32
      %sign3A_588 = arith.extui %sign3A_587 : i1 to i32
      %sign3A_589 = arith.subi %sign3A_585, %sign3A_588 : i32
      %ne3A_590 = arith.cmpi ne, %sign3A_582, %sign3A_589 : i32
      %rem3A_591 = arith.remsi %select_n3A_554, %jit3A_574 : i32
      %ne3A_592 = arith.constant 0 : i32
      %ne3A_593 = arith.cmpi ne, %rem3A_591, %ne3A_592 : i32
      %and3A_594 = arith.andi %ne3A_590, %ne3A_593 : i1
      %sub3A_595 = arith.constant 1 : i32
      %sub3A_596 = arith.subi %div3A_575, %sub3A_595 : i32
      %select_n3A_597 = arith.select %and3A_594, %sub3A_596, %div3A_575 : i32
      %mul3A_598 = arith.constant 64 : i32
      %mul3A_599 = arith.muli %select_n3A_597, %mul3A_598 : i32
      "tpu.region"() ({
        %run_scoped3A = tpu.sem_alloc : memref<!tpu.dma_semaphore, #tpu.memory_space<semaphore_mem>>
        %dma_start3A_632 = tpu.memref_slice %arg6[%add3A_573, %mul3A_599] : memref<32768x128xf32, #tpu.memory_space<hbm>> -> memref<512x64xf32, #tpu.memory_space<hbm>>
        %dma_start3A_633 = tpu.memref_slice %arg6[%add3A_573, %mul3A_599] : memref<32768x128xf32, #tpu.memory_space<hbm>> -> memref<512x64xf32, #tpu.memory_space<hbm>>
        tpu.enqueue_dma source(%arg11 : memref<512x64xf32, #tpu.memory_space<vmem>>) target(%dma_start3A_633 : memref<512x64xf32, #tpu.memory_space<hbm>>) target_semaphore(%run_scoped3A : memref<!tpu.dma_semaphore, #tpu.memory_space<semaphore_mem>>)
        %dma_wait3A_634 = tpu.memref_slice %arg6[%add3A_573, %mul3A_599] : memref<32768x128xf32, #tpu.memory_space<hbm>> -> memref<512x64xf32, #tpu.memory_space<hbm>>
        %dma_wait3A_635 = tpu.memref_slice %arg6[%add3A_573, %mul3A_599] : memref<32768x128xf32, #tpu.memory_space<hbm>> -> memref<512x64xf32, #tpu.memory_space<hbm>>
        tpu.wait_dma2 semaphore(%run_scoped3A : memref<!tpu.dma_semaphore, #tpu.memory_space<semaphore_mem>>) src(%arg11 : memref<512x64xf32, #tpu.memory_space<vmem>>) dst(%dma_wait3A_635 : memref<512x64xf32, #tpu.memory_space<hbm>>)
        tpu.yield
      }) : () -> ()
      %mul3A_600 = arith.constant 256 : i32
      %mul3A_601 = arith.muli %select_n3A_538, %mul3A_600 : i32
      %jit3A_602 = arith.constant 256 : i32
      %div3A_603 = arith.divsi %select_n3A_554, %jit3A_602 : i32
      %sign3A_604 = arith.constant 0 : i32
      %sign3A_605 = arith.cmpi sgt, %select_n3A_554, %sign3A_604 : i32
      %sign3A_606 = arith.extui %sign3A_605 : i1 to i32
      %sign3A_607 = arith.constant 0 : i32
      %sign3A_608 = arith.cmpi slt, %select_n3A_554, %sign3A_607 : i32
      %sign3A_609 = arith.extui %sign3A_608 : i1 to i32
      %sign3A_610 = arith.subi %sign3A_606, %sign3A_609 : i32
      %sign3A_611 = arith.constant 0 : i32
      %sign3A_612 = arith.cmpi sgt, %jit3A_602, %sign3A_611 : i32
      %sign3A_613 = arith.extui %sign3A_612 : i1 to i32
      %sign3A_614 = arith.constant 0 : i32
      %sign3A_615 = arith.cmpi slt, %jit3A_602, %sign3A_614 : i32
      %sign3A_616 = arith.extui %sign3A_615 : i1 to i32
      %sign3A_617 = arith.subi %sign3A_613, %sign3A_616 : i32
      %ne3A_618 = arith.cmpi ne, %sign3A_610, %sign3A_617 : i32
      %rem3A_619 = arith.remsi %select_n3A_554, %jit3A_602 : i32
      %ne3A_620 = arith.constant 0 : i32
      %ne3A_621 = arith.cmpi ne, %rem3A_619, %ne3A_620 : i32
      %and3A_622 = arith.andi %ne3A_618, %ne3A_621 : i1
      %sub3A_623 = arith.constant 1 : i32
      %sub3A_624 = arith.subi %div3A_603, %sub3A_623 : i32
      %select_n3A_625 = arith.select %and3A_622, %sub3A_624, %div3A_603 : i32
      %mul3A_626 = arith.constant 16 : i32
      %mul3A_627 = arith.muli %select_n3A_625, %mul3A_626 : i32
      "tpu.region"() ({
        %run_scoped3A = tpu.sem_alloc : memref<!tpu.dma_semaphore, #tpu.memory_space<semaphore_mem>>
        %dma_start3A_632 = arith.constant 0 : i32
        %dma_start3A_633 = arith.constant 0 : i32
        %dma_start3A_634 = tpu.memref_slice %arg13[%dma_start3A_632, %dma_start3A_633] : memref<512x16xf32, #tpu.memory_space<vmem>> -> memref<256x16xf32, #tpu.memory_space<vmem>>
        %dma_start3A_635 = tpu.memref_slice %arg7[%mul3A_601, %mul3A_627] : memref<8192x128xf32, #tpu.memory_space<hbm>> -> memref<256x16xf32, #tpu.memory_space<hbm>>
        %dma_start3A_636 = tpu.memref_slice %arg7[%mul3A_601, %mul3A_627] : memref<8192x128xf32, #tpu.memory_space<hbm>> -> memref<256x16xf32, #tpu.memory_space<hbm>>
        %dma_start3A_637 = arith.constant 0 : i32
        %dma_start3A_638 = arith.constant 0 : i32
        %dma_start3A_639 = tpu.memref_slice %arg13[%dma_start3A_637, %dma_start3A_638] : memref<512x16xf32, #tpu.memory_space<vmem>> -> memref<256x16xf32, #tpu.memory_space<vmem>>
        tpu.enqueue_dma source(%dma_start3A_639 : memref<256x16xf32, #tpu.memory_space<vmem>>) target(%dma_start3A_636 : memref<256x16xf32, #tpu.memory_space<hbm>>) target_semaphore(%run_scoped3A : memref<!tpu.dma_semaphore, #tpu.memory_space<semaphore_mem>>)
        %dma_wait3A_640 = arith.constant 0 : i32
        %dma_wait3A_641 = arith.constant 0 : i32
        %dma_wait3A_642 = tpu.memref_slice %arg13[%dma_wait3A_640, %dma_wait3A_641] : memref<512x16xf32, #tpu.memory_space<vmem>> -> memref<256x16xf32, #tpu.memory_space<vmem>>
        %dma_wait3A_643 = tpu.memref_slice %arg7[%mul3A_601, %mul3A_627] : memref<8192x128xf32, #tpu.memory_space<hbm>> -> memref<256x16xf32, #tpu.memory_space<hbm>>
        %dma_wait3A_644 = tpu.memref_slice %arg7[%mul3A_601, %mul3A_627] : memref<8192x128xf32, #tpu.memory_space<hbm>> -> memref<256x16xf32, #tpu.memory_space<hbm>>
        %dma_wait3A_645 = arith.constant 0 : i32
        %dma_wait3A_646 = arith.constant 0 : i32
        %dma_wait3A_647 = tpu.memref_slice %arg13[%dma_wait3A_645, %dma_wait3A_646] : memref<512x16xf32, #tpu.memory_space<vmem>> -> memref<256x16xf32, #tpu.memory_space<vmem>>
        tpu.wait_dma2 semaphore(%run_scoped3A : memref<!tpu.dma_semaphore, #tpu.memory_space<semaphore_mem>>) src(%dma_wait3A_647 : memref<256x16xf32, #tpu.memory_space<vmem>>) dst(%dma_wait3A_644 : memref<256x16xf32, #tpu.memory_space<hbm>>)
        tpu.yield
      }) : () -> ()
      %add3A_628 = arith.constant 1 : i32
      %add3A_629 = arith.addi %select_n3A_625, %add3A_628 : i32
      %mul3A_630 = arith.constant 16 : i32
      %mul3A_631 = arith.muli %add3A_629, %mul3A_630 : i32
      "tpu.region"() ({
        %run_scoped3A = tpu.sem_alloc : memref<!tpu.dma_semaphore, #tpu.memory_space<semaphore_mem>>
        %dma_start3A_632 = arith.constant 256 : i32
        %dma_start3A_633 = arith.constant 0 : i32
        %dma_start3A_634 = tpu.memref_slice %arg13[%dma_start3A_632, %dma_start3A_633] : memref<512x16xf32, #tpu.memory_space<vmem>> -> memref<256x16xf32, #tpu.memory_space<vmem>>
        %dma_start3A_635 = tpu.memref_slice %arg7[%mul3A_601, %mul3A_631] : memref<8192x128xf32, #tpu.memory_space<hbm>> -> memref<256x16xf32, #tpu.memory_space<hbm>>
        %dma_start3A_636 = tpu.memref_slice %arg7[%mul3A_601, %mul3A_631] : memref<8192x128xf32, #tpu.memory_space<hbm>> -> memref<256x16xf32, #tpu.memory_space<hbm>>
        %dma_start3A_637 = arith.constant 256 : i32
        %dma_start3A_638 = arith.constant 0 : i32
        %dma_start3A_639 = tpu.memref_slice %arg13[%dma_start3A_637, %dma_start3A_638] : memref<512x16xf32, #tpu.memory_space<vmem>> -> memref<256x16xf32, #tpu.memory_space<vmem>>
        tpu.enqueue_dma source(%dma_start3A_639 : memref<256x16xf32, #tpu.memory_space<vmem>>) target(%dma_start3A_636 : memref<256x16xf32, #tpu.memory_space<hbm>>) target_semaphore(%run_scoped3A : memref<!tpu.dma_semaphore, #tpu.memory_space<semaphore_mem>>)
        %dma_wait3A_640 = arith.constant 256 : i32
        %dma_wait3A_641 = arith.constant 0 : i32
        %dma_wait3A_642 = tpu.memref_slice %arg13[%dma_wait3A_640, %dma_wait3A_641] : memref<512x16xf32, #tpu.memory_space<vmem>> -> memref<256x16xf32, #tpu.memory_space<vmem>>
        %dma_wait3A_643 = tpu.memref_slice %arg7[%mul3A_601, %mul3A_631] : memref<8192x128xf32, #tpu.memory_space<hbm>> -> memref<256x16xf32, #tpu.memory_space<hbm>>
        %dma_wait3A_644 = tpu.memref_slice %arg7[%mul3A_601, %mul3A_631] : memref<8192x128xf32, #tpu.memory_space<hbm>> -> memref<256x16xf32, #tpu.memory_space<hbm>>
        %dma_wait3A_645 = arith.constant 256 : i32
        %dma_wait3A_646 = arith.constant 0 : i32
        %dma_wait3A_647 = tpu.memref_slice %arg13[%dma_wait3A_645, %dma_wait3A_646] : memref<512x16xf32, #tpu.memory_space<vmem>> -> memref<256x16xf32, #tpu.memory_space<vmem>>
        tpu.wait_dma2 semaphore(%run_scoped3A : memref<!tpu.dma_semaphore, #tpu.memory_space<semaphore_mem>>) src(%dma_wait3A_647 : memref<256x16xf32, #tpu.memory_space<vmem>>) dst(%dma_wait3A_644 : memref<256x16xf32, #tpu.memory_space<hbm>>)
        tpu.yield
      }) : () -> ()
    }
    %scan3A_88 = arith.constant 2 : i32
    return
  }
}

module attributes {stable_mosaic.version = 14 : i64} {
  func.func @_tc_body(%arg0: i32, %arg1: memref<32xi32, #tpu.memory_space<smem>>, %arg2: memref<32768x128xf32, #tpu.memory_space<hbm>>, %arg3: memref<8192x128xf32, #tpu.memory_space<hbm>>, %arg4: memref<8x256xi32, #tpu.memory_space<vmem>>, %arg5: memref<192x230xbf16, #tpu.memory_space<vmem>>, %arg6: memref<1x230xf32, #tpu.memory_space<vmem>>, %arg7: memref<53x690xf32, #tpu.memory_space<vmem>>, %arg8: memref<690x53xf32, #tpu.memory_space<vmem>>, %arg9: memref<1x53xf32, #tpu.memory_space<vmem>>, %arg10: memref<1x1x53xf32, #tpu.memory_space<vmem>>, %arg11: memref<2x1024x128xf32, #tpu.memory_space<vmem>>, %arg12: memref<2x256x128xf32, #tpu.memory_space<vmem>>, %arg13: memref<2x!tpu.dma_semaphore, #tpu.memory_space<semaphore_mem>>) attributes {dimension_semantics = [#tpu.dimension_semantics<arbitrary>], iteration_bounds = array<i64: 32>, scalar_prefetch = 1 : i64, scratch_operands = 3 : i64, tpu.core_type = #tpu.core_type<tc>, window_params = [{}, {}, {transform_indices = @transform_2, window_bounds = array<i64: 8, 256>}, {pipeline_mode = #tpu.pipeline_mode<synchronous>, transform_indices = @transform_3, window_bounds = array<i64: 192, 230>}, {pipeline_mode = #tpu.pipeline_mode<synchronous>, transform_indices = @transform_4, window_bounds = array<i64: 1, 230>}, {pipeline_mode = #tpu.pipeline_mode<synchronous>, transform_indices = @transform_5, window_bounds = array<i64: 53, 690>}, {pipeline_mode = #tpu.pipeline_mode<synchronous>, transform_indices = @transform_6, window_bounds = array<i64: 690, 53>}, {pipeline_mode = #tpu.pipeline_mode<synchronous>, transform_indices = @transform_7, window_bounds = array<i64: 1, 53>}, {transform_indices = @transform_8, window_bounds = array<i64: 1, 1, 53>}]} {
    %rem3A = arith.constant 2 : i32
    %rem3A_0 = arith.remsi %arg0, %rem3A : i32
    %add3A = arith.constant 1 : i32
    %add3A_1 = arith.addi %arg0, %add3A : i32
    %rem3A_2 = arith.constant 2 : i32
    %rem3A_3 = arith.remsi %add3A_1, %rem3A_2 : i32
    %eq3A = arith.constant 0 : i32
    %eq3A_4 = arith.cmpi eq, %arg0, %eq3A : i32
    %convert_element_type3A = arith.extui %eq3A_4 : i1 to i32
    %cond3A = arith.constant 0 : i32
    %cond3A_5 = arith.cmpi ne, %convert_element_type3A, %cond3A : i32
    scf.if %cond3A_5 {
      %dma_start3A = tpu.memref_slice %arg13[%rem3A_0] : memref<2x!tpu.dma_semaphore, #tpu.memory_space<semaphore_mem>> -> memref<1x!tpu.dma_semaphore, #tpu.memory_space<semaphore_mem>>
      %dma_start3A_203 = tpu.memref_squeeze %dma_start3A : memref<1x!tpu.dma_semaphore, #tpu.memory_space<semaphore_mem>> -> memref<!tpu.dma_semaphore, #tpu.memory_space<semaphore_mem>>
      %dma_start3A_204 = arith.constant 0 : i32
      %dma_start3A_205 = arith.constant 0 : i32
      %dma_start3A_206 = tpu.memref_slice %arg11[%rem3A_0, %dma_start3A_204, %dma_start3A_205] : memref<2x1024x128xf32, #tpu.memory_space<vmem>> -> memref<1x1024x128xf32, #tpu.memory_space<vmem>>
      %dma_start3A_207 = tpu.memref_squeeze %dma_start3A_206 : memref<1x1024x128xf32, #tpu.memory_space<vmem>> -> memref<1024x128xf32, #tpu.memory_space<vmem>>
      %dma_start3A_208 = arith.constant 0 : i32
      %dma_start3A_209 = arith.constant 0 : i32
      %dma_start3A_210 = tpu.memref_slice %arg2[%dma_start3A_208, %dma_start3A_209] : memref<32768x128xf32, #tpu.memory_space<hbm>> -> memref<1024x128xf32, #tpu.memory_space<hbm>>
      tpu.enqueue_dma source(%dma_start3A_210 : memref<1024x128xf32, #tpu.memory_space<hbm>>) target(%dma_start3A_207 : memref<1024x128xf32, #tpu.memory_space<vmem>>) target_semaphore(%dma_start3A_203 : memref<!tpu.dma_semaphore, #tpu.memory_space<semaphore_mem>>)
      %dma_start3A_211 = tpu.memref_slice %arg13[%rem3A_0] : memref<2x!tpu.dma_semaphore, #tpu.memory_space<semaphore_mem>> -> memref<1x!tpu.dma_semaphore, #tpu.memory_space<semaphore_mem>>
      %dma_start3A_212 = tpu.memref_squeeze %dma_start3A_211 : memref<1x!tpu.dma_semaphore, #tpu.memory_space<semaphore_mem>> -> memref<!tpu.dma_semaphore, #tpu.memory_space<semaphore_mem>>
      %dma_start3A_213 = arith.constant 0 : i32
      %dma_start3A_214 = arith.constant 0 : i32
      %dma_start3A_215 = tpu.memref_slice %arg12[%rem3A_0, %dma_start3A_213, %dma_start3A_214] : memref<2x256x128xf32, #tpu.memory_space<vmem>> -> memref<1x256x128xf32, #tpu.memory_space<vmem>>
      %dma_start3A_216 = tpu.memref_squeeze %dma_start3A_215 : memref<1x256x128xf32, #tpu.memory_space<vmem>> -> memref<256x128xf32, #tpu.memory_space<vmem>>
      %dma_start3A_217 = arith.constant 0 : i32
      %dma_start3A_218 = arith.constant 0 : i32
      %dma_start3A_219 = tpu.memref_slice %arg3[%dma_start3A_217, %dma_start3A_218] : memref<8192x128xf32, #tpu.memory_space<hbm>> -> memref<256x128xf32, #tpu.memory_space<hbm>>
      tpu.enqueue_dma source(%dma_start3A_219 : memref<256x128xf32, #tpu.memory_space<hbm>>) target(%dma_start3A_216 : memref<256x128xf32, #tpu.memory_space<vmem>>) target_semaphore(%dma_start3A_212 : memref<!tpu.dma_semaphore, #tpu.memory_space<semaphore_mem>>)
    } else {
    }
    %add3A_6 = arith.constant 1 : i32
    %add3A_7 = arith.addi %arg0, %add3A_6 : i32
    %lt3A = arith.constant 32 : i32
    %lt3A_8 = arith.cmpi slt, %add3A_7, %lt3A : i32
    %convert_element_type3A_9 = arith.extui %lt3A_8 : i1 to i32
    %cond3A_10 = arith.constant 0 : i32
    %cond3A_11 = arith.cmpi ne, %convert_element_type3A_9, %cond3A_10 : i32
    scf.if %cond3A_11 {
      %add3A_203 = arith.constant 1 : i32
      %add3A_204 = arith.addi %arg0, %add3A_203 : i32
      %mul3A_205 = arith.constant 1024 : i32
      %mul3A_206 = arith.muli %add3A_204, %mul3A_205 : i32
      %dma_start3A = tpu.memref_slice %arg13[%rem3A_3] : memref<2x!tpu.dma_semaphore, #tpu.memory_space<semaphore_mem>> -> memref<1x!tpu.dma_semaphore, #tpu.memory_space<semaphore_mem>>
      %dma_start3A_207 = tpu.memref_squeeze %dma_start3A : memref<1x!tpu.dma_semaphore, #tpu.memory_space<semaphore_mem>> -> memref<!tpu.dma_semaphore, #tpu.memory_space<semaphore_mem>>
      %dma_start3A_208 = arith.constant 0 : i32
      %dma_start3A_209 = arith.constant 0 : i32
      %dma_start3A_210 = tpu.memref_slice %arg11[%rem3A_3, %dma_start3A_208, %dma_start3A_209] : memref<2x1024x128xf32, #tpu.memory_space<vmem>> -> memref<1x1024x128xf32, #tpu.memory_space<vmem>>
      %dma_start3A_211 = tpu.memref_squeeze %dma_start3A_210 : memref<1x1024x128xf32, #tpu.memory_space<vmem>> -> memref<1024x128xf32, #tpu.memory_space<vmem>>
      %dma_start3A_212 = arith.constant 0 : i32
      %dma_start3A_213 = tpu.memref_slice %arg2[%mul3A_206, %dma_start3A_212] : memref<32768x128xf32, #tpu.memory_space<hbm>> -> memref<1024x128xf32, #tpu.memory_space<hbm>>
      tpu.enqueue_dma source(%dma_start3A_213 : memref<1024x128xf32, #tpu.memory_space<hbm>>) target(%dma_start3A_211 : memref<1024x128xf32, #tpu.memory_space<vmem>>) target_semaphore(%dma_start3A_207 : memref<!tpu.dma_semaphore, #tpu.memory_space<semaphore_mem>>)
      %mul3A_214 = arith.constant 256 : i32
      %mul3A_215 = arith.muli %add3A_204, %mul3A_214 : i32
      %dma_start3A_216 = tpu.memref_slice %arg13[%rem3A_3] : memref<2x!tpu.dma_semaphore, #tpu.memory_space<semaphore_mem>> -> memref<1x!tpu.dma_semaphore, #tpu.memory_space<semaphore_mem>>
      %dma_start3A_217 = tpu.memref_squeeze %dma_start3A_216 : memref<1x!tpu.dma_semaphore, #tpu.memory_space<semaphore_mem>> -> memref<!tpu.dma_semaphore, #tpu.memory_space<semaphore_mem>>
      %dma_start3A_218 = arith.constant 0 : i32
      %dma_start3A_219 = arith.constant 0 : i32
      %dma_start3A_220 = tpu.memref_slice %arg12[%rem3A_3, %dma_start3A_218, %dma_start3A_219] : memref<2x256x128xf32, #tpu.memory_space<vmem>> -> memref<1x256x128xf32, #tpu.memory_space<vmem>>
      %dma_start3A_221 = tpu.memref_squeeze %dma_start3A_220 : memref<1x256x128xf32, #tpu.memory_space<vmem>> -> memref<256x128xf32, #tpu.memory_space<vmem>>
      %dma_start3A_222 = arith.constant 0 : i32
      %dma_start3A_223 = tpu.memref_slice %arg3[%mul3A_215, %dma_start3A_222] : memref<8192x128xf32, #tpu.memory_space<hbm>> -> memref<256x128xf32, #tpu.memory_space<hbm>>
      tpu.enqueue_dma source(%dma_start3A_223 : memref<256x128xf32, #tpu.memory_space<hbm>>) target(%dma_start3A_221 : memref<256x128xf32, #tpu.memory_space<vmem>>) target_semaphore(%dma_start3A_217 : memref<!tpu.dma_semaphore, #tpu.memory_space<semaphore_mem>>)
    } else {
    }
    %mul3A = arith.constant 1024 : i32
    %mul3A_12 = arith.muli %arg0, %mul3A : i32
    %dma_wait3A = tpu.memref_slice %arg13[%rem3A_0] : memref<2x!tpu.dma_semaphore, #tpu.memory_space<semaphore_mem>> -> memref<1x!tpu.dma_semaphore, #tpu.memory_space<semaphore_mem>>
    %dma_wait3A_13 = tpu.memref_squeeze %dma_wait3A : memref<1x!tpu.dma_semaphore, #tpu.memory_space<semaphore_mem>> -> memref<!tpu.dma_semaphore, #tpu.memory_space<semaphore_mem>>
    %dma_wait3A_14 = arith.constant 0 : i32
    %dma_wait3A_15 = arith.constant 0 : i32
    %dma_wait3A_16 = tpu.memref_slice %arg11[%rem3A_0, %dma_wait3A_14, %dma_wait3A_15] : memref<2x1024x128xf32, #tpu.memory_space<vmem>> -> memref<1x1024x128xf32, #tpu.memory_space<vmem>>
    %dma_wait3A_17 = tpu.memref_squeeze %dma_wait3A_16 : memref<1x1024x128xf32, #tpu.memory_space<vmem>> -> memref<1024x128xf32, #tpu.memory_space<vmem>>
    %dma_wait3A_18 = arith.constant 0 : i32
    %dma_wait3A_19 = tpu.memref_slice %arg2[%mul3A_12, %dma_wait3A_18] : memref<32768x128xf32, #tpu.memory_space<hbm>> -> memref<1024x128xf32, #tpu.memory_space<hbm>>
    tpu.wait_dma2 semaphore(%dma_wait3A_13 : memref<!tpu.dma_semaphore, #tpu.memory_space<semaphore_mem>>) src(%dma_wait3A_19 : memref<1024x128xf32, #tpu.memory_space<hbm>>) dst(%dma_wait3A_17 : memref<1024x128xf32, #tpu.memory_space<vmem>>)
    %mul3A_20 = arith.constant 256 : i32
    %mul3A_21 = arith.muli %arg0, %mul3A_20 : i32
    %dma_wait3A_22 = tpu.memref_slice %arg13[%rem3A_0] : memref<2x!tpu.dma_semaphore, #tpu.memory_space<semaphore_mem>> -> memref<1x!tpu.dma_semaphore, #tpu.memory_space<semaphore_mem>>
    %dma_wait3A_23 = tpu.memref_squeeze %dma_wait3A_22 : memref<1x!tpu.dma_semaphore, #tpu.memory_space<semaphore_mem>> -> memref<!tpu.dma_semaphore, #tpu.memory_space<semaphore_mem>>
    %dma_wait3A_24 = arith.constant 0 : i32
    %dma_wait3A_25 = arith.constant 0 : i32
    %dma_wait3A_26 = tpu.memref_slice %arg12[%rem3A_0, %dma_wait3A_24, %dma_wait3A_25] : memref<2x256x128xf32, #tpu.memory_space<vmem>> -> memref<1x256x128xf32, #tpu.memory_space<vmem>>
    %dma_wait3A_27 = tpu.memref_squeeze %dma_wait3A_26 : memref<1x256x128xf32, #tpu.memory_space<vmem>> -> memref<256x128xf32, #tpu.memory_space<vmem>>
    %dma_wait3A_28 = arith.constant 0 : i32
    %dma_wait3A_29 = tpu.memref_slice %arg3[%mul3A_21, %dma_wait3A_28] : memref<8192x128xf32, #tpu.memory_space<hbm>> -> memref<256x128xf32, #tpu.memory_space<hbm>>
    tpu.wait_dma2 semaphore(%dma_wait3A_23 : memref<!tpu.dma_semaphore, #tpu.memory_space<semaphore_mem>>) src(%dma_wait3A_29 : memref<256x128xf32, #tpu.memory_space<hbm>>) dst(%dma_wait3A_27 : memref<256x128xf32, #tpu.memory_space<vmem>>)
    %get3A = arith.index_cast %rem3A_0 : i32 to index
    %get3A_30 = arith.constant 0 : index
    %get3A_31 = arith.constant 0 : index
    %get3A_32 = vector.load %arg11[%get3A, %get3A_30, %get3A_31] : memref<2x1024x128xf32, #tpu.memory_space<vmem>>, vector<1x1024x128xf32>
    %get3A_33 = vector.shape_cast %get3A_32 : vector<1x1024x128xf32> to vector<1024x128xf32>
    %convert_element_type3A_34 = arith.truncf %get3A_33 : vector<1024x128xf32> to vector<1024x128xbf16>
    %get3A_35 = arith.index_cast %rem3A_0 : i32 to index
    %get3A_36 = arith.constant 0 : index
    %get3A_37 = arith.constant 0 : index
    %get3A_38 = vector.load %arg12[%get3A_35, %get3A_36, %get3A_37] : memref<2x256x128xf32, #tpu.memory_space<vmem>>, vector<1x256x128xf32>
    %get3A_39 = vector.shape_cast %get3A_38 : vector<1x256x128xf32> to vector<256x128xf32>
    %convert_element_type3A_40 = arith.truncf %get3A_39 : vector<256x128xf32> to vector<256x128xbf16>
    %slice3A = vector.extract_strided_slice %convert_element_type3A_34 {offsets = [0, 0], sizes = [1024, 64], strides = [1, 1]} : vector<1024x128xbf16> to vector<1024x64xbf16>
    %slice3A_41 = vector.extract_strided_slice %convert_element_type3A_34 {offsets = [0, 64], sizes = [1024, 64], strides = [1, 1]} : vector<1024x128xbf16> to vector<1024x64xbf16>
    %concatenate3A = tpu.concatenate %slice3A, %slice3A_41 in 0 : vector<1024x64xbf16>, vector<1024x64xbf16> -> vector<2048x64xbf16>
    %slice3A_42 = vector.extract_strided_slice %convert_element_type3A_40 {offsets = [0, 0], sizes = [256, 16], strides = [1, 1]} : vector<256x128xbf16> to vector<256x16xbf16>
    %slice3A_43 = vector.extract_strided_slice %convert_element_type3A_40 {offsets = [0, 16], sizes = [256, 16], strides = [1, 1]} : vector<256x128xbf16> to vector<256x16xbf16>
    %slice3A_44 = vector.extract_strided_slice %convert_element_type3A_40 {offsets = [0, 32], sizes = [256, 16], strides = [1, 1]} : vector<256x128xbf16> to vector<256x16xbf16>
    %slice3A_45 = vector.extract_strided_slice %convert_element_type3A_40 {offsets = [0, 48], sizes = [256, 16], strides = [1, 1]} : vector<256x128xbf16> to vector<256x16xbf16>
    %slice3A_46 = vector.extract_strided_slice %convert_element_type3A_40 {offsets = [0, 64], sizes = [256, 16], strides = [1, 1]} : vector<256x128xbf16> to vector<256x16xbf16>
    %slice3A_47 = vector.extract_strided_slice %convert_element_type3A_40 {offsets = [0, 80], sizes = [256, 16], strides = [1, 1]} : vector<256x128xbf16> to vector<256x16xbf16>
    %slice3A_48 = vector.extract_strided_slice %convert_element_type3A_40 {offsets = [0, 96], sizes = [256, 16], strides = [1, 1]} : vector<256x128xbf16> to vector<256x16xbf16>
    %slice3A_49 = vector.extract_strided_slice %convert_element_type3A_40 {offsets = [0, 112], sizes = [256, 16], strides = [1, 1]} : vector<256x128xbf16> to vector<256x16xbf16>
    %concatenate3A_50 = tpu.concatenate %slice3A_42, %slice3A_43, %slice3A_44, %slice3A_45, %slice3A_46, %slice3A_47, %slice3A_48, %slice3A_49 in 0 : vector<256x16xbf16>, vector<256x16xbf16>, vector<256x16xbf16>, vector<256x16xbf16>, vector<256x16xbf16>, vector<256x16xbf16>, vector<256x16xbf16>, vector<256x16xbf16> -> vector<2048x16xbf16>
    %slice3A_51 = vector.extract_strided_slice %concatenate3A {offsets = [0, 0], sizes = [2048, 50], strides = [1, 1]} : vector<2048x64xbf16> to vector<2048x50xbf16>
    %slice3A_52 = vector.extract_strided_slice %concatenate3A_50 {offsets = [0, 0], sizes = [2048, 10], strides = [1, 1]} : vector<2048x16xbf16> to vector<2048x10xbf16>
    %broadcast_in_dim3A = arith.constant 0.000000e+00 : bf16
    %broadcast_in_dim3A_53 = vector.broadcast %broadcast_in_dim3A : bf16 to vector<2048x4xbf16>
    %concatenate3A_54 = tpu.concatenate %slice3A_51, %slice3A_52, %broadcast_in_dim3A_53 in 1 : vector<2048x50xbf16>, vector<2048x10xbf16>, vector<2048x4xbf16> -> vector<2048x64xbf16>
    %broadcast_in_dim3A_55 = arith.constant 0.000000e+00 : bf16
    %broadcast_in_dim3A_56 = vector.broadcast %broadcast_in_dim3A_55 : bf16 to vector<1x64xbf16>
    %slice3A_57 = vector.extract_strided_slice %concatenate3A_54 {offsets = [0, 0], sizes = [2047, 64], strides = [1, 1]} : vector<2048x64xbf16> to vector<2047x64xbf16>
    %concatenate3A_58 = tpu.concatenate %broadcast_in_dim3A_56, %slice3A_57 in 0 : vector<1x64xbf16>, vector<2047x64xbf16> -> vector<2048x64xbf16>
    %slice3A_59 = vector.extract_strided_slice %concatenate3A_54 {offsets = [1, 0], sizes = [2047, 64], strides = [1, 1]} : vector<2048x64xbf16> to vector<2047x64xbf16>
    %concatenate3A_60 = tpu.concatenate %slice3A_59, %broadcast_in_dim3A_56 in 0 : vector<2047x64xbf16>, vector<1x64xbf16> -> vector<2048x64xbf16>
    %iota3A = tpu.iota {dimensions = array<i32: 0>} : vector<2048x1xi32>
    %jit3A = arith.constant 256 : i32
    %eq3A_61 = arith.constant 0 : i32
    %eq3A_62 = arith.cmpi eq, %jit3A, %eq3A_61 : i32
    %jit3A_63 = arith.constant 1 : i32
    %select_n3A = arith.select %eq3A_62, %jit3A_63, %jit3A : i32
    %rem3A_64 = vector.broadcast %select_n3A : i32 to vector<2048x1xi32>
    %rem3A_65 = arith.remsi %iota3A, %rem3A_64 : vector<2048x1xi32>
    %ne3A = arith.constant 0 : i32
    %ne3A_66 = vector.broadcast %ne3A : i32 to vector<2048x1xi32>
    %ne3A_67 = arith.cmpi ne, %rem3A_65, %ne3A_66 : vector<2048x1xi32>
    %lt3A_68 = arith.constant 0 : i32
    %lt3A_69 = vector.broadcast %lt3A_68 : i32 to vector<2048x1xi32>
    %lt3A_70 = arith.cmpi slt, %rem3A_65, %lt3A_69 : vector<2048x1xi32>
    %lt3A_71 = arith.constant 0 : i32
    %lt3A_72 = arith.cmpi slt, %select_n3A, %lt3A_71 : i32
    %ne3A_73 = vector.broadcast %lt3A_72 : i1 to vector<2048x1xi1>
    %ne3A_74 = vector.broadcast %ne3A_73 : vector<2048x1xi1> to vector<2048x1xi1>
    %ne3A_75 = arith.xori %lt3A_70, %ne3A_74 : vector<2048x1xi1>
    %and3A = arith.andi %ne3A_75, %ne3A_67 : vector<2048x1xi1>
    %add3A_76 = vector.broadcast %select_n3A : i32 to vector<2048x1xi32>
    %add3A_77 = arith.addi %rem3A_65, %add3A_76 : vector<2048x1xi32>
    %select_n3A_78 = arith.select %and3A, %add3A_77, %rem3A_65 : vector<2048x1xi1>, vector<2048x1xi32>
    %eq3A_79 = arith.constant 0 : i32
    %eq3A_80 = vector.broadcast %eq3A_79 : i32 to vector<2048x1xi32>
    %eq3A_81 = arith.cmpi eq, %select_n3A_78, %eq3A_80 : vector<2048x1xi32>
    %jit3A_82 = arith.constant 0.000000e+00 : bf16
    %broadcast_in_dim3A_83 = vector.shape_cast %eq3A_81 : vector<2048x1xi1> to vector<2048x1xi1>
    %broadcast_in_dim3A_84 = vector.broadcast %broadcast_in_dim3A_83 : vector<2048x1xi1> to vector<2048x64xi1>
    %broadcast_in_dim3A_85 = vector.broadcast %jit3A_82 : bf16 to vector<2048x64xbf16>
    %select_n3A_86 = arith.select %broadcast_in_dim3A_84, %broadcast_in_dim3A_85, %concatenate3A_58 : vector<2048x64xi1>, vector<2048x64xbf16>
    %jit3A_87 = arith.constant 256 : i32
    %eq3A_88 = arith.constant 0 : i32
    %eq3A_89 = arith.cmpi eq, %jit3A_87, %eq3A_88 : i32
    %jit3A_90 = arith.constant 1 : i32
    %select_n3A_91 = arith.select %eq3A_89, %jit3A_90, %jit3A_87 : i32
    %rem3A_92 = vector.broadcast %select_n3A_91 : i32 to vector<2048x1xi32>
    %rem3A_93 = arith.remsi %iota3A, %rem3A_92 : vector<2048x1xi32>
    %ne3A_94 = arith.constant 0 : i32
    %ne3A_95 = vector.broadcast %ne3A_94 : i32 to vector<2048x1xi32>
    %ne3A_96 = arith.cmpi ne, %rem3A_93, %ne3A_95 : vector<2048x1xi32>
    %lt3A_97 = arith.constant 0 : i32
    %lt3A_98 = vector.broadcast %lt3A_97 : i32 to vector<2048x1xi32>
    %lt3A_99 = arith.cmpi slt, %rem3A_93, %lt3A_98 : vector<2048x1xi32>
    %lt3A_100 = arith.constant 0 : i32
    %lt3A_101 = arith.cmpi slt, %select_n3A_91, %lt3A_100 : i32
    %ne3A_102 = vector.broadcast %lt3A_101 : i1 to vector<2048x1xi1>
    %ne3A_103 = vector.broadcast %ne3A_102 : vector<2048x1xi1> to vector<2048x1xi1>
    %ne3A_104 = arith.xori %lt3A_99, %ne3A_103 : vector<2048x1xi1>
    %and3A_105 = arith.andi %ne3A_104, %ne3A_96 : vector<2048x1xi1>
    %add3A_106 = vector.broadcast %select_n3A_91 : i32 to vector<2048x1xi32>
    %add3A_107 = arith.addi %rem3A_93, %add3A_106 : vector<2048x1xi32>
    %select_n3A_108 = arith.select %and3A_105, %add3A_107, %rem3A_93 : vector<2048x1xi1>, vector<2048x1xi32>
    %eq3A_109 = arith.constant 255 : i32
    %eq3A_110 = vector.broadcast %eq3A_109 : i32 to vector<2048x1xi32>
    %eq3A_111 = arith.cmpi eq, %select_n3A_108, %eq3A_110 : vector<2048x1xi32>
    %jit3A_112 = arith.constant 0.000000e+00 : bf16
    %broadcast_in_dim3A_113 = vector.shape_cast %eq3A_111 : vector<2048x1xi1> to vector<2048x1xi1>
    %broadcast_in_dim3A_114 = vector.broadcast %broadcast_in_dim3A_113 : vector<2048x1xi1> to vector<2048x64xi1>
    %broadcast_in_dim3A_115 = vector.broadcast %jit3A_112 : bf16 to vector<2048x64xbf16>
    %select_n3A_116 = arith.select %broadcast_in_dim3A_114, %broadcast_in_dim3A_115, %concatenate3A_60 : vector<2048x64xi1>, vector<2048x64xbf16>
    %concatenate3A_117 = tpu.concatenate %select_n3A_86, %concatenate3A_54, %select_n3A_116 in 1 : vector<2048x64xbf16>, vector<2048x64xbf16>, vector<2048x64xbf16> -> vector<2048x192xbf16>
    %get3A_118 = arith.constant 0 : index
    %get3A_119 = arith.constant 0 : index
    %get3A_120 = vector.load %arg5[%get3A_118, %get3A_119] : memref<192x230xbf16, #tpu.memory_space<vmem>>, vector<192x230xbf16>
    %dot_general3A = arith.constant dense<0.000000e+00> : vector<2048x230xf32>
    %dot_general3A_121 = tpu.matmul %concatenate3A_117, %get3A_120, %dot_general3A {dimension_numbers = #tpu.dot_dimension_numbers<[1], [0], [0], [1], [0, 0, 1, 1], [], []>, transpose_lhs_hint = false} : vector<2048x192xbf16>, vector<192x230xbf16>, vector<2048x230xf32> -> vector<2048x230xf32>
    %get3A_122 = arith.constant 0 : index
    %get3A_123 = arith.constant 0 : index
    %get3A_124 = vector.load %arg6[%get3A_122, %get3A_123] : memref<1x230xf32, #tpu.memory_space<vmem>>, vector<1x230xf32>
    %add3A_125 = vector.broadcast %get3A_124 : vector<1x230xf32> to vector<2048x230xf32>
    %add3A_126 = arith.addf %dot_general3A_121, %add3A_125 : vector<2048x230xf32>
    %convert_element_type3A_127 = arith.truncf %add3A_126 : vector<2048x230xf32> to vector<2048x230xbf16>
    %get3A_128 = arith.constant 0 : index
    %get3A_129 = arith.constant 0 : index
    %get3A_130 = vector.load %arg4[%get3A_128, %get3A_129] : memref<8x256xi32, #tpu.memory_space<vmem>>, vector<8x256xi32>
    %reshape3A = vector.shape_cast %convert_element_type3A_127 : vector<2048x230xbf16> to vector<8x256x230xbf16>
    %eq3A_131 = arith.constant 1 : i32
    %eq3A_132 = vector.broadcast %eq3A_131 : i32 to vector<8x256xi32>
    %eq3A_133 = arith.cmpi eq, %get3A_130, %eq3A_132 : vector<8x256xi32>
    %jit3A_134 = arith.constant 0.000000e+00 : f32
    %jit3A_135 = arith.constant -1.000000e+04 : f32
    %broadcast_in_dim3A_136 = vector.broadcast %jit3A_134 : f32 to vector<8x256xf32>
    %broadcast_in_dim3A_137 = vector.broadcast %jit3A_135 : f32 to vector<8x256xf32>
    %select_n3A_138 = arith.select %eq3A_133, %broadcast_in_dim3A_136, %broadcast_in_dim3A_137 : vector<8x256xi1>, vector<8x256xf32>
    %convert_element_type3A_139 = arith.truncf %select_n3A_138 : vector<8x256xf32> to vector<8x256xbf16>
    %broadcast_in_dim3A_140 = vector.shape_cast %convert_element_type3A_139 : vector<8x256xbf16> to vector<8x256x1xbf16>
    %add3A_141 = vector.broadcast %broadcast_in_dim3A_140 : vector<8x256x1xbf16> to vector<8x256x230xbf16>
    %add3A_142 = arith.addf %reshape3A, %add3A_141 : vector<8x256x230xbf16>
    %reduce_max3A = arith.constant dense<0xFF80> : vector<8x230xbf16>
    %reduce_max3A_143 = vector.multi_reduction <maximumf>, %add3A_142, %reduce_max3A [1] : vector<8x256x230xbf16> to vector<8x230xbf16>
    %eq3A_144 = arith.constant 2 : i32
    %eq3A_145 = vector.broadcast %eq3A_144 : i32 to vector<8x256xi32>
    %eq3A_146 = arith.cmpi eq, %get3A_130, %eq3A_145 : vector<8x256xi32>
    %jit3A_147 = arith.constant 0.000000e+00 : f32
    %jit3A_148 = arith.constant -1.000000e+04 : f32
    %broadcast_in_dim3A_149 = vector.broadcast %jit3A_147 : f32 to vector<8x256xf32>
    %broadcast_in_dim3A_150 = vector.broadcast %jit3A_148 : f32 to vector<8x256xf32>
    %select_n3A_151 = arith.select %eq3A_146, %broadcast_in_dim3A_149, %broadcast_in_dim3A_150 : vector<8x256xi1>, vector<8x256xf32>
    %convert_element_type3A_152 = arith.truncf %select_n3A_151 : vector<8x256xf32> to vector<8x256xbf16>
    %broadcast_in_dim3A_153 = vector.shape_cast %convert_element_type3A_152 : vector<8x256xbf16> to vector<8x256x1xbf16>
    %add3A_154 = vector.broadcast %broadcast_in_dim3A_153 : vector<8x256x1xbf16> to vector<8x256x230xbf16>
    %add3A_155 = arith.addf %reshape3A, %add3A_154 : vector<8x256x230xbf16>
    %reduce_max3A_156 = arith.constant dense<0xFF80> : vector<8x230xbf16>
    %reduce_max3A_157 = vector.multi_reduction <maximumf>, %add3A_155, %reduce_max3A_156 [1] : vector<8x256x230xbf16> to vector<8x230xbf16>
    %eq3A_158 = arith.constant 3 : i32
    %eq3A_159 = vector.broadcast %eq3A_158 : i32 to vector<8x256xi32>
    %eq3A_160 = arith.cmpi eq, %get3A_130, %eq3A_159 : vector<8x256xi32>
    %jit3A_161 = arith.constant 0.000000e+00 : f32
    %jit3A_162 = arith.constant -1.000000e+04 : f32
    %broadcast_in_dim3A_163 = vector.broadcast %jit3A_161 : f32 to vector<8x256xf32>
    %broadcast_in_dim3A_164 = vector.broadcast %jit3A_162 : f32 to vector<8x256xf32>
    %select_n3A_165 = arith.select %eq3A_160, %broadcast_in_dim3A_163, %broadcast_in_dim3A_164 : vector<8x256xi1>, vector<8x256xf32>
    %convert_element_type3A_166 = arith.truncf %select_n3A_165 : vector<8x256xf32> to vector<8x256xbf16>
    %broadcast_in_dim3A_167 = vector.shape_cast %convert_element_type3A_166 : vector<8x256xbf16> to vector<8x256x1xbf16>
    %add3A_168 = vector.broadcast %broadcast_in_dim3A_167 : vector<8x256x1xbf16> to vector<8x256x230xbf16>
    %add3A_169 = arith.addf %reshape3A, %add3A_168 : vector<8x256x230xbf16>
    %reduce_max3A_170 = arith.constant dense<0xFF80> : vector<8x230xbf16>
    %reduce_max3A_171 = vector.multi_reduction <maximumf>, %add3A_169, %reduce_max3A_170 [1] : vector<8x256x230xbf16> to vector<8x230xbf16>
    %concatenate3A_172 = tpu.concatenate %reduce_max3A_143, %reduce_max3A_157, %reduce_max3A_171 in 1 : vector<8x230xbf16>, vector<8x230xbf16>, vector<8x230xbf16> -> vector<8x690xbf16>
    %convert_element_type3A_173 = arith.extf %concatenate3A_172 : vector<8x690xbf16> to vector<8x690xf32>
    %tanh3A = math.tanh %convert_element_type3A_173 : vector<8x690xf32>
    %get3A_174 = arith.index_cast %arg0 : i32 to index
    %get3A_175 = memref.load %arg1[%get3A_174] : memref<32xi32, #tpu.memory_space<smem>>
    %get3A_176 = arith.index_cast %get3A_175 : i32 to index
    %get3A_177 = arith.constant 0 : index
    %get3A_178 = vector.load %arg7[%get3A_176, %get3A_177] : memref<53x690xf32, #tpu.memory_space<vmem>>, vector<1x690xf32>
    %dot_general3A_179 = arith.constant dense<0.000000e+00> : vector<8x1xf32>
    %dot_general3A_180 = tpu.matmul %tanh3A, %get3A_178, %dot_general3A_179 {dimension_numbers = #tpu.dot_dimension_numbers<[1], [1], [0], [0], [0, 0, 1, 0], [], []>, transpose_lhs_hint = false} : vector<8x690xf32>, vector<1x690xf32>, vector<8x1xf32> -> vector<8x1xf32>
    %reduce_max3A_181 = arith.constant dense<0xFF800000> : vector<1xf32>
    %reduce_max3A_182 = vector.multi_reduction <maximumf>, %dot_general3A_180, %reduce_max3A_181 [0] : vector<8x1xf32> to vector<1xf32>
    %broadcast_in_dim3A_183 = vector.shape_cast %reduce_max3A_182 : vector<1xf32> to vector<1x1xf32>
    %sub3A = vector.broadcast %broadcast_in_dim3A_183 : vector<1x1xf32> to vector<8x1xf32>
    %sub3A_184 = arith.subf %dot_general3A_180, %sub3A : vector<8x1xf32>
    %exp3A = math.exp %sub3A_184 : vector<8x1xf32>
    %reduce_sum3A = arith.constant dense<0.000000e+00> : vector<1xf32>
    %reduce_sum3A_185 = vector.multi_reduction <add>, %exp3A, %reduce_sum3A [0] : vector<8x1xf32> to vector<1xf32>
    %broadcast_in_dim3A_186 = vector.shape_cast %reduce_sum3A_185 : vector<1xf32> to vector<1x1xf32>
    %div3A = vector.broadcast %broadcast_in_dim3A_186 : vector<1x1xf32> to vector<8x1xf32>
    %div3A_187 = arith.divf %exp3A, %div3A : vector<8x1xf32>
    %dot_general3A_188 = arith.constant dense<0.000000e+00> : vector<1x690xf32>
    %dot_general3A_189 = tpu.matmul %div3A_187, %tanh3A, %dot_general3A_188 {dimension_numbers = #tpu.dot_dimension_numbers<[0], [0], [1], [1], [0, 1, 1, 1], [], []>, transpose_lhs_hint = false} : vector<8x1xf32>, vector<8x690xf32>, vector<1x690xf32> -> vector<1x690xf32>
    %get3A_190 = arith.constant 0 : index
    %get3A_191 = arith.constant 0 : index
    %get3A_192 = vector.load %arg8[%get3A_190, %get3A_191] : memref<690x53xf32, #tpu.memory_space<vmem>>, vector<690x53xf32>
    %dot_general3A_193 = arith.constant dense<0.000000e+00> : vector<1x53xf32>
    %dot_general3A_194 = tpu.matmul %dot_general3A_189, %get3A_192, %dot_general3A_193 {dimension_numbers = #tpu.dot_dimension_numbers<[1], [0], [0], [1], [0, 0, 1, 1], [], []>, transpose_lhs_hint = false} : vector<1x690xf32>, vector<690x53xf32>, vector<1x53xf32> -> vector<1x53xf32>
    %get3A_195 = arith.constant 0 : index
    %get3A_196 = arith.constant 0 : index
    %get3A_197 = vector.load %arg9[%get3A_195, %get3A_196] : memref<1x53xf32, #tpu.memory_space<vmem>>, vector<1x53xf32>
    %add3A_198 = arith.addf %dot_general3A_194, %get3A_197 : vector<1x53xf32>
    %reshape3A_199 = vector.shape_cast %add3A_198 : vector<1x53xf32> to vector<1x1x53xf32>
    %swap3A = arith.constant 0 : index
    %swap3A_200 = arith.constant 0 : index
    %swap3A_201 = arith.constant 0 : index
    %swap3A_202 = vector.load %arg10[%swap3A, %swap3A_200, %swap3A_201] : memref<1x1x53xf32, #tpu.memory_space<vmem>>, vector<1x1x53xf32>
    tpu.vector_store %arg10[%swap3A, %swap3A_200, %swap3A_201], %reshape3A_199 {strides = array<i32>} : memref<1x1x53xf32, #tpu.memory_space<vmem>>, vector<1x1x53xf32>,
    return
  }
  func.func @transform_2(%arg0: i32, %arg1: memref<32xi32, #tpu.memory_space<smem>>) -> (i32, i32) {
    %c0_i32 = arith.constant 0 : i32
    %c0_i32_0 = arith.constant 0 : i32
    return %arg0, %c0_i32 : i32, i32
  }
  func.func @transform_3(%arg0: i32, %arg1: memref<32xi32, #tpu.memory_space<smem>>) -> (i32, i32) {
    %c0_i32 = arith.constant 0 : i32
    %c0_i32_0 = arith.constant 0 : i32
    %c0_i32_1 = arith.constant 0 : i32
    return %c0_i32, %c0_i32_0 : i32, i32
  }
  func.func @transform_4(%arg0: i32, %arg1: memref<32xi32, #tpu.memory_space<smem>>) -> (i32, i32) {
    %c0_i32 = arith.constant 0 : i32
    %c0_i32_0 = arith.constant 0 : i32
    %c0_i32_1 = arith.constant 0 : i32
    return %c0_i32, %c0_i32_0 : i32, i32
  }
  func.func @transform_5(%arg0: i32, %arg1: memref<32xi32, #tpu.memory_space<smem>>) -> (i32, i32) {
    %c0_i32 = arith.constant 0 : i32
    %c0_i32_0 = arith.constant 0 : i32
    %c0_i32_1 = arith.constant 0 : i32
    return %c0_i32, %c0_i32_0 : i32, i32
  }
  func.func @transform_6(%arg0: i32, %arg1: memref<32xi32, #tpu.memory_space<smem>>) -> (i32, i32) {
    %c0_i32 = arith.constant 0 : i32
    %c0_i32_0 = arith.constant 0 : i32
    %c0_i32_1 = arith.constant 0 : i32
    return %c0_i32, %c0_i32_0 : i32, i32
  }
  func.func @transform_7(%arg0: i32, %arg1: memref<32xi32, #tpu.memory_space<smem>>) -> (i32, i32) {
    %c0_i32 = arith.constant 0 : i32
    %c0_i32_0 = arith.constant 0 : i32
    %c0_i32_1 = arith.constant 0 : i32
    return %c0_i32, %c0_i32_0 : i32, i32
  }
  func.func @transform_8(%arg0: i32, %arg1: memref<32xi32, #tpu.memory_space<smem>>) -> (i32, i32, i32) {
    %c0_i32 = arith.constant 0 : i32
    %c0_i32_0 = arith.constant 0 : i32
    %c0_i32_1 = arith.constant 0 : i32
    return %arg0, %c0_i32, %c0_i32_0 : i32, i32, i32
  }
}

</mosaic_0001>

<sc_bundles>
// kernel: kernel.10.cloned.1.call-start
scs
__scs_entry_jumppad:
0x0: {  	(pc) =	sbr.rel $0x88, $3  }
0x1: {  	(tag) =	ssettag $0x0;
	lr =	simm.s32 $0x1  }
0x2: {  	[smem:$0x3F95] =	sst lr;
	_ =	strace $0xD0000000  }
0x3: {  	_ = 	snop  }
0x4: {  	_ = 	snop  }
0x5: {  	_ = 	snop  }
0x6: {  	_ = 	snop  }
0x7: {  	_ = 	snop  }
__scs_overlays_trampoline_lowered:
0x8: {  	[smem:$0x3FA4] =	sst s0  }
0x9: {  	[smem:$0x3FA5] =	sst s1  }
0xa: {  	[smem:$0x3FA6] =	sst s2  }
0xb: {  	[smem:$0x3FA7] =	sst s3  }
0xc: {  	[smem:$0x3FA8] =	sst s4  }
0xd: {  	[smem:$0x3FA9] =	sst s5  }
0xe: {  	[smem:$0x3FAA] =	sst s6  }
0xf: {  	[smem:$0x3FAB] =	sst s7  }
0x10: {  	[smem:$0x3FAC] =	sst s8  }
0x11: {  	[smem:$0x3FAD] =	sst s9;
	s0 =	simm.s32 @!p0 $0x0  }
0x12: {  	s1 =	sld [smem:$0x3F93];
	s0 =	simm.s32 @p0 $0x1  }
0x13: {  	[smem:$0x3FAE] =	sst s0;
	s0 =	simm.s32 @!p1 $0x0  }
0x14: {  	s2 =	sld [smem:$0x3F92];
	s0 =	simm.s32 @p1 $0x1  }
0x15: {  	[smem:$0x3FAF] =	sst s0;
	s0 =	simm.s32 @!p2 $0x0  }
0x16: {  	s3 =	sld [smem:$0x3FDB];
	s0 =	simm.s32 @p2 $0x1  }
0x17: {  	s4 =	simm.s32 $0x1BF5;
	[smem:$0x3FB1] =	sst s0  }
0x18: {  	s0 =	sld [smem:$0x3F94];
	_ =	swait.ge [sflag:s4], $0x0  }
0x19: {  	s7 =	sld [smem:$0x3F95]  }
0x1a: {  	s8 =	sadd.s32 $0xFFFFE003, lr  }
0x1b: {  	s9 =	sadd.s32 $0xFFFFFEF7, lr;
	s5 =	simm.s32 $0xFFFFFFFF;
	p2 =	slt.u32 s8, $0xFFFFF086  }
0x1c: {  	p1 =	slt.u32 s9, $0xF7A;
	s5 =	simm.s32 @!p2 $0x0  }
0x1d: {  	s5 =	simm.s32 @p1 $0x1;
	p0 =	seq.s32 s7, s2  }
0x1e: {  	s7 =	smul.u32 @!p0 $0xF7A, s2;
	p2 =	seq.s32 @!p0 s5, $0x0  }
0x1f: {  	s9 =	smul.u32 $0xF7A, s1;
	s8 =	simm.s32 @!p0 $0x1BF5;
	p2 =	por !p2, p0  }
0x20: {  	[sflag:s8] =	ssyncset.s32 @!p0 $0xFFFFF086;
	s6 =	sadd.s32 @!p0 s3, s7;
	s7 =	simm.s32 @!p0 $0x108  }
0x21: {  	s3 =	sadd.s32 s3, s9;
	s6 =	sadd.s32 @!p0 $0x88, s6;
	s7 =	simm.s32 @p2 $0x1082  }
0x22: {  	[simem:s7], [sflag:s8] =	dma.local @!p0 [hbm:s6], $0xF7A  }
0x23: {  	s9 =	sor.u32 $0xD0000000, s2;
	s6 =	simm.s32 $0x108;
	_ =	swait.ge @!p0 [sflag:s8], $0x0  }
0x24: {  	s3 =	sadd.s32 $0x88, s3;
	s6 =	simm.s32 @!p1 $0x1082;
	[sflag:s4] =	ssyncset.s32 $0xFFFFF086  }
0x25: {  	[simem:s6], [sflag:s4] =	dma.local [hbm:s3], $0xF7A  }
0x26: {  	[smem:$0x3F95] =	sst s1;
	(tag) =	ssettag s2;
	_ =	strace s9  }
0x27: {  	s1 =	sld [smem:$0x3FA5]  }
0x28: {  	s2 =	sld [smem:$0x3FA6]  }
0x29: {  	s4 =	sld [smem:$0x3FA8]  }
0x2a: {  	p0 =	seq.s32 s5, $0x0;
	s5 =	sld [smem:$0x3FA9]  }
0x2b: {  	s6 =	sld [smem:$0x3FAA]  }
0x2c: {  	s7 =	sld [smem:$0x3FAB]  }
0x2d: {  	s3 =	simm.s32 $0x108;
	s8 =	sld [smem:$0x3FAC]  }
0x2e: {  	s3 =	simm.s32 @!p0 $0x1082;
	s9 =	sld [smem:$0x3FAD]  }
0x2f: {  	lr =	sadd.s32 s0, s3;
	s0 =	sld [smem:$0x3FA4]  }
0x30: {  	s3 =	sld [smem:$0x3FA7]  }
0x31: {  	[smem:$0x3FB0] =	sst s10  }
0x32: {  	s10 =	sld [smem:$0x3FAE];
	_ =	sdelay $0x3  }
0x33: {  	p0 =	seq.s32 s10, $0x1;
	s10 =	sld [smem:$0x3FB0];
	_ =	sdelay $0x3  }
0x34: {  	[smem:$0x3FB0] =	sst s10  }
0x35: {  	s10 =	sld [smem:$0x3FAF];
	_ =	sdelay $0x3  }
0x36: {  	p1 =	seq.s32 s10, $0x1;
	s10 =	sld [smem:$0x3FB0];
	_ =	sdelay $0x3  }
0x37: {  	[smem:$0x3FB0] =	sst s10  }
0x38: {  	s10 =	sld [smem:$0x3FB1]  }
0x39: {  	_ = 	snop;
	(pc) =	sbr.ind lr, $3  }
0x3a: {  	_ = 	snop  }
0x3b: {  	_ = 	snop  }
0x3c: {  	p2 =	seq.s32 s10, $0x1;
	s10 =	sld [smem:$0x3FB0]  }
0x3d: {  	_ =	shalt  }
0x3e: {  	_ =	shalt  }
0x3f: {  	_ =	shalt  }
0x40: {  	_ =	shalt  }
0x41: {  	_ =	shalt  }
0x42: {  	_ =	shalt  }
0x43: {  	_ =	shalt  }
0x44: {  	_ =	shalt  }
0x45: {  	_ =	shalt  }
0x46: {  	_ =	shalt  }
0x47: {  	_ =	shalt  }
0x48: {  	_ =	shalt  }
0x49: {  	_ =	shalt  }
0x4a: {  	_ =	shalt  }
0x4b: {  	_ =	shalt  }
0x4c: {  	_ =	shalt  }
0x4d: {  	_ =	shalt  }
0x4e: {  	_ =	shalt  }
0x4f: {  	_ =	shalt  }
0x50: {  	_ =	shalt  }
0x51: {  	_ =	shalt  }
0x52: {  	_ =	shalt  }
0x53: {  	_ =	shalt  }
0x54: {  	_ =	shalt  }
0x55: {  	_ =	shalt  }
0x56: {  	_ =	shalt  }
0x57: {  	_ =	shalt  }
0x58: {  	_ =	shalt  }
0x59: {  	_ =	shalt  }
0x5a: {  	_ =	shalt  }
0x5b: {  	_ =	shalt  }
0x5c: {  	_ =	shalt  }
0x5d: {  	_ =	shalt  }
0x5e: {  	_ =	shalt  }
0x5f: {  	_ =	shalt  }
0x60: {  	_ =	shalt  }
0x61: {  	_ =	shalt  }
0x62: {  	_ =	shalt  }
0x63: {  	_ =	shalt  }
0x64: {  	_ =	shalt  }
0x65: {  	_ =	shalt  }
0x66: {  	_ =	shalt  }
0x67: {  	_ =	shalt  }
0x68: {  	_ =	shalt  }
0x69: {  	_ =	shalt  }
0x6a: {  	_ =	shalt  }
0x6b: {  	_ =	shalt  }
0x6c: {  	_ =	shalt  }
0x6d: {  	_ =	shalt  }
0x6e: {  	_ =	shalt  }
0x6f: {  	_ =	shalt  }
0x70: {  	_ =	shalt  }
0x71: {  	_ =	shalt  }
0x72: {  	_ =	shalt  }
0x73: {  	_ =	shalt  }
0x74: {  	_ =	shalt  }
0x75: {  	_ =	shalt  }
0x76: {  	_ =	shalt  }
0x77: {  	_ =	shalt  }
0x78: {  	_ =	shalt  }
0x79: {  	_ =	shalt  }
0x7a: {  	_ =	shalt  }
0x7b: {  	_ =	shalt  }
0x7c: {  	_ =	shalt  }
0x7d: {  	_ =	shalt  }
0x7e: {  	_ =	shalt  }
0x7f: {  	_ =	shalt  }
0x80: {  	_ =	shalt  }
0x81: {  	_ =	shalt  }
0x82: {  	_ =	shalt  }
0x83: {  	_ =	shalt  }
0x84: {  	_ =	shalt  }
0x85: {  	_ =	shalt  }
0x86: {  	_ =	shalt  }
0x87: {  	_ =	shalt  }
.Lfunc_end0:
.L_simem_size_0:
called_computation_lowered:
.L_overlay_start_0:
0x88: {  	s2 =	sld [smem:$0x3FD9]  }
0x89: {  	s3 =	sld [smem:$0x3FFE];
	_ =	sdelay $0x1  }
0x8a: {  	s1 =	srdreg.scid  }
0x8b: {  	s0 =	sand.u32 $0x1, s1  }
0x8c: {  	s17 =	sshll.u32 s0, $0xA;
	s2 =	sadd.s32 s3, s2  }
0x8d: {  	s2 =	sadd.s32 s2, s17  }
0x8e: {  	[smem:$0x3FBC] =	sst s2  }
0x8f: {  	_ = 	snop  }
0x90: {  	(tm) =	ssettm $0x1  }
0x91: {  	s18 =	sld [smem:$0x3FFB];
	_ =	sdelay $0x3  }
0x92: {  	_ =	strace s18  }
0x93: {  	s2 =	sld [smem:$0x3FFC];
	_ =	sdelay $0x3  }
0x94: {  	_ =	strace s2  }
0x95: {  	s2 =	sld [smem:$0x3FFD];
	_ =	sdelay $0x3  }
0x96: {  	_ =	strace s2  }
0x97: {  	_ =	strace $0x8FFFFFFF  }
0x98: {  	s19 =	sld [smem:$0x3FDB];
	_ =	sdelay $0x1  }
0x99: {  	s20 =	simm.s32 $_scs_section_size  }
0x9a: {  	s4 =	simm.s32 $_size__tile_overlayer_lowered;
	s5 =	simm.s32 $_tile_overlayer_lowered  }
0x9b: {  	s6 =	simm.s32 $0x1BFF;
	s21 =	sshll.u32 s5, $0x1;
	s3 =	sadd.s32 s20, s19  }
0x9c: {  	s22 =	simm.s32 $0x0;
	s4 =	sshll.u32 s4, $0x1;
	s5 =	sadd.s32 s21, s3  }
0x9d: {  	[timem:s22], [sflag:s6] =	dma.local [hbm:s5], s4  }
0x9e: {  	_ =	swait.ge [sflag:s6], s4  }
0x9f: {  	s4 =	ssub.s32 $0x0, s4;
	[sflag:s6] =	ssyncset.done $0x0  }
0xa0: {  	[sflag:s6] =	ssyncadd.s32 s4;
	_ =	sdelay $0x1  }
0xa1: {  	s23 =	simm.s32 $0x1B8B  }
0xa2: {  	_ =	swait.ge [sflag:s23], $0x1  }
0xa3: {  	[sflag:s23] =	ssyncset.done $0x0  }
0xa4: {  	[sflag:s23] =	ssyncadd.s32 $0xFFFFFFFF  }
0xa5: {  	s4 =	sld [smem:$0x0]  }
0xa6: {  	s5 =	sand.u32 $0xFFFFFFFE, s1  }
0xa7: {  	p0 =	sne.s32 s1, s5  }
0xa8: {  	s5 =	sshll.u32 @p0 s5, $0xE  }
0xa9: {  	s5 =	sadd.s32 @p0 $0x11B8D, s5;
	s6 =	sshll.u32 @p0 s4, $0x11  }
0xaa: {  	s5 =	sor.u32 @p0 s6, s5  }
0xab: {  	[sflag:s5] =	ssyncadd.remote.s32 @p0 $0x1;
	_ =	sdelay $0x1  }
0xac: {  	s5 =	simm.s32 @p0 $0x1B8D  }
0xad: {  	_ =	swait.eq @p0 [sflag:s5], $0x1  }
0xae: {  	[sflag:s5] =	ssyncadd.s32 @p0 $0xFFFFFFFF  }
0xaf: {  	s6 =	sshll.u32 @!p0 s1, $0xE  }
0xb0: {  	s6 =	sor.u32 @!p0 $0x4000, s6;
	s5 =	simm.s32 @!p0 $0x1B8D  }
0xb1: {  	s4 =	sshll.u32 @!p0 s4, $0x11;
	s6 =	sadd.s32 @!p0 $0x11B8D, s6;
	_ =	swait.eq @!p0 [sflag:s5], $0x1  }
0xb2: {  	s4 =	sor.u32 @!p0 s4, s6;
	[sflag:s5] =	ssyncadd.s32 @!p0 $0xFFFFFFFF  }
0xb3: {  	s25 =	simm.s32 $0x1B8E;
	s24 =	sld [smem:$0x3FFE];
	[sflag:s4] =	ssyncadd.remote.s32 @!p0 $0x1  }
0xb4: {  	s26 =	simm.s32 $execute0_lowered;
	[smem:$0x3FD2] =	sst s25  }
0xb5: {  	s5 =	sshll.u32 s26, $0x1;
	_ =	strace $0x8000004F;
	[dreg:$0x1] =	wrdreg $0xFFFFFFFF  }
0xb6: {  	s28 =	simm.s32 $_size_execute0_lowered;
	s3 =	sadd.s32 s3, s5;
	[dreg:$0x0] =	wrdreg $0x0  }
0xb7: {  	s5 =	sshll.u32 s28, $0x1;
	[dreg:$0x2] =	wrdreg s3  }
0xb8: {  	[dreg:$0x3] =	wrdreg s5  }
0xb9: {  	[dreg:$0x4] =	wrdreg $0xC0  }
0xba: {  	_ =	task [dreg:s22], $0x5FFFF  }
0xbb: {  	[dreg:$0x1] =	wrdreg $0xFFFFFFFF  }
0xbc: {  	[dreg:$0x0] =	wrdreg $0x60  }
0xbd: {  	[dreg:$0x2] =	wrdreg s24  }
0xbe: {  	[dreg:$0x3] =	wrdreg $0x9  }
0xbf: {  	_ =	task.clear_ibuf [dreg:s22], $0x4FFFF;
	_ =	strace $0x9000004F  }
0xc0: {  	s29 =	simm.s32 $0x9;
	_ =	strace $0x80000051  }
0xc1: {  	_ =	swait.ge [sflag:s29], $0x1  }
0xc2: {  	[sflag:s29] =	ssyncadd.s32 $0xFFFFFFFF  }
0xc3: {  	_ =	strace $0x90000051  }
0xc4: {  	_ =	sfence  }
0xc5: {  	s30 =	sld [smem:$0x0];
	_ =	sdelay $0x2  }
0xc6: {  	s31 =	sshll.u32 s1, $0xD;
	s1 =	sshrl.u32 s1, $0x2  }
0xc7: {  	s4 =	sand.u32 $0x4000, s31;
	s1 =	sadd.s32 s1, s30  }
0xc8: {  	s0 =	sor.u32 s4, s0;
	s1 =	sshll.u32 s1, $0x11  }
0xc9: {  	s0 =	sor.u32 s1, s0  }
0xca: {  	s0 =	sadd.s32 $0x8F2B, s0  }
0xcb: {  	[sflag:s0] =	ssyncadd.remote.s32 $0x1  }
0xcc: {  	_ =	sfence.sel $0xFFFF  }
0xcd: {  	[dreg:$0x0] =	wrdreg $0xFFFFFFFF;
	(pc) =	sbr.abs _section_cstart, $3  }
0xce: {  	[dreg:$0x1] =	wrdreg $0xFFFFFFFF  }
0xcf: {  	_ =	task.clear_ibuf [dreg:s22], $0x2FFFF;
	_ =	strace $0x9FFFFFFF  }
0xd0: {  	(tm) =	ssettm $0x7FFFFFFF  }
0xd1: {  	_ =	shalt  }
tec
execute0_lowered:
.L_overlay_start_1:
0x0: {  	(tag) =	ssettag $0x1  }
0x1: {  	s0 =	rddreg [dreg:$0x0]  }
0x2: {  	s3 =	simm.s32 $0x0;
	s1 =	srdreg.scid;
	s2 =	stileid.u32  }
0x3: {  	s14 =	simm.s32 $0x2;
	s16 =	simm.s32 $0x80;
	s17 =	simm.s32 $0x1000  }
0x4: {  	s18 =	simm.s32 $0x11000;
	s31 =	simm.s32 $0x9000;
	s19 =	simm.s32 $0x13800  }
0x5: {  	s20 =	simm.s32 $0xD000;
	s21 =	simm.s32 $0x14000;
	s22 =	simm.s32 $0xF000  }
0x6: {  	s28 =	simm.s32 $0x10;
	s29 =	simm.s32 $0x0;
	[smem:$0x7FF] =	sst s3  }
0x7: {  	s1 =	sand.u32 $0x1, s1;
	s4 =	sadd.s32 $0x5000, s0;
	s5 =	sadd.s32 $0x1C8600, s0  }
0x8: {  	s23 =	sshll.u32 s2, $0x1;
	s7 =	sadd.s32 $0x368600, s0;
	_ =	strace $0x80000050  }
0x9: {  	s3 =	sor.u32 s1, s23;
	s1 =	ssub.s32 $0x2, s1;
	s23 =	simm.s32 $0x14800  }
0xa: {  	s6 =	sshll.u32 s3, $0x8;
	s24 =	sshrl.u32 s1, $0x1;
	s9 =	sshll.u32 s3, $0xE  }
0xb: {  	s11 =	sshll.u32 s3, $0xF;
	s8 =	sadd.s32 s6, s0;
	s6 =	sadd.s32 $0x2E8600, s0  }
0xc: {  	s0 =	ssub.s32 s1, s24;
	s12 =	sor.u32 $0x10, s11;
	s25 =	sadd.s32 $0x1B6600, s8  }
0xd: {  	s1 =	simm.s32 $0xB000;
	s30 =	sadd.s32 $0x1B4600, s8;
	[dreg:$0x2] =	wrdreg s25  }
0xe: {  	s26 =	sadd.s32 s9, s6;
	s0 =	smax.u32 s0, $0x1;
	[dreg:$0x3] =	wrdreg s30  }
0xf: {  	s24 =	simm.s32 $0x1;
	s10 =	sadd.s32 $0x2000, s26;
	[dreg:$0x4] =	wrdreg s0  }
0x10: {  	s25 =	simm.s32 $0x12000;
	s0 =	simm.s32 $0x13000;
	s26 =	simm.s32 $0x40  }
.LBB2_1:
0x11: {  	s2 =	simm.s32 $0x0;
	s8 =	rddreg [dreg:$0x2]  }
0x12: {  	[tilespmem:s2], [sflag:$0x2] =	stream.linear.gather [hbm4b:s8+s2], $0x800, $0x38;
	[tilespmem:$0x15000] =	vst v63  }
0x13: {  	_ =	swait.ge [sflag:s14], $0x800  }
0x14: {  	[sflag:s14] =	ssyncset.done $0x0  }
0x15: {  	s9 =	simm.s32 $0x800;
	s30 =	rddreg [dreg:$0x3];
	[sflag:s14] =	ssyncadd.s32 $0xFFFFF800  }
0x16: {  	[tilespmem:s9], [sflag:$0x2] =	stream.linear.gather [hbm4b:s30+s2], $0x800, $0x38;
	[tilespmem:$0x15000] =	vst v63  }
0x17: {  	_ =	swait.ge [sflag:s14], $0x800  }
0x18: {  	[sflag:s14] =	ssyncset.done $0x0  }
0x19: {  	[sflag:s14] =	ssyncadd.s32 $0xFFFFF800  }
0x1a: {  	[tilespmem:s17], [sflag:$0x1] =	stream.indirect.gather [hbm4b:s4+s16], $0x40, s2, s16, $0xb8;
	[tilespmem:$0x15000] =	vst v63  }
0x1b: {  	_ = 	snop  }
0x1c: {  	[tilespmem:s18], [sflag:$0x1] =	stream.indirect.gather [hbm4b:s5+s16], $0x10, s9, s16, $0xb8;
	[tilespmem:$0x15000] =	vst v63  }
0x1d: {  	s8 =	simm.s32 $0x3000  }
0x1e: {  	[tilespmem:s8], [sflag:$0x1] =	stream.indirect.gather [hbm4b:s4+s16], $0x40, s16, s16, $0xb8;
	[tilespmem:$0x15000] =	vst v63  }
0x1f: {  	s13 =	simm.s32 $0x11800;
	s9 =	simm.s32 $0x880  }
0x20: {  	[tilespmem:s13], [sflag:$0x1] =	stream.indirect.gather [hbm4b:s5+s16], $0x10, s9, s16, $0xb8;
	[tilespmem:$0x15000] =	vst v63  }
0x21: {  	s15 =	simm.s32 $0x100;
	s30 =	simm.s32 $0x5000  }
0x22: {  	[tilespmem:s30], [sflag:$0x1] =	stream.indirect.gather [hbm4b:s4+s16], $0x40, s15, s16, $0xb8;
	[tilespmem:$0x15000] =	vst v63  }
0x23: {  	p0 =	por $0x1, $0x1;
	s8 =	simm.s32 $0x900  }
0x24: {  	[tilespmem:s25], [sflag:$0x1] =	stream.indirect.gather [hbm4b:s5+s16], $0x10, s8, s16, $0xb8;
	[tilespmem:$0x15000] =	vst v63  }
0x25: {  	p1 =	por $0x0, $0x0;
	s9 =	simm.s32 $0x180;
	s13 =	simm.s32 $0x7000  }
0x26: {  	[tilespmem:s13], [sflag:$0x1] =	stream.indirect.gather [hbm4b:s4+s16], $0x40, s9, s16, $0xb8;
	[tilespmem:$0x15000] =	vst v63  }
0x27: {  	s15 =	simm.s32 $0x980;
	s30 =	simm.s32 $0x12800;
	s8 =	simm.s32 $0x0  }
0x28: {  	[tilespmem:s30], [sflag:$0x1] =	stream.indirect.gather [hbm4b:s5+s16], $0x10, s15, s16, $0xb8;
	[tilespmem:$0x15000] =	vst v63  }
.LBB2_2:
0x29: {  	s30 =	sshllo.u32 s8, $0x1  }
0x2a: {  	s9 =	sshll.u32 s30, $0x9  }
0x2b: {  	[tilespmem:s31], [sflag:$0x1] =	stream.indirect.gather [hbm4b:s4+s16], $0x40, s9, s16, $0xb8;
	[tilespmem:$0x15000] =	vst v63  }
0x2c: {  	s15 =	sadd.s32 $0x800, s9  }
0x2d: {  	[tilespmem:s0], [sflag:$0x1] =	stream.indirect.gather [hbm4b:s5+s16], $0x10, s15, s16, $0xb8;
	[tilespmem:$0x15000] =	vst v63  }
0x2e: {  	s2 =	sor.u32 $0x80, s9  }
0x2f: {  	[tilespmem:s1], [sflag:$0x1] =	stream.indirect.gather [hbm4b:s4+s16], $0x40, s2, s16, $0xb8;
	[tilespmem:$0x15000] =	vst v63  }
0x30: {  	s13 =	sadd.s32 $0x880, s9  }
0x31: {  	[tilespmem:s19], [sflag:$0x1] =	stream.indirect.gather [hbm4b:s5+s16], $0x10, s13, s16, $0xb8;
	[tilespmem:$0x15000] =	vst v63  }
0x32: {  	s2 =	sor.u32 $0x100, s9  }
0x33: {  	[tilespmem:s20], [sflag:$0x1] =	stream.indirect.gather [hbm4b:s4+s16], $0x40, s2, s16, $0xb8;
	[tilespmem:$0x15000] =	vst v63  }
0x34: {  	s13 =	sadd.s32 $0x900, s9  }
0x35: {  	[tilespmem:s21], [sflag:$0x1] =	stream.indirect.gather [hbm4b:s5+s16], $0x10, s13, s16, $0xb8;
	[tilespmem:$0x15000] =	vst v63  }
0x36: {  	s2 =	sor.u32 $0x180, s9  }
0x37: {  	[tilespmem:s22], [sflag:$0x1] =	stream.indirect.gather [hbm4b:s4+s16], $0x40, s2, s16, $0xb8;
	[tilespmem:$0x15000] =	vst v63  }
0x38: {  	s9 =	sadd.s32 $0x980, s9  }
0x39: {  	[tilespmem:s23], [sflag:$0x1] =	stream.indirect.gather [hbm4b:s5+s16], $0x10, s9, s16, $0xb8;
	[tilespmem:$0x15000] =	vst v63  }
0x3a: {  	_ =	swait.ge [sflag:s24], $0x2000  }
0x3b: {  	[sflag:s24] =	ssyncset.done $0x0  }
0x3c: {  	[sflag:s24] =	ssyncadd.s32 $0xFFFFE000  }
0x3d: {  	_ =	swait.ge [sflag:s24], $0x800  }
0x3e: {  	[sflag:s24] =	ssyncset.done $0x0  }
0x3f: {  	[sflag:s24] =	ssyncadd.s32 $0xFFFFF800  }
0x40: {  	_ =	swait.ge [sflag:s24], $0x2000  }
0x41: {  	[sflag:s24] =	ssyncset.done $0x0  }
0x42: {  	[sflag:s24] =	ssyncadd.s32 $0xFFFFE000  }
0x43: {  	_ =	swait.ge [sflag:s24], $0x800  }
0x44: {  	[sflag:s24] =	ssyncset.done $0x0  }
0x45: {  	[sflag:s24] =	ssyncadd.s32 $0xFFFFF800  }
0x46: {  	_ =	swait.ge [sflag:s24], $0x2000  }
0x47: {  	[sflag:s24] =	ssyncset.done $0x0  }
0x48: {  	[sflag:s24] =	ssyncadd.s32 $0xFFFFE000  }
0x49: {  	s13 =	sor.u32 s3, s8;
	_ =	swait.ge [sflag:s24], $0x800  }
0x4a: {  	p2 =	seq.s32 s13, $0x0;
	[sflag:s24] =	ssyncset.done $0x0  }
0x4b: {  	p2 =	por !p1, !p2;
	[sflag:s24] =	ssyncadd.s32 $0xFFFFF800  }
0x4c: {  	p2 =	por !p2, !p2;
	s9 =	simm.s32 $0x1;
	_ =	swait.ge [sflag:s24], $0x2000  }
0x4d: {  	s9 =	simm.s32 @!p2 $0x0;
	[sflag:s24] =	ssyncset.done $0x0  }
0x4e: {  	s15 =	ssub.s32 s3, s9;
	[sflag:s24] =	ssyncadd.s32 $0xFFFFE000  }
0x4f: {  	s9 =	sshll.u32 s8, $0x3;
	s13 =	sshll.u32 s15, $0xE;
	_ =	swait.ge [sflag:s24], $0x800  }
0x50: {  	s2 =	sadd.s32 s6, s9;
	s13 =	sand.u32 $0x1FFFC000, s13;
	[sflag:s24] =	ssyncset.done $0x0  }
0x51: {  	s2 =	sadd.s32 s13, s2;
	[sflag:s24] =	ssyncadd.s32 $0xFFFFF800  }
0x52: {  	[hbm4b:s2+s26] =	stream.strided.scatter [tilespmem:s17], [sflag:$0x2], $0x8000, s16, s26, $0x38;
	[tilespmem:$0x15000] =	vst v63  }
0x53: {  	s2 =	sshll.u32 s15, $0xF  }
0x54: {  	s15 =	sadd.s32 s7, s9;
	_ =	swait.ge [sflag:s14], $0x8000;
	s13 =	sshrl.u32 s2, $0x3  }
0x55: {  	[sflag:s14] =	ssyncset.done $0x0;
	s13 =	sadd.s32 s13, s15;
	s15 =	sshll.u32 s8, $0x6  }
0x56: {  	[sflag:s14] =	ssyncadd.s32 $0xFFFF8000;
	s2 =	sor.u32 s2, s15  }
0x57: {  	[hbm4b:s13+s28] =	stream.strided.scatter [tilespmem:s18], [sflag:$0x2], $0x1000, s16, s28, $0x38;
	[tilespmem:$0x15000] =	vst v63  }
0x58: {  	s2 =	sor.u32 $0x10, s2;
	_ =	swait.ge [sflag:s14], $0x1000  }
0x59: {  	s2 =	sshrl.u32 s2, $0x3;
	[sflag:s14] =	ssyncset.done $0x0  }
0x5a: {  	s2 =	sadd.s32 s7, s2;
	[sflag:s14] =	ssyncadd.s32 $0xFFFFF000  }
0x5b: {  	[hbm4b:s2+s28] =	stream.strided.scatter [tilespmem:s25], [sflag:$0x2], $0x1000, s16, s28, $0x38;
	[tilespmem:$0x15000] =	vst v63  }
0x5c: {  	_ =	swait.ge [sflag:s14], $0x1000  }
0x5d: {  	s8 =	simm.s32 @!p1 $0x400;
	[sflag:s14] =	ssyncset.done $0x0  }
0x5e: {  	s13 =	simm.s32 @!p1 $0x1000;
	s2 =	simm.s32 @!p1 $0x80;
	[sflag:s14] =	ssyncadd.s32 $0xFFFFF000  }
0x5f: {  	[tilespmem:s13], [sflag:$0x1] =	stream.indirect.gather @!p1 [hbm4b:s4+s2], $0x40, s8, s2, $0xb8;
	[tilespmem:$0x15000] =	vst v63  }
0x60: {  	s8 =	simm.s32 @!p1 $0xC00;
	s13 =	simm.s32 @!p1 $0x11000  }
0x61: {  	[tilespmem:s13], [sflag:$0x1] =	stream.indirect.gather @!p1 [hbm4b:s5+s2], $0x10, s8, s2, $0xb8;
	[tilespmem:$0x15000] =	vst v63  }
0x62: {  	s8 =	simm.s32 @!p1 $0x480;
	s13 =	simm.s32 @!p1 $0x3000  }
0x63: {  	[tilespmem:s13], [sflag:$0x1] =	stream.indirect.gather @!p1 [hbm4b:s4+s2], $0x40, s8, s2, $0xb8;
	[tilespmem:$0x15000] =	vst v63  }
0x64: {  	s8 =	simm.s32 @!p1 $0xC80;
	s13 =	simm.s32 @!p1 $0x11800  }
0x65: {  	[tilespmem:s13], [sflag:$0x1] =	stream.indirect.gather @!p1 [hbm4b:s5+s2], $0x10, s8, s2, $0xb8;
	[tilespmem:$0x15000] =	vst v63  }
0x66: {  	s8 =	simm.s32 @!p1 $0x500;
	s13 =	simm.s32 @!p1 $0x5000  }
0x67: {  	[tilespmem:s13], [sflag:$0x1] =	stream.indirect.gather @!p1 [hbm4b:s4+s2], $0x40, s8, s2, $0xb8;
	[tilespmem:$0x15000] =	vst v63  }
0x68: {  	s8 =	simm.s32 @!p1 $0xD00;
	s13 =	simm.s32 @!p1 $0x12000  }
0x69: {  	[tilespmem:s13], [sflag:$0x1] =	stream.indirect.gather @!p1 [hbm4b:s5+s2], $0x10, s8, s2, $0xb8;
	[tilespmem:$0x15000] =	vst v63  }
0x6a: {  	s8 =	simm.s32 @!p1 $0x580;
	s13 =	simm.s32 @!p1 $0x7000  }
0x6b: {  	[tilespmem:s13], [sflag:$0x1] =	stream.indirect.gather @!p1 [hbm4b:s4+s2], $0x40, s8, s2, $0xb8;
	[tilespmem:$0x15000] =	vst v63  }
0x6c: {  	s8 =	simm.s32 @!p1 $0xD80;
	s13 =	simm.s32 @!p1 $0x12800  }
0x6d: {  	[tilespmem:s13], [sflag:$0x1] =	stream.indirect.gather @!p1 [hbm4b:s5+s2], $0x10, s8, s2, $0xb8;
	[tilespmem:$0x15000] =	vst v63  }
0x6e: {  	s8 =	simm.s32 $0x1  }
0x6f: {  	_ =	swait.ge [sflag:s8], $0x2000  }
0x70: {  	[sflag:s8] =	ssyncset.done $0x0  }
0x71: {  	[sflag:s8] =	ssyncadd.s32 $0xFFFFE000  }
0x72: {  	_ =	swait.ge [sflag:s8], $0x800  }
0x73: {  	[sflag:s8] =	ssyncset.done $0x0  }
0x74: {  	[sflag:s8] =	ssyncadd.s32 $0xFFFFF800  }
0x75: {  	_ =	swait.ge [sflag:s8], $0x2000  }
0x76: {  	[sflag:s8] =	ssyncset.done $0x0  }
0x77: {  	[sflag:s8] =	ssyncadd.s32 $0xFFFFE000  }
0x78: {  	_ =	swait.ge [sflag:s8], $0x800  }
0x79: {  	[sflag:s8] =	ssyncset.done $0x0  }
0x7a: {  	[sflag:s8] =	ssyncadd.s32 $0xFFFFF800  }
0x7b: {  	_ =	swait.ge [sflag:s8], $0x2000  }
0x7c: {  	[sflag:s8] =	ssyncset.done $0x0  }
0x7d: {  	[sflag:s8] =	ssyncadd.s32 $0xFFFFE000  }
0x7e: {  	_ =	swait.ge [sflag:s8], $0x800  }
0x7f: {  	[sflag:s8] =	ssyncset.done $0x0  }
0x80: {  	[sflag:s8] =	ssyncadd.s32 $0xFFFFF800  }
0x81: {  	_ =	swait.ge [sflag:s8], $0x2000  }
0x82: {  	[sflag:s8] =	ssyncset.done $0x0  }
0x83: {  	[sflag:s8] =	ssyncadd.s32 $0xFFFFE000  }
0x84: {  	_ =	swait.ge [sflag:s8], $0x800  }
0x85: {  	[sflag:s8] =	ssyncset.done $0x0  }
0x86: {  	s15 =	sshll.u32 s30, $0x5;
	s13 =	sadd.s32 s9, s10;
	[sflag:s8] =	ssyncadd.s32 $0xFFFFF800  }
0x87: {  	[hbm4b:s13+s26] =	stream.strided.scatter [tilespmem:s31], [sflag:$0x2], $0x8000, s16, s26, $0x38;
	[tilespmem:$0x15000] =	vst v63  }
0x88: {  	s30 =	sor.u32 s11, s15;
	_ =	swait.ge [sflag:s14], $0x8000  }
0x89: {  	s9 =	sshrl.u32 s30, $0x3;
	[sflag:s14] =	ssyncset.done $0x0  }
0x8a: {  	s9 =	sadd.s32 s7, s9;
	[sflag:s14] =	ssyncadd.s32 $0xFFFF8000  }
0x8b: {  	[hbm4b:s9+s28] =	stream.strided.scatter [tilespmem:s0], [sflag:$0x2], $0x1000, s16, s28, $0x38;
	[tilespmem:$0x15000] =	vst v63  }
0x8c: {  	s2 =	sor.u32 s12, s15;
	_ =	swait.ge [sflag:s14], $0x1000  }
0x8d: {  	p2 =	por p0, p0;
	s2 =	sshrl.u32 s2, $0x3;
	[sflag:s14] =	ssyncset.done $0x0  }
.Ltmp0:
0x8e: {  	s2 =	sadd.s32 s7, s2;
	[sflag:s14] =	ssyncadd.s32 $0xFFFFF000;
	(pc) =	sbr.rel @p2 .LBB2_2-.Ltmp0, $4  }
0x8f: {  	[hbm4b:s2+s28] =	stream.strided.scatter [tilespmem:s21], [sflag:$0x2], $0x1000, s16, s28, $0x38;
	[tilespmem:$0x15000] =	vst v63  }
0x90: {  	_ =	swait.ge [sflag:s14], $0x1000  }
0x91: {  	[sflag:s14] =	ssyncset.done $0x0  }
0x92: {  	p0 =	por $0x0, $0x0;
	p1 =	por $0x1, $0x1;
	[sflag:s14] =	ssyncadd.s32 $0xFFFFF000  }
0x93: {  	s29 =	sadd.s32 $0x1, s29;
	s2 =	rddreg [dreg:$0x4]  }
0x94: {  	p0 =	sne.s32 s29, s2  }
.Ltmp1:
0x95: {  	_ = 	snop;
	(pc) =	sbr.rel @p0 .LBB2_1-.Ltmp1, $1  }
0x96: {  	_ =	sdelay $0x3  }
0x97: {  	_ =	sfence.sel $0x180000  }
0x98: {  	[bflag:$0x0] =	sbarrier.arrive $0xFFFF  }
0x99: {  	_ =	strace $0x90000050  }
0x9a: {  	s0 =	stileid.u32;
	[bflag:$0x2] =	sbarrier.arrive $0xFFFF  }
0x9b: {  	p0 =	sne.s32 s0, $0x0;
	s0 =	rddreg [dreg:$0x1]  }
0x9c: {  	s0 =	sadd.s32 @!p0 $0x100000, s0  }
0x9d: {  	[sflag:s0] =	ssyncadd.tile.s32 @!p0 $0x1;
	_ =	shalt  }
.Lfunc_end2:
_tile_overlayer_lowered:
.L_overlay_start_2:
0x9e: {  	(tag) =	ssettag $0x2  }
0x9f: {  	s0 =	rddreg [dreg:$0x0];
	s2 =	stileid.u32  }
0xa0: {  	s1 =	rddreg [dreg:$0x1];
	p0 =	sne.s32 s2, $0x0  }
0xa1: {  	s3 =	rddreg [dreg:$0x2];
	[bflag:$0x3] =	sbarrier.arrive $0xFFFF;
	s2 =	simm.s32 @!p0 $0x1C02  }
0xa2: {  	[timem:s3], [sflag:s2] =	dma.local @!p0 [hbm:s0], s1  }
0xa3: {  	s0 =	simm.s32 @!p0 $0x2  }
0xa4: {  	_ =	swait.ge @!p0 [sflag:s0], s1  }
0xa5: {  	s1 =	ssub.s32 @!p0 $0x0, s1;
	[sflag:s0] =	ssyncset.done @!p0 $0x0  }
0xa6: {  	[sflag:s0] =	ssyncadd.s32 @!p0 s1  }
0xa7: {  	[bflag:$0x3] =	sbarrier.arrive $0xFFFF  }
0xa8: {  	_ =	shalt  }

// kernel: kernel.13.cloned.1.call-start
scs
__scs_entry_jumppad:
0x0: {  	(pc) =	sbr.rel $0x88, $3  }
0x1: {  	(tag) =	ssettag $0x0;
	lr =	simm.s32 $0x1  }
0x2: {  	[smem:$0x3F95] =	sst lr;
	_ =	strace $0xD0000000  }
0x3: {  	_ = 	snop  }
0x4: {  	_ = 	snop  }
0x5: {  	_ = 	snop  }
0x6: {  	_ = 	snop  }
0x7: {  	_ = 	snop  }
__scs_overlays_trampoline_lowered:
0x8: {  	[smem:$0x3FA4] =	sst s0  }
0x9: {  	[smem:$0x3FA5] =	sst s1  }
0xa: {  	[smem:$0x3FA6] =	sst s2  }
0xb: {  	[smem:$0x3FA7] =	sst s3  }
0xc: {  	[smem:$0x3FA8] =	sst s4  }
0xd: {  	[smem:$0x3FA9] =	sst s5  }
0xe: {  	[smem:$0x3FAA] =	sst s6  }
0xf: {  	[smem:$0x3FAB] =	sst s7  }
0x10: {  	[smem:$0x3FAC] =	sst s8  }
0x11: {  	[smem:$0x3FAD] =	sst s9;
	s0 =	simm.s32 @!p0 $0x0  }
0x12: {  	s1 =	sld [smem:$0x3F93];
	s0 =	simm.s32 @p0 $0x1  }
0x13: {  	[smem:$0x3FAE] =	sst s0;
	s0 =	simm.s32 @!p1 $0x0  }
0x14: {  	s2 =	sld [smem:$0x3F92];
	s0 =	simm.s32 @p1 $0x1  }
0x15: {  	[smem:$0x3FAF] =	sst s0;
	s0 =	simm.s32 @!p2 $0x0  }
0x16: {  	s3 =	sld [smem:$0x3FDB];
	s0 =	simm.s32 @p2 $0x1  }
0x17: {  	s4 =	simm.s32 $0x1BF5;
	[smem:$0x3FB1] =	sst s0  }
0x18: {  	s0 =	sld [smem:$0x3F94];
	_ =	swait.ge [sflag:s4], $0x0  }
0x19: {  	s7 =	sld [smem:$0x3F95]  }
0x1a: {  	s8 =	sadd.s32 $0xFFFFE003, lr  }
0x1b: {  	s9 =	sadd.s32 $0xFFFFFEF7, lr;
	s5 =	simm.s32 $0xFFFFFFFF;
	p2 =	slt.u32 s8, $0xFFFFF086  }
0x1c: {  	p1 =	slt.u32 s9, $0xF7A;
	s5 =	simm.s32 @!p2 $0x0  }
0x1d: {  	s5 =	simm.s32 @p1 $0x1;
	p0 =	seq.s32 s7, s2  }
0x1e: {  	s7 =	smul.u32 @!p0 $0xF7A, s2;
	p2 =	seq.s32 @!p0 s5, $0x0  }
0x1f: {  	s9 =	smul.u32 $0xF7A, s1;
	s8 =	simm.s32 @!p0 $0x1BF5;
	p2 =	por !p2, p0  }
0x20: {  	[sflag:s8] =	ssyncset.s32 @!p0 $0xFFFFF086;
	s6 =	sadd.s32 @!p0 s3, s7;
	s7 =	simm.s32 @!p0 $0x108  }
0x21: {  	s3 =	sadd.s32 s3, s9;
	s6 =	sadd.s32 @!p0 $0x88, s6;
	s7 =	simm.s32 @p2 $0x1082  }
0x22: {  	[simem:s7], [sflag:s8] =	dma.local @!p0 [hbm:s6], $0xF7A  }
0x23: {  	s9 =	sor.u32 $0xD0000000, s2;
	s6 =	simm.s32 $0x108;
	_ =	swait.ge @!p0 [sflag:s8], $0x0  }
0x24: {  	s3 =	sadd.s32 $0x88, s3;
	s6 =	simm.s32 @!p1 $0x1082;
	[sflag:s4] =	ssyncset.s32 $0xFFFFF086  }
0x25: {  	[simem:s6], [sflag:s4] =	dma.local [hbm:s3], $0xF7A  }
0x26: {  	[smem:$0x3F95] =	sst s1;
	(tag) =	ssettag s2;
	_ =	strace s9  }
0x27: {  	s1 =	sld [smem:$0x3FA5]  }
0x28: {  	s2 =	sld [smem:$0x3FA6]  }
0x29: {  	s4 =	sld [smem:$0x3FA8]  }
0x2a: {  	p0 =	seq.s32 s5, $0x0;
	s5 =	sld [smem:$0x3FA9]  }
0x2b: {  	s6 =	sld [smem:$0x3FAA]  }
0x2c: {  	s7 =	sld [smem:$0x3FAB]  }
0x2d: {  	s3 =	simm.s32 $0x108;
	s8 =	sld [smem:$0x3FAC]  }
0x2e: {  	s3 =	simm.s32 @!p0 $0x1082;
	s9 =	sld [smem:$0x3FAD]  }
0x2f: {  	lr =	sadd.s32 s0, s3;
	s0 =	sld [smem:$0x3FA4]  }
0x30: {  	s3 =	sld [smem:$0x3FA7]  }
0x31: {  	[smem:$0x3FB0] =	sst s10  }
0x32: {  	s10 =	sld [smem:$0x3FAE];
	_ =	sdelay $0x3  }
0x33: {  	p0 =	seq.s32 s10, $0x1;
	s10 =	sld [smem:$0x3FB0];
	_ =	sdelay $0x3  }
0x34: {  	[smem:$0x3FB0] =	sst s10  }
0x35: {  	s10 =	sld [smem:$0x3FAF];
	_ =	sdelay $0x3  }
0x36: {  	p1 =	seq.s32 s10, $0x1;
	s10 =	sld [smem:$0x3FB0];
	_ =	sdelay $0x3  }
0x37: {  	[smem:$0x3FB0] =	sst s10  }
0x38: {  	s10 =	sld [smem:$0x3FB1]  }
0x39: {  	_ = 	snop;
	(pc) =	sbr.ind lr, $3  }
0x3a: {  	_ = 	snop  }
0x3b: {  	_ = 	snop  }
0x3c: {  	p2 =	seq.s32 s10, $0x1;
	s10 =	sld [smem:$0x3FB0]  }
0x3d: {  	_ =	shalt  }
0x3e: {  	_ =	shalt  }
0x3f: {  	_ =	shalt  }
0x40: {  	_ =	shalt  }
0x41: {  	_ =	shalt  }
0x42: {  	_ =	shalt  }
0x43: {  	_ =	shalt  }
0x44: {  	_ =	shalt  }
0x45: {  	_ =	shalt  }
0x46: {  	_ =	shalt  }
0x47: {  	_ =	shalt  }
0x48: {  	_ =	shalt  }
0x49: {  	_ =	shalt  }
0x4a: {  	_ =	shalt  }
0x4b: {  	_ =	shalt  }
0x4c: {  	_ =	shalt  }
0x4d: {  	_ =	shalt  }
0x4e: {  	_ =	shalt  }
0x4f: {  	_ =	shalt  }
0x50: {  	_ =	shalt  }
0x51: {  	_ =	shalt  }
0x52: {  	_ =	shalt  }
0x53: {  	_ =	shalt  }
0x54: {  	_ =	shalt  }
0x55: {  	_ =	shalt  }
0x56: {  	_ =	shalt  }
0x57: {  	_ =	shalt  }
0x58: {  	_ =	shalt  }
0x59: {  	_ =	shalt  }
0x5a: {  	_ =	shalt  }
0x5b: {  	_ =	shalt  }
0x5c: {  	_ =	shalt  }
0x5d: {  	_ =	shalt  }
0x5e: {  	_ =	shalt  }
0x5f: {  	_ =	shalt  }
0x60: {  	_ =	shalt  }
0x61: {  	_ =	shalt  }
0x62: {  	_ =	shalt  }
0x63: {  	_ =	shalt  }
0x64: {  	_ =	shalt  }
0x65: {  	_ =	shalt  }
0x66: {  	_ =	shalt  }
0x67: {  	_ =	shalt  }
0x68: {  	_ =	shalt  }
0x69: {  	_ =	shalt  }
0x6a: {  	_ =	shalt  }
0x6b: {  	_ =	shalt  }
0x6c: {  	_ =	shalt  }
0x6d: {  	_ =	shalt  }
0x6e: {  	_ =	shalt  }
0x6f: {  	_ =	shalt  }
0x70: {  	_ =	shalt  }
0x71: {  	_ =	shalt  }
0x72: {  	_ =	shalt  }
0x73: {  	_ =	shalt  }
0x74: {  	_ =	shalt  }
0x75: {  	_ =	shalt  }
0x76: {  	_ =	shalt  }
0x77: {  	_ =	shalt  }
0x78: {  	_ =	shalt  }
0x79: {  	_ =	shalt  }
0x7a: {  	_ =	shalt  }
0x7b: {  	_ =	shalt  }
0x7c: {  	_ =	shalt  }
0x7d: {  	_ =	shalt  }
0x7e: {  	_ =	shalt  }
0x7f: {  	_ =	shalt  }
0x80: {  	_ =	shalt  }
0x81: {  	_ =	shalt  }
0x82: {  	_ =	shalt  }
0x83: {  	_ =	shalt  }
0x84: {  	_ =	shalt  }
0x85: {  	_ =	shalt  }
0x86: {  	_ =	shalt  }
0x87: {  	_ =	shalt  }
.Lfunc_end0:
.L_simem_size_0:
called_computation.1_lowered:
.L_overlay_start_0:
0x88: {  	s2 =	sld [smem:$0x3FD9]  }
0x89: {  	s3 =	sld [smem:$0x3FFE];
	_ =	sdelay $0x1  }
0x8a: {  	s1 =	srdreg.scid  }
0x8b: {  	s0 =	sand.u32 $0x1, s1  }
0x8c: {  	s16 =	sshll.u32 s0, $0xA;
	s2 =	sadd.s32 s3, s2  }
0x8d: {  	s2 =	sadd.s32 s2, s16  }
0x8e: {  	[smem:$0x3FBC] =	sst s2  }
0x8f: {  	_ = 	snop  }
0x90: {  	(tm) =	ssettm $0x1  }
0x91: {  	s17 =	sld [smem:$0x3FFB];
	_ =	sdelay $0x3  }
0x92: {  	_ =	strace s17  }
0x93: {  	s2 =	sld [smem:$0x3FFC];
	_ =	sdelay $0x3  }
0x94: {  	_ =	strace s2  }
0x95: {  	s2 =	sld [smem:$0x3FFD];
	_ =	sdelay $0x3  }
0x96: {  	_ =	strace s2  }
0x97: {  	_ =	strace $0x8FFFFFFF  }
0x98: {  	s18 =	sld [smem:$0x3FDB];
	_ =	sdelay $0x1  }
0x99: {  	s19 =	simm.s32 $_scs_section_size  }
0x9a: {  	s4 =	simm.s32 $_size__tile_overlayer_lowered;
	s5 =	simm.s32 $_tile_overlayer_lowered  }
0x9b: {  	s22 =	simm.s32 $0x1BFF;
	s21 =	sshll.u32 s5, $0x1;
	s2 =	sadd.s32 s19, s18  }
0x9c: {  	s6 =	simm.s32 $0x0;
	s20 =	sshll.u32 s4, $0x1;
	s4 =	sadd.s32 s21, s2  }
0x9d: {  	[timem:s6], [sflag:s22] =	dma.local [hbm:s4], s20  }
0x9e: {  	_ =	swait.ge [sflag:s22], s20  }
0x9f: {  	s3 =	ssub.s32 $0x0, s20;
	[sflag:s22] =	ssyncset.done $0x0  }
0xa0: {  	[sflag:s22] =	ssyncadd.s32 s3;
	_ =	sdelay $0x1  }
0xa1: {  	s23 =	simm.s32 $0x1B8B  }
0xa2: {  	_ =	swait.ge [sflag:s23], $0x1  }
0xa3: {  	[sflag:s23] =	ssyncset.done $0x0  }
0xa4: {  	s25 =	simm.s32 $0x1B8E;
	s24 =	sld [smem:$0x3FFE];
	[sflag:s23] =	ssyncadd.s32 $0xFFFFFFFF  }
0xa5: {  	s26 =	simm.s32 $execute0_lowered;
	[smem:$0x3FD2] =	sst s25  }
0xa6: {  	s4 =	sshll.u32 s26, $0x1;
	_ =	strace $0x80000046;
	[dreg:$0x1] =	wrdreg $0xFFFFFFFF  }
0xa7: {  	s28 =	simm.s32 $_size_execute0_lowered;
	s2 =	sadd.s32 s2, s4;
	[dreg:$0x0] =	wrdreg $0x0  }
0xa8: {  	s4 =	sshll.u32 s28, $0x1;
	[dreg:$0x2] =	wrdreg s2  }
0xa9: {  	[dreg:$0x3] =	wrdreg s4  }
0xaa: {  	[dreg:$0x4] =	wrdreg $0xC0  }
0xab: {  	_ =	task [dreg:s6], $0x5FFFF  }
0xac: {  	[dreg:$0x1] =	wrdreg $0xFFFFFFFF  }
0xad: {  	[dreg:$0x0] =	wrdreg $0x60  }
0xae: {  	[dreg:$0x2] =	wrdreg s24  }
0xaf: {  	[dreg:$0x3] =	wrdreg $0xA  }
0xb0: {  	_ =	task.clear_ibuf [dreg:s6], $0x4FFFF;
	_ =	strace $0x90000046  }
0xb1: {  	s29 =	simm.s32 $0xA;
	_ =	strace $0x80000048  }
0xb2: {  	_ =	swait.ge [sflag:s29], $0x1  }
0xb3: {  	[sflag:s29] =	ssyncadd.s32 $0xFFFFFFFF  }
0xb4: {  	_ =	strace $0x90000048  }
0xb5: {  	_ =	sfence  }
0xb6: {  	s30 =	sld [smem:$0x0];
	_ =	sdelay $0x2  }
0xb7: {  	s31 =	sshll.u32 s1, $0xD;
	s1 =	sshrl.u32 s1, $0x2  }
0xb8: {  	s3 =	sand.u32 $0x4000, s31;
	s1 =	sadd.s32 s1, s30  }
0xb9: {  	s0 =	sor.u32 s3, s0;
	s1 =	sshll.u32 s1, $0x11  }
0xba: {  	s0 =	sor.u32 s1, s0  }
0xbb: {  	s0 =	sadd.s32 $0x8F2B, s0  }
0xbc: {  	[sflag:s0] =	ssyncadd.remote.s32 $0x1  }
0xbd: {  	_ =	sfence.sel $0xFFFF  }
0xbe: {  	[dreg:$0x0] =	wrdreg $0xFFFFFFFF;
	(pc) =	sbr.abs _section_cstart, $3  }
0xbf: {  	[dreg:$0x1] =	wrdreg $0xFFFFFFFF  }
0xc0: {  	_ =	task.clear_ibuf [dreg:s6], $0x2FFFF;
	_ =	strace $0x9FFFFFFF  }
0xc1: {  	(tm) =	ssettm $0x7FFFFFFF  }
tec
execute0_lowered:
.L_overlay_start_1:
0x0: {  	(tag) =	ssettag $0x1  }
0x1: {  	s0 =	rddreg [dreg:$0x0]  }
0x2: {  	s3 =	simm.s32 $0x0;
	s1 =	srdreg.scid;
	s2 =	stileid.u32  }
0x3: {  	s14 =	simm.s32 $0x2;
	s16 =	simm.s32 $0x80;
	s17 =	simm.s32 $0x1000  }
0x4: {  	s18 =	simm.s32 $0x11000;
	s31 =	simm.s32 $0x9000;
	s19 =	simm.s32 $0x13800  }
0x5: {  	s20 =	simm.s32 $0xD000;
	s21 =	simm.s32 $0x14000;
	s22 =	simm.s32 $0xF000  }
0x6: {  	s28 =	simm.s32 $0x10;
	s29 =	simm.s32 $0x0;
	[smem:$0x7FF] =	sst s3  }
0x7: {  	s1 =	sand.u32 $0x1, s1;
	s4 =	sadd.s32 $0x5000, s0;
	s5 =	sadd.s32 $0x1C8600, s0  }
0x8: {  	s23 =	sshll.u32 s2, $0x1;
	s7 =	sadd.s32 $0x154600, s0;
	_ =	strace $0x80000047  }
0x9: {  	s3 =	sor.u32 s1, s23;
	s1 =	ssub.s32 $0x2, s1;
	s23 =	simm.s32 $0x14800  }
0xa: {  	s6 =	sshll.u32 s3, $0x8;
	s24 =	sshrl.u32 s1, $0x1;
	s9 =	sshll.u32 s3, $0xE  }
0xb: {  	s11 =	sshll.u32 s3, $0xF;
	s8 =	sadd.s32 s6, s0;
	s6 =	sadd.s32 $0xD4600, s0  }
0xc: {  	s0 =	ssub.s32 s1, s24;
	s12 =	sor.u32 $0x10, s11;
	s25 =	sadd.s32 $0xCE600, s8  }
0xd: {  	s1 =	simm.s32 $0xB000;
	s30 =	sadd.s32 $0xC8600, s8;
	[dreg:$0x2] =	wrdreg s25  }
0xe: {  	s26 =	sadd.s32 s9, s6;
	s0 =	smax.u32 s0, $0x1;
	[dreg:$0x3] =	wrdreg s30  }
0xf: {  	s24 =	simm.s32 $0x1;
	s10 =	sadd.s32 $0x2000, s26;
	[dreg:$0x4] =	wrdreg s0  }
0x10: {  	s25 =	simm.s32 $0x12000;
	s0 =	simm.s32 $0x13000;
	s26 =	simm.s32 $0x40  }
.LBB2_1:
0x11: {  	s2 =	simm.s32 $0x0;
	s8 =	rddreg [dreg:$0x2]  }
0x12: {  	[tilespmem:s2], [sflag:$0x2] =	stream.linear.gather [hbm4b:s8+s2], $0x800, $0x38;
	[tilespmem:$0x15000] =	vst v63  }
0x13: {  	_ =	swait.ge [sflag:s14], $0x800  }
0x14: {  	[sflag:s14] =	ssyncset.done $0x0  }
0x15: {  	s9 =	simm.s32 $0x800;
	s30 =	rddreg [dreg:$0x3];
	[sflag:s14] =	ssyncadd.s32 $0xFFFFF800  }
0x16: {  	[tilespmem:s9], [sflag:$0x2] =	stream.linear.gather [hbm4b:s30+s2], $0x800, $0x38;
	[tilespmem:$0x15000] =	vst v63  }
0x17: {  	_ =	swait.ge [sflag:s14], $0x800  }
0x18: {  	[sflag:s14] =	ssyncset.done $0x0  }
0x19: {  	[sflag:s14] =	ssyncadd.s32 $0xFFFFF800  }
0x1a: {  	[tilespmem:s17], [sflag:$0x1] =	stream.indirect.gather [hbm4b:s4+s16], $0x40, s2, s16, $0xb8;
	[tilespmem:$0x15000] =	vst v63  }
0x1b: {  	_ = 	snop  }
0x1c: {  	[tilespmem:s18], [sflag:$0x1] =	stream.indirect.gather [hbm4b:s5+s16], $0x10, s9, s16, $0xb8;
	[tilespmem:$0x15000] =	vst v63  }
0x1d: {  	s8 =	simm.s32 $0x3000  }
0x1e: {  	[tilespmem:s8], [sflag:$0x1] =	stream.indirect.gather [hbm4b:s4+s16], $0x40, s16, s16, $0xb8;
	[tilespmem:$0x15000] =	vst v63  }
0x1f: {  	s13 =	simm.s32 $0x11800;
	s9 =	simm.s32 $0x880  }
0x20: {  	[tilespmem:s13], [sflag:$0x1] =	stream.indirect.gather [hbm4b:s5+s16], $0x10, s9, s16, $0xb8;
	[tilespmem:$0x15000] =	vst v63  }
0x21: {  	s15 =	simm.s32 $0x100;
	s30 =	simm.s32 $0x5000  }
0x22: {  	[tilespmem:s30], [sflag:$0x1] =	stream.indirect.gather [hbm4b:s4+s16], $0x40, s15, s16, $0xb8;
	[tilespmem:$0x15000] =	vst v63  }
0x23: {  	p0 =	por $0x1, $0x1;
	s8 =	simm.s32 $0x900  }
0x24: {  	[tilespmem:s25], [sflag:$0x1] =	stream.indirect.gather [hbm4b:s5+s16], $0x10, s8, s16, $0xb8;
	[tilespmem:$0x15000] =	vst v63  }
0x25: {  	p1 =	por $0x0, $0x0;
	s9 =	simm.s32 $0x180;
	s13 =	simm.s32 $0x7000  }
0x26: {  	[tilespmem:s13], [sflag:$0x1] =	stream.indirect.gather [hbm4b:s4+s16], $0x40, s9, s16, $0xb8;
	[tilespmem:$0x15000] =	vst v63  }
0x27: {  	s15 =	simm.s32 $0x980;
	s30 =	simm.s32 $0x12800;
	s8 =	simm.s32 $0x0  }
0x28: {  	[tilespmem:s30], [sflag:$0x1] =	stream.indirect.gather [hbm4b:s5+s16], $0x10, s15, s16, $0xb8;
	[tilespmem:$0x15000] =	vst v63  }
.LBB2_2:
0x29: {  	s30 =	sshllo.u32 s8, $0x1  }
0x2a: {  	s9 =	sshll.u32 s30, $0x9  }
0x2b: {  	[tilespmem:s31], [sflag:$0x1] =	stream.indirect.gather [hbm4b:s4+s16], $0x40, s9, s16, $0xb8;
	[tilespmem:$0x15000] =	vst v63  }
0x2c: {  	s15 =	sadd.s32 $0x800, s9  }
0x2d: {  	[tilespmem:s0], [sflag:$0x1] =	stream.indirect.gather [hbm4b:s5+s16], $0x10, s15, s16, $0xb8;
	[tilespmem:$0x15000] =	vst v63  }
0x2e: {  	s2 =	sor.u32 $0x80, s9  }
0x2f: {  	[tilespmem:s1], [sflag:$0x1] =	stream.indirect.gather [hbm4b:s4+s16], $0x40, s2, s16, $0xb8;
	[tilespmem:$0x15000] =	vst v63  }
0x30: {  	s13 =	sadd.s32 $0x880, s9  }
0x31: {  	[tilespmem:s19], [sflag:$0x1] =	stream.indirect.gather [hbm4b:s5+s16], $0x10, s13, s16, $0xb8;
	[tilespmem:$0x15000] =	vst v63  }
0x32: {  	s2 =	sor.u32 $0x100, s9  }
0x33: {  	[tilespmem:s20], [sflag:$0x1] =	stream.indirect.gather [hbm4b:s4+s16], $0x40, s2, s16, $0xb8;
	[tilespmem:$0x15000] =	vst v63  }
0x34: {  	s13 =	sadd.s32 $0x900, s9  }
0x35: {  	[tilespmem:s21], [sflag:$0x1] =	stream.indirect.gather [hbm4b:s5+s16], $0x10, s13, s16, $0xb8;
	[tilespmem:$0x15000] =	vst v63  }
0x36: {  	s2 =	sor.u32 $0x180, s9  }
0x37: {  	[tilespmem:s22], [sflag:$0x1] =	stream.indirect.gather [hbm4b:s4+s16], $0x40, s2, s16, $0xb8;
	[tilespmem:$0x15000] =	vst v63  }
0x38: {  	s9 =	sadd.s32 $0x980, s9  }
0x39: {  	[tilespmem:s23], [sflag:$0x1] =	stream.indirect.gather [hbm4b:s5+s16], $0x10, s9, s16, $0xb8;
	[tilespmem:$0x15000] =	vst v63  }
0x3a: {  	_ =	swait.ge [sflag:s24], $0x2000  }
0x3b: {  	[sflag:s24] =	ssyncset.done $0x0  }
0x3c: {  	[sflag:s24] =	ssyncadd.s32 $0xFFFFE000  }
0x3d: {  	_ =	swait.ge [sflag:s24], $0x800  }
0x3e: {  	[sflag:s24] =	ssyncset.done $0x0  }
0x3f: {  	[sflag:s24] =	ssyncadd.s32 $0xFFFFF800  }
0x40: {  	_ =	swait.ge [sflag:s24], $0x2000  }
0x41: {  	[sflag:s24] =	ssyncset.done $0x0  }
0x42: {  	[sflag:s24] =	ssyncadd.s32 $0xFFFFE000  }
0x43: {  	_ =	swait.ge [sflag:s24], $0x800  }
0x44: {  	[sflag:s24] =	ssyncset.done $0x0  }
0x45: {  	[sflag:s24] =	ssyncadd.s32 $0xFFFFF800  }
0x46: {  	_ =	swait.ge [sflag:s24], $0x2000  }
0x47: {  	[sflag:s24] =	ssyncset.done $0x0  }
0x48: {  	[sflag:s24] =	ssyncadd.s32 $0xFFFFE000  }
0x49: {  	s13 =	sor.u32 s3, s8;
	_ =	swait.ge [sflag:s24], $0x800  }
0x4a: {  	p2 =	seq.s32 s13, $0x0;
	[sflag:s24] =	ssyncset.done $0x0  }
0x4b: {  	p2 =	por !p1, !p2;
	[sflag:s24] =	ssyncadd.s32 $0xFFFFF800  }
0x4c: {  	p2 =	por !p2, !p2;
	s9 =	simm.s32 $0x1;
	_ =	swait.ge [sflag:s24], $0x2000  }
0x4d: {  	s9 =	simm.s32 @!p2 $0x0;
	[sflag:s24] =	ssyncset.done $0x0  }
0x4e: {  	s15 =	ssub.s32 s3, s9;
	[sflag:s24] =	ssyncadd.s32 $0xFFFFE000  }
0x4f: {  	s9 =	sshll.u32 s8, $0x3;
	s13 =	sshll.u32 s15, $0xE;
	_ =	swait.ge [sflag:s24], $0x800  }
0x50: {  	s2 =	sadd.s32 s6, s9;
	s13 =	sand.u32 $0x1FFFC000, s13;
	[sflag:s24] =	ssyncset.done $0x0  }
0x51: {  	s2 =	sadd.s32 s13, s2;
	[sflag:s24] =	ssyncadd.s32 $0xFFFFF800  }
0x52: {  	[hbm4b:s2+s26] =	stream.strided.scatter [tilespmem:s17], [sflag:$0x2], $0x8000, s16, s26, $0x38;
	[tilespmem:$0x15000] =	vst v63  }
0x53: {  	s2 =	sshll.u32 s15, $0xF  }
0x54: {  	s15 =	sadd.s32 s7, s9;
	_ =	swait.ge [sflag:s14], $0x8000;
	s13 =	sshrl.u32 s2, $0x3  }
0x55: {  	[sflag:s14] =	ssyncset.done $0x0;
	s13 =	sadd.s32 s13, s15;
	s15 =	sshll.u32 s8, $0x6  }
0x56: {  	[sflag:s14] =	ssyncadd.s32 $0xFFFF8000;
	s2 =	sor.u32 s2, s15  }
0x57: {  	[hbm4b:s13+s28] =	stream.strided.scatter [tilespmem:s18], [sflag:$0x2], $0x1000, s16, s28, $0x38;
	[tilespmem:$0x15000] =	vst v63  }
0x58: {  	s2 =	sor.u32 $0x10, s2;
	_ =	swait.ge [sflag:s14], $0x1000  }
0x59: {  	s2 =	sshrl.u32 s2, $0x3;
	[sflag:s14] =	ssyncset.done $0x0  }
0x5a: {  	s2 =	sadd.s32 s7, s2;
	[sflag:s14] =	ssyncadd.s32 $0xFFFFF000  }
0x5b: {  	[hbm4b:s2+s28] =	stream.strided.scatter [tilespmem:s25], [sflag:$0x2], $0x1000, s16, s28, $0x38;
	[tilespmem:$0x15000] =	vst v63  }
0x5c: {  	_ =	swait.ge [sflag:s14], $0x1000  }
0x5d: {  	s8 =	simm.s32 @!p1 $0x400;
	[sflag:s14] =	ssyncset.done $0x0  }
0x5e: {  	s13 =	simm.s32 @!p1 $0x1000;
	s2 =	simm.s32 @!p1 $0x80;
	[sflag:s14] =	ssyncadd.s32 $0xFFFFF000  }
0x5f: {  	[tilespmem:s13], [sflag:$0x1] =	stream.indirect.gather @!p1 [hbm4b:s4+s2], $0x40, s8, s2, $0xb8;
	[tilespmem:$0x15000] =	vst v63  }
0x60: {  	s8 =	simm.s32 @!p1 $0xC00;
	s13 =	simm.s32 @!p1 $0x11000  }
0x61: {  	[tilespmem:s13], [sflag:$0x1] =	stream.indirect.gather @!p1 [hbm4b:s5+s2], $0x10, s8, s2, $0xb8;
	[tilespmem:$0x15000] =	vst v63  }
0x62: {  	s8 =	simm.s32 @!p1 $0x480;
	s13 =	simm.s32 @!p1 $0x3000  }
0x63: {  	[tilespmem:s13], [sflag:$0x1] =	stream.indirect.gather @!p1 [hbm4b:s4+s2], $0x40, s8, s2, $0xb8;
	[tilespmem:$0x15000] =	vst v63  }
0x64: {  	s8 =	simm.s32 @!p1 $0xC80;
	s13 =	simm.s32 @!p1 $0x11800  }
0x65: {  	[tilespmem:s13], [sflag:$0x1] =	stream.indirect.gather @!p1 [hbm4b:s5+s2], $0x10, s8, s2, $0xb8;
	[tilespmem:$0x15000] =	vst v63  }
0x66: {  	s8 =	simm.s32 @!p1 $0x500;
	s13 =	simm.s32 @!p1 $0x5000  }
0x67: {  	[tilespmem:s13], [sflag:$0x1] =	stream.indirect.gather @!p1 [hbm4b:s4+s2], $0x40, s8, s2, $0xb8;
	[tilespmem:$0x15000] =	vst v63  }
0x68: {  	s8 =	simm.s32 @!p1 $0xD00;
	s13 =	simm.s32 @!p1 $0x12000  }
0x69: {  	[tilespmem:s13], [sflag:$0x1] =	stream.indirect.gather @!p1 [hbm4b:s5+s2], $0x10, s8, s2, $0xb8;
	[tilespmem:$0x15000] =	vst v63  }
0x6a: {  	s8 =	simm.s32 @!p1 $0x580;
	s13 =	simm.s32 @!p1 $0x7000  }
0x6b: {  	[tilespmem:s13], [sflag:$0x1] =	stream.indirect.gather @!p1 [hbm4b:s4+s2], $0x40, s8, s2, $0xb8;
	[tilespmem:$0x15000] =	vst v63  }
0x6c: {  	s8 =	simm.s32 @!p1 $0xD80;
	s13 =	simm.s32 @!p1 $0x12800  }
0x6d: {  	[tilespmem:s13], [sflag:$0x1] =	stream.indirect.gather @!p1 [hbm4b:s5+s2], $0x10, s8, s2, $0xb8;
	[tilespmem:$0x15000] =	vst v63  }
0x6e: {  	s8 =	simm.s32 $0x1  }
0x6f: {  	_ =	swait.ge [sflag:s8], $0x2000  }
0x70: {  	[sflag:s8] =	ssyncset.done $0x0  }
0x71: {  	[sflag:s8] =	ssyncadd.s32 $0xFFFFE000  }
0x72: {  	_ =	swait.ge [sflag:s8], $0x800  }
0x73: {  	[sflag:s8] =	ssyncset.done $0x0  }
0x74: {  	[sflag:s8] =	ssyncadd.s32 $0xFFFFF800  }
0x75: {  	_ =	swait.ge [sflag:s8], $0x2000  }
0x76: {  	[sflag:s8] =	ssyncset.done $0x0  }
0x77: {  	[sflag:s8] =	ssyncadd.s32 $0xFFFFE000  }
0x78: {  	_ =	swait.ge [sflag:s8], $0x800  }
0x79: {  	[sflag:s8] =	ssyncset.done $0x0  }
0x7a: {  	[sflag:s8] =	ssyncadd.s32 $0xFFFFF800  }
0x7b: {  	_ =	swait.ge [sflag:s8], $0x2000  }
0x7c: {  	[sflag:s8] =	ssyncset.done $0x0  }
0x7d: {  	[sflag:s8] =	ssyncadd.s32 $0xFFFFE000  }
0x7e: {  	_ =	swait.ge [sflag:s8], $0x800  }
0x7f: {  	[sflag:s8] =	ssyncset.done $0x0  }
0x80: {  	[sflag:s8] =	ssyncadd.s32 $0xFFFFF800  }
0x81: {  	_ =	swait.ge [sflag:s8], $0x2000  }
0x82: {  	[sflag:s8] =	ssyncset.done $0x0  }
0x83: {  	[sflag:s8] =	ssyncadd.s32 $0xFFFFE000  }
0x84: {  	_ =	swait.ge [sflag:s8], $0x800  }
0x85: {  	[sflag:s8] =	ssyncset.done $0x0  }
0x86: {  	s15 =	sshll.u32 s30, $0x5;
	s13 =	sadd.s32 s9, s10;
	[sflag:s8] =	ssyncadd.s32 $0xFFFFF800  }
0x87: {  	[hbm4b:s13+s26] =	stream.strided.scatter [tilespmem:s31], [sflag:$0x2], $0x8000, s16, s26, $0x38;
	[tilespmem:$0x15000] =	vst v63  }
0x88: {  	s30 =	sor.u32 s11, s15;
	_ =	swait.ge [sflag:s14], $0x8000  }
0x89: {  	s9 =	sshrl.u32 s30, $0x3;
	[sflag:s14] =	ssyncset.done $0x0  }
0x8a: {  	s9 =	sadd.s32 s7, s9;
	[sflag:s14] =	ssyncadd.s32 $0xFFFF8000  }
0x8b: {  	[hbm4b:s9+s28] =	stream.strided.scatter [tilespmem:s0], [sflag:$0x2], $0x1000, s16, s28, $0x38;
	[tilespmem:$0x15000] =	vst v63  }
0x8c: {  	s2 =	sor.u32 s12, s15;
	_ =	swait.ge [sflag:s14], $0x1000  }
0x8d: {  	p2 =	por p0, p0;
	s2 =	sshrl.u32 s2, $0x3;
	[sflag:s14] =	ssyncset.done $0x0  }
.Ltmp0:
0x8e: {  	s2 =	sadd.s32 s7, s2;
	[sflag:s14] =	ssyncadd.s32 $0xFFFFF000;
	(pc) =	sbr.rel @p2 .LBB2_2-.Ltmp0, $4  }
0x8f: {  	[hbm4b:s2+s28] =	stream.strided.scatter [tilespmem:s21], [sflag:$0x2], $0x1000, s16, s28, $0x38;
	[tilespmem:$0x15000] =	vst v63  }
0x90: {  	_ =	swait.ge [sflag:s14], $0x1000  }
0x91: {  	[sflag:s14] =	ssyncset.done $0x0  }
0x92: {  	p0 =	por $0x0, $0x0;
	p1 =	por $0x1, $0x1;
	[sflag:s14] =	ssyncadd.s32 $0xFFFFF000  }
0x93: {  	s29 =	sadd.s32 $0x1, s29;
	s2 =	rddreg [dreg:$0x4]  }
0x94: {  	p0 =	sne.s32 s29, s2  }
.Ltmp1:
0x95: {  	_ = 	snop;
	(pc) =	sbr.rel @p0 .LBB2_1-.Ltmp1, $1  }
0x96: {  	_ =	sdelay $0x3  }
0x97: {  	_ =	sfence.sel $0x180000  }
0x98: {  	[bflag:$0x0] =	sbarrier.arrive $0xFFFF  }
0x99: {  	_ =	strace $0x90000047  }
0x9a: {  	s0 =	stileid.u32;
	[bflag:$0x2] =	sbarrier.arrive $0xFFFF  }
0x9b: {  	p0 =	sne.s32 s0, $0x0;
	s0 =	rddreg [dreg:$0x1]  }
0x9c: {  	s0 =	sadd.s32 @!p0 $0x100000, s0  }
0x9d: {  	[sflag:s0] =	ssyncadd.tile.s32 @!p0 $0x1;
	_ =	shalt  }
.Lfunc_end2:
_tile_overlayer_lowered:
.L_overlay_start_2:
0x9e: {  	(tag) =	ssettag $0x2  }
0x9f: {  	s0 =	rddreg [dreg:$0x0];
	s2 =	stileid.u32  }
0xa0: {  	s1 =	rddreg [dreg:$0x1];
	p0 =	sne.s32 s2, $0x0  }
0xa1: {  	s3 =	rddreg [dreg:$0x2];
	[bflag:$0x3] =	sbarrier.arrive $0xFFFF;
	s2 =	simm.s32 @!p0 $0x1C02  }
0xa2: {  	[timem:s3], [sflag:s2] =	dma.local @!p0 [hbm:s0], s1  }
0xa3: {  	s0 =	simm.s32 @!p0 $0x2  }
0xa4: {  	_ =	swait.ge @!p0 [sflag:s0], s1  }
0xa5: {  	s1 =	ssub.s32 @!p0 $0x0, s1;
	[sflag:s0] =	ssyncset.done @!p0 $0x0  }
0xa6: {  	[sflag:s0] =	ssyncadd.s32 @!p0 s1  }
0xa7: {  	[bflag:$0x3] =	sbarrier.arrive $0xFFFF  }
0xa8: {  	_ =	shalt  }

// kernel: kernel.16.cloned.1.call-start
scs
__scs_entry_jumppad:
0x0: {  	(pc) =	sbr.rel $0x88, $3  }
0x1: {  	(tag) =	ssettag $0x0;
	lr =	simm.s32 $0x1  }
0x2: {  	[smem:$0x3F95] =	sst lr;
	_ =	strace $0xD0000000  }
0x3: {  	_ = 	snop  }
0x4: {  	_ = 	snop  }
0x5: {  	_ = 	snop  }
0x6: {  	_ = 	snop  }
0x7: {  	_ = 	snop  }
__scs_overlays_trampoline_lowered:
0x8: {  	[smem:$0x3FA4] =	sst s0  }
0x9: {  	[smem:$0x3FA5] =	sst s1  }
0xa: {  	[smem:$0x3FA6] =	sst s2  }
0xb: {  	[smem:$0x3FA7] =	sst s3  }
0xc: {  	[smem:$0x3FA8] =	sst s4  }
0xd: {  	[smem:$0x3FA9] =	sst s5  }
0xe: {  	[smem:$0x3FAA] =	sst s6  }
0xf: {  	[smem:$0x3FAB] =	sst s7  }
0x10: {  	[smem:$0x3FAC] =	sst s8  }
0x11: {  	[smem:$0x3FAD] =	sst s9;
	s0 =	simm.s32 @!p0 $0x0  }
0x12: {  	s1 =	sld [smem:$0x3F93];
	s0 =	simm.s32 @p0 $0x1  }
0x13: {  	[smem:$0x3FAE] =	sst s0;
	s0 =	simm.s32 @!p1 $0x0  }
0x14: {  	s2 =	sld [smem:$0x3F92];
	s0 =	simm.s32 @p1 $0x1  }
0x15: {  	[smem:$0x3FAF] =	sst s0;
	s0 =	simm.s32 @!p2 $0x0  }
0x16: {  	s3 =	sld [smem:$0x3FDB];
	s0 =	simm.s32 @p2 $0x1  }
0x17: {  	s4 =	simm.s32 $0x1BF5;
	[smem:$0x3FB1] =	sst s0  }
0x18: {  	s0 =	sld [smem:$0x3F94];
	_ =	swait.ge [sflag:s4], $0x0  }
0x19: {  	s7 =	sld [smem:$0x3F95]  }
0x1a: {  	s8 =	sadd.s32 $0xFFFFE003, lr  }
0x1b: {  	s9 =	sadd.s32 $0xFFFFFEF7, lr;
	s5 =	simm.s32 $0xFFFFFFFF;
	p2 =	slt.u32 s8, $0xFFFFF086  }
0x1c: {  	p1 =	slt.u32 s9, $0xF7A;
	s5 =	simm.s32 @!p2 $0x0  }
0x1d: {  	s5 =	simm.s32 @p1 $0x1;
	p0 =	seq.s32 s7, s2  }
0x1e: {  	s7 =	smul.u32 @!p0 $0xF7A, s2;
	p2 =	seq.s32 @!p0 s5, $0x0  }
0x1f: {  	s9 =	smul.u32 $0xF7A, s1;
	s8 =	simm.s32 @!p0 $0x1BF5;
	p2 =	por !p2, p0  }
0x20: {  	[sflag:s8] =	ssyncset.s32 @!p0 $0xFFFFF086;
	s6 =	sadd.s32 @!p0 s3, s7;
	s7 =	simm.s32 @!p0 $0x108  }
0x21: {  	s3 =	sadd.s32 s3, s9;
	s6 =	sadd.s32 @!p0 $0x88, s6;
	s7 =	simm.s32 @p2 $0x1082  }
0x22: {  	[simem:s7], [sflag:s8] =	dma.local @!p0 [hbm:s6], $0xF7A  }
0x23: {  	s9 =	sor.u32 $0xD0000000, s2;
	s6 =	simm.s32 $0x108;
	_ =	swait.ge @!p0 [sflag:s8], $0x0  }
0x24: {  	s3 =	sadd.s32 $0x88, s3;
	s6 =	simm.s32 @!p1 $0x1082;
	[sflag:s4] =	ssyncset.s32 $0xFFFFF086  }
0x25: {  	[simem:s6], [sflag:s4] =	dma.local [hbm:s3], $0xF7A  }
0x26: {  	[smem:$0x3F95] =	sst s1;
	(tag) =	ssettag s2;
	_ =	strace s9  }
0x27: {  	s1 =	sld [smem:$0x3FA5]  }
0x28: {  	s2 =	sld [smem:$0x3FA6]  }
0x29: {  	s4 =	sld [smem:$0x3FA8]  }
0x2a: {  	p0 =	seq.s32 s5, $0x0;
	s5 =	sld [smem:$0x3FA9]  }
0x2b: {  	s6 =	sld [smem:$0x3FAA]  }
0x2c: {  	s7 =	sld [smem:$0x3FAB]  }
0x2d: {  	s3 =	simm.s32 $0x108;
	s8 =	sld [smem:$0x3FAC]  }
0x2e: {  	s3 =	simm.s32 @!p0 $0x1082;
	s9 =	sld [smem:$0x3FAD]  }
0x2f: {  	lr =	sadd.s32 s0, s3;
	s0 =	sld [smem:$0x3FA4]  }
0x30: {  	s3 =	sld [smem:$0x3FA7]  }
0x31: {  	[smem:$0x3FB0] =	sst s10  }
0x32: {  	s10 =	sld [smem:$0x3FAE];
	_ =	sdelay $0x3  }
0x33: {  	p0 =	seq.s32 s10, $0x1;
	s10 =	sld [smem:$0x3FB0];
	_ =	sdelay $0x3  }
0x34: {  	[smem:$0x3FB0] =	sst s10  }
0x35: {  	s10 =	sld [smem:$0x3FAF];
	_ =	sdelay $0x3  }
0x36: {  	p1 =	seq.s32 s10, $0x1;
	s10 =	sld [smem:$0x3FB0];
	_ =	sdelay $0x3  }
0x37: {  	[smem:$0x3FB0] =	sst s10  }
0x38: {  	s10 =	sld [smem:$0x3FB1]  }
0x39: {  	_ = 	snop;
	(pc) =	sbr.ind lr, $3  }
0x3a: {  	_ = 	snop  }
0x3b: {  	_ = 	snop  }
0x3c: {  	p2 =	seq.s32 s10, $0x1;
	s10 =	sld [smem:$0x3FB0]  }
0x3d: {  	_ =	shalt  }
0x3e: {  	_ =	shalt  }
0x3f: {  	_ =	shalt  }
0x40: {  	_ =	shalt  }
0x41: {  	_ =	shalt  }
0x42: {  	_ =	shalt  }
0x43: {  	_ =	shalt  }
0x44: {  	_ =	shalt  }
0x45: {  	_ =	shalt  }
0x46: {  	_ =	shalt  }
0x47: {  	_ =	shalt  }
0x48: {  	_ =	shalt  }
0x49: {  	_ =	shalt  }
0x4a: {  	_ =	shalt  }
0x4b: {  	_ =	shalt  }
0x4c: {  	_ =	shalt  }
0x4d: {  	_ =	shalt  }
0x4e: {  	_ =	shalt  }
0x4f: {  	_ =	shalt  }
0x50: {  	_ =	shalt  }
0x51: {  	_ =	shalt  }
0x52: {  	_ =	shalt  }
0x53: {  	_ =	shalt  }
0x54: {  	_ =	shalt  }
0x55: {  	_ =	shalt  }
0x56: {  	_ =	shalt  }
0x57: {  	_ =	shalt  }
0x58: {  	_ =	shalt  }
0x59: {  	_ =	shalt  }
0x5a: {  	_ =	shalt  }
0x5b: {  	_ =	shalt  }
0x5c: {  	_ =	shalt  }
0x5d: {  	_ =	shalt  }
0x5e: {  	_ =	shalt  }
0x5f: {  	_ =	shalt  }
0x60: {  	_ =	shalt  }
0x61: {  	_ =	shalt  }
0x62: {  	_ =	shalt  }
0x63: {  	_ =	shalt  }
0x64: {  	_ =	shalt  }
0x65: {  	_ =	shalt  }
0x66: {  	_ =	shalt  }
0x67: {  	_ =	shalt  }
0x68: {  	_ =	shalt  }
0x69: {  	_ =	shalt  }
0x6a: {  	_ =	shalt  }
0x6b: {  	_ =	shalt  }
0x6c: {  	_ =	shalt  }
0x6d: {  	_ =	shalt  }
0x6e: {  	_ =	shalt  }
0x6f: {  	_ =	shalt  }
0x70: {  	_ =	shalt  }
0x71: {  	_ =	shalt  }
0x72: {  	_ =	shalt  }
0x73: {  	_ =	shalt  }
0x74: {  	_ =	shalt  }
0x75: {  	_ =	shalt  }
0x76: {  	_ =	shalt  }
0x77: {  	_ =	shalt  }
0x78: {  	_ =	shalt  }
0x79: {  	_ =	shalt  }
0x7a: {  	_ =	shalt  }
0x7b: {  	_ =	shalt  }
0x7c: {  	_ =	shalt  }
0x7d: {  	_ =	shalt  }
0x7e: {  	_ =	shalt  }
0x7f: {  	_ =	shalt  }
0x80: {  	_ =	shalt  }
0x81: {  	_ =	shalt  }
0x82: {  	_ =	shalt  }
0x83: {  	_ =	shalt  }
0x84: {  	_ =	shalt  }
0x85: {  	_ =	shalt  }
0x86: {  	_ =	shalt  }
0x87: {  	_ =	shalt  }
.Lfunc_end0:
.L_simem_size_0:
called_computation.2_lowered:
.L_overlay_start_0:
0x88: {  	s2 =	sld [smem:$0x3FD9]  }
0x89: {  	s3 =	sld [smem:$0x3FFE];
	_ =	sdelay $0x1  }
0x8a: {  	s1 =	srdreg.scid  }
0x8b: {  	s0 =	sand.u32 $0x1, s1  }
0x8c: {  	s17 =	sshll.u32 s0, $0xA;
	s2 =	sadd.s32 s3, s2  }
0x8d: {  	s2 =	sadd.s32 s2, s17  }
0x8e: {  	[smem:$0x3FBC] =	sst s2  }
0x8f: {  	_ = 	snop  }
0x90: {  	(tm) =	ssettm $0x1  }
0x91: {  	s18 =	sld [smem:$0x3FFB];
	_ =	sdelay $0x3  }
0x92: {  	_ =	strace s18  }
0x93: {  	s2 =	sld [smem:$0x3FFC];
	_ =	sdelay $0x3  }
0x94: {  	_ =	strace s2  }
0x95: {  	s2 =	sld [smem:$0x3FFD];
	_ =	sdelay $0x3  }
0x96: {  	_ =	strace s2  }
0x97: {  	_ =	strace $0x8FFFFFFF  }
0x98: {  	s19 =	sld [smem:$0x3FDB];
	_ =	sdelay $0x1  }
0x99: {  	s20 =	simm.s32 $_scs_section_size  }
0x9a: {  	s4 =	simm.s32 $_size__tile_overlayer_lowered;
	s5 =	simm.s32 $_tile_overlayer_lowered  }
0x9b: {  	s6 =	simm.s32 $0x1BFF;
	s21 =	sshll.u32 s5, $0x1;
	s3 =	sadd.s32 s20, s19  }
0x9c: {  	s22 =	simm.s32 $0x0;
	s4 =	sshll.u32 s4, $0x1;
	s5 =	sadd.s32 s21, s3  }
0x9d: {  	[timem:s22], [sflag:s6] =	dma.local [hbm:s5], s4  }
0x9e: {  	_ =	swait.ge [sflag:s6], s4  }
0x9f: {  	s4 =	ssub.s32 $0x0, s4;
	[sflag:s6] =	ssyncset.done $0x0  }
0xa0: {  	[sflag:s6] =	ssyncadd.s32 s4;
	_ =	sdelay $0x1  }
0xa1: {  	s23 =	simm.s32 $0x1B8B  }
0xa2: {  	_ =	swait.ge [sflag:s23], $0x1  }
0xa3: {  	[sflag:s23] =	ssyncset.done $0x0  }
0xa4: {  	[sflag:s23] =	ssyncadd.s32 $0xFFFFFFFF  }
0xa5: {  	s4 =	sld [smem:$0x0]  }
0xa6: {  	s5 =	sand.u32 $0xFFFFFFFE, s1  }
0xa7: {  	p0 =	sne.s32 s1, s5  }
0xa8: {  	s5 =	sshll.u32 @p0 s5, $0xE  }
0xa9: {  	s5 =	sadd.s32 @p0 $0x11B8D, s5;
	s6 =	sshll.u32 @p0 s4, $0x11  }
0xaa: {  	s5 =	sor.u32 @p0 s6, s5  }
0xab: {  	[sflag:s5] =	ssyncadd.remote.s32 @p0 $0x1;
	_ =	sdelay $0x1  }
0xac: {  	s5 =	simm.s32 @p0 $0x1B8D  }
0xad: {  	_ =	swait.eq @p0 [sflag:s5], $0x1  }
0xae: {  	[sflag:s5] =	ssyncadd.s32 @p0 $0xFFFFFFFF  }
0xaf: {  	s6 =	sshll.u32 @!p0 s1, $0xE  }
0xb0: {  	s6 =	sor.u32 @!p0 $0x4000, s6;
	s5 =	simm.s32 @!p0 $0x1B8D  }
0xb1: {  	s4 =	sshll.u32 @!p0 s4, $0x11;
	s6 =	sadd.s32 @!p0 $0x11B8D, s6;
	_ =	swait.eq @!p0 [sflag:s5], $0x1  }
0xb2: {  	s4 =	sor.u32 @!p0 s4, s6;
	[sflag:s5] =	ssyncadd.s32 @!p0 $0xFFFFFFFF  }
0xb3: {  	s25 =	simm.s32 $0x1B8E;
	s24 =	sld [smem:$0x3FFE];
	[sflag:s4] =	ssyncadd.remote.s32 @!p0 $0x1  }
0xb4: {  	s26 =	simm.s32 $execute0_lowered;
	[smem:$0x3FD2] =	sst s25  }
0xb5: {  	s5 =	sshll.u32 s26, $0x1;
	_ =	strace $0x80000049;
	[dreg:$0x1] =	wrdreg $0xFFFFFFFF  }
0xb6: {  	s28 =	simm.s32 $_size_execute0_lowered;
	s3 =	sadd.s32 s3, s5;
	[dreg:$0x0] =	wrdreg $0x0  }
0xb7: {  	s5 =	sshll.u32 s28, $0x1;
	[dreg:$0x2] =	wrdreg s3  }
0xb8: {  	[dreg:$0x3] =	wrdreg s5  }
0xb9: {  	[dreg:$0x4] =	wrdreg $0xC0  }
0xba: {  	_ =	task [dreg:s22], $0x5FFFF  }
0xbb: {  	[dreg:$0x1] =	wrdreg $0xFFFFFFFF  }
0xbc: {  	[dreg:$0x0] =	wrdreg $0x60  }
0xbd: {  	[dreg:$0x2] =	wrdreg s24  }
0xbe: {  	[dreg:$0x3] =	wrdreg $0xB  }
0xbf: {  	_ =	task.clear_ibuf [dreg:s22], $0x4FFFF;
	_ =	strace $0x90000049  }
0xc0: {  	s29 =	simm.s32 $0xB;
	_ =	strace $0x8000004B  }
0xc1: {  	_ =	swait.ge [sflag:s29], $0x1  }
0xc2: {  	[sflag:s29] =	ssyncadd.s32 $0xFFFFFFFF  }
0xc3: {  	_ =	strace $0x9000004B  }
0xc4: {  	_ =	sfence  }
0xc5: {  	s30 =	sld [smem:$0x0];
	_ =	sdelay $0x2  }
0xc6: {  	s31 =	sshll.u32 s1, $0xD;
	s1 =	sshrl.u32 s1, $0x2  }
0xc7: {  	s4 =	sand.u32 $0x4000, s31;
	s1 =	sadd.s32 s1, s30  }
0xc8: {  	s0 =	sor.u32 s4, s0;
	s1 =	sshll.u32 s1, $0x11  }
0xc9: {  	s0 =	sor.u32 s1, s0  }
0xca: {  	s0 =	sadd.s32 $0x8F2B, s0  }
0xcb: {  	[sflag:s0] =	ssyncadd.remote.s32 $0x1  }
0xcc: {  	_ =	sfence.sel $0xFFFF  }
0xcd: {  	[dreg:$0x0] =	wrdreg $0xFFFFFFFF;
	(pc) =	sbr.abs _section_cstart, $3  }
0xce: {  	[dreg:$0x1] =	wrdreg $0xFFFFFFFF  }
0xcf: {  	_ =	task.clear_ibuf [dreg:s22], $0x2FFFF;
	_ =	strace $0x9FFFFFFF  }
0xd0: {  	(tm) =	ssettm $0x7FFFFFFF  }
0xd1: {  	_ =	shalt  }
tec
execute0_lowered:
.L_overlay_start_1:
0x0: {  	(tag) =	ssettag $0x1  }
0x1: {  	s0 =	rddreg [dreg:$0x0]  }
0x2: {  	s3 =	simm.s32 $0x0;
	s1 =	srdreg.scid;
	s2 =	stileid.u32  }
0x3: {  	s14 =	simm.s32 $0x2;
	s16 =	simm.s32 $0x80;
	s17 =	simm.s32 $0x1000  }
0x4: {  	s18 =	simm.s32 $0x11000;
	s31 =	simm.s32 $0x9000;
	s19 =	simm.s32 $0x13800  }
0x5: {  	s20 =	simm.s32 $0xD000;
	s21 =	simm.s32 $0x14000;
	s22 =	simm.s32 $0xF000  }
0x6: {  	s28 =	simm.s32 $0x10;
	s29 =	simm.s32 $0x0;
	[smem:$0x7FF] =	sst s3  }
0x7: {  	s1 =	sand.u32 $0x1, s1;
	s4 =	sadd.s32 $0x5000, s0;
	s5 =	sadd.s32 $0x1C8600, s0  }
0x8: {  	s23 =	sshll.u32 s2, $0x1;
	s7 =	sadd.s32 $0x174600, s0;
	_ =	strace $0x8000004A  }
0x9: {  	s3 =	sor.u32 s1, s23;
	s1 =	ssub.s32 $0x2, s1;
	s23 =	simm.s32 $0x14800  }
0xa: {  	s6 =	sshll.u32 s3, $0x8;
	s24 =	sshrl.u32 s1, $0x1;
	s9 =	sshll.u32 s3, $0xE  }
0xb: {  	s11 =	sshll.u32 s3, $0xF;
	s8 =	sadd.s32 s6, s0;
	s6 =	sadd.s32 $0x1E8600, s0  }
0xc: {  	s0 =	ssub.s32 s1, s24;
	s12 =	sor.u32 $0x10, s11;
	s25 =	sadd.s32 $0xD0600, s8  }
0xd: {  	s1 =	simm.s32 $0xB000;
	s30 =	sadd.s32 $0xCA600, s8;
	[dreg:$0x2] =	wrdreg s25  }
0xe: {  	s26 =	sadd.s32 s9, s6;
	s0 =	smax.u32 s0, $0x1;
	[dreg:$0x3] =	wrdreg s30  }
0xf: {  	s24 =	simm.s32 $0x1;
	s10 =	sadd.s32 $0x2000, s26;
	[dreg:$0x4] =	wrdreg s0  }
0x10: {  	s25 =	simm.s32 $0x12000;
	s0 =	simm.s32 $0x13000;
	s26 =	simm.s32 $0x40  }
.LBB2_1:
0x11: {  	s2 =	simm.s32 $0x0;
	s8 =	rddreg [dreg:$0x2]  }
0x12: {  	[tilespmem:s2], [sflag:$0x2] =	stream.linear.gather [hbm4b:s8+s2], $0x800, $0x38;
	[tilespmem:$0x15000] =	vst v63  }
0x13: {  	_ =	swait.ge [sflag:s14], $0x800  }
0x14: {  	[sflag:s14] =	ssyncset.done $0x0  }
0x15: {  	s9 =	simm.s32 $0x800;
	s30 =	rddreg [dreg:$0x3];
	[sflag:s14] =	ssyncadd.s32 $0xFFFFF800  }
0x16: {  	[tilespmem:s9], [sflag:$0x2] =	stream.linear.gather [hbm4b:s30+s2], $0x800, $0x38;
	[tilespmem:$0x15000] =	vst v63  }
0x17: {  	_ =	swait.ge [sflag:s14], $0x800  }
0x18: {  	[sflag:s14] =	ssyncset.done $0x0  }
0x19: {  	[sflag:s14] =	ssyncadd.s32 $0xFFFFF800  }
0x1a: {  	[tilespmem:s17], [sflag:$0x1] =	stream.indirect.gather [hbm4b:s4+s16], $0x40, s2, s16, $0xb8;
	[tilespmem:$0x15000] =	vst v63  }
0x1b: {  	_ = 	snop  }
0x1c: {  	[tilespmem:s18], [sflag:$0x1] =	stream.indirect.gather [hbm4b:s5+s16], $0x10, s9, s16, $0xb8;
	[tilespmem:$0x15000] =	vst v63  }
0x1d: {  	s8 =	simm.s32 $0x3000  }
0x1e: {  	[tilespmem:s8], [sflag:$0x1] =	stream.indirect.gather [hbm4b:s4+s16], $0x40, s16, s16, $0xb8;
	[tilespmem:$0x15000] =	vst v63  }
0x1f: {  	s13 =	simm.s32 $0x11800;
	s9 =	simm.s32 $0x880  }
0x20: {  	[tilespmem:s13], [sflag:$0x1] =	stream.indirect.gather [hbm4b:s5+s16], $0x10, s9, s16, $0xb8;
	[tilespmem:$0x15000] =	vst v63  }
0x21: {  	s15 =	simm.s32 $0x100;
	s30 =	simm.s32 $0x5000  }
0x22: {  	[tilespmem:s30], [sflag:$0x1] =	stream.indirect.gather [hbm4b:s4+s16], $0x40, s15, s16, $0xb8;
	[tilespmem:$0x15000] =	vst v63  }
0x23: {  	p0 =	por $0x1, $0x1;
	s8 =	simm.s32 $0x900  }
0x24: {  	[tilespmem:s25], [sflag:$0x1] =	stream.indirect.gather [hbm4b:s5+s16], $0x10, s8, s16, $0xb8;
	[tilespmem:$0x15000] =	vst v63  }
0x25: {  	p1 =	por $0x0, $0x0;
	s9 =	simm.s32 $0x180;
	s13 =	simm.s32 $0x7000  }
0x26: {  	[tilespmem:s13], [sflag:$0x1] =	stream.indirect.gather [hbm4b:s4+s16], $0x40, s9, s16, $0xb8;
	[tilespmem:$0x15000] =	vst v63  }
0x27: {  	s15 =	simm.s32 $0x980;
	s30 =	simm.s32 $0x12800;
	s8 =	simm.s32 $0x0  }
0x28: {  	[tilespmem:s30], [sflag:$0x1] =	stream.indirect.gather [hbm4b:s5+s16], $0x10, s15, s16, $0xb8;
	[tilespmem:$0x15000] =	vst v63  }
.LBB2_2:
0x29: {  	s30 =	sshllo.u32 s8, $0x1  }
0x2a: {  	s9 =	sshll.u32 s30, $0x9  }
0x2b: {  	[tilespmem:s31], [sflag:$0x1] =	stream.indirect.gather [hbm4b:s4+s16], $0x40, s9, s16, $0xb8;
	[tilespmem:$0x15000] =	vst v63  }
0x2c: {  	s15 =	sadd.s32 $0x800, s9  }
0x2d: {  	[tilespmem:s0], [sflag:$0x1] =	stream.indirect.gather [hbm4b:s5+s16], $0x10, s15, s16, $0xb8;
	[tilespmem:$0x15000] =	vst v63  }
0x2e: {  	s2 =	sor.u32 $0x80, s9  }
0x2f: {  	[tilespmem:s1], [sflag:$0x1] =	stream.indirect.gather [hbm4b:s4+s16], $0x40, s2, s16, $0xb8;
	[tilespmem:$0x15000] =	vst v63  }
0x30: {  	s13 =	sadd.s32 $0x880, s9  }
0x31: {  	[tilespmem:s19], [sflag:$0x1] =	stream.indirect.gather [hbm4b:s5+s16], $0x10, s13, s16, $0xb8;
	[tilespmem:$0x15000] =	vst v63  }
0x32: {  	s2 =	sor.u32 $0x100, s9  }
0x33: {  	[tilespmem:s20], [sflag:$0x1] =	stream.indirect.gather [hbm4b:s4+s16], $0x40, s2, s16, $0xb8;
	[tilespmem:$0x15000] =	vst v63  }
0x34: {  	s13 =	sadd.s32 $0x900, s9  }
0x35: {  	[tilespmem:s21], [sflag:$0x1] =	stream.indirect.gather [hbm4b:s5+s16], $0x10, s13, s16, $0xb8;
	[tilespmem:$0x15000] =	vst v63  }
0x36: {  	s2 =	sor.u32 $0x180, s9  }
0x37: {  	[tilespmem:s22], [sflag:$0x1] =	stream.indirect.gather [hbm4b:s4+s16], $0x40, s2, s16, $0xb8;
	[tilespmem:$0x15000] =	vst v63  }
0x38: {  	s9 =	sadd.s32 $0x980, s9  }
0x39: {  	[tilespmem:s23], [sflag:$0x1] =	stream.indirect.gather [hbm4b:s5+s16], $0x10, s9, s16, $0xb8;
	[tilespmem:$0x15000] =	vst v63  }
0x3a: {  	_ =	swait.ge [sflag:s24], $0x2000  }
0x3b: {  	[sflag:s24] =	ssyncset.done $0x0  }
0x3c: {  	[sflag:s24] =	ssyncadd.s32 $0xFFFFE000  }
0x3d: {  	_ =	swait.ge [sflag:s24], $0x800  }
0x3e: {  	[sflag:s24] =	ssyncset.done $0x0  }
0x3f: {  	[sflag:s24] =	ssyncadd.s32 $0xFFFFF800  }
0x40: {  	_ =	swait.ge [sflag:s24], $0x2000  }
0x41: {  	[sflag:s24] =	ssyncset.done $0x0  }
0x42: {  	[sflag:s24] =	ssyncadd.s32 $0xFFFFE000  }
0x43: {  	_ =	swait.ge [sflag:s24], $0x800  }
0x44: {  	[sflag:s24] =	ssyncset.done $0x0  }
0x45: {  	[sflag:s24] =	ssyncadd.s32 $0xFFFFF800  }
0x46: {  	_ =	swait.ge [sflag:s24], $0x2000  }
0x47: {  	[sflag:s24] =	ssyncset.done $0x0  }
0x48: {  	[sflag:s24] =	ssyncadd.s32 $0xFFFFE000  }
0x49: {  	s13 =	sor.u32 s3, s8;
	_ =	swait.ge [sflag:s24], $0x800  }
0x4a: {  	p2 =	seq.s32 s13, $0x0;
	[sflag:s24] =	ssyncset.done $0x0  }
0x4b: {  	p2 =	por !p1, !p2;
	[sflag:s24] =	ssyncadd.s32 $0xFFFFF800  }
0x4c: {  	p2 =	por !p2, !p2;
	s9 =	simm.s32 $0x1;
	_ =	swait.ge [sflag:s24], $0x2000  }
0x4d: {  	s9 =	simm.s32 @!p2 $0x0;
	[sflag:s24] =	ssyncset.done $0x0  }
0x4e: {  	s15 =	ssub.s32 s3, s9;
	[sflag:s24] =	ssyncadd.s32 $0xFFFFE000  }
0x4f: {  	s9 =	sshll.u32 s8, $0x3;
	s13 =	sshll.u32 s15, $0xE;
	_ =	swait.ge [sflag:s24], $0x800  }
0x50: {  	s2 =	sadd.s32 s6, s9;
	s13 =	sand.u32 $0x1FFFC000, s13;
	[sflag:s24] =	ssyncset.done $0x0  }
0x51: {  	s2 =	sadd.s32 s13, s2;
	[sflag:s24] =	ssyncadd.s32 $0xFFFFF800  }
0x52: {  	[hbm4b:s2+s26] =	stream.strided.scatter [tilespmem:s17], [sflag:$0x2], $0x8000, s16, s26, $0x38;
	[tilespmem:$0x15000] =	vst v63  }
0x53: {  	s2 =	sshll.u32 s15, $0xF  }
0x54: {  	s15 =	sadd.s32 s7, s9;
	_ =	swait.ge [sflag:s14], $0x8000;
	s13 =	sshrl.u32 s2, $0x3  }
0x55: {  	[sflag:s14] =	ssyncset.done $0x0;
	s13 =	sadd.s32 s13, s15;
	s15 =	sshll.u32 s8, $0x6  }
0x56: {  	[sflag:s14] =	ssyncadd.s32 $0xFFFF8000;
	s2 =	sor.u32 s2, s15  }
0x57: {  	[hbm4b:s13+s28] =	stream.strided.scatter [tilespmem:s18], [sflag:$0x2], $0x1000, s16, s28, $0x38;
	[tilespmem:$0x15000] =	vst v63  }
0x58: {  	s2 =	sor.u32 $0x10, s2;
	_ =	swait.ge [sflag:s14], $0x1000  }
0x59: {  	s2 =	sshrl.u32 s2, $0x3;
	[sflag:s14] =	ssyncset.done $0x0  }
0x5a: {  	s2 =	sadd.s32 s7, s2;
	[sflag:s14] =	ssyncadd.s32 $0xFFFFF000  }
0x5b: {  	[hbm4b:s2+s28] =	stream.strided.scatter [tilespmem:s25], [sflag:$0x2], $0x1000, s16, s28, $0x38;
	[tilespmem:$0x15000] =	vst v63  }
0x5c: {  	_ =	swait.ge [sflag:s14], $0x1000  }
0x5d: {  	s8 =	simm.s32 @!p1 $0x400;
	[sflag:s14] =	ssyncset.done $0x0  }
0x5e: {  	s13 =	simm.s32 @!p1 $0x1000;
	s2 =	simm.s32 @!p1 $0x80;
	[sflag:s14] =	ssyncadd.s32 $0xFFFFF000  }
0x5f: {  	[tilespmem:s13], [sflag:$0x1] =	stream.indirect.gather @!p1 [hbm4b:s4+s2], $0x40, s8, s2, $0xb8;
	[tilespmem:$0x15000] =	vst v63  }
0x60: {  	s8 =	simm.s32 @!p1 $0xC00;
	s13 =	simm.s32 @!p1 $0x11000  }
0x61: {  	[tilespmem:s13], [sflag:$0x1] =	stream.indirect.gather @!p1 [hbm4b:s5+s2], $0x10, s8, s2, $0xb8;
	[tilespmem:$0x15000] =	vst v63  }
0x62: {  	s8 =	simm.s32 @!p1 $0x480;
	s13 =	simm.s32 @!p1 $0x3000  }
0x63: {  	[tilespmem:s13], [sflag:$0x1] =	stream.indirect.gather @!p1 [hbm4b:s4+s2], $0x40, s8, s2, $0xb8;
	[tilespmem:$0x15000] =	vst v63  }
0x64: {  	s8 =	simm.s32 @!p1 $0xC80;
	s13 =	simm.s32 @!p1 $0x11800  }
0x65: {  	[tilespmem:s13], [sflag:$0x1] =	stream.indirect.gather @!p1 [hbm4b:s5+s2], $0x10, s8, s2, $0xb8;
	[tilespmem:$0x15000] =	vst v63  }
0x66: {  	s8 =	simm.s32 @!p1 $0x500;
	s13 =	simm.s32 @!p1 $0x5000  }
0x67: {  	[tilespmem:s13], [sflag:$0x1] =	stream.indirect.gather @!p1 [hbm4b:s4+s2], $0x40, s8, s2, $0xb8;
	[tilespmem:$0x15000] =	vst v63  }
0x68: {  	s8 =	simm.s32 @!p1 $0xD00;
	s13 =	simm.s32 @!p1 $0x12000  }
0x69: {  	[tilespmem:s13], [sflag:$0x1] =	stream.indirect.gather @!p1 [hbm4b:s5+s2], $0x10, s8, s2, $0xb8;
	[tilespmem:$0x15000] =	vst v63  }
0x6a: {  	s8 =	simm.s32 @!p1 $0x580;
	s13 =	simm.s32 @!p1 $0x7000  }
0x6b: {  	[tilespmem:s13], [sflag:$0x1] =	stream.indirect.gather @!p1 [hbm4b:s4+s2], $0x40, s8, s2, $0xb8;
	[tilespmem:$0x15000] =	vst v63  }
0x6c: {  	s8 =	simm.s32 @!p1 $0xD80;
	s13 =	simm.s32 @!p1 $0x12800  }
0x6d: {  	[tilespmem:s13], [sflag:$0x1] =	stream.indirect.gather @!p1 [hbm4b:s5+s2], $0x10, s8, s2, $0xb8;
	[tilespmem:$0x15000] =	vst v63  }
0x6e: {  	s8 =	simm.s32 $0x1  }
0x6f: {  	_ =	swait.ge [sflag:s8], $0x2000  }
0x70: {  	[sflag:s8] =	ssyncset.done $0x0  }
0x71: {  	[sflag:s8] =	ssyncadd.s32 $0xFFFFE000  }
0x72: {  	_ =	swait.ge [sflag:s8], $0x800  }
0x73: {  	[sflag:s8] =	ssyncset.done $0x0  }
0x74: {  	[sflag:s8] =	ssyncadd.s32 $0xFFFFF800  }
0x75: {  	_ =	swait.ge [sflag:s8], $0x2000  }
0x76: {  	[sflag:s8] =	ssyncset.done $0x0  }
0x77: {  	[sflag:s8] =	ssyncadd.s32 $0xFFFFE000  }
0x78: {  	_ =	swait.ge [sflag:s8], $0x800  }
0x79: {  	[sflag:s8] =	ssyncset.done $0x0  }
0x7a: {  	[sflag:s8] =	ssyncadd.s32 $0xFFFFF800  }
0x7b: {  	_ =	swait.ge [sflag:s8], $0x2000  }
0x7c: {  	[sflag:s8] =	ssyncset.done $0x0  }
0x7d: {  	[sflag:s8] =	ssyncadd.s32 $0xFFFFE000  }
0x7e: {  	_ =	swait.ge [sflag:s8], $0x800  }
0x7f: {  	[sflag:s8] =	ssyncset.done $0x0  }
0x80: {  	[sflag:s8] =	ssyncadd.s32 $0xFFFFF800  }
0x81: {  	_ =	swait.ge [sflag:s8], $0x2000  }
0x82: {  	[sflag:s8] =	ssyncset.done $0x0  }
0x83: {  	[sflag:s8] =	ssyncadd.s32 $0xFFFFE000  }
0x84: {  	_ =	swait.ge [sflag:s8], $0x800  }
0x85: {  	[sflag:s8] =	ssyncset.done $0x0  }
0x86: {  	s15 =	sshll.u32 s30, $0x5;
	s13 =	sadd.s32 s9, s10;
	[sflag:s8] =	ssyncadd.s32 $0xFFFFF800  }
0x87: {  	[hbm4b:s13+s26] =	stream.strided.scatter [tilespmem:s31], [sflag:$0x2], $0x8000, s16, s26, $0x38;
	[tilespmem:$0x15000] =	vst v63  }
0x88: {  	s30 =	sor.u32 s11, s15;
	_ =	swait.ge [sflag:s14], $0x8000  }
0x89: {  	s9 =	sshrl.u32 s30, $0x3;
	[sflag:s14] =	ssyncset.done $0x0  }
0x8a: {  	s9 =	sadd.s32 s7, s9;
	[sflag:s14] =	ssyncadd.s32 $0xFFFF8000  }
0x8b: {  	[hbm4b:s9+s28] =	stream.strided.scatter [tilespmem:s0], [sflag:$0x2], $0x1000, s16, s28, $0x38;
	[tilespmem:$0x15000] =	vst v63  }
0x8c: {  	s2 =	sor.u32 s12, s15;
	_ =	swait.ge [sflag:s14], $0x1000  }
0x8d: {  	p2 =	por p0, p0;
	s2 =	sshrl.u32 s2, $0x3;
	[sflag:s14] =	ssyncset.done $0x0  }
.Ltmp0:
0x8e: {  	s2 =	sadd.s32 s7, s2;
	[sflag:s14] =	ssyncadd.s32 $0xFFFFF000;
	(pc) =	sbr.rel @p2 .LBB2_2-.Ltmp0, $4  }
0x8f: {  	[hbm4b:s2+s28] =	stream.strided.scatter [tilespmem:s21], [sflag:$0x2], $0x1000, s16, s28, $0x38;
	[tilespmem:$0x15000] =	vst v63  }
0x90: {  	_ =	swait.ge [sflag:s14], $0x1000  }
0x91: {  	[sflag:s14] =	ssyncset.done $0x0  }
0x92: {  	p0 =	por $0x0, $0x0;
	p1 =	por $0x1, $0x1;
	[sflag:s14] =	ssyncadd.s32 $0xFFFFF000  }
0x93: {  	s29 =	sadd.s32 $0x1, s29;
	s2 =	rddreg [dreg:$0x4]  }
0x94: {  	p0 =	sne.s32 s29, s2  }
.Ltmp1:
0x95: {  	_ = 	snop;
	(pc) =	sbr.rel @p0 .LBB2_1-.Ltmp1, $1  }
0x96: {  	_ =	sdelay $0x3  }
0x97: {  	_ =	sfence.sel $0x180000  }
0x98: {  	[bflag:$0x0] =	sbarrier.arrive $0xFFFF  }
0x99: {  	_ =	strace $0x9000004A  }
0x9a: {  	s0 =	stileid.u32;
	[bflag:$0x2] =	sbarrier.arrive $0xFFFF  }
0x9b: {  	p0 =	sne.s32 s0, $0x0;
	s0 =	rddreg [dreg:$0x1]  }
0x9c: {  	s0 =	sadd.s32 @!p0 $0x100000, s0  }
0x9d: {  	[sflag:s0] =	ssyncadd.tile.s32 @!p0 $0x1;
	_ =	shalt  }
.Lfunc_end2:
_tile_overlayer_lowered:
.L_overlay_start_2:
0x9e: {  	(tag) =	ssettag $0x2  }
0x9f: {  	s0 =	rddreg [dreg:$0x0];
	s2 =	stileid.u32  }
0xa0: {  	s1 =	rddreg [dreg:$0x1];
	p0 =	sne.s32 s2, $0x0  }
0xa1: {  	s3 =	rddreg [dreg:$0x2];
	[bflag:$0x3] =	sbarrier.arrive $0xFFFF;
	s2 =	simm.s32 @!p0 $0x1C02  }
0xa2: {  	[timem:s3], [sflag:s2] =	dma.local @!p0 [hbm:s0], s1  }
0xa3: {  	s0 =	simm.s32 @!p0 $0x2  }
0xa4: {  	_ =	swait.ge @!p0 [sflag:s0], s1  }
0xa5: {  	s1 =	ssub.s32 @!p0 $0x0, s1;
	[sflag:s0] =	ssyncset.done @!p0 $0x0  }
0xa6: {  	[sflag:s0] =	ssyncadd.s32 @!p0 s1  }
0xa7: {  	[bflag:$0x3] =	sbarrier.arrive $0xFFFF  }
0xa8: {  	_ =	shalt  }

// kernel: kernel.19.cloned.1.call-start
scs
__scs_entry_jumppad:
0x0: {  	(pc) =	sbr.rel $0x88, $3  }
0x1: {  	(tag) =	ssettag $0x0;
	lr =	simm.s32 $0x1  }
0x2: {  	[smem:$0x3F95] =	sst lr;
	_ =	strace $0xD0000000  }
0x3: {  	_ = 	snop  }
0x4: {  	_ = 	snop  }
0x5: {  	_ = 	snop  }
0x6: {  	_ = 	snop  }
0x7: {  	_ = 	snop  }
__scs_overlays_trampoline_lowered:
0x8: {  	[smem:$0x3FA4] =	sst s0  }
0x9: {  	[smem:$0x3FA5] =	sst s1  }
0xa: {  	[smem:$0x3FA6] =	sst s2  }
0xb: {  	[smem:$0x3FA7] =	sst s3  }
0xc: {  	[smem:$0x3FA8] =	sst s4  }
0xd: {  	[smem:$0x3FA9] =	sst s5  }
0xe: {  	[smem:$0x3FAA] =	sst s6  }
0xf: {  	[smem:$0x3FAB] =	sst s7  }
0x10: {  	[smem:$0x3FAC] =	sst s8  }
0x11: {  	[smem:$0x3FAD] =	sst s9;
	s0 =	simm.s32 @!p0 $0x0  }
0x12: {  	s1 =	sld [smem:$0x3F93];
	s0 =	simm.s32 @p0 $0x1  }
0x13: {  	[smem:$0x3FAE] =	sst s0;
	s0 =	simm.s32 @!p1 $0x0  }
0x14: {  	s2 =	sld [smem:$0x3F92];
	s0 =	simm.s32 @p1 $0x1  }
0x15: {  	[smem:$0x3FAF] =	sst s0;
	s0 =	simm.s32 @!p2 $0x0  }
0x16: {  	s3 =	sld [smem:$0x3FDB];
	s0 =	simm.s32 @p2 $0x1  }
0x17: {  	s4 =	simm.s32 $0x1BF5;
	[smem:$0x3FB1] =	sst s0  }
0x18: {  	s0 =	sld [smem:$0x3F94];
	_ =	swait.ge [sflag:s4], $0x0  }
0x19: {  	s7 =	sld [smem:$0x3F95]  }
0x1a: {  	s8 =	sadd.s32 $0xFFFFE003, lr  }
0x1b: {  	s9 =	sadd.s32 $0xFFFFFEF7, lr;
	s5 =	simm.s32 $0xFFFFFFFF;
	p2 =	slt.u32 s8, $0xFFFFF086  }
0x1c: {  	p1 =	slt.u32 s9, $0xF7A;
	s5 =	simm.s32 @!p2 $0x0  }
0x1d: {  	s5 =	simm.s32 @p1 $0x1;
	p0 =	seq.s32 s7, s2  }
0x1e: {  	s7 =	smul.u32 @!p0 $0xF7A, s2;
	p2 =	seq.s32 @!p0 s5, $0x0  }
0x1f: {  	s9 =	smul.u32 $0xF7A, s1;
	s8 =	simm.s32 @!p0 $0x1BF5;
	p2 =	por !p2, p0  }
0x20: {  	[sflag:s8] =	ssyncset.s32 @!p0 $0xFFFFF086;
	s6 =	sadd.s32 @!p0 s3, s7;
	s7 =	simm.s32 @!p0 $0x108  }
0x21: {  	s3 =	sadd.s32 s3, s9;
	s6 =	sadd.s32 @!p0 $0x88, s6;
	s7 =	simm.s32 @p2 $0x1082  }
0x22: {  	[simem:s7], [sflag:s8] =	dma.local @!p0 [hbm:s6], $0xF7A  }
0x23: {  	s9 =	sor.u32 $0xD0000000, s2;
	s6 =	simm.s32 $0x108;
	_ =	swait.ge @!p0 [sflag:s8], $0x0  }
0x24: {  	s3 =	sadd.s32 $0x88, s3;
	s6 =	simm.s32 @!p1 $0x1082;
	[sflag:s4] =	ssyncset.s32 $0xFFFFF086  }
0x25: {  	[simem:s6], [sflag:s4] =	dma.local [hbm:s3], $0xF7A  }
0x26: {  	[smem:$0x3F95] =	sst s1;
	(tag) =	ssettag s2;
	_ =	strace s9  }
0x27: {  	s1 =	sld [smem:$0x3FA5]  }
0x28: {  	s2 =	sld [smem:$0x3FA6]  }
0x29: {  	s4 =	sld [smem:$0x3FA8]  }
0x2a: {  	p0 =	seq.s32 s5, $0x0;
	s5 =	sld [smem:$0x3FA9]  }
0x2b: {  	s6 =	sld [smem:$0x3FAA]  }
0x2c: {  	s7 =	sld [smem:$0x3FAB]  }
0x2d: {  	s3 =	simm.s32 $0x108;
	s8 =	sld [smem:$0x3FAC]  }
0x2e: {  	s3 =	simm.s32 @!p0 $0x1082;
	s9 =	sld [smem:$0x3FAD]  }
0x2f: {  	lr =	sadd.s32 s0, s3;
	s0 =	sld [smem:$0x3FA4]  }
0x30: {  	s3 =	sld [smem:$0x3FA7]  }
0x31: {  	[smem:$0x3FB0] =	sst s10  }
0x32: {  	s10 =	sld [smem:$0x3FAE];
	_ =	sdelay $0x3  }
0x33: {  	p0 =	seq.s32 s10, $0x1;
	s10 =	sld [smem:$0x3FB0];
	_ =	sdelay $0x3  }
0x34: {  	[smem:$0x3FB0] =	sst s10  }
0x35: {  	s10 =	sld [smem:$0x3FAF];
	_ =	sdelay $0x3  }
0x36: {  	p1 =	seq.s32 s10, $0x1;
	s10 =	sld [smem:$0x3FB0];
	_ =	sdelay $0x3  }
0x37: {  	[smem:$0x3FB0] =	sst s10  }
0x38: {  	s10 =	sld [smem:$0x3FB1]  }
0x39: {  	_ = 	snop;
	(pc) =	sbr.ind lr, $3  }
0x3a: {  	_ = 	snop  }
0x3b: {  	_ = 	snop  }
0x3c: {  	p2 =	seq.s32 s10, $0x1;
	s10 =	sld [smem:$0x3FB0]  }
0x3d: {  	_ =	shalt  }
0x3e: {  	_ =	shalt  }
0x3f: {  	_ =	shalt  }
0x40: {  	_ =	shalt  }
0x41: {  	_ =	shalt  }
0x42: {  	_ =	shalt  }
0x43: {  	_ =	shalt  }
0x44: {  	_ =	shalt  }
0x45: {  	_ =	shalt  }
0x46: {  	_ =	shalt  }
0x47: {  	_ =	shalt  }
0x48: {  	_ =	shalt  }
0x49: {  	_ =	shalt  }
0x4a: {  	_ =	shalt  }
0x4b: {  	_ =	shalt  }
0x4c: {  	_ =	shalt  }
0x4d: {  	_ =	shalt  }
0x4e: {  	_ =	shalt  }
0x4f: {  	_ =	shalt  }
0x50: {  	_ =	shalt  }
0x51: {  	_ =	shalt  }
0x52: {  	_ =	shalt  }
0x53: {  	_ =	shalt  }
0x54: {  	_ =	shalt  }
0x55: {  	_ =	shalt  }
0x56: {  	_ =	shalt  }
0x57: {  	_ =	shalt  }
0x58: {  	_ =	shalt  }
0x59: {  	_ =	shalt  }
0x5a: {  	_ =	shalt  }
0x5b: {  	_ =	shalt  }
0x5c: {  	_ =	shalt  }
0x5d: {  	_ =	shalt  }
0x5e: {  	_ =	shalt  }
0x5f: {  	_ =	shalt  }
0x60: {  	_ =	shalt  }
0x61: {  	_ =	shalt  }
0x62: {  	_ =	shalt  }
0x63: {  	_ =	shalt  }
0x64: {  	_ =	shalt  }
0x65: {  	_ =	shalt  }
0x66: {  	_ =	shalt  }
0x67: {  	_ =	shalt  }
0x68: {  	_ =	shalt  }
0x69: {  	_ =	shalt  }
0x6a: {  	_ =	shalt  }
0x6b: {  	_ =	shalt  }
0x6c: {  	_ =	shalt  }
0x6d: {  	_ =	shalt  }
0x6e: {  	_ =	shalt  }
0x6f: {  	_ =	shalt  }
0x70: {  	_ =	shalt  }
0x71: {  	_ =	shalt  }
0x72: {  	_ =	shalt  }
0x73: {  	_ =	shalt  }
0x74: {  	_ =	shalt  }
0x75: {  	_ =	shalt  }
0x76: {  	_ =	shalt  }
0x77: {  	_ =	shalt  }
0x78: {  	_ =	shalt  }
0x79: {  	_ =	shalt  }
0x7a: {  	_ =	shalt  }
0x7b: {  	_ =	shalt  }
0x7c: {  	_ =	shalt  }
0x7d: {  	_ =	shalt  }
0x7e: {  	_ =	shalt  }
0x7f: {  	_ =	shalt  }
0x80: {  	_ =	shalt  }
0x81: {  	_ =	shalt  }
0x82: {  	_ =	shalt  }
0x83: {  	_ =	shalt  }
0x84: {  	_ =	shalt  }
0x85: {  	_ =	shalt  }
0x86: {  	_ =	shalt  }
0x87: {  	_ =	shalt  }
.Lfunc_end0:
.L_simem_size_0:
called_computation.3_lowered:
.L_overlay_start_0:
0x88: {  	s2 =	sld [smem:$0x3FD9]  }
0x89: {  	s3 =	sld [smem:$0x3FFE];
	_ =	sdelay $0x1  }
0x8a: {  	s1 =	srdreg.scid  }
0x8b: {  	s0 =	sand.u32 $0x1, s1  }
0x8c: {  	s17 =	sshll.u32 s0, $0xA;
	s2 =	sadd.s32 s3, s2  }
0x8d: {  	s2 =	sadd.s32 s2, s17  }
0x8e: {  	[smem:$0x3FBC] =	sst s2  }
0x8f: {  	_ = 	snop  }
0x90: {  	(tm) =	ssettm $0x1  }
0x91: {  	s18 =	sld [smem:$0x3FFB];
	_ =	sdelay $0x3  }
0x92: {  	_ =	strace s18  }
0x93: {  	s2 =	sld [smem:$0x3FFC];
	_ =	sdelay $0x3  }
0x94: {  	_ =	strace s2  }
0x95: {  	s2 =	sld [smem:$0x3FFD];
	_ =	sdelay $0x3  }
0x96: {  	_ =	strace s2  }
0x97: {  	_ =	strace $0x8FFFFFFF  }
0x98: {  	s19 =	sld [smem:$0x3FDB];
	_ =	sdelay $0x1  }
0x99: {  	s20 =	simm.s32 $_scs_section_size  }
0x9a: {  	s4 =	simm.s32 $_size__tile_overlayer_lowered;
	s5 =	simm.s32 $_tile_overlayer_lowered  }
0x9b: {  	s6 =	simm.s32 $0x1BFF;
	s21 =	sshll.u32 s5, $0x1;
	s3 =	sadd.s32 s20, s19  }
0x9c: {  	s22 =	simm.s32 $0x0;
	s4 =	sshll.u32 s4, $0x1;
	s5 =	sadd.s32 s21, s3  }
0x9d: {  	[timem:s22], [sflag:s6] =	dma.local [hbm:s5], s4  }
0x9e: {  	_ =	swait.ge [sflag:s6], s4  }
0x9f: {  	s4 =	ssub.s32 $0x0, s4;
	[sflag:s6] =	ssyncset.done $0x0  }
0xa0: {  	[sflag:s6] =	ssyncadd.s32 s4;
	_ =	sdelay $0x1  }
0xa1: {  	s23 =	simm.s32 $0x1B8B  }
0xa2: {  	_ =	swait.ge [sflag:s23], $0x1  }
0xa3: {  	[sflag:s23] =	ssyncset.done $0x0  }
0xa4: {  	[sflag:s23] =	ssyncadd.s32 $0xFFFFFFFF  }
0xa5: {  	s4 =	sld [smem:$0x0]  }
0xa6: {  	s5 =	sand.u32 $0xFFFFFFFE, s1  }
0xa7: {  	p0 =	sne.s32 s1, s5  }
0xa8: {  	s5 =	sshll.u32 @p0 s5, $0xE  }
0xa9: {  	s5 =	sadd.s32 @p0 $0x11B8D, s5;
	s6 =	sshll.u32 @p0 s4, $0x11  }
0xaa: {  	s5 =	sor.u32 @p0 s6, s5  }
0xab: {  	[sflag:s5] =	ssyncadd.remote.s32 @p0 $0x1;
	_ =	sdelay $0x1  }
0xac: {  	s5 =	simm.s32 @p0 $0x1B8D  }
0xad: {  	_ =	swait.eq @p0 [sflag:s5], $0x1  }
0xae: {  	[sflag:s5] =	ssyncadd.s32 @p0 $0xFFFFFFFF  }
0xaf: {  	s6 =	sshll.u32 @!p0 s1, $0xE  }
0xb0: {  	s6 =	sor.u32 @!p0 $0x4000, s6;
	s5 =	simm.s32 @!p0 $0x1B8D  }
0xb1: {  	s4 =	sshll.u32 @!p0 s4, $0x11;
	s6 =	sadd.s32 @!p0 $0x11B8D, s6;
	_ =	swait.eq @!p0 [sflag:s5], $0x1  }
0xb2: {  	s4 =	sor.u32 @!p0 s4, s6;
	[sflag:s5] =	ssyncadd.s32 @!p0 $0xFFFFFFFF  }
0xb3: {  	s25 =	simm.s32 $0x1B8E;
	s24 =	sld [smem:$0x3FFE];
	[sflag:s4] =	ssyncadd.remote.s32 @!p0 $0x1  }
0xb4: {  	s26 =	simm.s32 $execute0_lowered;
	[smem:$0x3FD2] =	sst s25  }
0xb5: {  	s5 =	sshll.u32 s26, $0x1;
	_ =	strace $0x8000004C;
	[dreg:$0x1] =	wrdreg $0xFFFFFFFF  }
0xb6: {  	s28 =	simm.s32 $_size_execute0_lowered;
	s3 =	sadd.s32 s3, s5;
	[dreg:$0x0] =	wrdreg $0x0  }
0xb7: {  	s5 =	sshll.u32 s28, $0x1;
	[dreg:$0x2] =	wrdreg s3  }
0xb8: {  	[dreg:$0x3] =	wrdreg s5  }
0xb9: {  	[dreg:$0x4] =	wrdreg $0xC0  }
0xba: {  	_ =	task [dreg:s22], $0x5FFFF  }
0xbb: {  	[dreg:$0x1] =	wrdreg $0xFFFFFFFF  }
0xbc: {  	[dreg:$0x0] =	wrdreg $0x60  }
0xbd: {  	[dreg:$0x2] =	wrdreg s24  }
0xbe: {  	[dreg:$0x3] =	wrdreg $0xC  }
0xbf: {  	_ =	task.clear_ibuf [dreg:s22], $0x4FFFF;
	_ =	strace $0x9000004C  }
0xc0: {  	s29 =	simm.s32 $0xC;
	_ =	strace $0x8000004E  }
0xc1: {  	_ =	swait.ge [sflag:s29], $0x1  }
0xc2: {  	[sflag:s29] =	ssyncadd.s32 $0xFFFFFFFF  }
0xc3: {  	_ =	strace $0x9000004E  }
0xc4: {  	_ =	sfence  }
0xc5: {  	s30 =	sld [smem:$0x0];
	_ =	sdelay $0x2  }
0xc6: {  	s31 =	sshll.u32 s1, $0xD;
	s1 =	sshrl.u32 s1, $0x2  }
0xc7: {  	s4 =	sand.u32 $0x4000, s31;
	s1 =	sadd.s32 s1, s30  }
0xc8: {  	s0 =	sor.u32 s4, s0;
	s1 =	sshll.u32 s1, $0x11  }
0xc9: {  	s0 =	sor.u32 s1, s0  }
0xca: {  	s0 =	sadd.s32 $0x8F2B, s0  }
0xcb: {  	[sflag:s0] =	ssyncadd.remote.s32 $0x1  }
0xcc: {  	_ =	sfence.sel $0xFFFF  }
0xcd: {  	[dreg:$0x0] =	wrdreg $0xFFFFFFFF;
	(pc) =	sbr.abs _section_cstart, $3  }
0xce: {  	[dreg:$0x1] =	wrdreg $0xFFFFFFFF  }
0xcf: {  	_ =	task.clear_ibuf [dreg:s22], $0x2FFFF;
	_ =	strace $0x9FFFFFFF  }
0xd0: {  	(tm) =	ssettm $0x7FFFFFFF  }
0xd1: {  	_ =	shalt  }
tec
execute0_lowered:
.L_overlay_start_1:
0x0: {  	(tag) =	ssettag $0x1  }
0x1: {  	s0 =	rddreg [dreg:$0x0]  }
0x2: {  	s3 =	simm.s32 $0x0;
	s1 =	srdreg.scid;
	s2 =	stileid.u32  }
0x3: {  	s14 =	simm.s32 $0x2;
	s16 =	simm.s32 $0x80;
	s17 =	simm.s32 $0x1000  }
0x4: {  	s18 =	simm.s32 $0x11000;
	s31 =	simm.s32 $0x9000;
	s19 =	simm.s32 $0x13800  }
0x5: {  	s20 =	simm.s32 $0xD000;
	s21 =	simm.s32 $0x14000;
	s22 =	simm.s32 $0xF000  }
0x6: {  	s28 =	simm.s32 $0x10;
	s29 =	simm.s32 $0x0;
	[smem:$0x7FF] =	sst s3  }
0x7: {  	s1 =	sand.u32 $0x1, s1;
	s4 =	sadd.s32 $0x5000, s0;
	s5 =	sadd.s32 $0x1C8600, s0  }
0x8: {  	s23 =	sshll.u32 s2, $0x1;
	s7 =	sadd.s32 $0x194600, s0;
	_ =	strace $0x8000004D  }
0x9: {  	s3 =	sor.u32 s1, s23;
	s1 =	ssub.s32 $0x2, s1;
	s23 =	simm.s32 $0x14800  }
0xa: {  	s6 =	sshll.u32 s3, $0x8;
	s24 =	sshrl.u32 s1, $0x1;
	s9 =	sshll.u32 s3, $0xE  }
0xb: {  	s11 =	sshll.u32 s3, $0xF;
	s8 =	sadd.s32 s6, s0;
	s6 =	sadd.s32 $0x268600, s0  }
0xc: {  	s0 =	ssub.s32 s1, s24;
	s12 =	sor.u32 $0x10, s11;
	s25 =	sadd.s32 $0xD2600, s8  }
0xd: {  	s1 =	simm.s32 $0xB000;
	s30 =	sadd.s32 $0xCC600, s8;
	[dreg:$0x2] =	wrdreg s25  }
0xe: {  	s26 =	sadd.s32 s9, s6;
	s0 =	smax.u32 s0, $0x1;
	[dreg:$0x3] =	wrdreg s30  }
0xf: {  	s24 =	simm.s32 $0x1;
	s10 =	sadd.s32 $0x2000, s26;
	[dreg:$0x4] =	wrdreg s0  }
0x10: {  	s25 =	simm.s32 $0x12000;
	s0 =	simm.s32 $0x13000;
	s26 =	simm.s32 $0x40  }
.LBB2_1:
0x11: {  	s2 =	simm.s32 $0x0;
	s8 =	rddreg [dreg:$0x2]  }
0x12: {  	[tilespmem:s2], [sflag:$0x2] =	stream.linear.gather [hbm4b:s8+s2], $0x800, $0x38;
	[tilespmem:$0x15000] =	vst v63  }
0x13: {  	_ =	swait.ge [sflag:s14], $0x800  }
0x14: {  	[sflag:s14] =	ssyncset.done $0x0  }
0x15: {  	s9 =	simm.s32 $0x800;
	s30 =	rddreg [dreg:$0x3];
	[sflag:s14] =	ssyncadd.s32 $0xFFFFF800  }
0x16: {  	[tilespmem:s9], [sflag:$0x2] =	stream.linear.gather [hbm4b:s30+s2], $0x800, $0x38;
	[tilespmem:$0x15000] =	vst v63  }
0x17: {  	_ =	swait.ge [sflag:s14], $0x800  }
0x18: {  	[sflag:s14] =	ssyncset.done $0x0  }
0x19: {  	[sflag:s14] =	ssyncadd.s32 $0xFFFFF800  }
0x1a: {  	[tilespmem:s17], [sflag:$0x1] =	stream.indirect.gather [hbm4b:s4+s16], $0x40, s2, s16, $0xb8;
	[tilespmem:$0x15000] =	vst v63  }
0x1b: {  	_ = 	snop  }
0x1c: {  	[tilespmem:s18], [sflag:$0x1] =	stream.indirect.gather [hbm4b:s5+s16], $0x10, s9, s16, $0xb8;
	[tilespmem:$0x15000] =	vst v63  }
0x1d: {  	s8 =	simm.s32 $0x3000  }
0x1e: {  	[tilespmem:s8], [sflag:$0x1] =	stream.indirect.gather [hbm4b:s4+s16], $0x40, s16, s16, $0xb8;
	[tilespmem:$0x15000] =	vst v63  }
0x1f: {  	s13 =	simm.s32 $0x11800;
	s9 =	simm.s32 $0x880  }
0x20: {  	[tilespmem:s13], [sflag:$0x1] =	stream.indirect.gather [hbm4b:s5+s16], $0x10, s9, s16, $0xb8;
	[tilespmem:$0x15000] =	vst v63  }
0x21: {  	s15 =	simm.s32 $0x100;
	s30 =	simm.s32 $0x5000  }
0x22: {  	[tilespmem:s30], [sflag:$0x1] =	stream.indirect.gather [hbm4b:s4+s16], $0x40, s15, s16, $0xb8;
	[tilespmem:$0x15000] =	vst v63  }
0x23: {  	p0 =	por $0x1, $0x1;
	s8 =	simm.s32 $0x900  }
0x24: {  	[tilespmem:s25], [sflag:$0x1] =	stream.indirect.gather [hbm4b:s5+s16], $0x10, s8, s16, $0xb8;
	[tilespmem:$0x15000] =	vst v63  }
0x25: {  	p1 =	por $0x0, $0x0;
	s9 =	simm.s32 $0x180;
	s13 =	simm.s32 $0x7000  }
0x26: {  	[tilespmem:s13], [sflag:$0x1] =	stream.indirect.gather [hbm4b:s4+s16], $0x40, s9, s16, $0xb8;
	[tilespmem:$0x15000] =	vst v63  }
0x27: {  	s15 =	simm.s32 $0x980;
	s30 =	simm.s32 $0x12800;
	s8 =	simm.s32 $0x0  }
0x28: {  	[tilespmem:s30], [sflag:$0x1] =	stream.indirect.gather [hbm4b:s5+s16], $0x10, s15, s16, $0xb8;
	[tilespmem:$0x15000] =	vst v63  }
.LBB2_2:
0x29: {  	s30 =	sshllo.u32 s8, $0x1  }
0x2a: {  	s9 =	sshll.u32 s30, $0x9  }
0x2b: {  	[tilespmem:s31], [sflag:$0x1] =	stream.indirect.gather [hbm4b:s4+s16], $0x40, s9, s16, $0xb8;
	[tilespmem:$0x15000] =	vst v63  }
0x2c: {  	s15 =	sadd.s32 $0x800, s9  }
0x2d: {  	[tilespmem:s0], [sflag:$0x1] =	stream.indirect.gather [hbm4b:s5+s16], $0x10, s15, s16, $0xb8;
	[tilespmem:$0x15000] =	vst v63  }
0x2e: {  	s2 =	sor.u32 $0x80, s9  }
0x2f: {  	[tilespmem:s1], [sflag:$0x1] =	stream.indirect.gather [hbm4b:s4+s16], $0x40, s2, s16, $0xb8;
	[tilespmem:$0x15000] =	vst v63  }
0x30: {  	s13 =	sadd.s32 $0x880, s9  }
0x31: {  	[tilespmem:s19], [sflag:$0x1] =	stream.indirect.gather [hbm4b:s5+s16], $0x10, s13, s16, $0xb8;
	[tilespmem:$0x15000] =	vst v63  }
0x32: {  	s2 =	sor.u32 $0x100, s9  }
0x33: {  	[tilespmem:s20], [sflag:$0x1] =	stream.indirect.gather [hbm4b:s4+s16], $0x40, s2, s16, $0xb8;
	[tilespmem:$0x15000] =	vst v63  }
0x34: {  	s13 =	sadd.s32 $0x900, s9  }
0x35: {  	[tilespmem:s21], [sflag:$0x1] =	stream.indirect.gather [hbm4b:s5+s16], $0x10, s13, s16, $0xb8;
	[tilespmem:$0x15000] =	vst v63  }
0x36: {  	s2 =	sor.u32 $0x180, s9  }
0x37: {  	[tilespmem:s22], [sflag:$0x1] =	stream.indirect.gather [hbm4b:s4+s16], $0x40, s2, s16, $0xb8;
	[tilespmem:$0x15000] =	vst v63  }
0x38: {  	s9 =	sadd.s32 $0x980, s9  }
0x39: {  	[tilespmem:s23], [sflag:$0x1] =	stream.indirect.gather [hbm4b:s5+s16], $0x10, s9, s16, $0xb8;
	[tilespmem:$0x15000] =	vst v63  }
0x3a: {  	_ =	swait.ge [sflag:s24], $0x2000  }
0x3b: {  	[sflag:s24] =	ssyncset.done $0x0  }
0x3c: {  	[sflag:s24] =	ssyncadd.s32 $0xFFFFE000  }
0x3d: {  	_ =	swait.ge [sflag:s24], $0x800  }
0x3e: {  	[sflag:s24] =	ssyncset.done $0x0  }
0x3f: {  	[sflag:s24] =	ssyncadd.s32 $0xFFFFF800  }
0x40: {  	_ =	swait.ge [sflag:s24], $0x2000  }
0x41: {  	[sflag:s24] =	ssyncset.done $0x0  }
0x42: {  	[sflag:s24] =	ssyncadd.s32 $0xFFFFE000  }
0x43: {  	_ =	swait.ge [sflag:s24], $0x800  }
0x44: {  	[sflag:s24] =	ssyncset.done $0x0  }
0x45: {  	[sflag:s24] =	ssyncadd.s32 $0xFFFFF800  }
0x46: {  	_ =	swait.ge [sflag:s24], $0x2000  }
0x47: {  	[sflag:s24] =	ssyncset.done $0x0  }
0x48: {  	[sflag:s24] =	ssyncadd.s32 $0xFFFFE000  }
0x49: {  	s13 =	sor.u32 s3, s8;
	_ =	swait.ge [sflag:s24], $0x800  }
0x4a: {  	p2 =	seq.s32 s13, $0x0;
	[sflag:s24] =	ssyncset.done $0x0  }
0x4b: {  	p2 =	por !p1, !p2;
	[sflag:s24] =	ssyncadd.s32 $0xFFFFF800  }
0x4c: {  	p2 =	por !p2, !p2;
	s9 =	simm.s32 $0x1;
	_ =	swait.ge [sflag:s24], $0x2000  }
0x4d: {  	s9 =	simm.s32 @!p2 $0x0;
	[sflag:s24] =	ssyncset.done $0x0  }
0x4e: {  	s15 =	ssub.s32 s3, s9;
	[sflag:s24] =	ssyncadd.s32 $0xFFFFE000  }
0x4f: {  	s9 =	sshll.u32 s8, $0x3;
	s13 =	sshll.u32 s15, $0xE;
	_ =	swait.ge [sflag:s24], $0x800  }
0x50: {  	s2 =	sadd.s32 s6, s9;
	s13 =	sand.u32 $0x1FFFC000, s13;
	[sflag:s24] =	ssyncset.done $0x0  }
0x51: {  	s2 =	sadd.s32 s13, s2;
	[sflag:s24] =	ssyncadd.s32 $0xFFFFF800  }
0x52: {  	[hbm4b:s2+s26] =	stream.strided.scatter [tilespmem:s17], [sflag:$0x2], $0x8000, s16, s26, $0x38;
	[tilespmem:$0x15000] =	vst v63  }
0x53: {  	s2 =	sshll.u32 s15, $0xF  }
0x54: {  	s15 =	sadd.s32 s7, s9;
	_ =	swait.ge [sflag:s14], $0x8000;
	s13 =	sshrl.u32 s2, $0x3  }
0x55: {  	[sflag:s14] =	ssyncset.done $0x0;
	s13 =	sadd.s32 s13, s15;
	s15 =	sshll.u32 s8, $0x6  }
0x56: {  	[sflag:s14] =	ssyncadd.s32 $0xFFFF8000;
	s2 =	sor.u32 s2, s15  }
0x57: {  	[hbm4b:s13+s28] =	stream.strided.scatter [tilespmem:s18], [sflag:$0x2], $0x1000, s16, s28, $0x38;
	[tilespmem:$0x15000] =	vst v63  }
0x58: {  	s2 =	sor.u32 $0x10, s2;
	_ =	swait.ge [sflag:s14], $0x1000  }
0x59: {  	s2 =	sshrl.u32 s2, $0x3;
	[sflag:s14] =	ssyncset.done $0x0  }
0x5a: {  	s2 =	sadd.s32 s7, s2;
	[sflag:s14] =	ssyncadd.s32 $0xFFFFF000  }
0x5b: {  	[hbm4b:s2+s28] =	stream.strided.scatter [tilespmem:s25], [sflag:$0x2], $0x1000, s16, s28, $0x38;
	[tilespmem:$0x15000] =	vst v63  }
0x5c: {  	_ =	swait.ge [sflag:s14], $0x1000  }
0x5d: {  	s8 =	simm.s32 @!p1 $0x400;
	[sflag:s14] =	ssyncset.done $0x0  }
0x5e: {  	s13 =	simm.s32 @!p1 $0x1000;
	s2 =	simm.s32 @!p1 $0x80;
	[sflag:s14] =	ssyncadd.s32 $0xFFFFF000  }
0x5f: {  	[tilespmem:s13], [sflag:$0x1] =	stream.indirect.gather @!p1 [hbm4b:s4+s2], $0x40, s8, s2, $0xb8;
	[tilespmem:$0x15000] =	vst v63  }
0x60: {  	s8 =	simm.s32 @!p1 $0xC00;
	s13 =	simm.s32 @!p1 $0x11000  }
0x61: {  	[tilespmem:s13], [sflag:$0x1] =	stream.indirect.gather @!p1 [hbm4b:s5+s2], $0x10, s8, s2, $0xb8;
	[tilespmem:$0x15000] =	vst v63  }
0x62: {  	s8 =	simm.s32 @!p1 $0x480;
	s13 =	simm.s32 @!p1 $0x3000  }
0x63: {  	[tilespmem:s13], [sflag:$0x1] =	stream.indirect.gather @!p1 [hbm4b:s4+s2], $0x40, s8, s2, $0xb8;
	[tilespmem:$0x15000] =	vst v63  }
0x64: {  	s8 =	simm.s32 @!p1 $0xC80;
	s13 =	simm.s32 @!p1 $0x11800  }
0x65: {  	[tilespmem:s13], [sflag:$0x1] =	stream.indirect.gather @!p1 [hbm4b:s5+s2], $0x10, s8, s2, $0xb8;
	[tilespmem:$0x15000] =	vst v63  }
0x66: {  	s8 =	simm.s32 @!p1 $0x500;
	s13 =	simm.s32 @!p1 $0x5000  }
0x67: {  	[tilespmem:s13], [sflag:$0x1] =	stream.indirect.gather @!p1 [hbm4b:s4+s2], $0x40, s8, s2, $0xb8;
	[tilespmem:$0x15000] =	vst v63  }
0x68: {  	s8 =	simm.s32 @!p1 $0xD00;
	s13 =	simm.s32 @!p1 $0x12000  }
0x69: {  	[tilespmem:s13], [sflag:$0x1] =	stream.indirect.gather @!p1 [hbm4b:s5+s2], $0x10, s8, s2, $0xb8;
	[tilespmem:$0x15000] =	vst v63  }
0x6a: {  	s8 =	simm.s32 @!p1 $0x580;
	s13 =	simm.s32 @!p1 $0x7000  }
0x6b: {  	[tilespmem:s13], [sflag:$0x1] =	stream.indirect.gather @!p1 [hbm4b:s4+s2], $0x40, s8, s2, $0xb8;
	[tilespmem:$0x15000] =	vst v63  }
0x6c: {  	s8 =	simm.s32 @!p1 $0xD80;
	s13 =	simm.s32 @!p1 $0x12800  }
0x6d: {  	[tilespmem:s13], [sflag:$0x1] =	stream.indirect.gather @!p1 [hbm4b:s5+s2], $0x10, s8, s2, $0xb8;
	[tilespmem:$0x15000] =	vst v63  }
0x6e: {  	s8 =	simm.s32 $0x1  }
0x6f: {  	_ =	swait.ge [sflag:s8], $0x2000  }
0x70: {  	[sflag:s8] =	ssyncset.done $0x0  }
0x71: {  	[sflag:s8] =	ssyncadd.s32 $0xFFFFE000  }
0x72: {  	_ =	swait.ge [sflag:s8], $0x800  }
0x73: {  	[sflag:s8] =	ssyncset.done $0x0  }
0x74: {  	[sflag:s8] =	ssyncadd.s32 $0xFFFFF800  }
0x75: {  	_ =	swait.ge [sflag:s8], $0x2000  }
0x76: {  	[sflag:s8] =	ssyncset.done $0x0  }
0x77: {  	[sflag:s8] =	ssyncadd.s32 $0xFFFFE000  }
0x78: {  	_ =	swait.ge [sflag:s8], $0x800  }
0x79: {  	[sflag:s8] =	ssyncset.done $0x0  }
0x7a: {  	[sflag:s8] =	ssyncadd.s32 $0xFFFFF800  }
0x7b: {  	_ =	swait.ge [sflag:s8], $0x2000  }
0x7c: {  	[sflag:s8] =	ssyncset.done $0x0  }
0x7d: {  	[sflag:s8] =	ssyncadd.s32 $0xFFFFE000  }
0x7e: {  	_ =	swait.ge [sflag:s8], $0x800  }
0x7f: {  	[sflag:s8] =	ssyncset.done $0x0  }
0x80: {  	[sflag:s8] =	ssyncadd.s32 $0xFFFFF800  }
0x81: {  	_ =	swait.ge [sflag:s8], $0x2000  }
0x82: {  	[sflag:s8] =	ssyncset.done $0x0  }
0x83: {  	[sflag:s8] =	ssyncadd.s32 $0xFFFFE000  }
0x84: {  	_ =	swait.ge [sflag:s8], $0x800  }
0x85: {  	[sflag:s8] =	ssyncset.done $0x0  }
0x86: {  	s15 =	sshll.u32 s30, $0x5;
	s13 =	sadd.s32 s9, s10;
	[sflag:s8] =	ssyncadd.s32 $0xFFFFF800  }
0x87: {  	[hbm4b:s13+s26] =	stream.strided.scatter [tilespmem:s31], [sflag:$0x2], $0x8000, s16, s26, $0x38;
	[tilespmem:$0x15000] =	vst v63  }
0x88: {  	s30 =	sor.u32 s11, s15;
	_ =	swait.ge [sflag:s14], $0x8000  }
0x89: {  	s9 =	sshrl.u32 s30, $0x3;
	[sflag:s14] =	ssyncset.done $0x0  }
0x8a: {  	s9 =	sadd.s32 s7, s9;
	[sflag:s14] =	ssyncadd.s32 $0xFFFF8000  }
0x8b: {  	[hbm4b:s9+s28] =	stream.strided.scatter [tilespmem:s0], [sflag:$0x2], $0x1000, s16, s28, $0x38;
	[tilespmem:$0x15000] =	vst v63  }
0x8c: {  	s2 =	sor.u32 s12, s15;
	_ =	swait.ge [sflag:s14], $0x1000  }
0x8d: {  	p2 =	por p0, p0;
	s2 =	sshrl.u32 s2, $0x3;
	[sflag:s14] =	ssyncset.done $0x0  }
.Ltmp0:
0x8e: {  	s2 =	sadd.s32 s7, s2;
	[sflag:s14] =	ssyncadd.s32 $0xFFFFF000;
	(pc) =	sbr.rel @p2 .LBB2_2-.Ltmp0, $4  }
0x8f: {  	[hbm4b:s2+s28] =	stream.strided.scatter [tilespmem:s21], [sflag:$0x2], $0x1000, s16, s28, $0x38;
	[tilespmem:$0x15000] =	vst v63  }
0x90: {  	_ =	swait.ge [sflag:s14], $0x1000  }
0x91: {  	[sflag:s14] =	ssyncset.done $0x0  }
0x92: {  	p0 =	por $0x0, $0x0;
	p1 =	por $0x1, $0x1;
	[sflag:s14] =	ssyncadd.s32 $0xFFFFF000  }
0x93: {  	s29 =	sadd.s32 $0x1, s29;
	s2 =	rddreg [dreg:$0x4]  }
0x94: {  	p0 =	sne.s32 s29, s2  }
.Ltmp1:
0x95: {  	_ = 	snop;
	(pc) =	sbr.rel @p0 .LBB2_1-.Ltmp1, $1  }
0x96: {  	_ =	sdelay $0x3  }
0x97: {  	_ =	sfence.sel $0x180000  }
0x98: {  	[bflag:$0x0] =	sbarrier.arrive $0xFFFF  }
0x99: {  	_ =	strace $0x9000004D  }
0x9a: {  	s0 =	stileid.u32;
	[bflag:$0x2] =	sbarrier.arrive $0xFFFF  }
0x9b: {  	p0 =	sne.s32 s0, $0x0;
	s0 =	rddreg [dreg:$0x1]  }
0x9c: {  	s0 =	sadd.s32 @!p0 $0x100000, s0  }
0x9d: {  	[sflag:s0] =	ssyncadd.tile.s32 @!p0 $0x1;
	_ =	shalt  }
.Lfunc_end2:
_tile_overlayer_lowered:
.L_overlay_start_2:
0x9e: {  	(tag) =	ssettag $0x2  }
0x9f: {  	s0 =	rddreg [dreg:$0x0];
	s2 =	stileid.u32  }
0xa0: {  	s1 =	rddreg [dreg:$0x1];
	p0 =	sne.s32 s2, $0x0  }
0xa1: {  	s3 =	rddreg [dreg:$0x2];
	[bflag:$0x3] =	sbarrier.arrive $0xFFFF;
	s2 =	simm.s32 @!p0 $0x1C02  }
0xa2: {  	[timem:s3], [sflag:s2] =	dma.local @!p0 [hbm:s0], s1  }
0xa3: {  	s0 =	simm.s32 @!p0 $0x2  }
0xa4: {  	_ =	swait.ge @!p0 [sflag:s0], s1  }
0xa5: {  	s1 =	ssub.s32 @!p0 $0x0, s1;
	[sflag:s0] =	ssyncset.done @!p0 $0x0  }
0xa6: {  	[sflag:s0] =	ssyncadd.s32 @!p0 s1  }
0xa7: {  	[bflag:$0x3] =	sbarrier.arrive $0xFFFF  }
0xa8: {  	_ =	shalt  }

</sc_bundles>
